<compile_context>
chip_gen: v7x
topology: tpu7x:2x2x1
jax: 0.10.2.dev20260603
libtpu: 0.0.44.dev20260713+nightly
codegen_flags: <defaults>
</compile_context>

<pallas_src>
import functools
import jax
import jax.numpy as jnp
from jax import lax
from jax.experimental import pallas as pl
from jax.experimental.pallas import tpu as pltpu
from jax.experimental.pallas import tpu_sc as plsc

VOCAB_PAD = 64
ROWS = 40
E = 1024
TOK_BLK = 256
NBANK = 7 * VOCAB_PAD
NULL_ROW = 4 * VOCAB_PAD + VOCAB_PAD - 1
KTOK = 16
SC_BLKS = 2
N_WORKERS = 32


def _prep_body(ids_ref, m_ref, table_ref, pca_ref, wc_ref, wf_ref, bc_ref, bf_ref,
               t2_ref, p2_ref, bias_ref, idc_ref, idcp_ref, idl_ref, idr_ref, inv_ref,
               bank_ref, sidxc_ref, sidxl_ref, sidxr_ref):
    hi = jax.lax.Precision.HIGHEST
    f32 = jnp.float32
    wtop = wf_ref[0:E, :]
    wbot = wf_ref[E:2 * E, :]
    t2 = jnp.dot(table_ref[...], wtop, preferred_element_type=f32, precision=hi)
    pc1 = jnp.dot(pca_ref[...], wc_ref[...], preferred_element_type=f32, precision=hi)
    p2 = jnp.dot(pc1, wbot, preferred_element_type=f32, precision=hi)
    bias = bf_ref[...] + jnp.dot(bc_ref[...], wbot, preferred_element_type=f32, precision=hi)

    def hilo(x, out_ref):
        xh = x.astype(jnp.bfloat16)
        xl = (x - xh.astype(f32)).astype(jnp.bfloat16)
        out_ref[...] = jnp.zeros((2 * VOCAB_PAD, E), jnp.bfloat16)
        out_ref[0:ROWS, :] = xh
        out_ref[VOCAB_PAD:VOCAB_PAD + ROWS, :] = xl

    hilo(t2, t2_ref)
    hilo(p2, p2_ref)
    bias_ref[...] = bias

    bank_ref[...] = jnp.zeros((NBANK, E), f32)
    bank_ref[0:ROWS, :] = t2 + bias
    for ci, sc in ((1, 1.0), (2, 0.5), (3, 1.0 / 3.0)):
        bank_ref[ci * VOCAB_PAD:ci * VOCAB_PAD + ROWS, :] = t2 + p2 * sc + bias
        bank_ref[(3 + ci) * VOCAB_PAD:(3 + ci) * VOCAB_PAD + ROWS, :] = p2 * sc

    ids = ids_ref[...]
    m = m_ref[...]
    nb = ids.shape[0]
    blk_row = jax.lax.broadcasted_iota(jnp.int32, (nb, 1), 0)
    bpr = nb // 4

    def shift_left(a):
        lastcol = a[:, TOK_BLK - 1:TOK_BLK]
        prev = jnp.concatenate([jnp.zeros((1, 1), a.dtype), lastcol[:-1, :]], axis=0)
        prev = jnp.where(blk_row % bpr == 0, jnp.zeros((1, 1), a.dtype), prev)
        return jnp.concatenate([prev, a[:, :TOK_BLK - 1]], axis=1)

    def shift_right(a):
        firstcol = a[:, 0:1]
        nxt = jnp.concatenate([firstcol[1:, :], jnp.zeros((1, 1), a.dtype)], axis=0)
        nxt = jnp.where(blk_row % bpr == bpr - 1, jnp.zeros((1, 1), a.dtype), nxt)
        return jnp.concatenate([a[:, 1:], nxt], axis=1)

    idl2 = shift_left(ids)
    ml2 = shift_left(m)
    idr2 = shift_right(ids)
    mr2 = shift_right(m)
    cc = jnp.clip(ml2 + m + mr2, 1, 3)
    zrow = VOCAB_PAD - 1
    idc_ref[:, 0, :] = ids
    idcp_ref[:, 0, :] = jnp.where(m == 1, ids, zrow)
    idl_ref[:, 0, :] = jnp.where(ml2 == 1, idl2, zrow)
    idr_ref[:, 0, :] = jnp.where(mr2 == 1, idr2, zrow)
    inv_ref[:, 0, :] = 1.0 / cc.astype(f32)
    sidxc_ref[:, 0, :] = jnp.where(m == 1, cc * VOCAB_PAD + ids, ids)
    sidxl_ref[:, 0, :] = jnp.where(ml2 == 1, (3 + cc) * VOCAB_PAD + idl2, NULL_ROW)
    sidxr_ref[:, 0, :] = jnp.where(mr2 == 1, (3 + cc) * VOCAB_PAD + idr2, NULL_ROW)


def _tc_body(idc_ref, idcp_ref, idl_ref, idr_ref, inv_ref,
             t2_ref, p2_ref, bias_ref, g_ref, b_ref, out_ref):
    n = TOK_BLK
    iota = jax.lax.broadcasted_iota(jnp.int32, (1, VOCAB_PAD), 1)

    def onehot(ids3):
        ids = ids3[...].reshape(n, 1)
        return (ids == iota).astype(jnp.float32)

    oh_c = onehot(idc_ref).astype(jnp.bfloat16)
    oh_w = (onehot(idcp_ref) + onehot(idl_ref) + onehot(idr_ref)).astype(jnp.bfloat16)
    oh_c2 = jnp.concatenate([oh_c, oh_c], axis=1)
    oh_w2 = jnp.concatenate([oh_w, oh_w], axis=1)
    d1 = jnp.dot(oh_c2, t2_ref[...], preferred_element_type=jnp.float32)
    d2 = jnp.dot(oh_w2, p2_ref[...], preferred_element_type=jnp.float32)
    inv = inv_ref[...].reshape(n, 1)
    fused = d1 + d2 * inv + bias_ref[...]
    mu = jnp.mean(fused, axis=-1, keepdims=True)
    d = fused - mu
    var = jnp.mean(d * d, axis=-1, keepdims=True)
    out_ref[...] = d * jax.lax.rsqrt(var + 1e-5) * g_ref[...] + b_ref[...]


def _lane_sum(v):
    iota = jax.lax.broadcasted_iota(jnp.int32, (16,), 0)
    dnums = lax.GatherDimensionNumbers(
        offset_dims=(), collapsed_slice_dims=(0,), start_index_map=(0,))
    for sh in (8, 4, 2, 1):
        idx = jnp.bitwise_xor(iota, sh)
        v = v + lax.gather(v, idx[:, None], dnums, slice_sizes=(1,),
                           mode=lax.GatherScatterMode.PROMISE_IN_BOUNDS)
    return v


def _sc_rsqrt(x):
    y = jnp.ones_like(x)
    steps = [(64, 2.0**-32, 2.0**32), (32, 2.0**-16, 2.0**16),
             (16, 2.0**-8, 2.0**8), (8, 2.0**-4, 2.0**4),
             (4, 2.0**-2, 2.0**2), (2, 2.0**-1, 2.0**1)]
    for k, dn, up in steps:
        z = x * y * y
        y = y * jnp.where(z >= 2.0**k, dn, 1.0) * jnp.where(z < 2.0**-k, up, 1.0)
    z = x * y * y
    y = y * jnp.where(z >= 2.0, 0.70710678, 1.0) * jnp.where(z < 0.5, 1.41421356, 1.0)
    for _ in range(5):
        y = y * (1.5 - 0.5 * x * y * y)
    return y


def _make_sc_body(tok_offset, tok_per_worker):
    nblk_w = tok_per_worker // KTOK

    def _sc_body(bank_hbm, idxc_hbm, idxl_hbm, idxr_hbm, g_hbm, b_hbm, out_hbm,
                 idxc_a, idxl_a, idxr_a, c0, l0, r0, c1, l1, r1,
                 out_buf, g_v, b_v, sem0, sem1):
        info = plsc.get_sparse_core_info()
        nc = info.num_cores
        wid = lax.axis_index("s") * nc + lax.axis_index("c")
        obase = wid * tok_per_worker
        ibase = tok_offset + obase
        pltpu.sync_copy(g_hbm, g_v)
        pltpu.sync_copy(b_hbm, b_v)
        pltpu.sync_copy(idxc_hbm.at[pl.ds(ibase, tok_per_worker)], idxc_a)
        pltpu.sync_copy(idxl_hbm.at[pl.ds(ibase, tok_per_worker)], idxl_a)
        pltpu.sync_copy(idxr_hbm.at[pl.ds(ibase, tok_per_worker)], idxr_a)

        def start_gathers(blk, bufs, sem):
            for idx_a, buf in zip((idxc_a, idxl_a, idxr_a), bufs):
                idx_vec = idx_a[pl.ds(blk * KTOK, KTOK)]
                pltpu.async_copy(bank_hbm.at[idx_vec], buf, sem)

        def wait_gathers(bufs, sem):
            for buf in bufs:
                pltpu.make_async_copy(bank_hbm.at[pl.ds(0, KTOK)], buf, sem).wait()

        def compute_block(blk, bufs):
            cb, lb, rb = bufs

            def tok_body(t, carry2):
                s = jnp.zeros((16,), jnp.float32)
                q = jnp.zeros((16,), jnp.float32)
                for j in range(E // 16):
                    dsj = pl.ds(16 * j, 16)
                    v = cb[t, dsj] + lb[t, dsj] + rb[t, dsj]
                    out_buf[t, dsj] = v
                    s = s + v
                    q = q + v * v
                mu = _lane_sum(s) * (1.0 / E)
                var = jnp.maximum(_lane_sum(q) * (1.0 / E) - mu * mu, 0.0)
                rv = _sc_rsqrt(var + 1e-5)
                for j in range(E // 16):
                    dsj = pl.ds(16 * j, 16)
                    out_buf[t, dsj] = (out_buf[t, dsj] - mu) * rv * g_v[dsj] + b_v[dsj]
                return carry2

            lax.fori_loop(0, KTOK, tok_body, 0)
            pltpu.sync_copy(out_buf, out_hbm.at[pl.ds(obase + blk * KTOK, KTOK)])

        bufs0 = (c0, l0, r0)
        bufs1 = (c1, l1, r1)
        start_gathers(0, bufs0, sem0)

        if nblk_w == 1:
            wait_gathers(bufs0, sem0)
            compute_block(0, bufs0)
            return

        def pair_body(p, carry):
            blk = 2 * p
            start_gathers(blk + 1, bufs1, sem1)
            wait_gathers(bufs0, sem0)
            compute_block(blk, bufs0)

            @pl.when(p < nblk_w // 2 - 1)
            def _():
                start_gathers(blk + 2, bufs0, sem0)

            wait_gathers(bufs1, sem1)
            compute_block(blk + 1, bufs1)
            return carry

        lax.fori_loop(0, nblk_w // 2, pair_body, 0)

    return _sc_body


def kernel(input_ids, attention_mask, table, pca_lookup, W_cont, b_cont,
           W_fuse, b_fuse, gamma, beta):
    B, S = input_ids.shape
    N = B * S
    nblk = N // TOK_BLK
    nblk_tc = nblk - SC_BLKS
    n_sc = SC_BLKS * TOK_BLK
    tok_pw = n_sc // N_WORKERS
    f32 = jnp.float32

    table_p = jnp.zeros((ROWS, E), f32).at[:table.shape[0]].set(table)
    pca_p = jnp.zeros((ROWS, 128), f32).at[:pca_lookup.shape[0], :pca_lookup.shape[1]].set(pca_lookup)
    wc_p = jnp.zeros((128, E), f32).at[:W_cont.shape[0]].set(W_cont)
    ids32 = input_ids.astype(jnp.int32).reshape(nblk, TOK_BLK)
    m32 = attention_mask.astype(jnp.int32).reshape(nblk, TOK_BLK)

    i3 = jax.ShapeDtypeStruct((nblk, 1, TOK_BLK), jnp.int32)
    (t2c, p2c, bias, idc, idcp, idl, idr, inv,
     bank, sidxc, sidxl, sidxr) = pl.pallas_call(
        _prep_body,
        out_shape=(
            jax.ShapeDtypeStruct((2 * VOCAB_PAD, E), jnp.bfloat16),
            jax.ShapeDtypeStruct((2 * VOCAB_PAD, E), jnp.bfloat16),
            jax.ShapeDtypeStruct((1, E), f32),
            i3, i3, i3, i3,
            jax.ShapeDtypeStruct((nblk, 1, TOK_BLK), f32),
            jax.ShapeDtypeStruct((NBANK, E), f32),
            i3, i3, i3,
        ),
    )(ids32, m32, table_p, pca_p, wc_p, W_fuse,
      b_cont.reshape(1, E), b_fuse.reshape(1, E))

    sc_call = functools.partial(
        pl.kernel,
        mesh=plsc.VectorSubcoreMesh(core_axis_name="c", subcore_axis_name="s"),
        out_type=jax.ShapeDtypeStruct((n_sc, E), f32),
        scratch_types=(
            [pltpu.VMEM((tok_pw,), jnp.int32)] * 3
            + [pltpu.VMEM((KTOK, E), f32)] * 7
            + [pltpu.VMEM((E,), f32)] * 2
            + [pltpu.SemaphoreType.DMA] * 2
        ),
    )(_make_sc_body(nblk_tc * TOK_BLK, tok_pw))
    sc_out = sc_call(bank, sidxc.reshape(N), sidxl.reshape(N), sidxr.reshape(N),
                     gamma, beta)

    blk_i = pl.BlockSpec((1, 1, TOK_BLK), lambda i: (i, 0, 0))
    full = lambda shape: pl.BlockSpec(shape, lambda i: (0,) * len(shape))
    tc_out = pl.pallas_call(
        _tc_body,
        grid=(nblk_tc,),
        in_specs=[blk_i, blk_i, blk_i, blk_i, blk_i,
                  full((2 * VOCAB_PAD, E)), full((2 * VOCAB_PAD, E)), full((1, E)),
                  full((1, E)), full((1, E))],
        out_specs=pl.BlockSpec((TOK_BLK, E), lambda i: (i, 0)),
        out_shape=jax.ShapeDtypeStruct((nblk_tc * TOK_BLK, E), f32),
    )(idc, idcp, idl, idr, inv, t2c, p2c, bias,
      gamma.reshape(1, E), beta.reshape(1, E))

    out = jnp.concatenate([tc_out, sc_out], axis=0)
    return out.reshape(B, S, E)

# --- scband reference (transcript-rebuilt; emitter-appended) ---
"""Pipeline reference for scband-feature-embedding-30468497998188 (READ-ONLY COPY).

The authoritative reference and input builder live on the scoring server;
editing this copy changes nothing except your own understanding.
"""

import jax, jax.numpy as jnp
import numpy as np

VOCAB = 33
EMBED_DIM = 1024
WINDOW = 3
PAD_ID = 0
B, S = 4, 2048

def setup_inputs(seed: int = 0) -> dict:
    key = jax.random.key(seed)
    ks = jax.random.split(key, 10)
    input_ids = jax.random.randint(ks[0], (B, S), 0, VOCAB, dtype=jnp.int64 if jax.config.jax_enable_x64 else jnp.int32)
    attention_mask = jnp.ones((B, S), dtype=jnp.int32)
    table = jax.random.normal(ks[1], (VOCAB, EMBED_DIM), dtype=jnp.float32) * 0.02
    table = table.at[PAD_ID].set(0.0)  # padding_idx row zeroed like nn.Embedding
    # pca_lookup buffer: rows 3..27 populated (amino acids), rest zero
    pca_rows = jax.random.normal(ks[2], (25, 20), dtype=jnp.float32)
    pca_lookup = jnp.zeros((VOCAB, 20), dtype=jnp.float32).at[3:28].set(pca_rows)
    W_cont = jax.random.normal(ks[3], (20, EMBED_DIM), dtype=jnp.float32) * (1.0 / np.sqrt(20))
    b_cont = jnp.zeros((EMBED_DIM,), dtype=jnp.float32)
    W_fuse = jax.random.normal(ks[4], (2 * EMBED_DIM, EMBED_DIM), dtype=jnp.float32) * (1.0 / np.sqrt(2 * EMBED_DIM))
    b_fuse = jnp.zeros((EMBED_DIM,), dtype=jnp.float32)
    gamma = jnp.ones((EMBED_DIM,), dtype=jnp.float32)
    beta = jnp.zeros((EMBED_DIM,), dtype=jnp.float32)
    return {"input_ids": input_ids, "attention_mask": attention_mask, "table": table,
            "pca_lookup": pca_lookup, "W_cont": W_cont, "b_cont": b_cont,
            "W_fuse": W_fuse, "b_fuse": b_fuse, "gamma": gamma, "beta": beta}

def _sliding_window_pca(base_pca, mask, window_size):
    # base_pca: [B,S,20], mask: [B,S] int
    half = window_size // 2
    Bz, Sz, F = base_pca.shape
    maskf = mask.astype(jnp.float32)
    pm = base_pca * maskf[..., None]
    pad_p = jnp.pad(pm, ((0, 0), (half, half), (0, 0)))
    pad_m = jnp.pad(maskf, ((0, 0), (half, half)))
    s = jnp.zeros_like(pm)
    c = jnp.zeros_like(maskf)
    for o in range(window_size):
        s = s + pad_p[:, o:o + Sz, :]
        c = c + pad_m[:, o:o + Sz]
    c = jnp.clip(c, 1.0, None)
    return s / c[..., None]

def _layer_norm(x, gamma, beta, eps=1e-5):
    mu = jnp.mean(x, axis=-1, keepdims=True)
    var = jnp.mean((x - mu) ** 2, axis=-1, keepdims=True)
    return (x - mu) / jnp.sqrt(var + eps) * gamma + beta

def reference(input_ids, attention_mask, table, pca_lookup, W_cont, b_cont, W_fuse, b_fuse, gamma, beta):
    token_embeds = jnp.take(table, input_ids, axis=0)                 # gather
    base_pca = jnp.take(pca_lookup, input_ids, axis=0)                # gather
    pca_features = _sliding_window_pca(base_pca, attention_mask, WINDOW)
    continuous_embeds = pca_features @ W_cont + b_cont
    combined = jnp.concatenate([token_embeds, continuous_embeds], axis=-1)
    fused = combined @ W_fuse + b_fuse
    return _layer_norm(fused, gamma, beta)

if __name__ == "__main__":
    import jax
    _d = setup_inputs()
    print(jax.jit(kernel)(*tuple(_d.values())))

</pallas_src>

<mosaic_0001>
#map = affine_map<(d0, d1) -> (0, 0)>
#map1 = affine_map<(d0, d1) -> (0)>
module attributes {stable_mosaic.version = 14 : i64} {
  func.func @_sc_body(%arg0: i32, %arg1: i32, %arg2: memref<448x1024xf32, #tpu.memory_space<hbm>>, %arg3: memref<8192xi32, #tpu.memory_space<hbm>>, %arg4: memref<8192xi32, #tpu.memory_space<hbm>>, %arg5: memref<8192xi32, #tpu.memory_space<hbm>>, %arg6: memref<1024xf32, #tpu.memory_space<hbm>>, %arg7: memref<1024xf32, #tpu.memory_space<hbm>>, %arg8: memref<512x1024xf32, #tpu.memory_space<hbm>>, %arg9: memref<16xi32, #tpu.memory_space<vmem>>, %arg10: memref<16xi32, #tpu.memory_space<vmem>>, %arg11: memref<16xi32, #tpu.memory_space<vmem>>, %arg12: memref<16x1024xf32, #tpu.memory_space<vmem>>, %arg13: memref<16x1024xf32, #tpu.memory_space<vmem>>, %arg14: memref<16x1024xf32, #tpu.memory_space<vmem>>, %arg15: memref<16x1024xf32, #tpu.memory_space<vmem>>, %arg16: memref<16x1024xf32, #tpu.memory_space<vmem>>, %arg17: memref<16x1024xf32, #tpu.memory_space<vmem>>, %arg18: memref<16x1024xf32, #tpu.memory_space<vmem>>, %arg19: memref<1024xf32, #tpu.memory_space<vmem>>, %arg20: memref<1024xf32, #tpu.memory_space<vmem>>, %arg21: memref<!tpu.dma_semaphore, #tpu.memory_space<semaphore_mem>>, %arg22: memref<!tpu.dma_semaphore, #tpu.memory_space<semaphore_mem>>) attributes {dimension_semantics = [#tpu.dimension_semantics<core_parallel>, #tpu.dimension_semantics<subcore_parallel>], iteration_bounds = array<i64: 2, 16>, scalar_prefetch = 0 : i64, scratch_operands = 14 : i64, tpu.core_type = #tpu.core_type<sc_vector_subcore>, window_params = [{transform_indices = #map}, {transform_indices = #map1}, {transform_indices = #map1}, {transform_indices = #map1}, {transform_indices = #map1}, {transform_indices = #map1}, {transform_indices = #map}]} {
    %mul3A = arith.constant 2 : i32
    %mul3A_0 = arith.muli %arg1, %mul3A : i32
    %add3A = arith.addi %mul3A_0, %arg0 : i32
    %mul3A_1 = arith.constant 16 : i32
    %mul3A_2 = arith.muli %add3A, %mul3A_1 : i32
    %add3A_3 = arith.constant 7680 : i32
    %add3A_4 = arith.addi %add3A_3, %mul3A_2 : i32
    "tpu.region"() ({
      %run_scoped3A = tpu.sem_alloc : memref<!tpu.dma_semaphore, #tpu.memory_space<semaphore_mem>>
      tpu.enqueue_dma source(%arg6 : memref<1024xf32, #tpu.memory_space<hbm>>) target(%arg19 : memref<1024xf32, #tpu.memory_space<vmem>>) target_semaphore(%run_scoped3A : memref<!tpu.dma_semaphore, #tpu.memory_space<semaphore_mem>>)
      tpu.wait_dma2 semaphore(%run_scoped3A : memref<!tpu.dma_semaphore, #tpu.memory_space<semaphore_mem>>) src(%arg6 : memref<1024xf32, #tpu.memory_space<hbm>>) dst(%arg19 : memref<1024xf32, #tpu.memory_space<vmem>>)
      tpu.yield
    }) : () -> ()
    "tpu.region"() ({
      %run_scoped3A = tpu.sem_alloc : memref<!tpu.dma_semaphore, #tpu.memory_space<semaphore_mem>>
      tpu.enqueue_dma source(%arg7 : memref<1024xf32, #tpu.memory_space<hbm>>) target(%arg20 : memref<1024xf32, #tpu.memory_space<vmem>>) target_semaphore(%run_scoped3A : memref<!tpu.dma_semaphore, #tpu.memory_space<semaphore_mem>>)
      tpu.wait_dma2 semaphore(%run_scoped3A : memref<!tpu.dma_semaphore, #tpu.memory_space<semaphore_mem>>) src(%arg7 : memref<1024xf32, #tpu.memory_space<hbm>>) dst(%arg20 : memref<1024xf32, #tpu.memory_space<vmem>>)
      tpu.yield
    }) : () -> ()
    "tpu.region"() ({
      %run_scoped3A = tpu.sem_alloc : memref<!tpu.dma_semaphore, #tpu.memory_space<semaphore_mem>>
      %dma_start3A_45 = tpu.memref_slice %arg3[%add3A_4] : memref<8192xi32, #tpu.memory_space<hbm>> -> memref<16xi32, #tpu.memory_space<hbm>>
      %dma_start3A_46 = tpu.memref_slice %arg3[%add3A_4] : memref<8192xi32, #tpu.memory_space<hbm>> -> memref<16xi32, #tpu.memory_space<hbm>>
      tpu.enqueue_dma source(%dma_start3A_46 : memref<16xi32, #tpu.memory_space<hbm>>) target(%arg9 : memref<16xi32, #tpu.memory_space<vmem>>) target_semaphore(%run_scoped3A : memref<!tpu.dma_semaphore, #tpu.memory_space<semaphore_mem>>)
      %dma_wait3A_47 = tpu.memref_slice %arg3[%add3A_4] : memref<8192xi32, #tpu.memory_space<hbm>> -> memref<16xi32, #tpu.memory_space<hbm>>
      %dma_wait3A_48 = tpu.memref_slice %arg3[%add3A_4] : memref<8192xi32, #tpu.memory_space<hbm>> -> memref<16xi32, #tpu.memory_space<hbm>>
      tpu.wait_dma2 semaphore(%run_scoped3A : memref<!tpu.dma_semaphore, #tpu.memory_space<semaphore_mem>>) src(%dma_wait3A_48 : memref<16xi32, #tpu.memory_space<hbm>>) dst(%arg9 : memref<16xi32, #tpu.memory_space<vmem>>)
      tpu.yield
    }) : () -> ()
    "tpu.region"() ({
      %run_scoped3A = tpu.sem_alloc : memref<!tpu.dma_semaphore, #tpu.memory_space<semaphore_mem>>
      %dma_start3A_45 = tpu.memref_slice %arg4[%add3A_4] : memref<8192xi32, #tpu.memory_space<hbm>> -> memref<16xi32, #tpu.memory_space<hbm>>
      %dma_start3A_46 = tpu.memref_slice %arg4[%add3A_4] : memref<8192xi32, #tpu.memory_space<hbm>> -> memref<16xi32, #tpu.memory_space<hbm>>
      tpu.enqueue_dma source(%dma_start3A_46 : memref<16xi32, #tpu.memory_space<hbm>>) target(%arg10 : memref<16xi32, #tpu.memory_space<vmem>>) target_semaphore(%run_scoped3A : memref<!tpu.dma_semaphore, #tpu.memory_space<semaphore_mem>>)
      %dma_wait3A_47 = tpu.memref_slice %arg4[%add3A_4] : memref<8192xi32, #tpu.memory_space<hbm>> -> memref<16xi32, #tpu.memory_space<hbm>>
      %dma_wait3A_48 = tpu.memref_slice %arg4[%add3A_4] : memref<8192xi32, #tpu.memory_space<hbm>> -> memref<16xi32, #tpu.memory_space<hbm>>
      tpu.wait_dma2 semaphore(%run_scoped3A : memref<!tpu.dma_semaphore, #tpu.memory_space<semaphore_mem>>) src(%dma_wait3A_48 : memref<16xi32, #tpu.memory_space<hbm>>) dst(%arg10 : memref<16xi32, #tpu.memory_space<vmem>>)
      tpu.yield
    }) : () -> ()
    "tpu.region"() ({
      %run_scoped3A = tpu.sem_alloc : memref<!tpu.dma_semaphore, #tpu.memory_space<semaphore_mem>>
      %dma_start3A_45 = tpu.memref_slice %arg5[%add3A_4] : memref<8192xi32, #tpu.memory_space<hbm>> -> memref<16xi32, #tpu.memory_space<hbm>>
      %dma_start3A_46 = tpu.memref_slice %arg5[%add3A_4] : memref<8192xi32, #tpu.memory_space<hbm>> -> memref<16xi32, #tpu.memory_space<hbm>>
      tpu.enqueue_dma source(%dma_start3A_46 : memref<16xi32, #tpu.memory_space<hbm>>) target(%arg11 : memref<16xi32, #tpu.memory_space<vmem>>) target_semaphore(%run_scoped3A : memref<!tpu.dma_semaphore, #tpu.memory_space<semaphore_mem>>)
      %dma_wait3A_47 = tpu.memref_slice %arg5[%add3A_4] : memref<8192xi32, #tpu.memory_space<hbm>> -> memref<16xi32, #tpu.memory_space<hbm>>
      %dma_wait3A_48 = tpu.memref_slice %arg5[%add3A_4] : memref<8192xi32, #tpu.memory_space<hbm>> -> memref<16xi32, #tpu.memory_space<hbm>>
      tpu.wait_dma2 semaphore(%run_scoped3A : memref<!tpu.dma_semaphore, #tpu.memory_space<semaphore_mem>>) src(%dma_wait3A_48 : memref<16xi32, #tpu.memory_space<hbm>>) dst(%arg11 : memref<16xi32, #tpu.memory_space<vmem>>)
      tpu.yield
    }) : () -> ()
    %get3A = arith.constant 0 : index
    %get3A_5 = tpu.vector_load %arg9[%get3A] {strides = array<i32>} : memref<16xi32, #tpu.memory_space<vmem>>, vector<16xi32>,
    %get3A_6 = vector.shape_cast %get3A_5 : vector<16xi32> to vector<16xi32>
    %dma_start3A = arith.constant 0 : i32
    %dma_start3A_7 = arith.constant 0 : i32
    %dma_start3A_8 = tpu.memref_slice %arg2[%dma_start3A, %dma_start3A_7] : memref<448x1024xf32, #tpu.memory_space<hbm>> -> memref<448x1024xf32, #tpu.memory_space<hbm>>
    tpu.enqueue_indirect_dma source(%dma_start3A_8 : memref<448x1024xf32, #tpu.memory_space<hbm>>) target(%arg12 : memref<16x1024xf32, #tpu.memory_space<vmem>>) offsets(%get3A_6 : vector<16xi32>) semaphore(%arg21 : memref<!tpu.dma_semaphore, #tpu.memory_space<semaphore_mem>>)
    %get3A_9 = arith.constant 0 : index
    %get3A_10 = tpu.vector_load %arg10[%get3A_9] {strides = array<i32>} : memref<16xi32, #tpu.memory_space<vmem>>, vector<16xi32>,
    %get3A_11 = vector.shape_cast %get3A_10 : vector<16xi32> to vector<16xi32>
    %dma_start3A_12 = arith.constant 0 : i32
    %dma_start3A_13 = arith.constant 0 : i32
    %dma_start3A_14 = tpu.memref_slice %arg2[%dma_start3A_12, %dma_start3A_13] : memref<448x1024xf32, #tpu.memory_space<hbm>> -> memref<448x1024xf32, #tpu.memory_space<hbm>>
    tpu.enqueue_indirect_dma source(%dma_start3A_14 : memref<448x1024xf32, #tpu.memory_space<hbm>>) target(%arg13 : memref<16x1024xf32, #tpu.memory_space<vmem>>) offsets(%get3A_11 : vector<16xi32>) semaphore(%arg21 : memref<!tpu.dma_semaphore, #tpu.memory_space<semaphore_mem>>)
    %get3A_15 = arith.constant 0 : index
    %get3A_16 = tpu.vector_load %arg11[%get3A_15] {strides = array<i32>} : memref<16xi32, #tpu.memory_space<vmem>>, vector<16xi32>,
    %get3A_17 = vector.shape_cast %get3A_16 : vector<16xi32> to vector<16xi32>
    %dma_start3A_18 = arith.constant 0 : i32
    %dma_start3A_19 = arith.constant 0 : i32
    %dma_start3A_20 = tpu.memref_slice %arg2[%dma_start3A_18, %dma_start3A_19] : memref<448x1024xf32, #tpu.memory_space<hbm>> -> memref<448x1024xf32, #tpu.memory_space<hbm>>
    tpu.enqueue_indirect_dma source(%dma_start3A_20 : memref<448x1024xf32, #tpu.memory_space<hbm>>) target(%arg14 : memref<16x1024xf32, #tpu.memory_space<vmem>>) offsets(%get3A_17 : vector<16xi32>) semaphore(%arg21 : memref<!tpu.dma_semaphore, #tpu.memory_space<semaphore_mem>>)
    %dma_wait3A = arith.constant 0 : i32
    %dma_wait3A_21 = arith.constant 0 : i32
    %dma_wait3A_22 = tpu.memref_slice %arg2[%dma_wait3A, %dma_wait3A_21] : memref<448x1024xf32, #tpu.memory_space<hbm>> -> memref<16x1024xf32, #tpu.memory_space<hbm>>
    %dma_wait3A_23 = arith.constant 0 : i32
    %dma_wait3A_24 = arith.constant 0 : i32
    %dma_wait3A_25 = tpu.memref_slice %arg2[%dma_wait3A_23, %dma_wait3A_24] : memref<448x1024xf32, #tpu.memory_space<hbm>> -> memref<16x1024xf32, #tpu.memory_space<hbm>>
    tpu.wait_dma2 semaphore(%arg21 : memref<!tpu.dma_semaphore, #tpu.memory_space<semaphore_mem>>) src(%dma_wait3A_25 : memref<16x1024xf32, #tpu.memory_space<hbm>>) dst(%arg12 : memref<16x1024xf32, #tpu.memory_space<vmem>>)
    %dma_wait3A_26 = arith.constant 0 : i32
    %dma_wait3A_27 = arith.constant 0 : i32
    %dma_wait3A_28 = tpu.memref_slice %arg2[%dma_wait3A_26, %dma_wait3A_27] : memref<448x1024xf32, #tpu.memory_space<hbm>> -> memref<16x1024xf32, #tpu.memory_space<hbm>>
    %dma_wait3A_29 = arith.constant 0 : i32
    %dma_wait3A_30 = arith.constant 0 : i32
    %dma_wait3A_31 = tpu.memref_slice %arg2[%dma_wait3A_29, %dma_wait3A_30] : memref<448x1024xf32, #tpu.memory_space<hbm>> -> memref<16x1024xf32, #tpu.memory_space<hbm>>
    tpu.wait_dma2 semaphore(%arg21 : memref<!tpu.dma_semaphore, #tpu.memory_space<semaphore_mem>>) src(%dma_wait3A_31 : memref<16x1024xf32, #tpu.memory_space<hbm>>) dst(%arg13 : memref<16x1024xf32, #tpu.memory_space<vmem>>)
    %dma_wait3A_32 = arith.constant 0 : i32
    %dma_wait3A_33 = arith.constant 0 : i32
    %dma_wait3A_34 = tpu.memref_slice %arg2[%dma_wait3A_32, %dma_wait3A_33] : memref<448x1024xf32, #tpu.memory_space<hbm>> -> memref<16x1024xf32, #tpu.memory_space<hbm>>
    %dma_wait3A_35 = arith.constant 0 : i32
    %dma_wait3A_36 = arith.constant 0 : i32
    %dma_wait3A_37 = tpu.memref_slice %arg2[%dma_wait3A_35, %dma_wait3A_36] : memref<448x1024xf32, #tpu.memory_space<hbm>> -> memref<16x1024xf32, #tpu.memory_space<hbm>>
    tpu.wait_dma2 semaphore(%arg21 : memref<!tpu.dma_semaphore, #tpu.memory_space<semaphore_mem>>) src(%dma_wait3A_37 : memref<16x1024xf32, #tpu.memory_space<hbm>>) dst(%arg14 : memref<16x1024xf32, #tpu.memory_space<vmem>>)
    %scan3A = arith.constant 0 : i32
    %scan3A_38 = arith.constant 0 : i32
    %scan3A_39 = arith.constant 16 : i32
    %scan3A_40 = arith.addi %scan3A_38, %scan3A_39 : i32
    %scan3A_41 = arith.constant 1 : i32
    scf.for %scan3A_45 = %scan3A_38 to %scan3A_40 step %scan3A_41  : i32 {
      %broadcast_in_dim3A = arith.constant 0.000000e+00 : f32
      %broadcast_in_dim3A_46 = vector.broadcast %broadcast_in_dim3A : f32 to vector<16xf32>
      %broadcast_in_dim3A_47 = arith.constant 0.000000e+00 : f32
      %broadcast_in_dim3A_48 = vector.broadcast %broadcast_in_dim3A_47 : f32 to vector<16xf32>
      %get3A_49 = arith.index_cast %scan3A_45 : i32 to index
      %get3A_50 = arith.constant 0 : index
      %get3A_51 = tpu.vector_load %arg12[%get3A_49, %get3A_50] {strides = array<i32>} : memref<16x1024xf32, #tpu.memory_space<vmem>>, vector<1x16xf32>,
      %get3A_52 = vector.shape_cast %get3A_51 : vector<1x16xf32> to vector<16xf32>
      %get3A_53 = arith.index_cast %scan3A_45 : i32 to index
      %get3A_54 = arith.constant 0 : index
      %get3A_55 = tpu.vector_load %arg13[%get3A_53, %get3A_54] {strides = array<i32>} : memref<16x1024xf32, #tpu.memory_space<vmem>>, vector<1x16xf32>,
      %get3A_56 = vector.shape_cast %get3A_55 : vector<1x16xf32> to vector<16xf32>
      %add3A_57 = arith.addf %get3A_52, %get3A_56 : vector<16xf32>
      %get3A_58 = arith.index_cast %scan3A_45 : i32 to index
      %get3A_59 = arith.constant 0 : index
      %get3A_60 = tpu.vector_load %arg14[%get3A_58, %get3A_59] {strides = array<i32>} : memref<16x1024xf32, #tpu.memory_space<vmem>>, vector<1x16xf32>,
      %get3A_61 = vector.shape_cast %get3A_60 : vector<1x16xf32> to vector<16xf32>
      %add3A_62 = arith.addf %add3A_57, %get3A_61 : vector<16xf32>
      %swap3A = arith.index_cast %scan3A_45 : i32 to index
      %swap3A_63 = arith.constant 0 : index
      %swap3A_64 = tpu.vector_load %arg18[%swap3A, %swap3A_63] {strides = array<i32>} : memref<16x1024xf32, #tpu.memory_space<vmem>>, vector<1x16xf32>,
      %swap3A_65 = vector.shape_cast %swap3A_64 : vector<1x16xf32> to vector<16xf32>
      %swap3A_66 = vector.shape_cast %add3A_62 : vector<16xf32> to vector<1x16xf32>
      tpu.vector_store %arg18[%swap3A, %swap3A_63], %swap3A_66 {strides = array<i32>} : memref<16x1024xf32, #tpu.memory_space<vmem>>, vector<1x16xf32>,
      %add3A_67 = arith.addf %broadcast_in_dim3A_46, %add3A_62 : vector<16xf32>
      %mul3A_68 = arith.mulf %add3A_62, %add3A_62 : vector<16xf32>
      %add3A_69 = arith.addf %broadcast_in_dim3A_48, %mul3A_68 : vector<16xf32>
      %get3A_70 = arith.index_cast %scan3A_45 : i32 to index
      %get3A_71 = arith.constant 16 : index
      %get3A_72 = tpu.vector_load %arg12[%get3A_70, %get3A_71] {strides = array<i32>} : memref<16x1024xf32, #tpu.memory_space<vmem>>, vector<1x16xf32>,
      %get3A_73 = vector.shape_cast %get3A_72 : vector<1x16xf32> to vector<16xf32>
      %get3A_74 = arith.index_cast %scan3A_45 : i32 to index
      %get3A_75 = arith.constant 16 : index
      %get3A_76 = tpu.vector_load %arg13[%get3A_74, %get3A_75] {strides = array<i32>} : memref<16x1024xf32, #tpu.memory_space<vmem>>, vector<1x16xf32>,
      %get3A_77 = vector.shape_cast %get3A_76 : vector<1x16xf32> to vector<16xf32>
      %add3A_78 = arith.addf %get3A_73, %get3A_77 : vector<16xf32>
      %get3A_79 = arith.index_cast %scan3A_45 : i32 to index
      %get3A_80 = arith.constant 16 : index
      %get3A_81 = tpu.vector_load %arg14[%get3A_79, %get3A_80] {strides = array<i32>} : memref<16x1024xf32, #tpu.memory_space<vmem>>, vector<1x16xf32>,
      %get3A_82 = vector.shape_cast %get3A_81 : vector<1x16xf32> to vector<16xf32>
      %add3A_83 = arith.addf %add3A_78, %get3A_82 : vector<16xf32>
      %swap3A_84 = arith.index_cast %scan3A_45 : i32 to index
      %swap3A_85 = arith.constant 16 : index
      %swap3A_86 = tpu.vector_load %arg18[%swap3A_84, %swap3A_85] {strides = array<i32>} : memref<16x1024xf32, #tpu.memory_space<vmem>>, vector<1x16xf32>,
      %swap3A_87 = vector.shape_cast %swap3A_86 : vector<1x16xf32> to vector<16xf32>
      %swap3A_88 = vector.shape_cast %add3A_83 : vector<16xf32> to vector<1x16xf32>
      tpu.vector_store %arg18[%swap3A_84, %swap3A_85], %swap3A_88 {strides = array<i32>} : memref<16x1024xf32, #tpu.memory_space<vmem>>, vector<1x16xf32>,
      %add3A_89 = arith.addf %add3A_67, %add3A_83 : vector<16xf32>
      %mul3A_90 = arith.mulf %add3A_83, %add3A_83 : vector<16xf32>
      %add3A_91 = arith.addf %add3A_69, %mul3A_90 : vector<16xf32>
      %get3A_92 = arith.index_cast %scan3A_45 : i32 to index
      %get3A_93 = arith.constant 32 : index
      %get3A_94 = tpu.vector_load %arg12[%get3A_92, %get3A_93] {strides = array<i32>} : memref<16x1024xf32, #tpu.memory_space<vmem>>, vector<1x16xf32>,
      %get3A_95 = vector.shape_cast %get3A_94 : vector<1x16xf32> to vector<16xf32>
      %get3A_96 = arith.index_cast %scan3A_45 : i32 to index
      %get3A_97 = arith.constant 32 : index
      %get3A_98 = tpu.vector_load %arg13[%get3A_96, %get3A_97] {strides = array<i32>} : memref<16x1024xf32, #tpu.memory_space<vmem>>, vector<1x16xf32>,
      %get3A_99 = vector.shape_cast %get3A_98 : vector<1x16xf32> to vector<16xf32>
      %add3A_100 = arith.addf %get3A_95, %get3A_99 : vector<16xf32>
      %get3A_101 = arith.index_cast %scan3A_45 : i32 to index
      %get3A_102 = arith.constant 32 : index
      %get3A_103 = tpu.vector_load %arg14[%get3A_101, %get3A_102] {strides = array<i32>} : memref<16x1024xf32, #tpu.memory_space<vmem>>, vector<1x16xf32>,
      %get3A_104 = vector.shape_cast %get3A_103 : vector<1x16xf32> to vector<16xf32>
      %add3A_105 = arith.addf %add3A_100, %get3A_104 : vector<16xf32>
      %swap3A_106 = arith.index_cast %scan3A_45 : i32 to index
      %swap3A_107 = arith.constant 32 : index
      %swap3A_108 = tpu.vector_load %arg18[%swap3A_106, %swap3A_107] {strides = array<i32>} : memref<16x1024xf32, #tpu.memory_space<vmem>>, vector<1x16xf32>,
      %swap3A_109 = vector.shape_cast %swap3A_108 : vector<1x16xf32> to vector<16xf32>
      %swap3A_110 = vector.shape_cast %add3A_105 : vector<16xf32> to vector<1x16xf32>
      tpu.vector_store %arg18[%swap3A_106, %swap3A_107], %swap3A_110 {strides = array<i32>} : memref<16x1024xf32, #tpu.memory_space<vmem>>, vector<1x16xf32>,
      %add3A_111 = arith.addf %add3A_89, %add3A_105 : vector<16xf32>
      %mul3A_112 = arith.mulf %add3A_105, %add3A_105 : vector<16xf32>
      %add3A_113 = arith.addf %add3A_91, %mul3A_112 : vector<16xf32>
      %get3A_114 = arith.index_cast %scan3A_45 : i32 to index
      %get3A_115 = arith.constant 48 : index
      %get3A_116 = tpu.vector_load %arg12[%get3A_114, %get3A_115] {strides = array<i32>} : memref<16x1024xf32, #tpu.memory_space<vmem>>, vector<1x16xf32>,
      %get3A_117 = vector.shape_cast %get3A_116 : vector<1x16xf32> to vector<16xf32>
      %get3A_118 = arith.index_cast %scan3A_45 : i32 to index
      %get3A_119 = arith.constant 48 : index
      %get3A_120 = tpu.vector_load %arg13[%get3A_118, %get3A_119] {strides = array<i32>} : memref<16x1024xf32, #tpu.memory_space<vmem>>, vector<1x16xf32>,
      %get3A_121 = vector.shape_cast %get3A_120 : vector<1x16xf32> to vector<16xf32>
      %add3A_122 = arith.addf %get3A_117, %get3A_121 : vector<16xf32>
      %get3A_123 = arith.index_cast %scan3A_45 : i32 to index
      %get3A_124 = arith.constant 48 : index
      %get3A_125 = tpu.vector_load %arg14[%get3A_123, %get3A_124] {strides = array<i32>} : memref<16x1024xf32, #tpu.memory_space<vmem>>, vector<1x16xf32>,
      %get3A_126 = vector.shape_cast %get3A_125 : vector<1x16xf32> to vector<16xf32>
      %add3A_127 = arith.addf %add3A_122, %get3A_126 : vector<16xf32>
      %swap3A_128 = arith.index_cast %scan3A_45 : i32 to index
      %swap3A_129 = arith.constant 48 : index
      %swap3A_130 = tpu.vector_load %arg18[%swap3A_128, %swap3A_129] {strides = array<i32>} : memref<16x1024xf32, #tpu.memory_space<vmem>>, vector<1x16xf32>,
      %swap3A_131 = vector.shape_cast %swap3A_130 : vector<1x16xf32> to vector<16xf32>
      %swap3A_132 = vector.shape_cast %add3A_127 : vector<16xf32> to vector<1x16xf32>
      tpu.vector_store %arg18[%swap3A_128, %swap3A_129], %swap3A_132 {strides = array<i32>} : memref<16x1024xf32, #tpu.memory_space<vmem>>, vector<1x16xf32>,
      %add3A_133 = arith.addf %add3A_111, %add3A_127 : vector<16xf32>
      %mul3A_134 = arith.mulf %add3A_127, %add3A_127 : vector<16xf32>
      %add3A_135 = arith.addf %add3A_113, %mul3A_134 : vector<16xf32>
      %get3A_136 = arith.index_cast %scan3A_45 : i32 to index
      %get3A_137 = arith.constant 64 : index
      %get3A_138 = tpu.vector_load %arg12[%get3A_136, %get3A_137] {strides = array<i32>} : memref<16x1024xf32, #tpu.memory_space<vmem>>, vector<1x16xf32>,
      %get3A_139 = vector.shape_cast %get3A_138 : vector<1x16xf32> to vector<16xf32>
      %get3A_140 = arith.index_cast %scan3A_45 : i32 to index
      %get3A_141 = arith.constant 64 : index
      %get3A_142 = tpu.vector_load %arg13[%get3A_140, %get3A_141] {strides = array<i32>} : memref<16x1024xf32, #tpu.memory_space<vmem>>, vector<1x16xf32>,
      %get3A_143 = vector.shape_cast %get3A_142 : vector<1x16xf32> to vector<16xf32>
      %add3A_144 = arith.addf %get3A_139, %get3A_143 : vector<16xf32>
      %get3A_145 = arith.index_cast %scan3A_45 : i32 to index
      %get3A_146 = arith.constant 64 : index
      %get3A_147 = tpu.vector_load %arg14[%get3A_145, %get3A_146] {strides = array<i32>} : memref<16x1024xf32, #tpu.memory_space<vmem>>, vector<1x16xf32>,
      %get3A_148 = vector.shape_cast %get3A_147 : vector<1x16xf32> to vector<16xf32>
      %add3A_149 = arith.addf %add3A_144, %get3A_148 : vector<16xf32>
      %swap3A_150 = arith.index_cast %scan3A_45 : i32 to index
      %swap3A_151 = arith.constant 64 : index
      %swap3A_152 = tpu.vector_load %arg18[%swap3A_150, %swap3A_151] {strides = array<i32>} : memref<16x1024xf32, #tpu.memory_space<vmem>>, vector<1x16xf32>,
      %swap3A_153 = vector.shape_cast %swap3A_152 : vector<1x16xf32> to vector<16xf32>
      %swap3A_154 = vector.shape_cast %add3A_149 : vector<16xf32> to vector<1x16xf32>
      tpu.vector_store %arg18[%swap3A_150, %swap3A_151], %swap3A_154 {strides = array<i32>} : memref<16x1024xf32, #tpu.memory_space<vmem>>, vector<1x16xf32>,
      %add3A_155 = arith.addf %add3A_133, %add3A_149 : vector<16xf32>
      %mul3A_156 = arith.mulf %add3A_149, %add3A_149 : vector<16xf32>
      %add3A_157 = arith.addf %add3A_135, %mul3A_156 : vector<16xf32>
      %get3A_158 = arith.index_cast %scan3A_45 : i32 to index
      %get3A_159 = arith.constant 80 : index
      %get3A_160 = tpu.vector_load %arg12[%get3A_158, %get3A_159] {strides = array<i32>} : memref<16x1024xf32, #tpu.memory_space<vmem>>, vector<1x16xf32>,
      %get3A_161 = vector.shape_cast %get3A_160 : vector<1x16xf32> to vector<16xf32>
      %get3A_162 = arith.index_cast %scan3A_45 : i32 to index
      %get3A_163 = arith.constant 80 : index
      %get3A_164 = tpu.vector_load %arg13[%get3A_162, %get3A_163] {strides = array<i32>} : memref<16x1024xf32, #tpu.memory_space<vmem>>, vector<1x16xf32>,
      %get3A_165 = vector.shape_cast %get3A_164 : vector<1x16xf32> to vector<16xf32>
      %add3A_166 = arith.addf %get3A_161, %get3A_165 : vector<16xf32>
      %get3A_167 = arith.index_cast %scan3A_45 : i32 to index
      %get3A_168 = arith.constant 80 : index
      %get3A_169 = tpu.vector_load %arg14[%get3A_167, %get3A_168] {strides = array<i32>} : memref<16x1024xf32, #tpu.memory_space<vmem>>, vector<1x16xf32>,
      %get3A_170 = vector.shape_cast %get3A_169 : vector<1x16xf32> to vector<16xf32>
      %add3A_171 = arith.addf %add3A_166, %get3A_170 : vector<16xf32>
      %swap3A_172 = arith.index_cast %scan3A_45 : i32 to index
      %swap3A_173 = arith.constant 80 : index
      %swap3A_174 = tpu.vector_load %arg18[%swap3A_172, %swap3A_173] {strides = array<i32>} : memref<16x1024xf32, #tpu.memory_space<vmem>>, vector<1x16xf32>,
      %swap3A_175 = vector.shape_cast %swap3A_174 : vector<1x16xf32> to vector<16xf32>
      %swap3A_176 = vector.shape_cast %add3A_171 : vector<16xf32> to vector<1x16xf32>
      tpu.vector_store %arg18[%swap3A_172, %swap3A_173], %swap3A_176 {strides = array<i32>} : memref<16x1024xf32, #tpu.memory_space<vmem>>, vector<1x16xf32>,
      %add3A_177 = arith.addf %add3A_155, %add3A_171 : vector<16xf32>
      %mul3A_178 = arith.mulf %add3A_171, %add3A_171 : vector<16xf32>
      %add3A_179 = arith.addf %add3A_157, %mul3A_178 : vector<16xf32>
      %get3A_180 = arith.index_cast %scan3A_45 : i32 to index
      %get3A_181 = arith.constant 96 : index
      %get3A_182 = tpu.vector_load %arg12[%get3A_180, %get3A_181] {strides = array<i32>} : memref<16x1024xf32, #tpu.memory_space<vmem>>, vector<1x16xf32>,
      %get3A_183 = vector.shape_cast %get3A_182 : vector<1x16xf32> to vector<16xf32>
      %get3A_184 = arith.index_cast %scan3A_45 : i32 to index
      %get3A_185 = arith.constant 96 : index
      %get3A_186 = tpu.vector_load %arg13[%get3A_184, %get3A_185] {strides = array<i32>} : memref<16x1024xf32, #tpu.memory_space<vmem>>, vector<1x16xf32>,
      %get3A_187 = vector.shape_cast %get3A_186 : vector<1x16xf32> to vector<16xf32>
      %add3A_188 = arith.addf %get3A_183, %get3A_187 : vector<16xf32>
      %get3A_189 = arith.index_cast %scan3A_45 : i32 to index
      %get3A_190 = arith.constant 96 : index
      %get3A_191 = tpu.vector_load %arg14[%get3A_189, %get3A_190] {strides = array<i32>} : memref<16x1024xf32, #tpu.memory_space<vmem>>, vector<1x16xf32>,
      %get3A_192 = vector.shape_cast %get3A_191 : vector<1x16xf32> to vector<16xf32>
      %add3A_193 = arith.addf %add3A_188, %get3A_192 : vector<16xf32>
      %swap3A_194 = arith.index_cast %scan3A_45 : i32 to index
      %swap3A_195 = arith.constant 96 : index
      %swap3A_196 = tpu.vector_load %arg18[%swap3A_194, %swap3A_195] {strides = array<i32>} : memref<16x1024xf32, #tpu.memory_space<vmem>>, vector<1x16xf32>,
      %swap3A_197 = vector.shape_cast %swap3A_196 : vector<1x16xf32> to vector<16xf32>
      %swap3A_198 = vector.shape_cast %add3A_193 : vector<16xf32> to vector<1x16xf32>
      tpu.vector_store %arg18[%swap3A_194, %swap3A_195], %swap3A_198 {strides = array<i32>} : memref<16x1024xf32, #tpu.memory_space<vmem>>, vector<1x16xf32>,
      %add3A_199 = arith.addf %add3A_177, %add3A_193 : vector<16xf32>
      %mul3A_200 = arith.mulf %add3A_193, %add3A_193 : vector<16xf32>
      %add3A_201 = arith.addf %add3A_179, %mul3A_200 : vector<16xf32>
      %get3A_202 = arith.index_cast %scan3A_45 : i32 to index
      %get3A_203 = arith.constant 112 : index
      %get3A_204 = tpu.vector_load %arg12[%get3A_202, %get3A_203] {strides = array<i32>} : memref<16x1024xf32, #tpu.memory_space<vmem>>, vector<1x16xf32>,
      %get3A_205 = vector.shape_cast %get3A_204 : vector<1x16xf32> to vector<16xf32>
      %get3A_206 = arith.index_cast %scan3A_45 : i32 to index
      %get3A_207 = arith.constant 112 : index
      %get3A_208 = tpu.vector_load %arg13[%get3A_206, %get3A_207] {strides = array<i32>} : memref<16x1024xf32, #tpu.memory_space<vmem>>, vector<1x16xf32>,
      %get3A_209 = vector.shape_cast %get3A_208 : vector<1x16xf32> to vector<16xf32>
      %add3A_210 = arith.addf %get3A_205, %get3A_209 : vector<16xf32>
      %get3A_211 = arith.index_cast %scan3A_45 : i32 to index
      %get3A_212 = arith.constant 112 : index
      %get3A_213 = tpu.vector_load %arg14[%get3A_211, %get3A_212] {strides = array<i32>} : memref<16x1024xf32, #tpu.memory_space<vmem>>, vector<1x16xf32>,
      %get3A_214 = vector.shape_cast %get3A_213 : vector<1x16xf32> to vector<16xf32>
      %add3A_215 = arith.addf %add3A_210, %get3A_214 : vector<16xf32>
      %swap3A_216 = arith.index_cast %scan3A_45 : i32 to index
      %swap3A_217 = arith.constant 112 : index
      %swap3A_218 = tpu.vector_load %arg18[%swap3A_216, %swap3A_217] {strides = array<i32>} : memref<16x1024xf32, #tpu.memory_space<vmem>>, vector<1x16xf32>,
      %swap3A_219 = vector.shape_cast %swap3A_218 : vector<1x16xf32> to vector<16xf32>
      %swap3A_220 = vector.shape_cast %add3A_215 : vector<16xf32> to vector<1x16xf32>
      tpu.vector_store %arg18[%swap3A_216, %swap3A_217], %swap3A_220 {strides = array<i32>} : memref<16x1024xf32, #tpu.memory_space<vmem>>, vector<1x16xf32>,
      %add3A_221 = arith.addf %add3A_199, %add3A_215 : vector<16xf32>
      %mul3A_222 = arith.mulf %add3A_215, %add3A_215 : vector<16xf32>
      %add3A_223 = arith.addf %add3A_201, %mul3A_222 : vector<16xf32>
      %get3A_224 = arith.index_cast %scan3A_45 : i32 to index
      %get3A_225 = arith.constant 128 : index
      %get3A_226 = tpu.vector_load %arg12[%get3A_224, %get3A_225] {strides = array<i32>} : memref<16x1024xf32, #tpu.memory_space<vmem>>, vector<1x16xf32>,
      %get3A_227 = vector.shape_cast %get3A_226 : vector<1x16xf32> to vector<16xf32>
      %get3A_228 = arith.index_cast %scan3A_45 : i32 to index
      %get3A_229 = arith.constant 128 : index
      %get3A_230 = tpu.vector_load %arg13[%get3A_228, %get3A_229] {strides = array<i32>} : memref<16x1024xf32, #tpu.memory_space<vmem>>, vector<1x16xf32>,
      %get3A_231 = vector.shape_cast %get3A_230 : vector<1x16xf32> to vector<16xf32>
      %add3A_232 = arith.addf %get3A_227, %get3A_231 : vector<16xf32>
      %get3A_233 = arith.index_cast %scan3A_45 : i32 to index
      %get3A_234 = arith.constant 128 : index
      %get3A_235 = tpu.vector_load %arg14[%get3A_233, %get3A_234] {strides = array<i32>} : memref<16x1024xf32, #tpu.memory_space<vmem>>, vector<1x16xf32>,
      %get3A_236 = vector.shape_cast %get3A_235 : vector<1x16xf32> to vector<16xf32>
      %add3A_237 = arith.addf %add3A_232, %get3A_236 : vector<16xf32>
      %swap3A_238 = arith.index_cast %scan3A_45 : i32 to index
      %swap3A_239 = arith.constant 128 : index
      %swap3A_240 = tpu.vector_load %arg18[%swap3A_238, %swap3A_239] {strides = array<i32>} : memref<16x1024xf32, #tpu.memory_space<vmem>>, vector<1x16xf32>,
      %swap3A_241 = vector.shape_cast %swap3A_240 : vector<1x16xf32> to vector<16xf32>
      %swap3A_242 = vector.shape_cast %add3A_237 : vector<16xf32> to vector<1x16xf32>
      tpu.vector_store %arg18[%swap3A_238, %swap3A_239], %swap3A_242 {strides = array<i32>} : memref<16x1024xf32, #tpu.memory_space<vmem>>, vector<1x16xf32>,
      %add3A_243 = arith.addf %add3A_221, %add3A_237 : vector<16xf32>
      %mul3A_244 = arith.mulf %add3A_237, %add3A_237 : vector<16xf32>
      %add3A_245 = arith.addf %add3A_223, %mul3A_244 : vector<16xf32>
      %get3A_246 = arith.index_cast %scan3A_45 : i32 to index
      %get3A_247 = arith.constant 144 : index
      %get3A_248 = tpu.vector_load %arg12[%get3A_246, %get3A_247] {strides = array<i32>} : memref<16x1024xf32, #tpu.memory_space<vmem>>, vector<1x16xf32>,
      %get3A_249 = vector.shape_cast %get3A_248 : vector<1x16xf32> to vector<16xf32>
      %get3A_250 = arith.index_cast %scan3A_45 : i32 to index
      %get3A_251 = arith.constant 144 : index
      %get3A_252 = tpu.vector_load %arg13[%get3A_250, %get3A_251] {strides = array<i32>} : memref<16x1024xf32, #tpu.memory_space<vmem>>, vector<1x16xf32>,
      %get3A_253 = vector.shape_cast %get3A_252 : vector<1x16xf32> to vector<16xf32>
      %add3A_254 = arith.addf %get3A_249, %get3A_253 : vector<16xf32>
      %get3A_255 = arith.index_cast %scan3A_45 : i32 to index
      %get3A_256 = arith.constant 144 : index
      %get3A_257 = tpu.vector_load %arg14[%get3A_255, %get3A_256] {strides = array<i32>} : memref<16x1024xf32, #tpu.memory_space<vmem>>, vector<1x16xf32>,
      %get3A_258 = vector.shape_cast %get3A_257 : vector<1x16xf32> to vector<16xf32>
      %add3A_259 = arith.addf %add3A_254, %get3A_258 : vector<16xf32>
      %swap3A_260 = arith.index_cast %scan3A_45 : i32 to index
      %swap3A_261 = arith.constant 144 : index
      %swap3A_262 = tpu.vector_load %arg18[%swap3A_260, %swap3A_261] {strides = array<i32>} : memref<16x1024xf32, #tpu.memory_space<vmem>>, vector<1x16xf32>,
      %swap3A_263 = vector.shape_cast %swap3A_262 : vector<1x16xf32> to vector<16xf32>
      %swap3A_264 = vector.shape_cast %add3A_259 : vector<16xf32> to vector<1x16xf32>
      tpu.vector_store %arg18[%swap3A_260, %swap3A_261], %swap3A_264 {strides = array<i32>} : memref<16x1024xf32, #tpu.memory_space<vmem>>, vector<1x16xf32>,
      %add3A_265 = arith.addf %add3A_243, %add3A_259 : vector<16xf32>
      %mul3A_266 = arith.mulf %add3A_259, %add3A_259 : vector<16xf32>
      %add3A_267 = arith.addf %add3A_245, %mul3A_266 : vector<16xf32>
      %get3A_268 = arith.index_cast %scan3A_45 : i32 to index
      %get3A_269 = arith.constant 160 : index
      %get3A_270 = tpu.vector_load %arg12[%get3A_268, %get3A_269] {strides = array<i32>} : memref<16x1024xf32, #tpu.memory_space<vmem>>, vector<1x16xf32>,
      %get3A_271 = vector.shape_cast %get3A_270 : vector<1x16xf32> to vector<16xf32>
      %get3A_272 = arith.index_cast %scan3A_45 : i32 to index
      %get3A_273 = arith.constant 160 : index
      %get3A_274 = tpu.vector_load %arg13[%get3A_272, %get3A_273] {strides = array<i32>} : memref<16x1024xf32, #tpu.memory_space<vmem>>, vector<1x16xf32>,
      %get3A_275 = vector.shape_cast %get3A_274 : vector<1x16xf32> to vector<16xf32>
      %add3A_276 = arith.addf %get3A_271, %get3A_275 : vector<16xf32>
      %get3A_277 = arith.index_cast %scan3A_45 : i32 to index
      %get3A_278 = arith.constant 160 : index
      %get3A_279 = tpu.vector_load %arg14[%get3A_277, %get3A_278] {strides = array<i32>} : memref<16x1024xf32, #tpu.memory_space<vmem>>, vector<1x16xf32>,
      %get3A_280 = vector.shape_cast %get3A_279 : vector<1x16xf32> to vector<16xf32>
      %add3A_281 = arith.addf %add3A_276, %get3A_280 : vector<16xf32>
      %swap3A_282 = arith.index_cast %scan3A_45 : i32 to index
      %swap3A_283 = arith.constant 160 : index
      %swap3A_284 = tpu.vector_load %arg18[%swap3A_282, %swap3A_283] {strides = array<i32>} : memref<16x1024xf32, #tpu.memory_space<vmem>>, vector<1x16xf32>,
      %swap3A_285 = vector.shape_cast %swap3A_284 : vector<1x16xf32> to vector<16xf32>
      %swap3A_286 = vector.shape_cast %add3A_281 : vector<16xf32> to vector<1x16xf32>
      tpu.vector_store %arg18[%swap3A_282, %swap3A_283], %swap3A_286 {strides = array<i32>} : memref<16x1024xf32, #tpu.memory_space<vmem>>, vector<1x16xf32>,
      %add3A_287 = arith.addf %add3A_265, %add3A_281 : vector<16xf32>
      %mul3A_288 = arith.mulf %add3A_281, %add3A_281 : vector<16xf32>
      %add3A_289 = arith.addf %add3A_267, %mul3A_288 : vector<16xf32>
      %get3A_290 = arith.index_cast %scan3A_45 : i32 to index
      %get3A_291 = arith.constant 176 : index
      %get3A_292 = tpu.vector_load %arg12[%get3A_290, %get3A_291] {strides = array<i32>} : memref<16x1024xf32, #tpu.memory_space<vmem>>, vector<1x16xf32>,
      %get3A_293 = vector.shape_cast %get3A_292 : vector<1x16xf32> to vector<16xf32>
      %get3A_294 = arith.index_cast %scan3A_45 : i32 to index
      %get3A_295 = arith.constant 176 : index
      %get3A_296 = tpu.vector_load %arg13[%get3A_294, %get3A_295] {strides = array<i32>} : memref<16x1024xf32, #tpu.memory_space<vmem>>, vector<1x16xf32>,
      %get3A_297 = vector.shape_cast %get3A_296 : vector<1x16xf32> to vector<16xf32>
      %add3A_298 = arith.addf %get3A_293, %get3A_297 : vector<16xf32>
      %get3A_299 = arith.index_cast %scan3A_45 : i32 to index
      %get3A_300 = arith.constant 176 : index
      %get3A_301 = tpu.vector_load %arg14[%get3A_299, %get3A_300] {strides = array<i32>} : memref<16x1024xf32, #tpu.memory_space<vmem>>, vector<1x16xf32>,
      %get3A_302 = vector.shape_cast %get3A_301 : vector<1x16xf32> to vector<16xf32>
      %add3A_303 = arith.addf %add3A_298, %get3A_302 : vector<16xf32>
      %swap3A_304 = arith.index_cast %scan3A_45 : i32 to index
      %swap3A_305 = arith.constant 176 : index
      %swap3A_306 = tpu.vector_load %arg18[%swap3A_304, %swap3A_305] {strides = array<i32>} : memref<16x1024xf32, #tpu.memory_space<vmem>>, vector<1x16xf32>,
      %swap3A_307 = vector.shape_cast %swap3A_306 : vector<1x16xf32> to vector<16xf32>
      %swap3A_308 = vector.shape_cast %add3A_303 : vector<16xf32> to vector<1x16xf32>
      tpu.vector_store %arg18[%swap3A_304, %swap3A_305], %swap3A_308 {strides = array<i32>} : memref<16x1024xf32, #tpu.memory_space<vmem>>, vector<1x16xf32>,
      %add3A_309 = arith.addf %add3A_287, %add3A_303 : vector<16xf32>
      %mul3A_310 = arith.mulf %add3A_303, %add3A_303 : vector<16xf32>
      %add3A_311 = arith.addf %add3A_289, %mul3A_310 : vector<16xf32>
      %get3A_312 = arith.index_cast %scan3A_45 : i32 to index
      %get3A_313 = arith.constant 192 : index
      %get3A_314 = tpu.vector_load %arg12[%get3A_312, %get3A_313] {strides = array<i32>} : memref<16x1024xf32, #tpu.memory_space<vmem>>, vector<1x16xf32>,
      %get3A_315 = vector.shape_cast %get3A_314 : vector<1x16xf32> to vector<16xf32>
      %get3A_316 = arith.index_cast %scan3A_45 : i32 to index
      %get3A_317 = arith.constant 192 : index
      %get3A_318 = tpu.vector_load %arg13[%get3A_316, %get3A_317] {strides = array<i32>} : memref<16x1024xf32, #tpu.memory_space<vmem>>, vector<1x16xf32>,
      %get3A_319 = vector.shape_cast %get3A_318 : vector<1x16xf32> to vector<16xf32>
      %add3A_320 = arith.addf %get3A_315, %get3A_319 : vector<16xf32>
      %get3A_321 = arith.index_cast %scan3A_45 : i32 to index
      %get3A_322 = arith.constant 192 : index
      %get3A_323 = tpu.vector_load %arg14[%get3A_321, %get3A_322] {strides = array<i32>} : memref<16x1024xf32, #tpu.memory_space<vmem>>, vector<1x16xf32>,
      %get3A_324 = vector.shape_cast %get3A_323 : vector<1x16xf32> to vector<16xf32>
      %add3A_325 = arith.addf %add3A_320, %get3A_324 : vector<16xf32>
      %swap3A_326 = arith.index_cast %scan3A_45 : i32 to index
      %swap3A_327 = arith.constant 192 : index
      %swap3A_328 = tpu.vector_load %arg18[%swap3A_326, %swap3A_327] {strides = array<i32>} : memref<16x1024xf32, #tpu.memory_space<vmem>>, vector<1x16xf32>,
      %swap3A_329 = vector.shape_cast %swap3A_328 : vector<1x16xf32> to vector<16xf32>
      %swap3A_330 = vector.shape_cast %add3A_325 : vector<16xf32> to vector<1x16xf32>
      tpu.vector_store %arg18[%swap3A_326, %swap3A_327], %swap3A_330 {strides = array<i32>} : memref<16x1024xf32, #tpu.memory_space<vmem>>, vector<1x16xf32>,
      %add3A_331 = arith.addf %add3A_309, %add3A_325 : vector<16xf32>
      %mul3A_332 = arith.mulf %add3A_325, %add3A_325 : vector<16xf32>
      %add3A_333 = arith.addf %add3A_311, %mul3A_332 : vector<16xf32>
      %get3A_334 = arith.index_cast %scan3A_45 : i32 to index
      %get3A_335 = arith.constant 208 : index
      %get3A_336 = tpu.vector_load %arg12[%get3A_334, %get3A_335] {strides = array<i32>} : memref<16x1024xf32, #tpu.memory_space<vmem>>, vector<1x16xf32>,
      %get3A_337 = vector.shape_cast %get3A_336 : vector<1x16xf32> to vector<16xf32>
      %get3A_338 = arith.index_cast %scan3A_45 : i32 to index
      %get3A_339 = arith.constant 208 : index
      %get3A_340 = tpu.vector_load %arg13[%get3A_338, %get3A_339] {strides = array<i32>} : memref<16x1024xf32, #tpu.memory_space<vmem>>, vector<1x16xf32>,
      %get3A_341 = vector.shape_cast %get3A_340 : vector<1x16xf32> to vector<16xf32>
      %add3A_342 = arith.addf %get3A_337, %get3A_341 : vector<16xf32>
      %get3A_343 = arith.index_cast %scan3A_45 : i32 to index
      %get3A_344 = arith.constant 208 : index
      %get3A_345 = tpu.vector_load %arg14[%get3A_343, %get3A_344] {strides = array<i32>} : memref<16x1024xf32, #tpu.memory_space<vmem>>, vector<1x16xf32>,
      %get3A_346 = vector.shape_cast %get3A_345 : vector<1x16xf32> to vector<16xf32>
      %add3A_347 = arith.addf %add3A_342, %get3A_346 : vector<16xf32>
      %swap3A_348 = arith.index_cast %scan3A_45 : i32 to index
      %swap3A_349 = arith.constant 208 : index
      %swap3A_350 = tpu.vector_load %arg18[%swap3A_348, %swap3A_349] {strides = array<i32>} : memref<16x1024xf32, #tpu.memory_space<vmem>>, vector<1x16xf32>,
      %swap3A_351 = vector.shape_cast %swap3A_350 : vector<1x16xf32> to vector<16xf32>
      %swap3A_352 = vector.shape_cast %add3A_347 : vector<16xf32> to vector<1x16xf32>
      tpu.vector_store %arg18[%swap3A_348, %swap3A_349], %swap3A_352 {strides = array<i32>} : memref<16x1024xf32, #tpu.memory_space<vmem>>, vector<1x16xf32>,
      %add3A_353 = arith.addf %add3A_331, %add3A_347 : vector<16xf32>
      %mul3A_354 = arith.mulf %add3A_347, %add3A_347 : vector<16xf32>
      %add3A_355 = arith.addf %add3A_333, %mul3A_354 : vector<16xf32>
      %get3A_356 = arith.index_cast %scan3A_45 : i32 to index
      %get3A_357 = arith.constant 224 : index
      %get3A_358 = tpu.vector_load %arg12[%get3A_356, %get3A_357] {strides = array<i32>} : memref<16x1024xf32, #tpu.memory_space<vmem>>, vector<1x16xf32>,
      %get3A_359 = vector.shape_cast %get3A_358 : vector<1x16xf32> to vector<16xf32>
      %get3A_360 = arith.index_cast %scan3A_45 : i32 to index
      %get3A_361 = arith.constant 224 : index
      %get3A_362 = tpu.vector_load %arg13[%get3A_360, %get3A_361] {strides = array<i32>} : memref<16x1024xf32, #tpu.memory_space<vmem>>, vector<1x16xf32>,
      %get3A_363 = vector.shape_cast %get3A_362 : vector<1x16xf32> to vector<16xf32>
      %add3A_364 = arith.addf %get3A_359, %get3A_363 : vector<16xf32>
      %get3A_365 = arith.index_cast %scan3A_45 : i32 to index
      %get3A_366 = arith.constant 224 : index
      %get3A_367 = tpu.vector_load %arg14[%get3A_365, %get3A_366] {strides = array<i32>} : memref<16x1024xf32, #tpu.memory_space<vmem>>, vector<1x16xf32>,
      %get3A_368 = vector.shape_cast %get3A_367 : vector<1x16xf32> to vector<16xf32>
      %add3A_369 = arith.addf %add3A_364, %get3A_368 : vector<16xf32>
      %swap3A_370 = arith.index_cast %scan3A_45 : i32 to index
      %swap3A_371 = arith.constant 224 : index
      %swap3A_372 = tpu.vector_load %arg18[%swap3A_370, %swap3A_371] {strides = array<i32>} : memref<16x1024xf32, #tpu.memory_space<vmem>>, vector<1x16xf32>,
      %swap3A_373 = vector.shape_cast %swap3A_372 : vector<1x16xf32> to vector<16xf32>
      %swap3A_374 = vector.shape_cast %add3A_369 : vector<16xf32> to vector<1x16xf32>
      tpu.vector_store %arg18[%swap3A_370, %swap3A_371], %swap3A_374 {strides = array<i32>} : memref<16x1024xf32, #tpu.memory_space<vmem>>, vector<1x16xf32>,
      %add3A_375 = arith.addf %add3A_353, %add3A_369 : vector<16xf32>
      %mul3A_376 = arith.mulf %add3A_369, %add3A_369 : vector<16xf32>
      %add3A_377 = arith.addf %add3A_355, %mul3A_376 : vector<16xf32>
      %get3A_378 = arith.index_cast %scan3A_45 : i32 to index
      %get3A_379 = arith.constant 240 : index
      %get3A_380 = tpu.vector_load %arg12[%get3A_378, %get3A_379] {strides = array<i32>} : memref<16x1024xf32, #tpu.memory_space<vmem>>, vector<1x16xf32>,
      %get3A_381 = vector.shape_cast %get3A_380 : vector<1x16xf32> to vector<16xf32>
      %get3A_382 = arith.index_cast %scan3A_45 : i32 to index
      %get3A_383 = arith.constant 240 : index
      %get3A_384 = tpu.vector_load %arg13[%get3A_382, %get3A_383] {strides = array<i32>} : memref<16x1024xf32, #tpu.memory_space<vmem>>, vector<1x16xf32>,
      %get3A_385 = vector.shape_cast %get3A_384 : vector<1x16xf32> to vector<16xf32>
      %add3A_386 = arith.addf %get3A_381, %get3A_385 : vector<16xf32>
      %get3A_387 = arith.index_cast %scan3A_45 : i32 to index
      %get3A_388 = arith.constant 240 : index
      %get3A_389 = tpu.vector_load %arg14[%get3A_387, %get3A_388] {strides = array<i32>} : memref<16x1024xf32, #tpu.memory_space<vmem>>, vector<1x16xf32>,
      %get3A_390 = vector.shape_cast %get3A_389 : vector<1x16xf32> to vector<16xf32>
      %add3A_391 = arith.addf %add3A_386, %get3A_390 : vector<16xf32>
      %swap3A_392 = arith.index_cast %scan3A_45 : i32 to index
      %swap3A_393 = arith.constant 240 : index
      %swap3A_394 = tpu.vector_load %arg18[%swap3A_392, %swap3A_393] {strides = array<i32>} : memref<16x1024xf32, #tpu.memory_space<vmem>>, vector<1x16xf32>,
      %swap3A_395 = vector.shape_cast %swap3A_394 : vector<1x16xf32> to vector<16xf32>
      %swap3A_396 = vector.shape_cast %add3A_391 : vector<16xf32> to vector<1x16xf32>
      tpu.vector_store %arg18[%swap3A_392, %swap3A_393], %swap3A_396 {strides = array<i32>} : memref<16x1024xf32, #tpu.memory_space<vmem>>, vector<1x16xf32>,
      %add3A_397 = arith.addf %add3A_375, %add3A_391 : vector<16xf32>
      %mul3A_398 = arith.mulf %add3A_391, %add3A_391 : vector<16xf32>
      %add3A_399 = arith.addf %add3A_377, %mul3A_398 : vector<16xf32>
      %get3A_400 = arith.index_cast %scan3A_45 : i32 to index
      %get3A_401 = arith.constant 256 : index
      %get3A_402 = tpu.vector_load %arg12[%get3A_400, %get3A_401] {strides = array<i32>} : memref<16x1024xf32, #tpu.memory_space<vmem>>, vector<1x16xf32>,
      %get3A_403 = vector.shape_cast %get3A_402 : vector<1x16xf32> to vector<16xf32>
      %get3A_404 = arith.index_cast %scan3A_45 : i32 to index
      %get3A_405 = arith.constant 256 : index
      %get3A_406 = tpu.vector_load %arg13[%get3A_404, %get3A_405] {strides = array<i32>} : memref<16x1024xf32, #tpu.memory_space<vmem>>, vector<1x16xf32>,
      %get3A_407 = vector.shape_cast %get3A_406 : vector<1x16xf32> to vector<16xf32>
      %add3A_408 = arith.addf %get3A_403, %get3A_407 : vector<16xf32>
      %get3A_409 = arith.index_cast %scan3A_45 : i32 to index
      %get3A_410 = arith.constant 256 : index
      %get3A_411 = tpu.vector_load %arg14[%get3A_409, %get3A_410] {strides = array<i32>} : memref<16x1024xf32, #tpu.memory_space<vmem>>, vector<1x16xf32>,
      %get3A_412 = vector.shape_cast %get3A_411 : vector<1x16xf32> to vector<16xf32>
      %add3A_413 = arith.addf %add3A_408, %get3A_412 : vector<16xf32>
      %swap3A_414 = arith.index_cast %scan3A_45 : i32 to index
      %swap3A_415 = arith.constant 256 : index
      %swap3A_416 = tpu.vector_load %arg18[%swap3A_414, %swap3A_415] {strides = array<i32>} : memref<16x1024xf32, #tpu.memory_space<vmem>>, vector<1x16xf32>,
      %swap3A_417 = vector.shape_cast %swap3A_416 : vector<1x16xf32> to vector<16xf32>
      %swap3A_418 = vector.shape_cast %add3A_413 : vector<16xf32> to vector<1x16xf32>
      tpu.vector_store %arg18[%swap3A_414, %swap3A_415], %swap3A_418 {strides = array<i32>} : memref<16x1024xf32, #tpu.memory_space<vmem>>, vector<1x16xf32>,
      %add3A_419 = arith.addf %add3A_397, %add3A_413 : vector<16xf32>
      %mul3A_420 = arith.mulf %add3A_413, %add3A_413 : vector<16xf32>
      %add3A_421 = arith.addf %add3A_399, %mul3A_420 : vector<16xf32>
      %get3A_422 = arith.index_cast %scan3A_45 : i32 to index
      %get3A_423 = arith.constant 272 : index
      %get3A_424 = tpu.vector_load %arg12[%get3A_422, %get3A_423] {strides = array<i32>} : memref<16x1024xf32, #tpu.memory_space<vmem>>, vector<1x16xf32>,
      %get3A_425 = vector.shape_cast %get3A_424 : vector<1x16xf32> to vector<16xf32>
      %get3A_426 = arith.index_cast %scan3A_45 : i32 to index
      %get3A_427 = arith.constant 272 : index
      %get3A_428 = tpu.vector_load %arg13[%get3A_426, %get3A_427] {strides = array<i32>} : memref<16x1024xf32, #tpu.memory_space<vmem>>, vector<1x16xf32>,
      %get3A_429 = vector.shape_cast %get3A_428 : vector<1x16xf32> to vector<16xf32>
      %add3A_430 = arith.addf %get3A_425, %get3A_429 : vector<16xf32>
      %get3A_431 = arith.index_cast %scan3A_45 : i32 to index
      %get3A_432 = arith.constant 272 : index
      %get3A_433 = tpu.vector_load %arg14[%get3A_431, %get3A_432] {strides = array<i32>} : memref<16x1024xf32, #tpu.memory_space<vmem>>, vector<1x16xf32>,
      %get3A_434 = vector.shape_cast %get3A_433 : vector<1x16xf32> to vector<16xf32>
      %add3A_435 = arith.addf %add3A_430, %get3A_434 : vector<16xf32>
      %swap3A_436 = arith.index_cast %scan3A_45 : i32 to index
      %swap3A_437 = arith.constant 272 : index
      %swap3A_438 = tpu.vector_load %arg18[%swap3A_436, %swap3A_437] {strides = array<i32>} : memref<16x1024xf32, #tpu.memory_space<vmem>>, vector<1x16xf32>,
      %swap3A_439 = vector.shape_cast %swap3A_438 : vector<1x16xf32> to vector<16xf32>
      %swap3A_440 = vector.shape_cast %add3A_435 : vector<16xf32> to vector<1x16xf32>
      tpu.vector_store %arg18[%swap3A_436, %swap3A_437], %swap3A_440 {strides = array<i32>} : memref<16x1024xf32, #tpu.memory_space<vmem>>, vector<1x16xf32>,
      %add3A_441 = arith.addf %add3A_419, %add3A_435 : vector<16xf32>
      %mul3A_442 = arith.mulf %add3A_435, %add3A_435 : vector<16xf32>
      %add3A_443 = arith.addf %add3A_421, %mul3A_442 : vector<16xf32>
      %get3A_444 = arith.index_cast %scan3A_45 : i32 to index
      %get3A_445 = arith.constant 288 : index
      %get3A_446 = tpu.vector_load %arg12[%get3A_444, %get3A_445] {strides = array<i32>} : memref<16x1024xf32, #tpu.memory_space<vmem>>, vector<1x16xf32>,
      %get3A_447 = vector.shape_cast %get3A_446 : vector<1x16xf32> to vector<16xf32>
      %get3A_448 = arith.index_cast %scan3A_45 : i32 to index
      %get3A_449 = arith.constant 288 : index
      %get3A_450 = tpu.vector_load %arg13[%get3A_448, %get3A_449] {strides = array<i32>} : memref<16x1024xf32, #tpu.memory_space<vmem>>, vector<1x16xf32>,
      %get3A_451 = vector.shape_cast %get3A_450 : vector<1x16xf32> to vector<16xf32>
      %add3A_452 = arith.addf %get3A_447, %get3A_451 : vector<16xf32>
      %get3A_453 = arith.index_cast %scan3A_45 : i32 to index
      %get3A_454 = arith.constant 288 : index
      %get3A_455 = tpu.vector_load %arg14[%get3A_453, %get3A_454] {strides = array<i32>} : memref<16x1024xf32, #tpu.memory_space<vmem>>, vector<1x16xf32>,
      %get3A_456 = vector.shape_cast %get3A_455 : vector<1x16xf32> to vector<16xf32>
      %add3A_457 = arith.addf %add3A_452, %get3A_456 : vector<16xf32>
      %swap3A_458 = arith.index_cast %scan3A_45 : i32 to index
      %swap3A_459 = arith.constant 288 : index
      %swap3A_460 = tpu.vector_load %arg18[%swap3A_458, %swap3A_459] {strides = array<i32>} : memref<16x1024xf32, #tpu.memory_space<vmem>>, vector<1x16xf32>,
      %swap3A_461 = vector.shape_cast %swap3A_460 : vector<1x16xf32> to vector<16xf32>
      %swap3A_462 = vector.shape_cast %add3A_457 : vector<16xf32> to vector<1x16xf32>
      tpu.vector_store %arg18[%swap3A_458, %swap3A_459], %swap3A_462 {strides = array<i32>} : memref<16x1024xf32, #tpu.memory_space<vmem>>, vector<1x16xf32>,
      %add3A_463 = arith.addf %add3A_441, %add3A_457 : vector<16xf32>
      %mul3A_464 = arith.mulf %add3A_457, %add3A_457 : vector<16xf32>
      %add3A_465 = arith.addf %add3A_443, %mul3A_464 : vector<16xf32>
      %get3A_466 = arith.index_cast %scan3A_45 : i32 to index
      %get3A_467 = arith.constant 304 : index
      %get3A_468 = tpu.vector_load %arg12[%get3A_466, %get3A_467] {strides = array<i32>} : memref<16x1024xf32, #tpu.memory_space<vmem>>, vector<1x16xf32>,
      %get3A_469 = vector.shape_cast %get3A_468 : vector<1x16xf32> to vector<16xf32>
      %get3A_470 = arith.index_cast %scan3A_45 : i32 to index
      %get3A_471 = arith.constant 304 : index
      %get3A_472 = tpu.vector_load %arg13[%get3A_470, %get3A_471] {strides = array<i32>} : memref<16x1024xf32, #tpu.memory_space<vmem>>, vector<1x16xf32>,
      %get3A_473 = vector.shape_cast %get3A_472 : vector<1x16xf32> to vector<16xf32>
      %add3A_474 = arith.addf %get3A_469, %get3A_473 : vector<16xf32>
      %get3A_475 = arith.index_cast %scan3A_45 : i32 to index
      %get3A_476 = arith.constant 304 : index
      %get3A_477 = tpu.vector_load %arg14[%get3A_475, %get3A_476] {strides = array<i32>} : memref<16x1024xf32, #tpu.memory_space<vmem>>, vector<1x16xf32>,
      %get3A_478 = vector.shape_cast %get3A_477 : vector<1x16xf32> to vector<16xf32>
      %add3A_479 = arith.addf %add3A_474, %get3A_478 : vector<16xf32>
      %swap3A_480 = arith.index_cast %scan3A_45 : i32 to index
      %swap3A_481 = arith.constant 304 : index
      %swap3A_482 = tpu.vector_load %arg18[%swap3A_480, %swap3A_481] {strides = array<i32>} : memref<16x1024xf32, #tpu.memory_space<vmem>>, vector<1x16xf32>,
      %swap3A_483 = vector.shape_cast %swap3A_482 : vector<1x16xf32> to vector<16xf32>
      %swap3A_484 = vector.shape_cast %add3A_479 : vector<16xf32> to vector<1x16xf32>
      tpu.vector_store %arg18[%swap3A_480, %swap3A_481], %swap3A_484 {strides = array<i32>} : memref<16x1024xf32, #tpu.memory_space<vmem>>, vector<1x16xf32>,
      %add3A_485 = arith.addf %add3A_463, %add3A_479 : vector<16xf32>
      %mul3A_486 = arith.mulf %add3A_479, %add3A_479 : vector<16xf32>
      %add3A_487 = arith.addf %add3A_465, %mul3A_486 : vector<16xf32>
      %get3A_488 = arith.index_cast %scan3A_45 : i32 to index
      %get3A_489 = arith.constant 320 : index
      %get3A_490 = tpu.vector_load %arg12[%get3A_488, %get3A_489] {strides = array<i32>} : memref<16x1024xf32, #tpu.memory_space<vmem>>, vector<1x16xf32>,
      %get3A_491 = vector.shape_cast %get3A_490 : vector<1x16xf32> to vector<16xf32>
      %get3A_492 = arith.index_cast %scan3A_45 : i32 to index
      %get3A_493 = arith.constant 320 : index
      %get3A_494 = tpu.vector_load %arg13[%get3A_492, %get3A_493] {strides = array<i32>} : memref<16x1024xf32, #tpu.memory_space<vmem>>, vector<1x16xf32>,
      %get3A_495 = vector.shape_cast %get3A_494 : vector<1x16xf32> to vector<16xf32>
      %add3A_496 = arith.addf %get3A_491, %get3A_495 : vector<16xf32>
      %get3A_497 = arith.index_cast %scan3A_45 : i32 to index
      %get3A_498 = arith.constant 320 : index
      %get3A_499 = tpu.vector_load %arg14[%get3A_497, %get3A_498] {strides = array<i32>} : memref<16x1024xf32, #tpu.memory_space<vmem>>, vector<1x16xf32>,
      %get3A_500 = vector.shape_cast %get3A_499 : vector<1x16xf32> to vector<16xf32>
      %add3A_501 = arith.addf %add3A_496, %get3A_500 : vector<16xf32>
      %swap3A_502 = arith.index_cast %scan3A_45 : i32 to index
      %swap3A_503 = arith.constant 320 : index
      %swap3A_504 = tpu.vector_load %arg18[%swap3A_502, %swap3A_503] {strides = array<i32>} : memref<16x1024xf32, #tpu.memory_space<vmem>>, vector<1x16xf32>,
      %swap3A_505 = vector.shape_cast %swap3A_504 : vector<1x16xf32> to vector<16xf32>
      %swap3A_506 = vector.shape_cast %add3A_501 : vector<16xf32> to vector<1x16xf32>
      tpu.vector_store %arg18[%swap3A_502, %swap3A_503], %swap3A_506 {strides = array<i32>} : memref<16x1024xf32, #tpu.memory_space<vmem>>, vector<1x16xf32>,
      %add3A_507 = arith.addf %add3A_485, %add3A_501 : vector<16xf32>
      %mul3A_508 = arith.mulf %add3A_501, %add3A_501 : vector<16xf32>
      %add3A_509 = arith.addf %add3A_487, %mul3A_508 : vector<16xf32>
      %get3A_510 = arith.index_cast %scan3A_45 : i32 to index
      %get3A_511 = arith.constant 336 : index
      %get3A_512 = tpu.vector_load %arg12[%get3A_510, %get3A_511] {strides = array<i32>} : memref<16x1024xf32, #tpu.memory_space<vmem>>, vector<1x16xf32>,
      %get3A_513 = vector.shape_cast %get3A_512 : vector<1x16xf32> to vector<16xf32>
      %get3A_514 = arith.index_cast %scan3A_45 : i32 to index
      %get3A_515 = arith.constant 336 : index
      %get3A_516 = tpu.vector_load %arg13[%get3A_514, %get3A_515] {strides = array<i32>} : memref<16x1024xf32, #tpu.memory_space<vmem>>, vector<1x16xf32>,
      %get3A_517 = vector.shape_cast %get3A_516 : vector<1x16xf32> to vector<16xf32>
      %add3A_518 = arith.addf %get3A_513, %get3A_517 : vector<16xf32>
      %get3A_519 = arith.index_cast %scan3A_45 : i32 to index
      %get3A_520 = arith.constant 336 : index
      %get3A_521 = tpu.vector_load %arg14[%get3A_519, %get3A_520] {strides = array<i32>} : memref<16x1024xf32, #tpu.memory_space<vmem>>, vector<1x16xf32>,
      %get3A_522 = vector.shape_cast %get3A_521 : vector<1x16xf32> to vector<16xf32>
      %add3A_523 = arith.addf %add3A_518, %get3A_522 : vector<16xf32>
      %swap3A_524 = arith.index_cast %scan3A_45 : i32 to index
      %swap3A_525 = arith.constant 336 : index
      %swap3A_526 = tpu.vector_load %arg18[%swap3A_524, %swap3A_525] {strides = array<i32>} : memref<16x1024xf32, #tpu.memory_space<vmem>>, vector<1x16xf32>,
      %swap3A_527 = vector.shape_cast %swap3A_526 : vector<1x16xf32> to vector<16xf32>
      %swap3A_528 = vector.shape_cast %add3A_523 : vector<16xf32> to vector<1x16xf32>
      tpu.vector_store %arg18[%swap3A_524, %swap3A_525], %swap3A_528 {strides = array<i32>} : memref<16x1024xf32, #tpu.memory_space<vmem>>, vector<1x16xf32>,
      %add3A_529 = arith.addf %add3A_507, %add3A_523 : vector<16xf32>
      %mul3A_530 = arith.mulf %add3A_523, %add3A_523 : vector<16xf32>
      %add3A_531 = arith.addf %add3A_509, %mul3A_530 : vector<16xf32>
      %get3A_532 = arith.index_cast %scan3A_45 : i32 to index
      %get3A_533 = arith.constant 352 : index
      %get3A_534 = tpu.vector_load %arg12[%get3A_532, %get3A_533] {strides = array<i32>} : memref<16x1024xf32, #tpu.memory_space<vmem>>, vector<1x16xf32>,
      %get3A_535 = vector.shape_cast %get3A_534 : vector<1x16xf32> to vector<16xf32>
      %get3A_536 = arith.index_cast %scan3A_45 : i32 to index
      %get3A_537 = arith.constant 352 : index
      %get3A_538 = tpu.vector_load %arg13[%get3A_536, %get3A_537] {strides = array<i32>} : memref<16x1024xf32, #tpu.memory_space<vmem>>, vector<1x16xf32>,
      %get3A_539 = vector.shape_cast %get3A_538 : vector<1x16xf32> to vector<16xf32>
      %add3A_540 = arith.addf %get3A_535, %get3A_539 : vector<16xf32>
      %get3A_541 = arith.index_cast %scan3A_45 : i32 to index
      %get3A_542 = arith.constant 352 : index
      %get3A_543 = tpu.vector_load %arg14[%get3A_541, %get3A_542] {strides = array<i32>} : memref<16x1024xf32, #tpu.memory_space<vmem>>, vector<1x16xf32>,
      %get3A_544 = vector.shape_cast %get3A_543 : vector<1x16xf32> to vector<16xf32>
      %add3A_545 = arith.addf %add3A_540, %get3A_544 : vector<16xf32>
      %swap3A_546 = arith.index_cast %scan3A_45 : i32 to index
      %swap3A_547 = arith.constant 352 : index
      %swap3A_548 = tpu.vector_load %arg18[%swap3A_546, %swap3A_547] {strides = array<i32>} : memref<16x1024xf32, #tpu.memory_space<vmem>>, vector<1x16xf32>,
      %swap3A_549 = vector.shape_cast %swap3A_548 : vector<1x16xf32> to vector<16xf32>
      %swap3A_550 = vector.shape_cast %add3A_545 : vector<16xf32> to vector<1x16xf32>
      tpu.vector_store %arg18[%swap3A_546, %swap3A_547], %swap3A_550 {strides = array<i32>} : memref<16x1024xf32, #tpu.memory_space<vmem>>, vector<1x16xf32>,
      %add3A_551 = arith.addf %add3A_529, %add3A_545 : vector<16xf32>
      %mul3A_552 = arith.mulf %add3A_545, %add3A_545 : vector<16xf32>
      %add3A_553 = arith.addf %add3A_531, %mul3A_552 : vector<16xf32>
      %get3A_554 = arith.index_cast %scan3A_45 : i32 to index
      %get3A_555 = arith.constant 368 : index
      %get3A_556 = tpu.vector_load %arg12[%get3A_554, %get3A_555] {strides = array<i32>} : memref<16x1024xf32, #tpu.memory_space<vmem>>, vector<1x16xf32>,
      %get3A_557 = vector.shape_cast %get3A_556 : vector<1x16xf32> to vector<16xf32>
      %get3A_558 = arith.index_cast %scan3A_45 : i32 to index
      %get3A_559 = arith.constant 368 : index
      %get3A_560 = tpu.vector_load %arg13[%get3A_558, %get3A_559] {strides = array<i32>} : memref<16x1024xf32, #tpu.memory_space<vmem>>, vector<1x16xf32>,
      %get3A_561 = vector.shape_cast %get3A_560 : vector<1x16xf32> to vector<16xf32>
      %add3A_562 = arith.addf %get3A_557, %get3A_561 : vector<16xf32>
      %get3A_563 = arith.index_cast %scan3A_45 : i32 to index
      %get3A_564 = arith.constant 368 : index
      %get3A_565 = tpu.vector_load %arg14[%get3A_563, %get3A_564] {strides = array<i32>} : memref<16x1024xf32, #tpu.memory_space<vmem>>, vector<1x16xf32>,
      %get3A_566 = vector.shape_cast %get3A_565 : vector<1x16xf32> to vector<16xf32>
      %add3A_567 = arith.addf %add3A_562, %get3A_566 : vector<16xf32>
      %swap3A_568 = arith.index_cast %scan3A_45 : i32 to index
      %swap3A_569 = arith.constant 368 : index
      %swap3A_570 = tpu.vector_load %arg18[%swap3A_568, %swap3A_569] {strides = array<i32>} : memref<16x1024xf32, #tpu.memory_space<vmem>>, vector<1x16xf32>,
      %swap3A_571 = vector.shape_cast %swap3A_570 : vector<1x16xf32> to vector<16xf32>
      %swap3A_572 = vector.shape_cast %add3A_567 : vector<16xf32> to vector<1x16xf32>
      tpu.vector_store %arg18[%swap3A_568, %swap3A_569], %swap3A_572 {strides = array<i32>} : memref<16x1024xf32, #tpu.memory_space<vmem>>, vector<1x16xf32>,
      %add3A_573 = arith.addf %add3A_551, %add3A_567 : vector<16xf32>
      %mul3A_574 = arith.mulf %add3A_567, %add3A_567 : vector<16xf32>
      %add3A_575 = arith.addf %add3A_553, %mul3A_574 : vector<16xf32>
      %get3A_576 = arith.index_cast %scan3A_45 : i32 to index
      %get3A_577 = arith.constant 384 : index
      %get3A_578 = tpu.vector_load %arg12[%get3A_576, %get3A_577] {strides = array<i32>} : memref<16x1024xf32, #tpu.memory_space<vmem>>, vector<1x16xf32>,
      %get3A_579 = vector.shape_cast %get3A_578 : vector<1x16xf32> to vector<16xf32>
      %get3A_580 = arith.index_cast %scan3A_45 : i32 to index
      %get3A_581 = arith.constant 384 : index
      %get3A_582 = tpu.vector_load %arg13[%get3A_580, %get3A_581] {strides = array<i32>} : memref<16x1024xf32, #tpu.memory_space<vmem>>, vector<1x16xf32>,
      %get3A_583 = vector.shape_cast %get3A_582 : vector<1x16xf32> to vector<16xf32>
      %add3A_584 = arith.addf %get3A_579, %get3A_583 : vector<16xf32>
      %get3A_585 = arith.index_cast %scan3A_45 : i32 to index
      %get3A_586 = arith.constant 384 : index
      %get3A_587 = tpu.vector_load %arg14[%get3A_585, %get3A_586] {strides = array<i32>} : memref<16x1024xf32, #tpu.memory_space<vmem>>, vector<1x16xf32>,
      %get3A_588 = vector.shape_cast %get3A_587 : vector<1x16xf32> to vector<16xf32>
      %add3A_589 = arith.addf %add3A_584, %get3A_588 : vector<16xf32>
      %swap3A_590 = arith.index_cast %scan3A_45 : i32 to index
      %swap3A_591 = arith.constant 384 : index
      %swap3A_592 = tpu.vector_load %arg18[%swap3A_590, %swap3A_591] {strides = array<i32>} : memref<16x1024xf32, #tpu.memory_space<vmem>>, vector<1x16xf32>,
      %swap3A_593 = vector.shape_cast %swap3A_592 : vector<1x16xf32> to vector<16xf32>
      %swap3A_594 = vector.shape_cast %add3A_589 : vector<16xf32> to vector<1x16xf32>
      tpu.vector_store %arg18[%swap3A_590, %swap3A_591], %swap3A_594 {strides = array<i32>} : memref<16x1024xf32, #tpu.memory_space<vmem>>, vector<1x16xf32>,
      %add3A_595 = arith.addf %add3A_573, %add3A_589 : vector<16xf32>
      %mul3A_596 = arith.mulf %add3A_589, %add3A_589 : vector<16xf32>
      %add3A_597 = arith.addf %add3A_575, %mul3A_596 : vector<16xf32>
      %get3A_598 = arith.index_cast %scan3A_45 : i32 to index
      %get3A_599 = arith.constant 400 : index
      %get3A_600 = tpu.vector_load %arg12[%get3A_598, %get3A_599] {strides = array<i32>} : memref<16x1024xf32, #tpu.memory_space<vmem>>, vector<1x16xf32>,
      %get3A_601 = vector.shape_cast %get3A_600 : vector<1x16xf32> to vector<16xf32>
      %get3A_602 = arith.index_cast %scan3A_45 : i32 to index
      %get3A_603 = arith.constant 400 : index
      %get3A_604 = tpu.vector_load %arg13[%get3A_602, %get3A_603] {strides = array<i32>} : memref<16x1024xf32, #tpu.memory_space<vmem>>, vector<1x16xf32>,
      %get3A_605 = vector.shape_cast %get3A_604 : vector<1x16xf32> to vector<16xf32>
      %add3A_606 = arith.addf %get3A_601, %get3A_605 : vector<16xf32>
      %get3A_607 = arith.index_cast %scan3A_45 : i32 to index
      %get3A_608 = arith.constant 400 : index
      %get3A_609 = tpu.vector_load %arg14[%get3A_607, %get3A_608] {strides = array<i32>} : memref<16x1024xf32, #tpu.memory_space<vmem>>, vector<1x16xf32>,
      %get3A_610 = vector.shape_cast %get3A_609 : vector<1x16xf32> to vector<16xf32>
      %add3A_611 = arith.addf %add3A_606, %get3A_610 : vector<16xf32>
      %swap3A_612 = arith.index_cast %scan3A_45 : i32 to index
      %swap3A_613 = arith.constant 400 : index
      %swap3A_614 = tpu.vector_load %arg18[%swap3A_612, %swap3A_613] {strides = array<i32>} : memref<16x1024xf32, #tpu.memory_space<vmem>>, vector<1x16xf32>,
      %swap3A_615 = vector.shape_cast %swap3A_614 : vector<1x16xf32> to vector<16xf32>
      %swap3A_616 = vector.shape_cast %add3A_611 : vector<16xf32> to vector<1x16xf32>
      tpu.vector_store %arg18[%swap3A_612, %swap3A_613], %swap3A_616 {strides = array<i32>} : memref<16x1024xf32, #tpu.memory_space<vmem>>, vector<1x16xf32>,
      %add3A_617 = arith.addf %add3A_595, %add3A_611 : vector<16xf32>
      %mul3A_618 = arith.mulf %add3A_611, %add3A_611 : vector<16xf32>
      %add3A_619 = arith.addf %add3A_597, %mul3A_618 : vector<16xf32>
      %get3A_620 = arith.index_cast %scan3A_45 : i32 to index
      %get3A_621 = arith.constant 416 : index
      %get3A_622 = tpu.vector_load %arg12[%get3A_620, %get3A_621] {strides = array<i32>} : memref<16x1024xf32, #tpu.memory_space<vmem>>, vector<1x16xf32>,
      %get3A_623 = vector.shape_cast %get3A_622 : vector<1x16xf32> to vector<16xf32>
      %get3A_624 = arith.index_cast %scan3A_45 : i32 to index
      %get3A_625 = arith.constant 416 : index
      %get3A_626 = tpu.vector_load %arg13[%get3A_624, %get3A_625] {strides = array<i32>} : memref<16x1024xf32, #tpu.memory_space<vmem>>, vector<1x16xf32>,
      %get3A_627 = vector.shape_cast %get3A_626 : vector<1x16xf32> to vector<16xf32>
      %add3A_628 = arith.addf %get3A_623, %get3A_627 : vector<16xf32>
      %get3A_629 = arith.index_cast %scan3A_45 : i32 to index
      %get3A_630 = arith.constant 416 : index
      %get3A_631 = tpu.vector_load %arg14[%get3A_629, %get3A_630] {strides = array<i32>} : memref<16x1024xf32, #tpu.memory_space<vmem>>, vector<1x16xf32>,
      %get3A_632 = vector.shape_cast %get3A_631 : vector<1x16xf32> to vector<16xf32>
      %add3A_633 = arith.addf %add3A_628, %get3A_632 : vector<16xf32>
      %swap3A_634 = arith.index_cast %scan3A_45 : i32 to index
      %swap3A_635 = arith.constant 416 : index
      %swap3A_636 = tpu.vector_load %arg18[%swap3A_634, %swap3A_635] {strides = array<i32>} : memref<16x1024xf32, #tpu.memory_space<vmem>>, vector<1x16xf32>,
      %swap3A_637 = vector.shape_cast %swap3A_636 : vector<1x16xf32> to vector<16xf32>
      %swap3A_638 = vector.shape_cast %add3A_633 : vector<16xf32> to vector<1x16xf32>
      tpu.vector_store %arg18[%swap3A_634, %swap3A_635], %swap3A_638 {strides = array<i32>} : memref<16x1024xf32, #tpu.memory_space<vmem>>, vector<1x16xf32>,
      %add3A_639 = arith.addf %add3A_617, %add3A_633 : vector<16xf32>
      %mul3A_640 = arith.mulf %add3A_633, %add3A_633 : vector<16xf32>
      %add3A_641 = arith.addf %add3A_619, %mul3A_640 : vector<16xf32>
      %get3A_642 = arith.index_cast %scan3A_45 : i32 to index
      %get3A_643 = arith.constant 432 : index
      %get3A_644 = tpu.vector_load %arg12[%get3A_642, %get3A_643] {strides = array<i32>} : memref<16x1024xf32, #tpu.memory_space<vmem>>, vector<1x16xf32>,
      %get3A_645 = vector.shape_cast %get3A_644 : vector<1x16xf32> to vector<16xf32>
      %get3A_646 = arith.index_cast %scan3A_45 : i32 to index
      %get3A_647 = arith.constant 432 : index
      %get3A_648 = tpu.vector_load %arg13[%get3A_646, %get3A_647] {strides = array<i32>} : memref<16x1024xf32, #tpu.memory_space<vmem>>, vector<1x16xf32>,
      %get3A_649 = vector.shape_cast %get3A_648 : vector<1x16xf32> to vector<16xf32>
      %add3A_650 = arith.addf %get3A_645, %get3A_649 : vector<16xf32>
      %get3A_651 = arith.index_cast %scan3A_45 : i32 to index
      %get3A_652 = arith.constant 432 : index
      %get3A_653 = tpu.vector_load %arg14[%get3A_651, %get3A_652] {strides = array<i32>} : memref<16x1024xf32, #tpu.memory_space<vmem>>, vector<1x16xf32>,
      %get3A_654 = vector.shape_cast %get3A_653 : vector<1x16xf32> to vector<16xf32>
      %add3A_655 = arith.addf %add3A_650, %get3A_654 : vector<16xf32>
      %swap3A_656 = arith.index_cast %scan3A_45 : i32 to index
      %swap3A_657 = arith.constant 432 : index
      %swap3A_658 = tpu.vector_load %arg18[%swap3A_656, %swap3A_657] {strides = array<i32>} : memref<16x1024xf32, #tpu.memory_space<vmem>>, vector<1x16xf32>,
      %swap3A_659 = vector.shape_cast %swap3A_658 : vector<1x16xf32> to vector<16xf32>
      %swap3A_660 = vector.shape_cast %add3A_655 : vector<16xf32> to vector<1x16xf32>
      tpu.vector_store %arg18[%swap3A_656, %swap3A_657], %swap3A_660 {strides = array<i32>} : memref<16x1024xf32, #tpu.memory_space<vmem>>, vector<1x16xf32>,
      %add3A_661 = arith.addf %add3A_639, %add3A_655 : vector<16xf32>
      %mul3A_662 = arith.mulf %add3A_655, %add3A_655 : vector<16xf32>
      %add3A_663 = arith.addf %add3A_641, %mul3A_662 : vector<16xf32>
      %get3A_664 = arith.index_cast %scan3A_45 : i32 to index
      %get3A_665 = arith.constant 448 : index
      %get3A_666 = tpu.vector_load %arg12[%get3A_664, %get3A_665] {strides = array<i32>} : memref<16x1024xf32, #tpu.memory_space<vmem>>, vector<1x16xf32>,
      %get3A_667 = vector.shape_cast %get3A_666 : vector<1x16xf32> to vector<16xf32>
      %get3A_668 = arith.index_cast %scan3A_45 : i32 to index
      %get3A_669 = arith.constant 448 : index
      %get3A_670 = tpu.vector_load %arg13[%get3A_668, %get3A_669] {strides = array<i32>} : memref<16x1024xf32, #tpu.memory_space<vmem>>, vector<1x16xf32>,
      %get3A_671 = vector.shape_cast %get3A_670 : vector<1x16xf32> to vector<16xf32>
      %add3A_672 = arith.addf %get3A_667, %get3A_671 : vector<16xf32>
      %get3A_673 = arith.index_cast %scan3A_45 : i32 to index
      %get3A_674 = arith.constant 448 : index
      %get3A_675 = tpu.vector_load %arg14[%get3A_673, %get3A_674] {strides = array<i32>} : memref<16x1024xf32, #tpu.memory_space<vmem>>, vector<1x16xf32>,
      %get3A_676 = vector.shape_cast %get3A_675 : vector<1x16xf32> to vector<16xf32>
      %add3A_677 = arith.addf %add3A_672, %get3A_676 : vector<16xf32>
      %swap3A_678 = arith.index_cast %scan3A_45 : i32 to index
      %swap3A_679 = arith.constant 448 : index
      %swap3A_680 = tpu.vector_load %arg18[%swap3A_678, %swap3A_679] {strides = array<i32>} : memref<16x1024xf32, #tpu.memory_space<vmem>>, vector<1x16xf32>,
      %swap3A_681 = vector.shape_cast %swap3A_680 : vector<1x16xf32> to vector<16xf32>
      %swap3A_682 = vector.shape_cast %add3A_677 : vector<16xf32> to vector<1x16xf32>
      tpu.vector_store %arg18[%swap3A_678, %swap3A_679], %swap3A_682 {strides = array<i32>} : memref<16x1024xf32, #tpu.memory_space<vmem>>, vector<1x16xf32>,
      %add3A_683 = arith.addf %add3A_661, %add3A_677 : vector<16xf32>
      %mul3A_684 = arith.mulf %add3A_677, %add3A_677 : vector<16xf32>
      %add3A_685 = arith.addf %add3A_663, %mul3A_684 : vector<16xf32>
      %get3A_686 = arith.index_cast %scan3A_45 : i32 to index
      %get3A_687 = arith.constant 464 : index
      %get3A_688 = tpu.vector_load %arg12[%get3A_686, %get3A_687] {strides = array<i32>} : memref<16x1024xf32, #tpu.memory_space<vmem>>, vector<1x16xf32>,
      %get3A_689 = vector.shape_cast %get3A_688 : vector<1x16xf32> to vector<16xf32>
      %get3A_690 = arith.index_cast %scan3A_45 : i32 to index
      %get3A_691 = arith.constant 464 : index
      %get3A_692 = tpu.vector_load %arg13[%get3A_690, %get3A_691] {strides = array<i32>} : memref<16x1024xf32, #tpu.memory_space<vmem>>, vector<1x16xf32>,
      %get3A_693 = vector.shape_cast %get3A_692 : vector<1x16xf32> to vector<16xf32>
      %add3A_694 = arith.addf %get3A_689, %get3A_693 : vector<16xf32>
      %get3A_695 = arith.index_cast %scan3A_45 : i32 to index
      %get3A_696 = arith.constant 464 : index
      %get3A_697 = tpu.vector_load %arg14[%get3A_695, %get3A_696] {strides = array<i32>} : memref<16x1024xf32, #tpu.memory_space<vmem>>, vector<1x16xf32>,
      %get3A_698 = vector.shape_cast %get3A_697 : vector<1x16xf32> to vector<16xf32>
      %add3A_699 = arith.addf %add3A_694, %get3A_698 : vector<16xf32>
      %swap3A_700 = arith.index_cast %scan3A_45 : i32 to index
      %swap3A_701 = arith.constant 464 : index
      %swap3A_702 = tpu.vector_load %arg18[%swap3A_700, %swap3A_701] {strides = array<i32>} : memref<16x1024xf32, #tpu.memory_space<vmem>>, vector<1x16xf32>,
      %swap3A_703 = vector.shape_cast %swap3A_702 : vector<1x16xf32> to vector<16xf32>
      %swap3A_704 = vector.shape_cast %add3A_699 : vector<16xf32> to vector<1x16xf32>
      tpu.vector_store %arg18[%swap3A_700, %swap3A_701], %swap3A_704 {strides = array<i32>} : memref<16x1024xf32, #tpu.memory_space<vmem>>, vector<1x16xf32>,
      %add3A_705 = arith.addf %add3A_683, %add3A_699 : vector<16xf32>
      %mul3A_706 = arith.mulf %add3A_699, %add3A_699 : vector<16xf32>
      %add3A_707 = arith.addf %add3A_685, %mul3A_706 : vector<16xf32>
      %get3A_708 = arith.index_cast %scan3A_45 : i32 to index
      %get3A_709 = arith.constant 480 : index
      %get3A_710 = tpu.vector_load %arg12[%get3A_708, %get3A_709] {strides = array<i32>} : memref<16x1024xf32, #tpu.memory_space<vmem>>, vector<1x16xf32>,
      %get3A_711 = vector.shape_cast %get3A_710 : vector<1x16xf32> to vector<16xf32>
      %get3A_712 = arith.index_cast %scan3A_45 : i32 to index
      %get3A_713 = arith.constant 480 : index
      %get3A_714 = tpu.vector_load %arg13[%get3A_712, %get3A_713] {strides = array<i32>} : memref<16x1024xf32, #tpu.memory_space<vmem>>, vector<1x16xf32>,
      %get3A_715 = vector.shape_cast %get3A_714 : vector<1x16xf32> to vector<16xf32>
      %add3A_716 = arith.addf %get3A_711, %get3A_715 : vector<16xf32>
      %get3A_717 = arith.index_cast %scan3A_45 : i32 to index
      %get3A_718 = arith.constant 480 : index
      %get3A_719 = tpu.vector_load %arg14[%get3A_717, %get3A_718] {strides = array<i32>} : memref<16x1024xf32, #tpu.memory_space<vmem>>, vector<1x16xf32>,
      %get3A_720 = vector.shape_cast %get3A_719 : vector<1x16xf32> to vector<16xf32>
      %add3A_721 = arith.addf %add3A_716, %get3A_720 : vector<16xf32>
      %swap3A_722 = arith.index_cast %scan3A_45 : i32 to index
      %swap3A_723 = arith.constant 480 : index
      %swap3A_724 = tpu.vector_load %arg18[%swap3A_722, %swap3A_723] {strides = array<i32>} : memref<16x1024xf32, #tpu.memory_space<vmem>>, vector<1x16xf32>,
      %swap3A_725 = vector.shape_cast %swap3A_724 : vector<1x16xf32> to vector<16xf32>
      %swap3A_726 = vector.shape_cast %add3A_721 : vector<16xf32> to vector<1x16xf32>
      tpu.vector_store %arg18[%swap3A_722, %swap3A_723], %swap3A_726 {strides = array<i32>} : memref<16x1024xf32, #tpu.memory_space<vmem>>, vector<1x16xf32>,
      %add3A_727 = arith.addf %add3A_705, %add3A_721 : vector<16xf32>
      %mul3A_728 = arith.mulf %add3A_721, %add3A_721 : vector<16xf32>
      %add3A_729 = arith.addf %add3A_707, %mul3A_728 : vector<16xf32>
      %get3A_730 = arith.index_cast %scan3A_45 : i32 to index
      %get3A_731 = arith.constant 496 : index
      %get3A_732 = tpu.vector_load %arg12[%get3A_730, %get3A_731] {strides = array<i32>} : memref<16x1024xf32, #tpu.memory_space<vmem>>, vector<1x16xf32>,
      %get3A_733 = vector.shape_cast %get3A_732 : vector<1x16xf32> to vector<16xf32>
      %get3A_734 = arith.index_cast %scan3A_45 : i32 to index
      %get3A_735 = arith.constant 496 : index
      %get3A_736 = tpu.vector_load %arg13[%get3A_734, %get3A_735] {strides = array<i32>} : memref<16x1024xf32, #tpu.memory_space<vmem>>, vector<1x16xf32>,
      %get3A_737 = vector.shape_cast %get3A_736 : vector<1x16xf32> to vector<16xf32>
      %add3A_738 = arith.addf %get3A_733, %get3A_737 : vector<16xf32>
      %get3A_739 = arith.index_cast %scan3A_45 : i32 to index
      %get3A_740 = arith.constant 496 : index
      %get3A_741 = tpu.vector_load %arg14[%get3A_739, %get3A_740] {strides = array<i32>} : memref<16x1024xf32, #tpu.memory_space<vmem>>, vector<1x16xf32>,
      %get3A_742 = vector.shape_cast %get3A_741 : vector<1x16xf32> to vector<16xf32>
      %add3A_743 = arith.addf %add3A_738, %get3A_742 : vector<16xf32>
      %swap3A_744 = arith.index_cast %scan3A_45 : i32 to index
      %swap3A_745 = arith.constant 496 : index
      %swap3A_746 = tpu.vector_load %arg18[%swap3A_744, %swap3A_745] {strides = array<i32>} : memref<16x1024xf32, #tpu.memory_space<vmem>>, vector<1x16xf32>,
      %swap3A_747 = vector.shape_cast %swap3A_746 : vector<1x16xf32> to vector<16xf32>
      %swap3A_748 = vector.shape_cast %add3A_743 : vector<16xf32> to vector<1x16xf32>
      tpu.vector_store %arg18[%swap3A_744, %swap3A_745], %swap3A_748 {strides = array<i32>} : memref<16x1024xf32, #tpu.memory_space<vmem>>, vector<1x16xf32>,
      %add3A_749 = arith.addf %add3A_727, %add3A_743 : vector<16xf32>
      %mul3A_750 = arith.mulf %add3A_743, %add3A_743 : vector<16xf32>
      %add3A_751 = arith.addf %add3A_729, %mul3A_750 : vector<16xf32>
      %get3A_752 = arith.index_cast %scan3A_45 : i32 to index
      %get3A_753 = arith.constant 512 : index
      %get3A_754 = tpu.vector_load %arg12[%get3A_752, %get3A_753] {strides = array<i32>} : memref<16x1024xf32, #tpu.memory_space<vmem>>, vector<1x16xf32>,
      %get3A_755 = vector.shape_cast %get3A_754 : vector<1x16xf32> to vector<16xf32>
      %get3A_756 = arith.index_cast %scan3A_45 : i32 to index
      %get3A_757 = arith.constant 512 : index
      %get3A_758 = tpu.vector_load %arg13[%get3A_756, %get3A_757] {strides = array<i32>} : memref<16x1024xf32, #tpu.memory_space<vmem>>, vector<1x16xf32>,
      %get3A_759 = vector.shape_cast %get3A_758 : vector<1x16xf32> to vector<16xf32>
      %add3A_760 = arith.addf %get3A_755, %get3A_759 : vector<16xf32>
      %get3A_761 = arith.index_cast %scan3A_45 : i32 to index
      %get3A_762 = arith.constant 512 : index
      %get3A_763 = tpu.vector_load %arg14[%get3A_761, %get3A_762] {strides = array<i32>} : memref<16x1024xf32, #tpu.memory_space<vmem>>, vector<1x16xf32>,
      %get3A_764 = vector.shape_cast %get3A_763 : vector<1x16xf32> to vector<16xf32>
      %add3A_765 = arith.addf %add3A_760, %get3A_764 : vector<16xf32>
      %swap3A_766 = arith.index_cast %scan3A_45 : i32 to index
      %swap3A_767 = arith.constant 512 : index
      %swap3A_768 = tpu.vector_load %arg18[%swap3A_766, %swap3A_767] {strides = array<i32>} : memref<16x1024xf32, #tpu.memory_space<vmem>>, vector<1x16xf32>,
      %swap3A_769 = vector.shape_cast %swap3A_768 : vector<1x16xf32> to vector<16xf32>
      %swap3A_770 = vector.shape_cast %add3A_765 : vector<16xf32> to vector<1x16xf32>
      tpu.vector_store %arg18[%swap3A_766, %swap3A_767], %swap3A_770 {strides = array<i32>} : memref<16x1024xf32, #tpu.memory_space<vmem>>, vector<1x16xf32>,
      %add3A_771 = arith.addf %add3A_749, %add3A_765 : vector<16xf32>
      %mul3A_772 = arith.mulf %add3A_765, %add3A_765 : vector<16xf32>
      %add3A_773 = arith.addf %add3A_751, %mul3A_772 : vector<16xf32>
      %get3A_774 = arith.index_cast %scan3A_45 : i32 to index
      %get3A_775 = arith.constant 528 : index
      %get3A_776 = tpu.vector_load %arg12[%get3A_774, %get3A_775] {strides = array<i32>} : memref<16x1024xf32, #tpu.memory_space<vmem>>, vector<1x16xf32>,
      %get3A_777 = vector.shape_cast %get3A_776 : vector<1x16xf32> to vector<16xf32>
      %get3A_778 = arith.index_cast %scan3A_45 : i32 to index
      %get3A_779 = arith.constant 528 : index
      %get3A_780 = tpu.vector_load %arg13[%get3A_778, %get3A_779] {strides = array<i32>} : memref<16x1024xf32, #tpu.memory_space<vmem>>, vector<1x16xf32>,
      %get3A_781 = vector.shape_cast %get3A_780 : vector<1x16xf32> to vector<16xf32>
      %add3A_782 = arith.addf %get3A_777, %get3A_781 : vector<16xf32>
      %get3A_783 = arith.index_cast %scan3A_45 : i32 to index
      %get3A_784 = arith.constant 528 : index
      %get3A_785 = tpu.vector_load %arg14[%get3A_783, %get3A_784] {strides = array<i32>} : memref<16x1024xf32, #tpu.memory_space<vmem>>, vector<1x16xf32>,
      %get3A_786 = vector.shape_cast %get3A_785 : vector<1x16xf32> to vector<16xf32>
      %add3A_787 = arith.addf %add3A_782, %get3A_786 : vector<16xf32>
      %swap3A_788 = arith.index_cast %scan3A_45 : i32 to index
      %swap3A_789 = arith.constant 528 : index
      %swap3A_790 = tpu.vector_load %arg18[%swap3A_788, %swap3A_789] {strides = array<i32>} : memref<16x1024xf32, #tpu.memory_space<vmem>>, vector<1x16xf32>,
      %swap3A_791 = vector.shape_cast %swap3A_790 : vector<1x16xf32> to vector<16xf32>
      %swap3A_792 = vector.shape_cast %add3A_787 : vector<16xf32> to vector<1x16xf32>
      tpu.vector_store %arg18[%swap3A_788, %swap3A_789], %swap3A_792 {strides = array<i32>} : memref<16x1024xf32, #tpu.memory_space<vmem>>, vector<1x16xf32>,
      %add3A_793 = arith.addf %add3A_771, %add3A_787 : vector<16xf32>
      %mul3A_794 = arith.mulf %add3A_787, %add3A_787 : vector<16xf32>
      %add3A_795 = arith.addf %add3A_773, %mul3A_794 : vector<16xf32>
      %get3A_796 = arith.index_cast %scan3A_45 : i32 to index
      %get3A_797 = arith.constant 544 : index
      %get3A_798 = tpu.vector_load %arg12[%get3A_796, %get3A_797] {strides = array<i32>} : memref<16x1024xf32, #tpu.memory_space<vmem>>, vector<1x16xf32>,
      %get3A_799 = vector.shape_cast %get3A_798 : vector<1x16xf32> to vector<16xf32>
      %get3A_800 = arith.index_cast %scan3A_45 : i32 to index
      %get3A_801 = arith.constant 544 : index
      %get3A_802 = tpu.vector_load %arg13[%get3A_800, %get3A_801] {strides = array<i32>} : memref<16x1024xf32, #tpu.memory_space<vmem>>, vector<1x16xf32>,
      %get3A_803 = vector.shape_cast %get3A_802 : vector<1x16xf32> to vector<16xf32>
      %add3A_804 = arith.addf %get3A_799, %get3A_803 : vector<16xf32>
      %get3A_805 = arith.index_cast %scan3A_45 : i32 to index
      %get3A_806 = arith.constant 544 : index
      %get3A_807 = tpu.vector_load %arg14[%get3A_805, %get3A_806] {strides = array<i32>} : memref<16x1024xf32, #tpu.memory_space<vmem>>, vector<1x16xf32>,
      %get3A_808 = vector.shape_cast %get3A_807 : vector<1x16xf32> to vector<16xf32>
      %add3A_809 = arith.addf %add3A_804, %get3A_808 : vector<16xf32>
      %swap3A_810 = arith.index_cast %scan3A_45 : i32 to index
      %swap3A_811 = arith.constant 544 : index
      %swap3A_812 = tpu.vector_load %arg18[%swap3A_810, %swap3A_811] {strides = array<i32>} : memref<16x1024xf32, #tpu.memory_space<vmem>>, vector<1x16xf32>,
      %swap3A_813 = vector.shape_cast %swap3A_812 : vector<1x16xf32> to vector<16xf32>
      %swap3A_814 = vector.shape_cast %add3A_809 : vector<16xf32> to vector<1x16xf32>
      tpu.vector_store %arg18[%swap3A_810, %swap3A_811], %swap3A_814 {strides = array<i32>} : memref<16x1024xf32, #tpu.memory_space<vmem>>, vector<1x16xf32>,
      %add3A_815 = arith.addf %add3A_793, %add3A_809 : vector<16xf32>
      %mul3A_816 = arith.mulf %add3A_809, %add3A_809 : vector<16xf32>
      %add3A_817 = arith.addf %add3A_795, %mul3A_816 : vector<16xf32>
      %get3A_818 = arith.index_cast %scan3A_45 : i32 to index
      %get3A_819 = arith.constant 560 : index
      %get3A_820 = tpu.vector_load %arg12[%get3A_818, %get3A_819] {strides = array<i32>} : memref<16x1024xf32, #tpu.memory_space<vmem>>, vector<1x16xf32>,
      %get3A_821 = vector.shape_cast %get3A_820 : vector<1x16xf32> to vector<16xf32>
      %get3A_822 = arith.index_cast %scan3A_45 : i32 to index
      %get3A_823 = arith.constant 560 : index
      %get3A_824 = tpu.vector_load %arg13[%get3A_822, %get3A_823] {strides = array<i32>} : memref<16x1024xf32, #tpu.memory_space<vmem>>, vector<1x16xf32>,
      %get3A_825 = vector.shape_cast %get3A_824 : vector<1x16xf32> to vector<16xf32>
      %add3A_826 = arith.addf %get3A_821, %get3A_825 : vector<16xf32>
      %get3A_827 = arith.index_cast %scan3A_45 : i32 to index
      %get3A_828 = arith.constant 560 : index
      %get3A_829 = tpu.vector_load %arg14[%get3A_827, %get3A_828] {strides = array<i32>} : memref<16x1024xf32, #tpu.memory_space<vmem>>, vector<1x16xf32>,
      %get3A_830 = vector.shape_cast %get3A_829 : vector<1x16xf32> to vector<16xf32>
      %add3A_831 = arith.addf %add3A_826, %get3A_830 : vector<16xf32>
      %swap3A_832 = arith.index_cast %scan3A_45 : i32 to index
      %swap3A_833 = arith.constant 560 : index
      %swap3A_834 = tpu.vector_load %arg18[%swap3A_832, %swap3A_833] {strides = array<i32>} : memref<16x1024xf32, #tpu.memory_space<vmem>>, vector<1x16xf32>,
      %swap3A_835 = vector.shape_cast %swap3A_834 : vector<1x16xf32> to vector<16xf32>
      %swap3A_836 = vector.shape_cast %add3A_831 : vector<16xf32> to vector<1x16xf32>
      tpu.vector_store %arg18[%swap3A_832, %swap3A_833], %swap3A_836 {strides = array<i32>} : memref<16x1024xf32, #tpu.memory_space<vmem>>, vector<1x16xf32>,
      %add3A_837 = arith.addf %add3A_815, %add3A_831 : vector<16xf32>
      %mul3A_838 = arith.mulf %add3A_831, %add3A_831 : vector<16xf32>
      %add3A_839 = arith.addf %add3A_817, %mul3A_838 : vector<16xf32>
      %get3A_840 = arith.index_cast %scan3A_45 : i32 to index
      %get3A_841 = arith.constant 576 : index
      %get3A_842 = tpu.vector_load %arg12[%get3A_840, %get3A_841] {strides = array<i32>} : memref<16x1024xf32, #tpu.memory_space<vmem>>, vector<1x16xf32>,
      %get3A_843 = vector.shape_cast %get3A_842 : vector<1x16xf32> to vector<16xf32>
      %get3A_844 = arith.index_cast %scan3A_45 : i32 to index
      %get3A_845 = arith.constant 576 : index
      %get3A_846 = tpu.vector_load %arg13[%get3A_844, %get3A_845] {strides = array<i32>} : memref<16x1024xf32, #tpu.memory_space<vmem>>, vector<1x16xf32>,
      %get3A_847 = vector.shape_cast %get3A_846 : vector<1x16xf32> to vector<16xf32>
      %add3A_848 = arith.addf %get3A_843, %get3A_847 : vector<16xf32>
      %get3A_849 = arith.index_cast %scan3A_45 : i32 to index
      %get3A_850 = arith.constant 576 : index
      %get3A_851 = tpu.vector_load %arg14[%get3A_849, %get3A_850] {strides = array<i32>} : memref<16x1024xf32, #tpu.memory_space<vmem>>, vector<1x16xf32>,
      %get3A_852 = vector.shape_cast %get3A_851 : vector<1x16xf32> to vector<16xf32>
      %add3A_853 = arith.addf %add3A_848, %get3A_852 : vector<16xf32>
      %swap3A_854 = arith.index_cast %scan3A_45 : i32 to index
      %swap3A_855 = arith.constant 576 : index
      %swap3A_856 = tpu.vector_load %arg18[%swap3A_854, %swap3A_855] {strides = array<i32>} : memref<16x1024xf32, #tpu.memory_space<vmem>>, vector<1x16xf32>,
      %swap3A_857 = vector.shape_cast %swap3A_856 : vector<1x16xf32> to vector<16xf32>
      %swap3A_858 = vector.shape_cast %add3A_853 : vector<16xf32> to vector<1x16xf32>
      tpu.vector_store %arg18[%swap3A_854, %swap3A_855], %swap3A_858 {strides = array<i32>} : memref<16x1024xf32, #tpu.memory_space<vmem>>, vector<1x16xf32>,
      %add3A_859 = arith.addf %add3A_837, %add3A_853 : vector<16xf32>
      %mul3A_860 = arith.mulf %add3A_853, %add3A_853 : vector<16xf32>
      %add3A_861 = arith.addf %add3A_839, %mul3A_860 : vector<16xf32>
      %get3A_862 = arith.index_cast %scan3A_45 : i32 to index
      %get3A_863 = arith.constant 592 : index
      %get3A_864 = tpu.vector_load %arg12[%get3A_862, %get3A_863] {strides = array<i32>} : memref<16x1024xf32, #tpu.memory_space<vmem>>, vector<1x16xf32>,
      %get3A_865 = vector.shape_cast %get3A_864 : vector<1x16xf32> to vector<16xf32>
      %get3A_866 = arith.index_cast %scan3A_45 : i32 to index
      %get3A_867 = arith.constant 592 : index
      %get3A_868 = tpu.vector_load %arg13[%get3A_866, %get3A_867] {strides = array<i32>} : memref<16x1024xf32, #tpu.memory_space<vmem>>, vector<1x16xf32>,
      %get3A_869 = vector.shape_cast %get3A_868 : vector<1x16xf32> to vector<16xf32>
      %add3A_870 = arith.addf %get3A_865, %get3A_869 : vector<16xf32>
      %get3A_871 = arith.index_cast %scan3A_45 : i32 to index
      %get3A_872 = arith.constant 592 : index
      %get3A_873 = tpu.vector_load %arg14[%get3A_871, %get3A_872] {strides = array<i32>} : memref<16x1024xf32, #tpu.memory_space<vmem>>, vector<1x16xf32>,
      %get3A_874 = vector.shape_cast %get3A_873 : vector<1x16xf32> to vector<16xf32>
      %add3A_875 = arith.addf %add3A_870, %get3A_874 : vector<16xf32>
      %swap3A_876 = arith.index_cast %scan3A_45 : i32 to index
      %swap3A_877 = arith.constant 592 : index
      %swap3A_878 = tpu.vector_load %arg18[%swap3A_876, %swap3A_877] {strides = array<i32>} : memref<16x1024xf32, #tpu.memory_space<vmem>>, vector<1x16xf32>,
      %swap3A_879 = vector.shape_cast %swap3A_878 : vector<1x16xf32> to vector<16xf32>
      %swap3A_880 = vector.shape_cast %add3A_875 : vector<16xf32> to vector<1x16xf32>
      tpu.vector_store %arg18[%swap3A_876, %swap3A_877], %swap3A_880 {strides = array<i32>} : memref<16x1024xf32, #tpu.memory_space<vmem>>, vector<1x16xf32>,
      %add3A_881 = arith.addf %add3A_859, %add3A_875 : vector<16xf32>
      %mul3A_882 = arith.mulf %add3A_875, %add3A_875 : vector<16xf32>
      %add3A_883 = arith.addf %add3A_861, %mul3A_882 : vector<16xf32>
      %get3A_884 = arith.index_cast %scan3A_45 : i32 to index
      %get3A_885 = arith.constant 608 : index
      %get3A_886 = tpu.vector_load %arg12[%get3A_884, %get3A_885] {strides = array<i32>} : memref<16x1024xf32, #tpu.memory_space<vmem>>, vector<1x16xf32>,
      %get3A_887 = vector.shape_cast %get3A_886 : vector<1x16xf32> to vector<16xf32>
      %get3A_888 = arith.index_cast %scan3A_45 : i32 to index
      %get3A_889 = arith.constant 608 : index
      %get3A_890 = tpu.vector_load %arg13[%get3A_888, %get3A_889] {strides = array<i32>} : memref<16x1024xf32, #tpu.memory_space<vmem>>, vector<1x16xf32>,
      %get3A_891 = vector.shape_cast %get3A_890 : vector<1x16xf32> to vector<16xf32>
      %add3A_892 = arith.addf %get3A_887, %get3A_891 : vector<16xf32>
      %get3A_893 = arith.index_cast %scan3A_45 : i32 to index
      %get3A_894 = arith.constant 608 : index
      %get3A_895 = tpu.vector_load %arg14[%get3A_893, %get3A_894] {strides = array<i32>} : memref<16x1024xf32, #tpu.memory_space<vmem>>, vector<1x16xf32>,
      %get3A_896 = vector.shape_cast %get3A_895 : vector<1x16xf32> to vector<16xf32>
      %add3A_897 = arith.addf %add3A_892, %get3A_896 : vector<16xf32>
      %swap3A_898 = arith.index_cast %scan3A_45 : i32 to index
      %swap3A_899 = arith.constant 608 : index
      %swap3A_900 = tpu.vector_load %arg18[%swap3A_898, %swap3A_899] {strides = array<i32>} : memref<16x1024xf32, #tpu.memory_space<vmem>>, vector<1x16xf32>,
      %swap3A_901 = vector.shape_cast %swap3A_900 : vector<1x16xf32> to vector<16xf32>
      %swap3A_902 = vector.shape_cast %add3A_897 : vector<16xf32> to vector<1x16xf32>
      tpu.vector_store %arg18[%swap3A_898, %swap3A_899], %swap3A_902 {strides = array<i32>} : memref<16x1024xf32, #tpu.memory_space<vmem>>, vector<1x16xf32>,
      %add3A_903 = arith.addf %add3A_881, %add3A_897 : vector<16xf32>
      %mul3A_904 = arith.mulf %add3A_897, %add3A_897 : vector<16xf32>
      %add3A_905 = arith.addf %add3A_883, %mul3A_904 : vector<16xf32>
      %get3A_906 = arith.index_cast %scan3A_45 : i32 to index
      %get3A_907 = arith.constant 624 : index
      %get3A_908 = tpu.vector_load %arg12[%get3A_906, %get3A_907] {strides = array<i32>} : memref<16x1024xf32, #tpu.memory_space<vmem>>, vector<1x16xf32>,
      %get3A_909 = vector.shape_cast %get3A_908 : vector<1x16xf32> to vector<16xf32>
      %get3A_910 = arith.index_cast %scan3A_45 : i32 to index
      %get3A_911 = arith.constant 624 : index
      %get3A_912 = tpu.vector_load %arg13[%get3A_910, %get3A_911] {strides = array<i32>} : memref<16x1024xf32, #tpu.memory_space<vmem>>, vector<1x16xf32>,
      %get3A_913 = vector.shape_cast %get3A_912 : vector<1x16xf32> to vector<16xf32>
      %add3A_914 = arith.addf %get3A_909, %get3A_913 : vector<16xf32>
      %get3A_915 = arith.index_cast %scan3A_45 : i32 to index
      %get3A_916 = arith.constant 624 : index
      %get3A_917 = tpu.vector_load %arg14[%get3A_915, %get3A_916] {strides = array<i32>} : memref<16x1024xf32, #tpu.memory_space<vmem>>, vector<1x16xf32>,
      %get3A_918 = vector.shape_cast %get3A_917 : vector<1x16xf32> to vector<16xf32>
      %add3A_919 = arith.addf %add3A_914, %get3A_918 : vector<16xf32>
      %swap3A_920 = arith.index_cast %scan3A_45 : i32 to index
      %swap3A_921 = arith.constant 624 : index
      %swap3A_922 = tpu.vector_load %arg18[%swap3A_920, %swap3A_921] {strides = array<i32>} : memref<16x1024xf32, #tpu.memory_space<vmem>>, vector<1x16xf32>,
      %swap3A_923 = vector.shape_cast %swap3A_922 : vector<1x16xf32> to vector<16xf32>
      %swap3A_924 = vector.shape_cast %add3A_919 : vector<16xf32> to vector<1x16xf32>
      tpu.vector_store %arg18[%swap3A_920, %swap3A_921], %swap3A_924 {strides = array<i32>} : memref<16x1024xf32, #tpu.memory_space<vmem>>, vector<1x16xf32>,
      %add3A_925 = arith.addf %add3A_903, %add3A_919 : vector<16xf32>
      %mul3A_926 = arith.mulf %add3A_919, %add3A_919 : vector<16xf32>
      %add3A_927 = arith.addf %add3A_905, %mul3A_926 : vector<16xf32>
      %get3A_928 = arith.index_cast %scan3A_45 : i32 to index
      %get3A_929 = arith.constant 640 : index
      %get3A_930 = tpu.vector_load %arg12[%get3A_928, %get3A_929] {strides = array<i32>} : memref<16x1024xf32, #tpu.memory_space<vmem>>, vector<1x16xf32>,
      %get3A_931 = vector.shape_cast %get3A_930 : vector<1x16xf32> to vector<16xf32>
      %get3A_932 = arith.index_cast %scan3A_45 : i32 to index
      %get3A_933 = arith.constant 640 : index
      %get3A_934 = tpu.vector_load %arg13[%get3A_932, %get3A_933] {strides = array<i32>} : memref<16x1024xf32, #tpu.memory_space<vmem>>, vector<1x16xf32>,
      %get3A_935 = vector.shape_cast %get3A_934 : vector<1x16xf32> to vector<16xf32>
      %add3A_936 = arith.addf %get3A_931, %get3A_935 : vector<16xf32>
      %get3A_937 = arith.index_cast %scan3A_45 : i32 to index
      %get3A_938 = arith.constant 640 : index
      %get3A_939 = tpu.vector_load %arg14[%get3A_937, %get3A_938] {strides = array<i32>} : memref<16x1024xf32, #tpu.memory_space<vmem>>, vector<1x16xf32>,
      %get3A_940 = vector.shape_cast %get3A_939 : vector<1x16xf32> to vector<16xf32>
      %add3A_941 = arith.addf %add3A_936, %get3A_940 : vector<16xf32>
      %swap3A_942 = arith.index_cast %scan3A_45 : i32 to index
      %swap3A_943 = arith.constant 640 : index
      %swap3A_944 = tpu.vector_load %arg18[%swap3A_942, %swap3A_943] {strides = array<i32>} : memref<16x1024xf32, #tpu.memory_space<vmem>>, vector<1x16xf32>,
      %swap3A_945 = vector.shape_cast %swap3A_944 : vector<1x16xf32> to vector<16xf32>
      %swap3A_946 = vector.shape_cast %add3A_941 : vector<16xf32> to vector<1x16xf32>
      tpu.vector_store %arg18[%swap3A_942, %swap3A_943], %swap3A_946 {strides = array<i32>} : memref<16x1024xf32, #tpu.memory_space<vmem>>, vector<1x16xf32>,
      %add3A_947 = arith.addf %add3A_925, %add3A_941 : vector<16xf32>
      %mul3A_948 = arith.mulf %add3A_941, %add3A_941 : vector<16xf32>
      %add3A_949 = arith.addf %add3A_927, %mul3A_948 : vector<16xf32>
      %get3A_950 = arith.index_cast %scan3A_45 : i32 to index
      %get3A_951 = arith.constant 656 : index
      %get3A_952 = tpu.vector_load %arg12[%get3A_950, %get3A_951] {strides = array<i32>} : memref<16x1024xf32, #tpu.memory_space<vmem>>, vector<1x16xf32>,
      %get3A_953 = vector.shape_cast %get3A_952 : vector<1x16xf32> to vector<16xf32>
      %get3A_954 = arith.index_cast %scan3A_45 : i32 to index
      %get3A_955 = arith.constant 656 : index
      %get3A_956 = tpu.vector_load %arg13[%get3A_954, %get3A_955] {strides = array<i32>} : memref<16x1024xf32, #tpu.memory_space<vmem>>, vector<1x16xf32>,
      %get3A_957 = vector.shape_cast %get3A_956 : vector<1x16xf32> to vector<16xf32>
      %add3A_958 = arith.addf %get3A_953, %get3A_957 : vector<16xf32>
      %get3A_959 = arith.index_cast %scan3A_45 : i32 to index
      %get3A_960 = arith.constant 656 : index
      %get3A_961 = tpu.vector_load %arg14[%get3A_959, %get3A_960] {strides = array<i32>} : memref<16x1024xf32, #tpu.memory_space<vmem>>, vector<1x16xf32>,
      %get3A_962 = vector.shape_cast %get3A_961 : vector<1x16xf32> to vector<16xf32>
      %add3A_963 = arith.addf %add3A_958, %get3A_962 : vector<16xf32>
      %swap3A_964 = arith.index_cast %scan3A_45 : i32 to index
      %swap3A_965 = arith.constant 656 : index
      %swap3A_966 = tpu.vector_load %arg18[%swap3A_964, %swap3A_965] {strides = array<i32>} : memref<16x1024xf32, #tpu.memory_space<vmem>>, vector<1x16xf32>,
      %swap3A_967 = vector.shape_cast %swap3A_966 : vector<1x16xf32> to vector<16xf32>
      %swap3A_968 = vector.shape_cast %add3A_963 : vector<16xf32> to vector<1x16xf32>
      tpu.vector_store %arg18[%swap3A_964, %swap3A_965], %swap3A_968 {strides = array<i32>} : memref<16x1024xf32, #tpu.memory_space<vmem>>, vector<1x16xf32>,
      %add3A_969 = arith.addf %add3A_947, %add3A_963 : vector<16xf32>
      %mul3A_970 = arith.mulf %add3A_963, %add3A_963 : vector<16xf32>
      %add3A_971 = arith.addf %add3A_949, %mul3A_970 : vector<16xf32>
      %get3A_972 = arith.index_cast %scan3A_45 : i32 to index
      %get3A_973 = arith.constant 672 : index
      %get3A_974 = tpu.vector_load %arg12[%get3A_972, %get3A_973] {strides = array<i32>} : memref<16x1024xf32, #tpu.memory_space<vmem>>, vector<1x16xf32>,
      %get3A_975 = vector.shape_cast %get3A_974 : vector<1x16xf32> to vector<16xf32>
      %get3A_976 = arith.index_cast %scan3A_45 : i32 to index
      %get3A_977 = arith.constant 672 : index
      %get3A_978 = tpu.vector_load %arg13[%get3A_976, %get3A_977] {strides = array<i32>} : memref<16x1024xf32, #tpu.memory_space<vmem>>, vector<1x16xf32>,
      %get3A_979 = vector.shape_cast %get3A_978 : vector<1x16xf32> to vector<16xf32>
      %add3A_980 = arith.addf %get3A_975, %get3A_979 : vector<16xf32>
      %get3A_981 = arith.index_cast %scan3A_45 : i32 to index
      %get3A_982 = arith.constant 672 : index
      %get3A_983 = tpu.vector_load %arg14[%get3A_981, %get3A_982] {strides = array<i32>} : memref<16x1024xf32, #tpu.memory_space<vmem>>, vector<1x16xf32>,
      %get3A_984 = vector.shape_cast %get3A_983 : vector<1x16xf32> to vector<16xf32>
      %add3A_985 = arith.addf %add3A_980, %get3A_984 : vector<16xf32>
      %swap3A_986 = arith.index_cast %scan3A_45 : i32 to index
      %swap3A_987 = arith.constant 672 : index
      %swap3A_988 = tpu.vector_load %arg18[%swap3A_986, %swap3A_987] {strides = array<i32>} : memref<16x1024xf32, #tpu.memory_space<vmem>>, vector<1x16xf32>,
      %swap3A_989 = vector.shape_cast %swap3A_988 : vector<1x16xf32> to vector<16xf32>
      %swap3A_990 = vector.shape_cast %add3A_985 : vector<16xf32> to vector<1x16xf32>
      tpu.vector_store %arg18[%swap3A_986, %swap3A_987], %swap3A_990 {strides = array<i32>} : memref<16x1024xf32, #tpu.memory_space<vmem>>, vector<1x16xf32>,
      %add3A_991 = arith.addf %add3A_969, %add3A_985 : vector<16xf32>
      %mul3A_992 = arith.mulf %add3A_985, %add3A_985 : vector<16xf32>
      %add3A_993 = arith.addf %add3A_971, %mul3A_992 : vector<16xf32>
      %get3A_994 = arith.index_cast %scan3A_45 : i32 to index
      %get3A_995 = arith.constant 688 : index
      %get3A_996 = tpu.vector_load %arg12[%get3A_994, %get3A_995] {strides = array<i32>} : memref<16x1024xf32, #tpu.memory_space<vmem>>, vector<1x16xf32>,
      %get3A_997 = vector.shape_cast %get3A_996 : vector<1x16xf32> to vector<16xf32>
      %get3A_998 = arith.index_cast %scan3A_45 : i32 to index
      %get3A_999 = arith.constant 688 : index
      %get3A_1000 = tpu.vector_load %arg13[%get3A_998, %get3A_999] {strides = array<i32>} : memref<16x1024xf32, #tpu.memory_space<vmem>>, vector<1x16xf32>,
      %get3A_1001 = vector.shape_cast %get3A_1000 : vector<1x16xf32> to vector<16xf32>
      %add3A_1002 = arith.addf %get3A_997, %get3A_1001 : vector<16xf32>
      %get3A_1003 = arith.index_cast %scan3A_45 : i32 to index
      %get3A_1004 = arith.constant 688 : index
      %get3A_1005 = tpu.vector_load %arg14[%get3A_1003, %get3A_1004] {strides = array<i32>} : memref<16x1024xf32, #tpu.memory_space<vmem>>, vector<1x16xf32>,
      %get3A_1006 = vector.shape_cast %get3A_1005 : vector<1x16xf32> to vector<16xf32>
      %add3A_1007 = arith.addf %add3A_1002, %get3A_1006 : vector<16xf32>
      %swap3A_1008 = arith.index_cast %scan3A_45 : i32 to index
      %swap3A_1009 = arith.constant 688 : index
      %swap3A_1010 = tpu.vector_load %arg18[%swap3A_1008, %swap3A_1009] {strides = array<i32>} : memref<16x1024xf32, #tpu.memory_space<vmem>>, vector<1x16xf32>,
      %swap3A_1011 = vector.shape_cast %swap3A_1010 : vector<1x16xf32> to vector<16xf32>
      %swap3A_1012 = vector.shape_cast %add3A_1007 : vector<16xf32> to vector<1x16xf32>
      tpu.vector_store %arg18[%swap3A_1008, %swap3A_1009], %swap3A_1012 {strides = array<i32>} : memref<16x1024xf32, #tpu.memory_space<vmem>>, vector<1x16xf32>,
      %add3A_1013 = arith.addf %add3A_991, %add3A_1007 : vector<16xf32>
      %mul3A_1014 = arith.mulf %add3A_1007, %add3A_1007 : vector<16xf32>
      %add3A_1015 = arith.addf %add3A_993, %mul3A_1014 : vector<16xf32>
      %get3A_1016 = arith.index_cast %scan3A_45 : i32 to index
      %get3A_1017 = arith.constant 704 : index
      %get3A_1018 = tpu.vector_load %arg12[%get3A_1016, %get3A_1017] {strides = array<i32>} : memref<16x1024xf32, #tpu.memory_space<vmem>>, vector<1x16xf32>,
      %get3A_1019 = vector.shape_cast %get3A_1018 : vector<1x16xf32> to vector<16xf32>
      %get3A_1020 = arith.index_cast %scan3A_45 : i32 to index
      %get3A_1021 = arith.constant 704 : index
      %get3A_1022 = tpu.vector_load %arg13[%get3A_1020, %get3A_1021] {strides = array<i32>} : memref<16x1024xf32, #tpu.memory_space<vmem>>, vector<1x16xf32>,
      %get3A_1023 = vector.shape_cast %get3A_1022 : vector<1x16xf32> to vector<16xf32>
      %add3A_1024 = arith.addf %get3A_1019, %get3A_1023 : vector<16xf32>
      %get3A_1025 = arith.index_cast %scan3A_45 : i32 to index
      %get3A_1026 = arith.constant 704 : index
      %get3A_1027 = tpu.vector_load %arg14[%get3A_1025, %get3A_1026] {strides = array<i32>} : memref<16x1024xf32, #tpu.memory_space<vmem>>, vector<1x16xf32>,
      %get3A_1028 = vector.shape_cast %get3A_1027 : vector<1x16xf32> to vector<16xf32>
      %add3A_1029 = arith.addf %add3A_1024, %get3A_1028 : vector<16xf32>
      %swap3A_1030 = arith.index_cast %scan3A_45 : i32 to index
      %swap3A_1031 = arith.constant 704 : index
      %swap3A_1032 = tpu.vector_load %arg18[%swap3A_1030, %swap3A_1031] {strides = array<i32>} : memref<16x1024xf32, #tpu.memory_space<vmem>>, vector<1x16xf32>,
      %swap3A_1033 = vector.shape_cast %swap3A_1032 : vector<1x16xf32> to vector<16xf32>
      %swap3A_1034 = vector.shape_cast %add3A_1029 : vector<16xf32> to vector<1x16xf32>
      tpu.vector_store %arg18[%swap3A_1030, %swap3A_1031], %swap3A_1034 {strides = array<i32>} : memref<16x1024xf32, #tpu.memory_space<vmem>>, vector<1x16xf32>,
      %add3A_1035 = arith.addf %add3A_1013, %add3A_1029 : vector<16xf32>
      %mul3A_1036 = arith.mulf %add3A_1029, %add3A_1029 : vector<16xf32>
      %add3A_1037 = arith.addf %add3A_1015, %mul3A_1036 : vector<16xf32>
      %get3A_1038 = arith.index_cast %scan3A_45 : i32 to index
      %get3A_1039 = arith.constant 720 : index
      %get3A_1040 = tpu.vector_load %arg12[%get3A_1038, %get3A_1039] {strides = array<i32>} : memref<16x1024xf32, #tpu.memory_space<vmem>>, vector<1x16xf32>,
      %get3A_1041 = vector.shape_cast %get3A_1040 : vector<1x16xf32> to vector<16xf32>
      %get3A_1042 = arith.index_cast %scan3A_45 : i32 to index
      %get3A_1043 = arith.constant 720 : index
      %get3A_1044 = tpu.vector_load %arg13[%get3A_1042, %get3A_1043] {strides = array<i32>} : memref<16x1024xf32, #tpu.memory_space<vmem>>, vector<1x16xf32>,
      %get3A_1045 = vector.shape_cast %get3A_1044 : vector<1x16xf32> to vector<16xf32>
      %add3A_1046 = arith.addf %get3A_1041, %get3A_1045 : vector<16xf32>
      %get3A_1047 = arith.index_cast %scan3A_45 : i32 to index
      %get3A_1048 = arith.constant 720 : index
      %get3A_1049 = tpu.vector_load %arg14[%get3A_1047, %get3A_1048] {strides = array<i32>} : memref<16x1024xf32, #tpu.memory_space<vmem>>, vector<1x16xf32>,
      %get3A_1050 = vector.shape_cast %get3A_1049 : vector<1x16xf32> to vector<16xf32>
      %add3A_1051 = arith.addf %add3A_1046, %get3A_1050 : vector<16xf32>
      %swap3A_1052 = arith.index_cast %scan3A_45 : i32 to index
      %swap3A_1053 = arith.constant 720 : index
      %swap3A_1054 = tpu.vector_load %arg18[%swap3A_1052, %swap3A_1053] {strides = array<i32>} : memref<16x1024xf32, #tpu.memory_space<vmem>>, vector<1x16xf32>,
      %swap3A_1055 = vector.shape_cast %swap3A_1054 : vector<1x16xf32> to vector<16xf32>
      %swap3A_1056 = vector.shape_cast %add3A_1051 : vector<16xf32> to vector<1x16xf32>
      tpu.vector_store %arg18[%swap3A_1052, %swap3A_1053], %swap3A_1056 {strides = array<i32>} : memref<16x1024xf32, #tpu.memory_space<vmem>>, vector<1x16xf32>,
      %add3A_1057 = arith.addf %add3A_1035, %add3A_1051 : vector<16xf32>
      %mul3A_1058 = arith.mulf %add3A_1051, %add3A_1051 : vector<16xf32>
      %add3A_1059 = arith.addf %add3A_1037, %mul3A_1058 : vector<16xf32>
      %get3A_1060 = arith.index_cast %scan3A_45 : i32 to index
      %get3A_1061 = arith.constant 736 : index
      %get3A_1062 = tpu.vector_load %arg12[%get3A_1060, %get3A_1061] {strides = array<i32>} : memref<16x1024xf32, #tpu.memory_space<vmem>>, vector<1x16xf32>,
      %get3A_1063 = vector.shape_cast %get3A_1062 : vector<1x16xf32> to vector<16xf32>
      %get3A_1064 = arith.index_cast %scan3A_45 : i32 to index
      %get3A_1065 = arith.constant 736 : index
      %get3A_1066 = tpu.vector_load %arg13[%get3A_1064, %get3A_1065] {strides = array<i32>} : memref<16x1024xf32, #tpu.memory_space<vmem>>, vector<1x16xf32>,
      %get3A_1067 = vector.shape_cast %get3A_1066 : vector<1x16xf32> to vector<16xf32>
      %add3A_1068 = arith.addf %get3A_1063, %get3A_1067 : vector<16xf32>
      %get3A_1069 = arith.index_cast %scan3A_45 : i32 to index
      %get3A_1070 = arith.constant 736 : index
      %get3A_1071 = tpu.vector_load %arg14[%get3A_1069, %get3A_1070] {strides = array<i32>} : memref<16x1024xf32, #tpu.memory_space<vmem>>, vector<1x16xf32>,
      %get3A_1072 = vector.shape_cast %get3A_1071 : vector<1x16xf32> to vector<16xf32>
      %add3A_1073 = arith.addf %add3A_1068, %get3A_1072 : vector<16xf32>
      %swap3A_1074 = arith.index_cast %scan3A_45 : i32 to index
      %swap3A_1075 = arith.constant 736 : index
      %swap3A_1076 = tpu.vector_load %arg18[%swap3A_1074, %swap3A_1075] {strides = array<i32>} : memref<16x1024xf32, #tpu.memory_space<vmem>>, vector<1x16xf32>,
      %swap3A_1077 = vector.shape_cast %swap3A_1076 : vector<1x16xf32> to vector<16xf32>
      %swap3A_1078 = vector.shape_cast %add3A_1073 : vector<16xf32> to vector<1x16xf32>
      tpu.vector_store %arg18[%swap3A_1074, %swap3A_1075], %swap3A_1078 {strides = array<i32>} : memref<16x1024xf32, #tpu.memory_space<vmem>>, vector<1x16xf32>,
      %add3A_1079 = arith.addf %add3A_1057, %add3A_1073 : vector<16xf32>
      %mul3A_1080 = arith.mulf %add3A_1073, %add3A_1073 : vector<16xf32>
      %add3A_1081 = arith.addf %add3A_1059, %mul3A_1080 : vector<16xf32>
      %get3A_1082 = arith.index_cast %scan3A_45 : i32 to index
      %get3A_1083 = arith.constant 752 : index
      %get3A_1084 = tpu.vector_load %arg12[%get3A_1082, %get3A_1083] {strides = array<i32>} : memref<16x1024xf32, #tpu.memory_space<vmem>>, vector<1x16xf32>,
      %get3A_1085 = vector.shape_cast %get3A_1084 : vector<1x16xf32> to vector<16xf32>
      %get3A_1086 = arith.index_cast %scan3A_45 : i32 to index
      %get3A_1087 = arith.constant 752 : index
      %get3A_1088 = tpu.vector_load %arg13[%get3A_1086, %get3A_1087] {strides = array<i32>} : memref<16x1024xf32, #tpu.memory_space<vmem>>, vector<1x16xf32>,
      %get3A_1089 = vector.shape_cast %get3A_1088 : vector<1x16xf32> to vector<16xf32>
      %add3A_1090 = arith.addf %get3A_1085, %get3A_1089 : vector<16xf32>
      %get3A_1091 = arith.index_cast %scan3A_45 : i32 to index
      %get3A_1092 = arith.constant 752 : index
      %get3A_1093 = tpu.vector_load %arg14[%get3A_1091, %get3A_1092] {strides = array<i32>} : memref<16x1024xf32, #tpu.memory_space<vmem>>, vector<1x16xf32>,
      %get3A_1094 = vector.shape_cast %get3A_1093 : vector<1x16xf32> to vector<16xf32>
      %add3A_1095 = arith.addf %add3A_1090, %get3A_1094 : vector<16xf32>
      %swap3A_1096 = arith.index_cast %scan3A_45 : i32 to index
      %swap3A_1097 = arith.constant 752 : index
      %swap3A_1098 = tpu.vector_load %arg18[%swap3A_1096, %swap3A_1097] {strides = array<i32>} : memref<16x1024xf32, #tpu.memory_space<vmem>>, vector<1x16xf32>,
      %swap3A_1099 = vector.shape_cast %swap3A_1098 : vector<1x16xf32> to vector<16xf32>
      %swap3A_1100 = vector.shape_cast %add3A_1095 : vector<16xf32> to vector<1x16xf32>
      tpu.vector_store %arg18[%swap3A_1096, %swap3A_1097], %swap3A_1100 {strides = array<i32>} : memref<16x1024xf32, #tpu.memory_space<vmem>>, vector<1x16xf32>,
      %add3A_1101 = arith.addf %add3A_1079, %add3A_1095 : vector<16xf32>
      %mul3A_1102 = arith.mulf %add3A_1095, %add3A_1095 : vector<16xf32>
      %add3A_1103 = arith.addf %add3A_1081, %mul3A_1102 : vector<16xf32>
      %get3A_1104 = arith.index_cast %scan3A_45 : i32 to index
      %get3A_1105 = arith.constant 768 : index
      %get3A_1106 = tpu.vector_load %arg12[%get3A_1104, %get3A_1105] {strides = array<i32>} : memref<16x1024xf32, #tpu.memory_space<vmem>>, vector<1x16xf32>,
      %get3A_1107 = vector.shape_cast %get3A_1106 : vector<1x16xf32> to vector<16xf32>
      %get3A_1108 = arith.index_cast %scan3A_45 : i32 to index
      %get3A_1109 = arith.constant 768 : index
      %get3A_1110 = tpu.vector_load %arg13[%get3A_1108, %get3A_1109] {strides = array<i32>} : memref<16x1024xf32, #tpu.memory_space<vmem>>, vector<1x16xf32>,
      %get3A_1111 = vector.shape_cast %get3A_1110 : vector<1x16xf32> to vector<16xf32>
      %add3A_1112 = arith.addf %get3A_1107, %get3A_1111 : vector<16xf32>
      %get3A_1113 = arith.index_cast %scan3A_45 : i32 to index
      %get3A_1114 = arith.constant 768 : index
      %get3A_1115 = tpu.vector_load %arg14[%get3A_1113, %get3A_1114] {strides = array<i32>} : memref<16x1024xf32, #tpu.memory_space<vmem>>, vector<1x16xf32>,
      %get3A_1116 = vector.shape_cast %get3A_1115 : vector<1x16xf32> to vector<16xf32>
      %add3A_1117 = arith.addf %add3A_1112, %get3A_1116 : vector<16xf32>
      %swap3A_1118 = arith.index_cast %scan3A_45 : i32 to index
      %swap3A_1119 = arith.constant 768 : index
      %swap3A_1120 = tpu.vector_load %arg18[%swap3A_1118, %swap3A_1119] {strides = array<i32>} : memref<16x1024xf32, #tpu.memory_space<vmem>>, vector<1x16xf32>,
      %swap3A_1121 = vector.shape_cast %swap3A_1120 : vector<1x16xf32> to vector<16xf32>
      %swap3A_1122 = vector.shape_cast %add3A_1117 : vector<16xf32> to vector<1x16xf32>
      tpu.vector_store %arg18[%swap3A_1118, %swap3A_1119], %swap3A_1122 {strides = array<i32>} : memref<16x1024xf32, #tpu.memory_space<vmem>>, vector<1x16xf32>,
      %add3A_1123 = arith.addf %add3A_1101, %add3A_1117 : vector<16xf32>
      %mul3A_1124 = arith.mulf %add3A_1117, %add3A_1117 : vector<16xf32>
      %add3A_1125 = arith.addf %add3A_1103, %mul3A_1124 : vector<16xf32>
      %get3A_1126 = arith.index_cast %scan3A_45 : i32 to index
      %get3A_1127 = arith.constant 784 : index
      %get3A_1128 = tpu.vector_load %arg12[%get3A_1126, %get3A_1127] {strides = array<i32>} : memref<16x1024xf32, #tpu.memory_space<vmem>>, vector<1x16xf32>,
      %get3A_1129 = vector.shape_cast %get3A_1128 : vector<1x16xf32> to vector<16xf32>
      %get3A_1130 = arith.index_cast %scan3A_45 : i32 to index
      %get3A_1131 = arith.constant 784 : index
      %get3A_1132 = tpu.vector_load %arg13[%get3A_1130, %get3A_1131] {strides = array<i32>} : memref<16x1024xf32, #tpu.memory_space<vmem>>, vector<1x16xf32>,
      %get3A_1133 = vector.shape_cast %get3A_1132 : vector<1x16xf32> to vector<16xf32>
      %add3A_1134 = arith.addf %get3A_1129, %get3A_1133 : vector<16xf32>
      %get3A_1135 = arith.index_cast %scan3A_45 : i32 to index
      %get3A_1136 = arith.constant 784 : index
      %get3A_1137 = tpu.vector_load %arg14[%get3A_1135, %get3A_1136] {strides = array<i32>} : memref<16x1024xf32, #tpu.memory_space<vmem>>, vector<1x16xf32>,
      %get3A_1138 = vector.shape_cast %get3A_1137 : vector<1x16xf32> to vector<16xf32>
      %add3A_1139 = arith.addf %add3A_1134, %get3A_1138 : vector<16xf32>
      %swap3A_1140 = arith.index_cast %scan3A_45 : i32 to index
      %swap3A_1141 = arith.constant 784 : index
      %swap3A_1142 = tpu.vector_load %arg18[%swap3A_1140, %swap3A_1141] {strides = array<i32>} : memref<16x1024xf32, #tpu.memory_space<vmem>>, vector<1x16xf32>,
      %swap3A_1143 = vector.shape_cast %swap3A_1142 : vector<1x16xf32> to vector<16xf32>
      %swap3A_1144 = vector.shape_cast %add3A_1139 : vector<16xf32> to vector<1x16xf32>
      tpu.vector_store %arg18[%swap3A_1140, %swap3A_1141], %swap3A_1144 {strides = array<i32>} : memref<16x1024xf32, #tpu.memory_space<vmem>>, vector<1x16xf32>,
      %add3A_1145 = arith.addf %add3A_1123, %add3A_1139 : vector<16xf32>
      %mul3A_1146 = arith.mulf %add3A_1139, %add3A_1139 : vector<16xf32>
      %add3A_1147 = arith.addf %add3A_1125, %mul3A_1146 : vector<16xf32>
      %get3A_1148 = arith.index_cast %scan3A_45 : i32 to index
      %get3A_1149 = arith.constant 800 : index
      %get3A_1150 = tpu.vector_load %arg12[%get3A_1148, %get3A_1149] {strides = array<i32>} : memref<16x1024xf32, #tpu.memory_space<vmem>>, vector<1x16xf32>,
      %get3A_1151 = vector.shape_cast %get3A_1150 : vector<1x16xf32> to vector<16xf32>
      %get3A_1152 = arith.index_cast %scan3A_45 : i32 to index
      %get3A_1153 = arith.constant 800 : index
      %get3A_1154 = tpu.vector_load %arg13[%get3A_1152, %get3A_1153] {strides = array<i32>} : memref<16x1024xf32, #tpu.memory_space<vmem>>, vector<1x16xf32>,
      %get3A_1155 = vector.shape_cast %get3A_1154 : vector<1x16xf32> to vector<16xf32>
      %add3A_1156 = arith.addf %get3A_1151, %get3A_1155 : vector<16xf32>
      %get3A_1157 = arith.index_cast %scan3A_45 : i32 to index
      %get3A_1158 = arith.constant 800 : index
      %get3A_1159 = tpu.vector_load %arg14[%get3A_1157, %get3A_1158] {strides = array<i32>} : memref<16x1024xf32, #tpu.memory_space<vmem>>, vector<1x16xf32>,
      %get3A_1160 = vector.shape_cast %get3A_1159 : vector<1x16xf32> to vector<16xf32>
      %add3A_1161 = arith.addf %add3A_1156, %get3A_1160 : vector<16xf32>
      %swap3A_1162 = arith.index_cast %scan3A_45 : i32 to index
      %swap3A_1163 = arith.constant 800 : index
      %swap3A_1164 = tpu.vector_load %arg18[%swap3A_1162, %swap3A_1163] {strides = array<i32>} : memref<16x1024xf32, #tpu.memory_space<vmem>>, vector<1x16xf32>,
      %swap3A_1165 = vector.shape_cast %swap3A_1164 : vector<1x16xf32> to vector<16xf32>
      %swap3A_1166 = vector.shape_cast %add3A_1161 : vector<16xf32> to vector<1x16xf32>
      tpu.vector_store %arg18[%swap3A_1162, %swap3A_1163], %swap3A_1166 {strides = array<i32>} : memref<16x1024xf32, #tpu.memory_space<vmem>>, vector<1x16xf32>,
      %add3A_1167 = arith.addf %add3A_1145, %add3A_1161 : vector<16xf32>
      %mul3A_1168 = arith.mulf %add3A_1161, %add3A_1161 : vector<16xf32>
      %add3A_1169 = arith.addf %add3A_1147, %mul3A_1168 : vector<16xf32>
      %get3A_1170 = arith.index_cast %scan3A_45 : i32 to index
      %get3A_1171 = arith.constant 816 : index
      %get3A_1172 = tpu.vector_load %arg12[%get3A_1170, %get3A_1171] {strides = array<i32>} : memref<16x1024xf32, #tpu.memory_space<vmem>>, vector<1x16xf32>,
      %get3A_1173 = vector.shape_cast %get3A_1172 : vector<1x16xf32> to vector<16xf32>
      %get3A_1174 = arith.index_cast %scan3A_45 : i32 to index
      %get3A_1175 = arith.constant 816 : index
      %get3A_1176 = tpu.vector_load %arg13[%get3A_1174, %get3A_1175] {strides = array<i32>} : memref<16x1024xf32, #tpu.memory_space<vmem>>, vector<1x16xf32>,
      %get3A_1177 = vector.shape_cast %get3A_1176 : vector<1x16xf32> to vector<16xf32>
      %add3A_1178 = arith.addf %get3A_1173, %get3A_1177 : vector<16xf32>
      %get3A_1179 = arith.index_cast %scan3A_45 : i32 to index
      %get3A_1180 = arith.constant 816 : index
      %get3A_1181 = tpu.vector_load %arg14[%get3A_1179, %get3A_1180] {strides = array<i32>} : memref<16x1024xf32, #tpu.memory_space<vmem>>, vector<1x16xf32>,
      %get3A_1182 = vector.shape_cast %get3A_1181 : vector<1x16xf32> to vector<16xf32>
      %add3A_1183 = arith.addf %add3A_1178, %get3A_1182 : vector<16xf32>
      %swap3A_1184 = arith.index_cast %scan3A_45 : i32 to index
      %swap3A_1185 = arith.constant 816 : index
      %swap3A_1186 = tpu.vector_load %arg18[%swap3A_1184, %swap3A_1185] {strides = array<i32>} : memref<16x1024xf32, #tpu.memory_space<vmem>>, vector<1x16xf32>,
      %swap3A_1187 = vector.shape_cast %swap3A_1186 : vector<1x16xf32> to vector<16xf32>
      %swap3A_1188 = vector.shape_cast %add3A_1183 : vector<16xf32> to vector<1x16xf32>
      tpu.vector_store %arg18[%swap3A_1184, %swap3A_1185], %swap3A_1188 {strides = array<i32>} : memref<16x1024xf32, #tpu.memory_space<vmem>>, vector<1x16xf32>,
      %add3A_1189 = arith.addf %add3A_1167, %add3A_1183 : vector<16xf32>
      %mul3A_1190 = arith.mulf %add3A_1183, %add3A_1183 : vector<16xf32>
      %add3A_1191 = arith.addf %add3A_1169, %mul3A_1190 : vector<16xf32>
      %get3A_1192 = arith.index_cast %scan3A_45 : i32 to index
      %get3A_1193 = arith.constant 832 : index
      %get3A_1194 = tpu.vector_load %arg12[%get3A_1192, %get3A_1193] {strides = array<i32>} : memref<16x1024xf32, #tpu.memory_space<vmem>>, vector<1x16xf32>,
      %get3A_1195 = vector.shape_cast %get3A_1194 : vector<1x16xf32> to vector<16xf32>
      %get3A_1196 = arith.index_cast %scan3A_45 : i32 to index
      %get3A_1197 = arith.constant 832 : index
      %get3A_1198 = tpu.vector_load %arg13[%get3A_1196, %get3A_1197] {strides = array<i32>} : memref<16x1024xf32, #tpu.memory_space<vmem>>, vector<1x16xf32>,
      %get3A_1199 = vector.shape_cast %get3A_1198 : vector<1x16xf32> to vector<16xf32>
      %add3A_1200 = arith.addf %get3A_1195, %get3A_1199 : vector<16xf32>
      %get3A_1201 = arith.index_cast %scan3A_45 : i32 to index
      %get3A_1202 = arith.constant 832 : index
      %get3A_1203 = tpu.vector_load %arg14[%get3A_1201, %get3A_1202] {strides = array<i32>} : memref<16x1024xf32, #tpu.memory_space<vmem>>, vector<1x16xf32>,
      %get3A_1204 = vector.shape_cast %get3A_1203 : vector<1x16xf32> to vector<16xf32>
      %add3A_1205 = arith.addf %add3A_1200, %get3A_1204 : vector<16xf32>
      %swap3A_1206 = arith.index_cast %scan3A_45 : i32 to index
      %swap3A_1207 = arith.constant 832 : index
      %swap3A_1208 = tpu.vector_load %arg18[%swap3A_1206, %swap3A_1207] {strides = array<i32>} : memref<16x1024xf32, #tpu.memory_space<vmem>>, vector<1x16xf32>,
      %swap3A_1209 = vector.shape_cast %swap3A_1208 : vector<1x16xf32> to vector<16xf32>
      %swap3A_1210 = vector.shape_cast %add3A_1205 : vector<16xf32> to vector<1x16xf32>
      tpu.vector_store %arg18[%swap3A_1206, %swap3A_1207], %swap3A_1210 {strides = array<i32>} : memref<16x1024xf32, #tpu.memory_space<vmem>>, vector<1x16xf32>,
      %add3A_1211 = arith.addf %add3A_1189, %add3A_1205 : vector<16xf32>
      %mul3A_1212 = arith.mulf %add3A_1205, %add3A_1205 : vector<16xf32>
      %add3A_1213 = arith.addf %add3A_1191, %mul3A_1212 : vector<16xf32>
      %get3A_1214 = arith.index_cast %scan3A_45 : i32 to index
      %get3A_1215 = arith.constant 848 : index
      %get3A_1216 = tpu.vector_load %arg12[%get3A_1214, %get3A_1215] {strides = array<i32>} : memref<16x1024xf32, #tpu.memory_space<vmem>>, vector<1x16xf32>,
      %get3A_1217 = vector.shape_cast %get3A_1216 : vector<1x16xf32> to vector<16xf32>
      %get3A_1218 = arith.index_cast %scan3A_45 : i32 to index
      %get3A_1219 = arith.constant 848 : index
      %get3A_1220 = tpu.vector_load %arg13[%get3A_1218, %get3A_1219] {strides = array<i32>} : memref<16x1024xf32, #tpu.memory_space<vmem>>, vector<1x16xf32>,
      %get3A_1221 = vector.shape_cast %get3A_1220 : vector<1x16xf32> to vector<16xf32>
      %add3A_1222 = arith.addf %get3A_1217, %get3A_1221 : vector<16xf32>
      %get3A_1223 = arith.index_cast %scan3A_45 : i32 to index
      %get3A_1224 = arith.constant 848 : index
      %get3A_1225 = tpu.vector_load %arg14[%get3A_1223, %get3A_1224] {strides = array<i32>} : memref<16x1024xf32, #tpu.memory_space<vmem>>, vector<1x16xf32>,
      %get3A_1226 = vector.shape_cast %get3A_1225 : vector<1x16xf32> to vector<16xf32>
      %add3A_1227 = arith.addf %add3A_1222, %get3A_1226 : vector<16xf32>
      %swap3A_1228 = arith.index_cast %scan3A_45 : i32 to index
      %swap3A_1229 = arith.constant 848 : index
      %swap3A_1230 = tpu.vector_load %arg18[%swap3A_1228, %swap3A_1229] {strides = array<i32>} : memref<16x1024xf32, #tpu.memory_space<vmem>>, vector<1x16xf32>,
      %swap3A_1231 = vector.shape_cast %swap3A_1230 : vector<1x16xf32> to vector<16xf32>
      %swap3A_1232 = vector.shape_cast %add3A_1227 : vector<16xf32> to vector<1x16xf32>
      tpu.vector_store %arg18[%swap3A_1228, %swap3A_1229], %swap3A_1232 {strides = array<i32>} : memref<16x1024xf32, #tpu.memory_space<vmem>>, vector<1x16xf32>,
      %add3A_1233 = arith.addf %add3A_1211, %add3A_1227 : vector<16xf32>
      %mul3A_1234 = arith.mulf %add3A_1227, %add3A_1227 : vector<16xf32>
      %add3A_1235 = arith.addf %add3A_1213, %mul3A_1234 : vector<16xf32>
      %get3A_1236 = arith.index_cast %scan3A_45 : i32 to index
      %get3A_1237 = arith.constant 864 : index
      %get3A_1238 = tpu.vector_load %arg12[%get3A_1236, %get3A_1237] {strides = array<i32>} : memref<16x1024xf32, #tpu.memory_space<vmem>>, vector<1x16xf32>,
      %get3A_1239 = vector.shape_cast %get3A_1238 : vector<1x16xf32> to vector<16xf32>
      %get3A_1240 = arith.index_cast %scan3A_45 : i32 to index
      %get3A_1241 = arith.constant 864 : index
      %get3A_1242 = tpu.vector_load %arg13[%get3A_1240, %get3A_1241] {strides = array<i32>} : memref<16x1024xf32, #tpu.memory_space<vmem>>, vector<1x16xf32>,
      %get3A_1243 = vector.shape_cast %get3A_1242 : vector<1x16xf32> to vector<16xf32>
      %add3A_1244 = arith.addf %get3A_1239, %get3A_1243 : vector<16xf32>
      %get3A_1245 = arith.index_cast %scan3A_45 : i32 to index
      %get3A_1246 = arith.constant 864 : index
      %get3A_1247 = tpu.vector_load %arg14[%get3A_1245, %get3A_1246] {strides = array<i32>} : memref<16x1024xf32, #tpu.memory_space<vmem>>, vector<1x16xf32>,
      %get3A_1248 = vector.shape_cast %get3A_1247 : vector<1x16xf32> to vector<16xf32>
      %add3A_1249 = arith.addf %add3A_1244, %get3A_1248 : vector<16xf32>
      %swap3A_1250 = arith.index_cast %scan3A_45 : i32 to index
      %swap3A_1251 = arith.constant 864 : index
      %swap3A_1252 = tpu.vector_load %arg18[%swap3A_1250, %swap3A_1251] {strides = array<i32>} : memref<16x1024xf32, #tpu.memory_space<vmem>>, vector<1x16xf32>,
      %swap3A_1253 = vector.shape_cast %swap3A_1252 : vector<1x16xf32> to vector<16xf32>
      %swap3A_1254 = vector.shape_cast %add3A_1249 : vector<16xf32> to vector<1x16xf32>
      tpu.vector_store %arg18[%swap3A_1250, %swap3A_1251], %swap3A_1254 {strides = array<i32>} : memref<16x1024xf32, #tpu.memory_space<vmem>>, vector<1x16xf32>,
      %add3A_1255 = arith.addf %add3A_1233, %add3A_1249 : vector<16xf32>
      %mul3A_1256 = arith.mulf %add3A_1249, %add3A_1249 : vector<16xf32>
      %add3A_1257 = arith.addf %add3A_1235, %mul3A_1256 : vector<16xf32>
      %get3A_1258 = arith.index_cast %scan3A_45 : i32 to index
      %get3A_1259 = arith.constant 880 : index
      %get3A_1260 = tpu.vector_load %arg12[%get3A_1258, %get3A_1259] {strides = array<i32>} : memref<16x1024xf32, #tpu.memory_space<vmem>>, vector<1x16xf32>,
      %get3A_1261 = vector.shape_cast %get3A_1260 : vector<1x16xf32> to vector<16xf32>
      %get3A_1262 = arith.index_cast %scan3A_45 : i32 to index
      %get3A_1263 = arith.constant 880 : index
      %get3A_1264 = tpu.vector_load %arg13[%get3A_1262, %get3A_1263] {strides = array<i32>} : memref<16x1024xf32, #tpu.memory_space<vmem>>, vector<1x16xf32>,
      %get3A_1265 = vector.shape_cast %get3A_1264 : vector<1x16xf32> to vector<16xf32>
      %add3A_1266 = arith.addf %get3A_1261, %get3A_1265 : vector<16xf32>
      %get3A_1267 = arith.index_cast %scan3A_45 : i32 to index
      %get3A_1268 = arith.constant 880 : index
      %get3A_1269 = tpu.vector_load %arg14[%get3A_1267, %get3A_1268] {strides = array<i32>} : memref<16x1024xf32, #tpu.memory_space<vmem>>, vector<1x16xf32>,
      %get3A_1270 = vector.shape_cast %get3A_1269 : vector<1x16xf32> to vector<16xf32>
      %add3A_1271 = arith.addf %add3A_1266, %get3A_1270 : vector<16xf32>
      %swap3A_1272 = arith.index_cast %scan3A_45 : i32 to index
      %swap3A_1273 = arith.constant 880 : index
      %swap3A_1274 = tpu.vector_load %arg18[%swap3A_1272, %swap3A_1273] {strides = array<i32>} : memref<16x1024xf32, #tpu.memory_space<vmem>>, vector<1x16xf32>,
      %swap3A_1275 = vector.shape_cast %swap3A_1274 : vector<1x16xf32> to vector<16xf32>
      %swap3A_1276 = vector.shape_cast %add3A_1271 : vector<16xf32> to vector<1x16xf32>
      tpu.vector_store %arg18[%swap3A_1272, %swap3A_1273], %swap3A_1276 {strides = array<i32>} : memref<16x1024xf32, #tpu.memory_space<vmem>>, vector<1x16xf32>,
      %add3A_1277 = arith.addf %add3A_1255, %add3A_1271 : vector<16xf32>
      %mul3A_1278 = arith.mulf %add3A_1271, %add3A_1271 : vector<16xf32>
      %add3A_1279 = arith.addf %add3A_1257, %mul3A_1278 : vector<16xf32>
      %get3A_1280 = arith.index_cast %scan3A_45 : i32 to index
      %get3A_1281 = arith.constant 896 : index
      %get3A_1282 = tpu.vector_load %arg12[%get3A_1280, %get3A_1281] {strides = array<i32>} : memref<16x1024xf32, #tpu.memory_space<vmem>>, vector<1x16xf32>,
      %get3A_1283 = vector.shape_cast %get3A_1282 : vector<1x16xf32> to vector<16xf32>
      %get3A_1284 = arith.index_cast %scan3A_45 : i32 to index
      %get3A_1285 = arith.constant 896 : index
      %get3A_1286 = tpu.vector_load %arg13[%get3A_1284, %get3A_1285] {strides = array<i32>} : memref<16x1024xf32, #tpu.memory_space<vmem>>, vector<1x16xf32>,
      %get3A_1287 = vector.shape_cast %get3A_1286 : vector<1x16xf32> to vector<16xf32>
      %add3A_1288 = arith.addf %get3A_1283, %get3A_1287 : vector<16xf32>
      %get3A_1289 = arith.index_cast %scan3A_45 : i32 to index
      %get3A_1290 = arith.constant 896 : index
      %get3A_1291 = tpu.vector_load %arg14[%get3A_1289, %get3A_1290] {strides = array<i32>} : memref<16x1024xf32, #tpu.memory_space<vmem>>, vector<1x16xf32>,
      %get3A_1292 = vector.shape_cast %get3A_1291 : vector<1x16xf32> to vector<16xf32>
      %add3A_1293 = arith.addf %add3A_1288, %get3A_1292 : vector<16xf32>
      %swap3A_1294 = arith.index_cast %scan3A_45 : i32 to index
      %swap3A_1295 = arith.constant 896 : index
      %swap3A_1296 = tpu.vector_load %arg18[%swap3A_1294, %swap3A_1295] {strides = array<i32>} : memref<16x1024xf32, #tpu.memory_space<vmem>>, vector<1x16xf32>,
      %swap3A_1297 = vector.shape_cast %swap3A_1296 : vector<1x16xf32> to vector<16xf32>
      %swap3A_1298 = vector.shape_cast %add3A_1293 : vector<16xf32> to vector<1x16xf32>
      tpu.vector_store %arg18[%swap3A_1294, %swap3A_1295], %swap3A_1298 {strides = array<i32>} : memref<16x1024xf32, #tpu.memory_space<vmem>>, vector<1x16xf32>,
      %add3A_1299 = arith.addf %add3A_1277, %add3A_1293 : vector<16xf32>
      %mul3A_1300 = arith.mulf %add3A_1293, %add3A_1293 : vector<16xf32>
      %add3A_1301 = arith.addf %add3A_1279, %mul3A_1300 : vector<16xf32>
      %get3A_1302 = arith.index_cast %scan3A_45 : i32 to index
      %get3A_1303 = arith.constant 912 : index
      %get3A_1304 = tpu.vector_load %arg12[%get3A_1302, %get3A_1303] {strides = array<i32>} : memref<16x1024xf32, #tpu.memory_space<vmem>>, vector<1x16xf32>,
      %get3A_1305 = vector.shape_cast %get3A_1304 : vector<1x16xf32> to vector<16xf32>
      %get3A_1306 = arith.index_cast %scan3A_45 : i32 to index
      %get3A_1307 = arith.constant 912 : index
      %get3A_1308 = tpu.vector_load %arg13[%get3A_1306, %get3A_1307] {strides = array<i32>} : memref<16x1024xf32, #tpu.memory_space<vmem>>, vector<1x16xf32>,
      %get3A_1309 = vector.shape_cast %get3A_1308 : vector<1x16xf32> to vector<16xf32>
      %add3A_1310 = arith.addf %get3A_1305, %get3A_1309 : vector<16xf32>
      %get3A_1311 = arith.index_cast %scan3A_45 : i32 to index
      %get3A_1312 = arith.constant 912 : index
      %get3A_1313 = tpu.vector_load %arg14[%get3A_1311, %get3A_1312] {strides = array<i32>} : memref<16x1024xf32, #tpu.memory_space<vmem>>, vector<1x16xf32>,
      %get3A_1314 = vector.shape_cast %get3A_1313 : vector<1x16xf32> to vector<16xf32>
      %add3A_1315 = arith.addf %add3A_1310, %get3A_1314 : vector<16xf32>
      %swap3A_1316 = arith.index_cast %scan3A_45 : i32 to index
      %swap3A_1317 = arith.constant 912 : index
      %swap3A_1318 = tpu.vector_load %arg18[%swap3A_1316, %swap3A_1317] {strides = array<i32>} : memref<16x1024xf32, #tpu.memory_space<vmem>>, vector<1x16xf32>,
      %swap3A_1319 = vector.shape_cast %swap3A_1318 : vector<1x16xf32> to vector<16xf32>
      %swap3A_1320 = vector.shape_cast %add3A_1315 : vector<16xf32> to vector<1x16xf32>
      tpu.vector_store %arg18[%swap3A_1316, %swap3A_1317], %swap3A_1320 {strides = array<i32>} : memref<16x1024xf32, #tpu.memory_space<vmem>>, vector<1x16xf32>,
      %add3A_1321 = arith.addf %add3A_1299, %add3A_1315 : vector<16xf32>
      %mul3A_1322 = arith.mulf %add3A_1315, %add3A_1315 : vector<16xf32>
      %add3A_1323 = arith.addf %add3A_1301, %mul3A_1322 : vector<16xf32>
      %get3A_1324 = arith.index_cast %scan3A_45 : i32 to index
      %get3A_1325 = arith.constant 928 : index
      %get3A_1326 = tpu.vector_load %arg12[%get3A_1324, %get3A_1325] {strides = array<i32>} : memref<16x1024xf32, #tpu.memory_space<vmem>>, vector<1x16xf32>,
      %get3A_1327 = vector.shape_cast %get3A_1326 : vector<1x16xf32> to vector<16xf32>
      %get3A_1328 = arith.index_cast %scan3A_45 : i32 to index
      %get3A_1329 = arith.constant 928 : index
      %get3A_1330 = tpu.vector_load %arg13[%get3A_1328, %get3A_1329] {strides = array<i32>} : memref<16x1024xf32, #tpu.memory_space<vmem>>, vector<1x16xf32>,
      %get3A_1331 = vector.shape_cast %get3A_1330 : vector<1x16xf32> to vector<16xf32>
      %add3A_1332 = arith.addf %get3A_1327, %get3A_1331 : vector<16xf32>
      %get3A_1333 = arith.index_cast %scan3A_45 : i32 to index
      %get3A_1334 = arith.constant 928 : index
      %get3A_1335 = tpu.vector_load %arg14[%get3A_1333, %get3A_1334] {strides = array<i32>} : memref<16x1024xf32, #tpu.memory_space<vmem>>, vector<1x16xf32>,
      %get3A_1336 = vector.shape_cast %get3A_1335 : vector<1x16xf32> to vector<16xf32>
      %add3A_1337 = arith.addf %add3A_1332, %get3A_1336 : vector<16xf32>
      %swap3A_1338 = arith.index_cast %scan3A_45 : i32 to index
      %swap3A_1339 = arith.constant 928 : index
      %swap3A_1340 = tpu.vector_load %arg18[%swap3A_1338, %swap3A_1339] {strides = array<i32>} : memref<16x1024xf32, #tpu.memory_space<vmem>>, vector<1x16xf32>,
      %swap3A_1341 = vector.shape_cast %swap3A_1340 : vector<1x16xf32> to vector<16xf32>
      %swap3A_1342 = vector.shape_cast %add3A_1337 : vector<16xf32> to vector<1x16xf32>
      tpu.vector_store %arg18[%swap3A_1338, %swap3A_1339], %swap3A_1342 {strides = array<i32>} : memref<16x1024xf32, #tpu.memory_space<vmem>>, vector<1x16xf32>,
      %add3A_1343 = arith.addf %add3A_1321, %add3A_1337 : vector<16xf32>
      %mul3A_1344 = arith.mulf %add3A_1337, %add3A_1337 : vector<16xf32>
      %add3A_1345 = arith.addf %add3A_1323, %mul3A_1344 : vector<16xf32>
      %get3A_1346 = arith.index_cast %scan3A_45 : i32 to index
      %get3A_1347 = arith.constant 944 : index
      %get3A_1348 = tpu.vector_load %arg12[%get3A_1346, %get3A_1347] {strides = array<i32>} : memref<16x1024xf32, #tpu.memory_space<vmem>>, vector<1x16xf32>,
      %get3A_1349 = vector.shape_cast %get3A_1348 : vector<1x16xf32> to vector<16xf32>
      %get3A_1350 = arith.index_cast %scan3A_45 : i32 to index
      %get3A_1351 = arith.constant 944 : index
      %get3A_1352 = tpu.vector_load %arg13[%get3A_1350, %get3A_1351] {strides = array<i32>} : memref<16x1024xf32, #tpu.memory_space<vmem>>, vector<1x16xf32>,
      %get3A_1353 = vector.shape_cast %get3A_1352 : vector<1x16xf32> to vector<16xf32>
      %add3A_1354 = arith.addf %get3A_1349, %get3A_1353 : vector<16xf32>
      %get3A_1355 = arith.index_cast %scan3A_45 : i32 to index
      %get3A_1356 = arith.constant 944 : index
      %get3A_1357 = tpu.vector_load %arg14[%get3A_1355, %get3A_1356] {strides = array<i32>} : memref<16x1024xf32, #tpu.memory_space<vmem>>, vector<1x16xf32>,
      %get3A_1358 = vector.shape_cast %get3A_1357 : vector<1x16xf32> to vector<16xf32>
      %add3A_1359 = arith.addf %add3A_1354, %get3A_1358 : vector<16xf32>
      %swap3A_1360 = arith.index_cast %scan3A_45 : i32 to index
      %swap3A_1361 = arith.constant 944 : index
      %swap3A_1362 = tpu.vector_load %arg18[%swap3A_1360, %swap3A_1361] {strides = array<i32>} : memref<16x1024xf32, #tpu.memory_space<vmem>>, vector<1x16xf32>,
      %swap3A_1363 = vector.shape_cast %swap3A_1362 : vector<1x16xf32> to vector<16xf32>
      %swap3A_1364 = vector.shape_cast %add3A_1359 : vector<16xf32> to vector<1x16xf32>
      tpu.vector_store %arg18[%swap3A_1360, %swap3A_1361], %swap3A_1364 {strides = array<i32>} : memref<16x1024xf32, #tpu.memory_space<vmem>>, vector<1x16xf32>,
      %add3A_1365 = arith.addf %add3A_1343, %add3A_1359 : vector<16xf32>
      %mul3A_1366 = arith.mulf %add3A_1359, %add3A_1359 : vector<16xf32>
      %add3A_1367 = arith.addf %add3A_1345, %mul3A_1366 : vector<16xf32>
      %get3A_1368 = arith.index_cast %scan3A_45 : i32 to index
      %get3A_1369 = arith.constant 960 : index
      %get3A_1370 = tpu.vector_load %arg12[%get3A_1368, %get3A_1369] {strides = array<i32>} : memref<16x1024xf32, #tpu.memory_space<vmem>>, vector<1x16xf32>,
      %get3A_1371 = vector.shape_cast %get3A_1370 : vector<1x16xf32> to vector<16xf32>
      %get3A_1372 = arith.index_cast %scan3A_45 : i32 to index
      %get3A_1373 = arith.constant 960 : index
      %get3A_1374 = tpu.vector_load %arg13[%get3A_1372, %get3A_1373] {strides = array<i32>} : memref<16x1024xf32, #tpu.memory_space<vmem>>, vector<1x16xf32>,
      %get3A_1375 = vector.shape_cast %get3A_1374 : vector<1x16xf32> to vector<16xf32>
      %add3A_1376 = arith.addf %get3A_1371, %get3A_1375 : vector<16xf32>
      %get3A_1377 = arith.index_cast %scan3A_45 : i32 to index
      %get3A_1378 = arith.constant 960 : index
      %get3A_1379 = tpu.vector_load %arg14[%get3A_1377, %get3A_1378] {strides = array<i32>} : memref<16x1024xf32, #tpu.memory_space<vmem>>, vector<1x16xf32>,
      %get3A_1380 = vector.shape_cast %get3A_1379 : vector<1x16xf32> to vector<16xf32>
      %add3A_1381 = arith.addf %add3A_1376, %get3A_1380 : vector<16xf32>
      %swap3A_1382 = arith.index_cast %scan3A_45 : i32 to index
      %swap3A_1383 = arith.constant 960 : index
      %swap3A_1384 = tpu.vector_load %arg18[%swap3A_1382, %swap3A_1383] {strides = array<i32>} : memref<16x1024xf32, #tpu.memory_space<vmem>>, vector<1x16xf32>,
      %swap3A_1385 = vector.shape_cast %swap3A_1384 : vector<1x16xf32> to vector<16xf32>
      %swap3A_1386 = vector.shape_cast %add3A_1381 : vector<16xf32> to vector<1x16xf32>
      tpu.vector_store %arg18[%swap3A_1382, %swap3A_1383], %swap3A_1386 {strides = array<i32>} : memref<16x1024xf32, #tpu.memory_space<vmem>>, vector<1x16xf32>,
      %add3A_1387 = arith.addf %add3A_1365, %add3A_1381 : vector<16xf32>
      %mul3A_1388 = arith.mulf %add3A_1381, %add3A_1381 : vector<16xf32>
      %add3A_1389 = arith.addf %add3A_1367, %mul3A_1388 : vector<16xf32>
      %get3A_1390 = arith.index_cast %scan3A_45 : i32 to index
      %get3A_1391 = arith.constant 976 : index
      %get3A_1392 = tpu.vector_load %arg12[%get3A_1390, %get3A_1391] {strides = array<i32>} : memref<16x1024xf32, #tpu.memory_space<vmem>>, vector<1x16xf32>,
      %get3A_1393 = vector.shape_cast %get3A_1392 : vector<1x16xf32> to vector<16xf32>
      %get3A_1394 = arith.index_cast %scan3A_45 : i32 to index
      %get3A_1395 = arith.constant 976 : index
      %get3A_1396 = tpu.vector_load %arg13[%get3A_1394, %get3A_1395] {strides = array<i32>} : memref<16x1024xf32, #tpu.memory_space<vmem>>, vector<1x16xf32>,
      %get3A_1397 = vector.shape_cast %get3A_1396 : vector<1x16xf32> to vector<16xf32>
      %add3A_1398 = arith.addf %get3A_1393, %get3A_1397 : vector<16xf32>
      %get3A_1399 = arith.index_cast %scan3A_45 : i32 to index
      %get3A_1400 = arith.constant 976 : index
      %get3A_1401 = tpu.vector_load %arg14[%get3A_1399, %get3A_1400] {strides = array<i32>} : memref<16x1024xf32, #tpu.memory_space<vmem>>, vector<1x16xf32>,
      %get3A_1402 = vector.shape_cast %get3A_1401 : vector<1x16xf32> to vector<16xf32>
      %add3A_1403 = arith.addf %add3A_1398, %get3A_1402 : vector<16xf32>
      %swap3A_1404 = arith.index_cast %scan3A_45 : i32 to index
      %swap3A_1405 = arith.constant 976 : index
      %swap3A_1406 = tpu.vector_load %arg18[%swap3A_1404, %swap3A_1405] {strides = array<i32>} : memref<16x1024xf32, #tpu.memory_space<vmem>>, vector<1x16xf32>,
      %swap3A_1407 = vector.shape_cast %swap3A_1406 : vector<1x16xf32> to vector<16xf32>
      %swap3A_1408 = vector.shape_cast %add3A_1403 : vector<16xf32> to vector<1x16xf32>
      tpu.vector_store %arg18[%swap3A_1404, %swap3A_1405], %swap3A_1408 {strides = array<i32>} : memref<16x1024xf32, #tpu.memory_space<vmem>>, vector<1x16xf32>,
      %add3A_1409 = arith.addf %add3A_1387, %add3A_1403 : vector<16xf32>
      %mul3A_1410 = arith.mulf %add3A_1403, %add3A_1403 : vector<16xf32>
      %add3A_1411 = arith.addf %add3A_1389, %mul3A_1410 : vector<16xf32>
      %get3A_1412 = arith.index_cast %scan3A_45 : i32 to index
      %get3A_1413 = arith.constant 992 : index
      %get3A_1414 = tpu.vector_load %arg12[%get3A_1412, %get3A_1413] {strides = array<i32>} : memref<16x1024xf32, #tpu.memory_space<vmem>>, vector<1x16xf32>,
      %get3A_1415 = vector.shape_cast %get3A_1414 : vector<1x16xf32> to vector<16xf32>
      %get3A_1416 = arith.index_cast %scan3A_45 : i32 to index
      %get3A_1417 = arith.constant 992 : index
      %get3A_1418 = tpu.vector_load %arg13[%get3A_1416, %get3A_1417] {strides = array<i32>} : memref<16x1024xf32, #tpu.memory_space<vmem>>, vector<1x16xf32>,
      %get3A_1419 = vector.shape_cast %get3A_1418 : vector<1x16xf32> to vector<16xf32>
      %add3A_1420 = arith.addf %get3A_1415, %get3A_1419 : vector<16xf32>
      %get3A_1421 = arith.index_cast %scan3A_45 : i32 to index
      %get3A_1422 = arith.constant 992 : index
      %get3A_1423 = tpu.vector_load %arg14[%get3A_1421, %get3A_1422] {strides = array<i32>} : memref<16x1024xf32, #tpu.memory_space<vmem>>, vector<1x16xf32>,
      %get3A_1424 = vector.shape_cast %get3A_1423 : vector<1x16xf32> to vector<16xf32>
      %add3A_1425 = arith.addf %add3A_1420, %get3A_1424 : vector<16xf32>
      %swap3A_1426 = arith.index_cast %scan3A_45 : i32 to index
      %swap3A_1427 = arith.constant 992 : index
      %swap3A_1428 = tpu.vector_load %arg18[%swap3A_1426, %swap3A_1427] {strides = array<i32>} : memref<16x1024xf32, #tpu.memory_space<vmem>>, vector<1x16xf32>,
      %swap3A_1429 = vector.shape_cast %swap3A_1428 : vector<1x16xf32> to vector<16xf32>
      %swap3A_1430 = vector.shape_cast %add3A_1425 : vector<16xf32> to vector<1x16xf32>
      tpu.vector_store %arg18[%swap3A_1426, %swap3A_1427], %swap3A_1430 {strides = array<i32>} : memref<16x1024xf32, #tpu.memory_space<vmem>>, vector<1x16xf32>,
      %add3A_1431 = arith.addf %add3A_1409, %add3A_1425 : vector<16xf32>
      %mul3A_1432 = arith.mulf %add3A_1425, %add3A_1425 : vector<16xf32>
      %add3A_1433 = arith.addf %add3A_1411, %mul3A_1432 : vector<16xf32>
      %get3A_1434 = arith.index_cast %scan3A_45 : i32 to index
      %get3A_1435 = arith.constant 1008 : index
      %get3A_1436 = tpu.vector_load %arg12[%get3A_1434, %get3A_1435] {strides = array<i32>} : memref<16x1024xf32, #tpu.memory_space<vmem>>, vector<1x16xf32>,
      %get3A_1437 = vector.shape_cast %get3A_1436 : vector<1x16xf32> to vector<16xf32>
      %get3A_1438 = arith.index_cast %scan3A_45 : i32 to index
      %get3A_1439 = arith.constant 1008 : index
      %get3A_1440 = tpu.vector_load %arg13[%get3A_1438, %get3A_1439] {strides = array<i32>} : memref<16x1024xf32, #tpu.memory_space<vmem>>, vector<1x16xf32>,
      %get3A_1441 = vector.shape_cast %get3A_1440 : vector<1x16xf32> to vector<16xf32>
      %add3A_1442 = arith.addf %get3A_1437, %get3A_1441 : vector<16xf32>
      %get3A_1443 = arith.index_cast %scan3A_45 : i32 to index
      %get3A_1444 = arith.constant 1008 : index
      %get3A_1445 = tpu.vector_load %arg14[%get3A_1443, %get3A_1444] {strides = array<i32>} : memref<16x1024xf32, #tpu.memory_space<vmem>>, vector<1x16xf32>,
      %get3A_1446 = vector.shape_cast %get3A_1445 : vector<1x16xf32> to vector<16xf32>
      %add3A_1447 = arith.addf %add3A_1442, %get3A_1446 : vector<16xf32>
      %swap3A_1448 = arith.index_cast %scan3A_45 : i32 to index
      %swap3A_1449 = arith.constant 1008 : index
      %swap3A_1450 = tpu.vector_load %arg18[%swap3A_1448, %swap3A_1449] {strides = array<i32>} : memref<16x1024xf32, #tpu.memory_space<vmem>>, vector<1x16xf32>,
      %swap3A_1451 = vector.shape_cast %swap3A_1450 : vector<1x16xf32> to vector<16xf32>
      %swap3A_1452 = vector.shape_cast %add3A_1447 : vector<16xf32> to vector<1x16xf32>
      tpu.vector_store %arg18[%swap3A_1448, %swap3A_1449], %swap3A_1452 {strides = array<i32>} : memref<16x1024xf32, #tpu.memory_space<vmem>>, vector<1x16xf32>,
      %add3A_1453 = arith.addf %add3A_1431, %add3A_1447 : vector<16xf32>
      %mul3A_1454 = arith.mulf %add3A_1447, %add3A_1447 : vector<16xf32>
      %add3A_1455 = arith.addf %add3A_1433, %mul3A_1454 : vector<16xf32>
      %iota3A = tpu.iota {dimensions = array<i32: 0>} : vector<16xi32>
      %xor3A = arith.constant 8 : i32
      %xor3A_1456 = vector.broadcast %xor3A : i32 to vector<16xi32>
      %xor3A_1457 = arith.xori %iota3A, %xor3A_1456 : vector<16xi32>
      %broadcast_in_dim3A_1458 = vector.shape_cast %xor3A_1457 : vector<16xi32> to vector<16x1xi32>
      %gather3A = vector.shape_cast %broadcast_in_dim3A_1458 : vector<16x1xi32> to vector<16xi32>
      %gather3A_1459 = tpu.dynamic_gather %add3A_1453[%gather3A] in [0] : vector<16xf32>, vector<16xi32> -> vector<16xf32>
      %add3A_1460 = arith.addf %add3A_1453, %gather3A_1459 : vector<16xf32>
      %xor3A_1461 = arith.constant 4 : i32
      %xor3A_1462 = vector.broadcast %xor3A_1461 : i32 to vector<16xi32>
      %xor3A_1463 = arith.xori %iota3A, %xor3A_1462 : vector<16xi32>
      %broadcast_in_dim3A_1464 = vector.shape_cast %xor3A_1463 : vector<16xi32> to vector<16x1xi32>
      %gather3A_1465 = vector.shape_cast %broadcast_in_dim3A_1464 : vector<16x1xi32> to vector<16xi32>
      %gather3A_1466 = tpu.dynamic_gather %add3A_1460[%gather3A_1465] in [0] : vector<16xf32>, vector<16xi32> -> vector<16xf32>
      %add3A_1467 = arith.addf %add3A_1460, %gather3A_1466 : vector<16xf32>
      %xor3A_1468 = arith.constant 2 : i32
      %xor3A_1469 = vector.broadcast %xor3A_1468 : i32 to vector<16xi32>
      %xor3A_1470 = arith.xori %iota3A, %xor3A_1469 : vector<16xi32>
      %broadcast_in_dim3A_1471 = vector.shape_cast %xor3A_1470 : vector<16xi32> to vector<16x1xi32>
      %gather3A_1472 = vector.shape_cast %broadcast_in_dim3A_1471 : vector<16x1xi32> to vector<16xi32>
      %gather3A_1473 = tpu.dynamic_gather %add3A_1467[%gather3A_1472] in [0] : vector<16xf32>, vector<16xi32> -> vector<16xf32>
      %add3A_1474 = arith.addf %add3A_1467, %gather3A_1473 : vector<16xf32>
      %xor3A_1475 = arith.constant 1 : i32
      %xor3A_1476 = vector.broadcast %xor3A_1475 : i32 to vector<16xi32>
      %xor3A_1477 = arith.xori %iota3A, %xor3A_1476 : vector<16xi32>
      %broadcast_in_dim3A_1478 = vector.shape_cast %xor3A_1477 : vector<16xi32> to vector<16x1xi32>
      %gather3A_1479 = vector.shape_cast %broadcast_in_dim3A_1478 : vector<16x1xi32> to vector<16xi32>
      %gather3A_1480 = tpu.dynamic_gather %add3A_1474[%gather3A_1479] in [0] : vector<16xf32>, vector<16xi32> -> vector<16xf32>
      %add3A_1481 = arith.addf %add3A_1474, %gather3A_1480 : vector<16xf32>
      %mul3A_1482 = arith.constant 9.765625E-4 : f32
      %mul3A_1483 = vector.broadcast %mul3A_1482 : f32 to vector<16xf32>
      %mul3A_1484 = arith.mulf %add3A_1481, %mul3A_1483 : vector<16xf32>
      %iota3A_1485 = tpu.iota {dimensions = array<i32: 0>} : vector<16xi32>
      %xor3A_1486 = arith.constant 8 : i32
      %xor3A_1487 = vector.broadcast %xor3A_1486 : i32 to vector<16xi32>
      %xor3A_1488 = arith.xori %iota3A_1485, %xor3A_1487 : vector<16xi32>
      %broadcast_in_dim3A_1489 = vector.shape_cast %xor3A_1488 : vector<16xi32> to vector<16x1xi32>
      %gather3A_1490 = vector.shape_cast %broadcast_in_dim3A_1489 : vector<16x1xi32> to vector<16xi32>
      %gather3A_1491 = tpu.dynamic_gather %add3A_1455[%gather3A_1490] in [0] : vector<16xf32>, vector<16xi32> -> vector<16xf32>
      %add3A_1492 = arith.addf %add3A_1455, %gather3A_1491 : vector<16xf32>
      %xor3A_1493 = arith.constant 4 : i32
      %xor3A_1494 = vector.broadcast %xor3A_1493 : i32 to vector<16xi32>
      %xor3A_1495 = arith.xori %iota3A_1485, %xor3A_1494 : vector<16xi32>
      %broadcast_in_dim3A_1496 = vector.shape_cast %xor3A_1495 : vector<16xi32> to vector<16x1xi32>
      %gather3A_1497 = vector.shape_cast %broadcast_in_dim3A_1496 : vector<16x1xi32> to vector<16xi32>
      %gather3A_1498 = tpu.dynamic_gather %add3A_1492[%gather3A_1497] in [0] : vector<16xf32>, vector<16xi32> -> vector<16xf32>
      %add3A_1499 = arith.addf %add3A_1492, %gather3A_1498 : vector<16xf32>
      %xor3A_1500 = arith.constant 2 : i32
      %xor3A_1501 = vector.broadcast %xor3A_1500 : i32 to vector<16xi32>
      %xor3A_1502 = arith.xori %iota3A_1485, %xor3A_1501 : vector<16xi32>
      %broadcast_in_dim3A_1503 = vector.shape_cast %xor3A_1502 : vector<16xi32> to vector<16x1xi32>
      %gather3A_1504 = vector.shape_cast %broadcast_in_dim3A_1503 : vector<16x1xi32> to vector<16xi32>
      %gather3A_1505 = tpu.dynamic_gather %add3A_1499[%gather3A_1504] in [0] : vector<16xf32>, vector<16xi32> -> vector<16xf32>
      %add3A_1506 = arith.addf %add3A_1499, %gather3A_1505 : vector<16xf32>
      %xor3A_1507 = arith.constant 1 : i32
      %xor3A_1508 = vector.broadcast %xor3A_1507 : i32 to vector<16xi32>
      %xor3A_1509 = arith.xori %iota3A_1485, %xor3A_1508 : vector<16xi32>
      %broadcast_in_dim3A_1510 = vector.shape_cast %xor3A_1509 : vector<16xi32> to vector<16x1xi32>
      %gather3A_1511 = vector.shape_cast %broadcast_in_dim3A_1510 : vector<16x1xi32> to vector<16xi32>
      %gather3A_1512 = tpu.dynamic_gather %add3A_1506[%gather3A_1511] in [0] : vector<16xf32>, vector<16xi32> -> vector<16xf32>
      %add3A_1513 = arith.addf %add3A_1506, %gather3A_1512 : vector<16xf32>
      %mul3A_1514 = arith.constant 9.765625E-4 : f32
      %mul3A_1515 = vector.broadcast %mul3A_1514 : f32 to vector<16xf32>
      %mul3A_1516 = arith.mulf %add3A_1513, %mul3A_1515 : vector<16xf32>
      %mul3A_1517 = arith.mulf %mul3A_1484, %mul3A_1484 : vector<16xf32>
      %sub3A = arith.subf %mul3A_1516, %mul3A_1517 : vector<16xf32>
      %max3A = arith.constant 0.000000e+00 : f32
      %max3A_1518 = vector.broadcast %max3A : f32 to vector<16xf32>
      %max3A_1519 = arith.maximumf %sub3A, %max3A_1518 : vector<16xf32>
      %add3A_1520 = arith.constant 9.99999974E-6 : f32
      %add3A_1521 = vector.broadcast %add3A_1520 : f32 to vector<16xf32>
      %add3A_1522 = arith.addf %max3A_1519, %add3A_1521 : vector<16xf32>
      %broadcast_in_dim3A_1523 = arith.constant 1.000000e+00 : f32
      %broadcast_in_dim3A_1524 = vector.broadcast %broadcast_in_dim3A_1523 : f32 to vector<16xf32>
      %mul3A_1525 = arith.mulf %add3A_1522, %broadcast_in_dim3A_1524 : vector<16xf32>
      %mul3A_1526 = arith.mulf %mul3A_1525, %broadcast_in_dim3A_1524 : vector<16xf32>
      %ge3A = arith.constant 1.84467441E+19 : f32
      %ge3A_1527 = vector.broadcast %ge3A : f32 to vector<16xf32>
      %ge3A_1528 = arith.cmpf oge, %mul3A_1526, %ge3A_1527 : vector<16xf32>
      %jit3A = arith.constant 2.32830644E-10 : f32
      %jit3A_1529 = arith.constant 1.000000e+00 : f32
      %broadcast_in_dim3A_1530 = vector.broadcast %jit3A : f32 to vector<16xf32>
      %broadcast_in_dim3A_1531 = vector.broadcast %jit3A_1529 : f32 to vector<16xf32>
      %select_n3A = arith.select %ge3A_1528, %broadcast_in_dim3A_1530, %broadcast_in_dim3A_1531 : vector<16xi1>, vector<16xf32>
      %mul3A_1532 = arith.mulf %broadcast_in_dim3A_1524, %select_n3A : vector<16xf32>
      %lt3A = arith.constant 5.42101086E-20 : f32
      %lt3A_1533 = vector.broadcast %lt3A : f32 to vector<16xf32>
      %lt3A_1534 = arith.cmpf olt, %mul3A_1526, %lt3A_1533 : vector<16xf32>
      %jit3A_1535 = arith.constant 4.2949673E+9 : f32
      %jit3A_1536 = arith.constant 1.000000e+00 : f32
      %broadcast_in_dim3A_1537 = vector.broadcast %jit3A_1535 : f32 to vector<16xf32>
      %broadcast_in_dim3A_1538 = vector.broadcast %jit3A_1536 : f32 to vector<16xf32>
      %select_n3A_1539 = arith.select %lt3A_1534, %broadcast_in_dim3A_1537, %broadcast_in_dim3A_1538 : vector<16xi1>, vector<16xf32>
      %mul3A_1540 = arith.mulf %mul3A_1532, %select_n3A_1539 : vector<16xf32>
      %mul3A_1541 = arith.mulf %add3A_1522, %mul3A_1540 : vector<16xf32>
      %mul3A_1542 = arith.mulf %mul3A_1541, %mul3A_1540 : vector<16xf32>
      %ge3A_1543 = arith.constant 4.2949673E+9 : f32
      %ge3A_1544 = vector.broadcast %ge3A_1543 : f32 to vector<16xf32>
      %ge3A_1545 = arith.cmpf oge, %mul3A_1542, %ge3A_1544 : vector<16xf32>
      %jit3A_1546 = arith.constant 1.52587891E-5 : f32
      %jit3A_1547 = arith.constant 1.000000e+00 : f32
      %broadcast_in_dim3A_1548 = vector.broadcast %jit3A_1546 : f32 to vector<16xf32>
      %broadcast_in_dim3A_1549 = vector.broadcast %jit3A_1547 : f32 to vector<16xf32>
      %select_n3A_1550 = arith.select %ge3A_1545, %broadcast_in_dim3A_1548, %broadcast_in_dim3A_1549 : vector<16xi1>, vector<16xf32>
      %mul3A_1551 = arith.mulf %mul3A_1540, %select_n3A_1550 : vector<16xf32>
      %lt3A_1552 = arith.constant 2.32830644E-10 : f32
      %lt3A_1553 = vector.broadcast %lt3A_1552 : f32 to vector<16xf32>
      %lt3A_1554 = arith.cmpf olt, %mul3A_1542, %lt3A_1553 : vector<16xf32>
      %jit3A_1555 = arith.constant 6.553600e+04 : f32
      %jit3A_1556 = arith.constant 1.000000e+00 : f32
      %broadcast_in_dim3A_1557 = vector.broadcast %jit3A_1555 : f32 to vector<16xf32>
      %broadcast_in_dim3A_1558 = vector.broadcast %jit3A_1556 : f32 to vector<16xf32>
      %select_n3A_1559 = arith.select %lt3A_1554, %broadcast_in_dim3A_1557, %broadcast_in_dim3A_1558 : vector<16xi1>, vector<16xf32>
      %mul3A_1560 = arith.mulf %mul3A_1551, %select_n3A_1559 : vector<16xf32>
      %mul3A_1561 = arith.mulf %add3A_1522, %mul3A_1560 : vector<16xf32>
      %mul3A_1562 = arith.mulf %mul3A_1561, %mul3A_1560 : vector<16xf32>
      %ge3A_1563 = arith.constant 6.553600e+04 : f32
      %ge3A_1564 = vector.broadcast %ge3A_1563 : f32 to vector<16xf32>
      %ge3A_1565 = arith.cmpf oge, %mul3A_1562, %ge3A_1564 : vector<16xf32>
      %jit3A_1566 = arith.constant 3.906250e-03 : f32
      %jit3A_1567 = arith.constant 1.000000e+00 : f32
      %broadcast_in_dim3A_1568 = vector.broadcast %jit3A_1566 : f32 to vector<16xf32>
      %broadcast_in_dim3A_1569 = vector.broadcast %jit3A_1567 : f32 to vector<16xf32>
      %select_n3A_1570 = arith.select %ge3A_1565, %broadcast_in_dim3A_1568, %broadcast_in_dim3A_1569 : vector<16xi1>, vector<16xf32>
      %mul3A_1571 = arith.mulf %mul3A_1560, %select_n3A_1570 : vector<16xf32>
      %lt3A_1572 = arith.constant 1.52587891E-5 : f32
      %lt3A_1573 = vector.broadcast %lt3A_1572 : f32 to vector<16xf32>
      %lt3A_1574 = arith.cmpf olt, %mul3A_1562, %lt3A_1573 : vector<16xf32>
      %jit3A_1575 = arith.constant 2.560000e+02 : f32
      %jit3A_1576 = arith.constant 1.000000e+00 : f32
      %broadcast_in_dim3A_1577 = vector.broadcast %jit3A_1575 : f32 to vector<16xf32>
      %broadcast_in_dim3A_1578 = vector.broadcast %jit3A_1576 : f32 to vector<16xf32>
      %select_n3A_1579 = arith.select %lt3A_1574, %broadcast_in_dim3A_1577, %broadcast_in_dim3A_1578 : vector<16xi1>, vector<16xf32>
      %mul3A_1580 = arith.mulf %mul3A_1571, %select_n3A_1579 : vector<16xf32>
      %mul3A_1581 = arith.mulf %add3A_1522, %mul3A_1580 : vector<16xf32>
      %mul3A_1582 = arith.mulf %mul3A_1581, %mul3A_1580 : vector<16xf32>
      %ge3A_1583 = arith.constant 2.560000e+02 : f32
      %ge3A_1584 = vector.broadcast %ge3A_1583 : f32 to vector<16xf32>
      %ge3A_1585 = arith.cmpf oge, %mul3A_1582, %ge3A_1584 : vector<16xf32>
      %jit3A_1586 = arith.constant 6.250000e-02 : f32
      %jit3A_1587 = arith.constant 1.000000e+00 : f32
      %broadcast_in_dim3A_1588 = vector.broadcast %jit3A_1586 : f32 to vector<16xf32>
      %broadcast_in_dim3A_1589 = vector.broadcast %jit3A_1587 : f32 to vector<16xf32>
      %select_n3A_1590 = arith.select %ge3A_1585, %broadcast_in_dim3A_1588, %broadcast_in_dim3A_1589 : vector<16xi1>, vector<16xf32>
      %mul3A_1591 = arith.mulf %mul3A_1580, %select_n3A_1590 : vector<16xf32>
      %lt3A_1592 = arith.constant 3.906250e-03 : f32
      %lt3A_1593 = vector.broadcast %lt3A_1592 : f32 to vector<16xf32>
      %lt3A_1594 = arith.cmpf olt, %mul3A_1582, %lt3A_1593 : vector<16xf32>
      %jit3A_1595 = arith.constant 1.600000e+01 : f32
      %jit3A_1596 = arith.constant 1.000000e+00 : f32
      %broadcast_in_dim3A_1597 = vector.broadcast %jit3A_1595 : f32 to vector<16xf32>
      %broadcast_in_dim3A_1598 = vector.broadcast %jit3A_1596 : f32 to vector<16xf32>
      %select_n3A_1599 = arith.select %lt3A_1594, %broadcast_in_dim3A_1597, %broadcast_in_dim3A_1598 : vector<16xi1>, vector<16xf32>
      %mul3A_1600 = arith.mulf %mul3A_1591, %select_n3A_1599 : vector<16xf32>
      %mul3A_1601 = arith.mulf %add3A_1522, %mul3A_1600 : vector<16xf32>
      %mul3A_1602 = arith.mulf %mul3A_1601, %mul3A_1600 : vector<16xf32>
      %ge3A_1603 = arith.constant 1.600000e+01 : f32
      %ge3A_1604 = vector.broadcast %ge3A_1603 : f32 to vector<16xf32>
      %ge3A_1605 = arith.cmpf oge, %mul3A_1602, %ge3A_1604 : vector<16xf32>
      %jit3A_1606 = arith.constant 2.500000e-01 : f32
      %jit3A_1607 = arith.constant 1.000000e+00 : f32
      %broadcast_in_dim3A_1608 = vector.broadcast %jit3A_1606 : f32 to vector<16xf32>
      %broadcast_in_dim3A_1609 = vector.broadcast %jit3A_1607 : f32 to vector<16xf32>
      %select_n3A_1610 = arith.select %ge3A_1605, %broadcast_in_dim3A_1608, %broadcast_in_dim3A_1609 : vector<16xi1>, vector<16xf32>
      %mul3A_1611 = arith.mulf %mul3A_1600, %select_n3A_1610 : vector<16xf32>
      %lt3A_1612 = arith.constant 6.250000e-02 : f32
      %lt3A_1613 = vector.broadcast %lt3A_1612 : f32 to vector<16xf32>
      %lt3A_1614 = arith.cmpf olt, %mul3A_1602, %lt3A_1613 : vector<16xf32>
      %jit3A_1615 = arith.constant 4.000000e+00 : f32
      %jit3A_1616 = arith.constant 1.000000e+00 : f32
      %broadcast_in_dim3A_1617 = vector.broadcast %jit3A_1615 : f32 to vector<16xf32>
      %broadcast_in_dim3A_1618 = vector.broadcast %jit3A_1616 : f32 to vector<16xf32>
      %select_n3A_1619 = arith.select %lt3A_1614, %broadcast_in_dim3A_1617, %broadcast_in_dim3A_1618 : vector<16xi1>, vector<16xf32>
      %mul3A_1620 = arith.mulf %mul3A_1611, %select_n3A_1619 : vector<16xf32>
      %mul3A_1621 = arith.mulf %add3A_1522, %mul3A_1620 : vector<16xf32>
      %mul3A_1622 = arith.mulf %mul3A_1621, %mul3A_1620 : vector<16xf32>
      %ge3A_1623 = arith.constant 4.000000e+00 : f32
      %ge3A_1624 = vector.broadcast %ge3A_1623 : f32 to vector<16xf32>
      %ge3A_1625 = arith.cmpf oge, %mul3A_1622, %ge3A_1624 : vector<16xf32>
      %jit3A_1626 = arith.constant 5.000000e-01 : f32
      %jit3A_1627 = arith.constant 1.000000e+00 : f32
      %broadcast_in_dim3A_1628 = vector.broadcast %jit3A_1626 : f32 to vector<16xf32>
      %broadcast_in_dim3A_1629 = vector.broadcast %jit3A_1627 : f32 to vector<16xf32>
      %select_n3A_1630 = arith.select %ge3A_1625, %broadcast_in_dim3A_1628, %broadcast_in_dim3A_1629 : vector<16xi1>, vector<16xf32>
      %mul3A_1631 = arith.mulf %mul3A_1620, %select_n3A_1630 : vector<16xf32>
      %lt3A_1632 = arith.constant 2.500000e-01 : f32
      %lt3A_1633 = vector.broadcast %lt3A_1632 : f32 to vector<16xf32>
      %lt3A_1634 = arith.cmpf olt, %mul3A_1622, %lt3A_1633 : vector<16xf32>
      %jit3A_1635 = arith.constant 2.000000e+00 : f32
      %jit3A_1636 = arith.constant 1.000000e+00 : f32
      %broadcast_in_dim3A_1637 = vector.broadcast %jit3A_1635 : f32 to vector<16xf32>
      %broadcast_in_dim3A_1638 = vector.broadcast %jit3A_1636 : f32 to vector<16xf32>
      %select_n3A_1639 = arith.select %lt3A_1634, %broadcast_in_dim3A_1637, %broadcast_in_dim3A_1638 : vector<16xi1>, vector<16xf32>
      %mul3A_1640 = arith.mulf %mul3A_1631, %select_n3A_1639 : vector<16xf32>
      %mul3A_1641 = arith.mulf %add3A_1522, %mul3A_1640 : vector<16xf32>
      %mul3A_1642 = arith.mulf %mul3A_1641, %mul3A_1640 : vector<16xf32>
      %ge3A_1643 = arith.constant 2.000000e+00 : f32
      %ge3A_1644 = vector.broadcast %ge3A_1643 : f32 to vector<16xf32>
      %ge3A_1645 = arith.cmpf oge, %mul3A_1642, %ge3A_1644 : vector<16xf32>
      %jit3A_1646 = arith.constant 0.707106769 : f32
      %jit3A_1647 = arith.constant 1.000000e+00 : f32
      %broadcast_in_dim3A_1648 = vector.broadcast %jit3A_1646 : f32 to vector<16xf32>
      %broadcast_in_dim3A_1649 = vector.broadcast %jit3A_1647 : f32 to vector<16xf32>
      %select_n3A_1650 = arith.select %ge3A_1645, %broadcast_in_dim3A_1648, %broadcast_in_dim3A_1649 : vector<16xi1>, vector<16xf32>
      %mul3A_1651 = arith.mulf %mul3A_1640, %select_n3A_1650 : vector<16xf32>
      %lt3A_1652 = arith.constant 5.000000e-01 : f32
      %lt3A_1653 = vector.broadcast %lt3A_1652 : f32 to vector<16xf32>
      %lt3A_1654 = arith.cmpf olt, %mul3A_1642, %lt3A_1653 : vector<16xf32>
      %jit3A_1655 = arith.constant 1.41421354 : f32
      %jit3A_1656 = arith.constant 1.000000e+00 : f32
      %broadcast_in_dim3A_1657 = vector.broadcast %jit3A_1655 : f32 to vector<16xf32>
      %broadcast_in_dim3A_1658 = vector.broadcast %jit3A_1656 : f32 to vector<16xf32>
      %select_n3A_1659 = arith.select %lt3A_1654, %broadcast_in_dim3A_1657, %broadcast_in_dim3A_1658 : vector<16xi1>, vector<16xf32>
      %mul3A_1660 = arith.mulf %mul3A_1651, %select_n3A_1659 : vector<16xf32>
      %mul3A_1661 = arith.constant 5.000000e-01 : f32
      %mul3A_1662 = vector.broadcast %mul3A_1661 : f32 to vector<16xf32>
      %mul3A_1663 = arith.mulf %mul3A_1662, %add3A_1522 : vector<16xf32>
      %mul3A_1664 = arith.mulf %mul3A_1663, %mul3A_1660 : vector<16xf32>
      %mul3A_1665 = arith.mulf %mul3A_1664, %mul3A_1660 : vector<16xf32>
      %sub3A_1666 = arith.constant 1.500000e+00 : f32
      %sub3A_1667 = vector.broadcast %sub3A_1666 : f32 to vector<16xf32>
      %sub3A_1668 = arith.subf %sub3A_1667, %mul3A_1665 : vector<16xf32>
      %mul3A_1669 = arith.mulf %mul3A_1660, %sub3A_1668 : vector<16xf32>
      %mul3A_1670 = arith.constant 5.000000e-01 : f32
      %mul3A_1671 = vector.broadcast %mul3A_1670 : f32 to vector<16xf32>
      %mul3A_1672 = arith.mulf %mul3A_1671, %add3A_1522 : vector<16xf32>
      %mul3A_1673 = arith.mulf %mul3A_1672, %mul3A_1669 : vector<16xf32>
      %mul3A_1674 = arith.mulf %mul3A_1673, %mul3A_1669 : vector<16xf32>
      %sub3A_1675 = arith.constant 1.500000e+00 : f32
      %sub3A_1676 = vector.broadcast %sub3A_1675 : f32 to vector<16xf32>
      %sub3A_1677 = arith.subf %sub3A_1676, %mul3A_1674 : vector<16xf32>
      %mul3A_1678 = arith.mulf %mul3A_1669, %sub3A_1677 : vector<16xf32>
      %mul3A_1679 = arith.constant 5.000000e-01 : f32
      %mul3A_1680 = vector.broadcast %mul3A_1679 : f32 to vector<16xf32>
      %mul3A_1681 = arith.mulf %mul3A_1680, %add3A_1522 : vector<16xf32>
      %mul3A_1682 = arith.mulf %mul3A_1681, %mul3A_1678 : vector<16xf32>
      %mul3A_1683 = arith.mulf %mul3A_1682, %mul3A_1678 : vector<16xf32>
      %sub3A_1684 = arith.constant 1.500000e+00 : f32
      %sub3A_1685 = vector.broadcast %sub3A_1684 : f32 to vector<16xf32>
      %sub3A_1686 = arith.subf %sub3A_1685, %mul3A_1683 : vector<16xf32>
      %mul3A_1687 = arith.mulf %mul3A_1678, %sub3A_1686 : vector<16xf32>
      %mul3A_1688 = arith.constant 5.000000e-01 : f32
      %mul3A_1689 = vector.broadcast %mul3A_1688 : f32 to vector<16xf32>
      %mul3A_1690 = arith.mulf %mul3A_1689, %add3A_1522 : vector<16xf32>
      %mul3A_1691 = arith.mulf %mul3A_1690, %mul3A_1687 : vector<16xf32>
      %mul3A_1692 = arith.mulf %mul3A_1691, %mul3A_1687 : vector<16xf32>
      %sub3A_1693 = arith.constant 1.500000e+00 : f32
      %sub3A_1694 = vector.broadcast %sub3A_1693 : f32 to vector<16xf32>
      %sub3A_1695 = arith.subf %sub3A_1694, %mul3A_1692 : vector<16xf32>
      %mul3A_1696 = arith.mulf %mul3A_1687, %sub3A_1695 : vector<16xf32>
      %mul3A_1697 = arith.constant 5.000000e-01 : f32
      %mul3A_1698 = vector.broadcast %mul3A_1697 : f32 to vector<16xf32>
      %mul3A_1699 = arith.mulf %mul3A_1698, %add3A_1522 : vector<16xf32>
      %mul3A_1700 = arith.mulf %mul3A_1699, %mul3A_1696 : vector<16xf32>
      %mul3A_1701 = arith.mulf %mul3A_1700, %mul3A_1696 : vector<16xf32>
      %sub3A_1702 = arith.constant 1.500000e+00 : f32
      %sub3A_1703 = vector.broadcast %sub3A_1702 : f32 to vector<16xf32>
      %sub3A_1704 = arith.subf %sub3A_1703, %mul3A_1701 : vector<16xf32>
      %mul3A_1705 = arith.mulf %mul3A_1696, %sub3A_1704 : vector<16xf32>
      %get3A_1706 = arith.index_cast %scan3A_45 : i32 to index
      %get3A_1707 = arith.constant 0 : index
      %get3A_1708 = tpu.vector_load %arg18[%get3A_1706, %get3A_1707] {strides = array<i32>} : memref<16x1024xf32, #tpu.memory_space<vmem>>, vector<1x16xf32>,
      %get3A_1709 = vector.shape_cast %get3A_1708 : vector<1x16xf32> to vector<16xf32>
      %sub3A_1710 = arith.subf %get3A_1709, %mul3A_1484 : vector<16xf32>
      %mul3A_1711 = arith.mulf %sub3A_1710, %mul3A_1705 : vector<16xf32>
      %get3A_1712 = arith.constant 0 : index
      %get3A_1713 = tpu.vector_load %arg19[%get3A_1712] {strides = array<i32>} : memref<1024xf32, #tpu.memory_space<vmem>>, vector<16xf32>,
      %get3A_1714 = vector.shape_cast %get3A_1713 : vector<16xf32> to vector<16xf32>
      %mul3A_1715 = arith.mulf %mul3A_1711, %get3A_1714 : vector<16xf32>
      %get3A_1716 = arith.constant 0 : index
      %get3A_1717 = tpu.vector_load %arg20[%get3A_1716] {strides = array<i32>} : memref<1024xf32, #tpu.memory_space<vmem>>, vector<16xf32>,
      %get3A_1718 = vector.shape_cast %get3A_1717 : vector<16xf32> to vector<16xf32>
      %add3A_1719 = arith.addf %mul3A_1715, %get3A_1718 : vector<16xf32>
      %swap3A_1720 = arith.index_cast %scan3A_45 : i32 to index
      %swap3A_1721 = arith.constant 0 : index
      %swap3A_1722 = tpu.vector_load %arg18[%swap3A_1720, %swap3A_1721] {strides = array<i32>} : memref<16x1024xf32, #tpu.memory_space<vmem>>, vector<1x16xf32>,
      %swap3A_1723 = vector.shape_cast %swap3A_1722 : vector<1x16xf32> to vector<16xf32>
      %swap3A_1724 = vector.shape_cast %add3A_1719 : vector<16xf32> to vector<1x16xf32>
      tpu.vector_store %arg18[%swap3A_1720, %swap3A_1721], %swap3A_1724 {strides = array<i32>} : memref<16x1024xf32, #tpu.memory_space<vmem>>, vector<1x16xf32>,
      %get3A_1725 = arith.index_cast %scan3A_45 : i32 to index
      %get3A_1726 = arith.constant 16 : index
      %get3A_1727 = tpu.vector_load %arg18[%get3A_1725, %get3A_1726] {strides = array<i32>} : memref<16x1024xf32, #tpu.memory_space<vmem>>, vector<1x16xf32>,
      %get3A_1728 = vector.shape_cast %get3A_1727 : vector<1x16xf32> to vector<16xf32>
      %sub3A_1729 = arith.subf %get3A_1728, %mul3A_1484 : vector<16xf32>
      %mul3A_1730 = arith.mulf %sub3A_1729, %mul3A_1705 : vector<16xf32>
      %get3A_1731 = arith.constant 16 : index
      %get3A_1732 = tpu.vector_load %arg19[%get3A_1731] {strides = array<i32>} : memref<1024xf32, #tpu.memory_space<vmem>>, vector<16xf32>,
      %get3A_1733 = vector.shape_cast %get3A_1732 : vector<16xf32> to vector<16xf32>
      %mul3A_1734 = arith.mulf %mul3A_1730, %get3A_1733 : vector<16xf32>
      %get3A_1735 = arith.constant 16 : index
      %get3A_1736 = tpu.vector_load %arg20[%get3A_1735] {strides = array<i32>} : memref<1024xf32, #tpu.memory_space<vmem>>, vector<16xf32>,
      %get3A_1737 = vector.shape_cast %get3A_1736 : vector<16xf32> to vector<16xf32>
      %add3A_1738 = arith.addf %mul3A_1734, %get3A_1737 : vector<16xf32>
      %swap3A_1739 = arith.index_cast %scan3A_45 : i32 to index
      %swap3A_1740 = arith.constant 16 : index
      %swap3A_1741 = tpu.vector_load %arg18[%swap3A_1739, %swap3A_1740] {strides = array<i32>} : memref<16x1024xf32, #tpu.memory_space<vmem>>, vector<1x16xf32>,
      %swap3A_1742 = vector.shape_cast %swap3A_1741 : vector<1x16xf32> to vector<16xf32>
      %swap3A_1743 = vector.shape_cast %add3A_1738 : vector<16xf32> to vector<1x16xf32>
      tpu.vector_store %arg18[%swap3A_1739, %swap3A_1740], %swap3A_1743 {strides = array<i32>} : memref<16x1024xf32, #tpu.memory_space<vmem>>, vector<1x16xf32>,
      %get3A_1744 = arith.index_cast %scan3A_45 : i32 to index
      %get3A_1745 = arith.constant 32 : index
      %get3A_1746 = tpu.vector_load %arg18[%get3A_1744, %get3A_1745] {strides = array<i32>} : memref<16x1024xf32, #tpu.memory_space<vmem>>, vector<1x16xf32>,
      %get3A_1747 = vector.shape_cast %get3A_1746 : vector<1x16xf32> to vector<16xf32>
      %sub3A_1748 = arith.subf %get3A_1747, %mul3A_1484 : vector<16xf32>
      %mul3A_1749 = arith.mulf %sub3A_1748, %mul3A_1705 : vector<16xf32>
      %get3A_1750 = arith.constant 32 : index
      %get3A_1751 = tpu.vector_load %arg19[%get3A_1750] {strides = array<i32>} : memref<1024xf32, #tpu.memory_space<vmem>>, vector<16xf32>,
      %get3A_1752 = vector.shape_cast %get3A_1751 : vector<16xf32> to vector<16xf32>
      %mul3A_1753 = arith.mulf %mul3A_1749, %get3A_1752 : vector<16xf32>
      %get3A_1754 = arith.constant 32 : index
      %get3A_1755 = tpu.vector_load %arg20[%get3A_1754] {strides = array<i32>} : memref<1024xf32, #tpu.memory_space<vmem>>, vector<16xf32>,
      %get3A_1756 = vector.shape_cast %get3A_1755 : vector<16xf32> to vector<16xf32>
      %add3A_1757 = arith.addf %mul3A_1753, %get3A_1756 : vector<16xf32>
      %swap3A_1758 = arith.index_cast %scan3A_45 : i32 to index
      %swap3A_1759 = arith.constant 32 : index
      %swap3A_1760 = tpu.vector_load %arg18[%swap3A_1758, %swap3A_1759] {strides = array<i32>} : memref<16x1024xf32, #tpu.memory_space<vmem>>, vector<1x16xf32>,
      %swap3A_1761 = vector.shape_cast %swap3A_1760 : vector<1x16xf32> to vector<16xf32>
      %swap3A_1762 = vector.shape_cast %add3A_1757 : vector<16xf32> to vector<1x16xf32>
      tpu.vector_store %arg18[%swap3A_1758, %swap3A_1759], %swap3A_1762 {strides = array<i32>} : memref<16x1024xf32, #tpu.memory_space<vmem>>, vector<1x16xf32>,
      %get3A_1763 = arith.index_cast %scan3A_45 : i32 to index
      %get3A_1764 = arith.constant 48 : index
      %get3A_1765 = tpu.vector_load %arg18[%get3A_1763, %get3A_1764] {strides = array<i32>} : memref<16x1024xf32, #tpu.memory_space<vmem>>, vector<1x16xf32>,
      %get3A_1766 = vector.shape_cast %get3A_1765 : vector<1x16xf32> to vector<16xf32>
      %sub3A_1767 = arith.subf %get3A_1766, %mul3A_1484 : vector<16xf32>
      %mul3A_1768 = arith.mulf %sub3A_1767, %mul3A_1705 : vector<16xf32>
      %get3A_1769 = arith.constant 48 : index
      %get3A_1770 = tpu.vector_load %arg19[%get3A_1769] {strides = array<i32>} : memref<1024xf32, #tpu.memory_space<vmem>>, vector<16xf32>,
      %get3A_1771 = vector.shape_cast %get3A_1770 : vector<16xf32> to vector<16xf32>
      %mul3A_1772 = arith.mulf %mul3A_1768, %get3A_1771 : vector<16xf32>
      %get3A_1773 = arith.constant 48 : index
      %get3A_1774 = tpu.vector_load %arg20[%get3A_1773] {strides = array<i32>} : memref<1024xf32, #tpu.memory_space<vmem>>, vector<16xf32>,
      %get3A_1775 = vector.shape_cast %get3A_1774 : vector<16xf32> to vector<16xf32>
      %add3A_1776 = arith.addf %mul3A_1772, %get3A_1775 : vector<16xf32>
      %swap3A_1777 = arith.index_cast %scan3A_45 : i32 to index
      %swap3A_1778 = arith.constant 48 : index
      %swap3A_1779 = tpu.vector_load %arg18[%swap3A_1777, %swap3A_1778] {strides = array<i32>} : memref<16x1024xf32, #tpu.memory_space<vmem>>, vector<1x16xf32>,
      %swap3A_1780 = vector.shape_cast %swap3A_1779 : vector<1x16xf32> to vector<16xf32>
      %swap3A_1781 = vector.shape_cast %add3A_1776 : vector<16xf32> to vector<1x16xf32>
      tpu.vector_store %arg18[%swap3A_1777, %swap3A_1778], %swap3A_1781 {strides = array<i32>} : memref<16x1024xf32, #tpu.memory_space<vmem>>, vector<1x16xf32>,
      %get3A_1782 = arith.index_cast %scan3A_45 : i32 to index
      %get3A_1783 = arith.constant 64 : index
      %get3A_1784 = tpu.vector_load %arg18[%get3A_1782, %get3A_1783] {strides = array<i32>} : memref<16x1024xf32, #tpu.memory_space<vmem>>, vector<1x16xf32>,
      %get3A_1785 = vector.shape_cast %get3A_1784 : vector<1x16xf32> to vector<16xf32>
      %sub3A_1786 = arith.subf %get3A_1785, %mul3A_1484 : vector<16xf32>
      %mul3A_1787 = arith.mulf %sub3A_1786, %mul3A_1705 : vector<16xf32>
      %get3A_1788 = arith.constant 64 : index
      %get3A_1789 = tpu.vector_load %arg19[%get3A_1788] {strides = array<i32>} : memref<1024xf32, #tpu.memory_space<vmem>>, vector<16xf32>,
      %get3A_1790 = vector.shape_cast %get3A_1789 : vector<16xf32> to vector<16xf32>
      %mul3A_1791 = arith.mulf %mul3A_1787, %get3A_1790 : vector<16xf32>
      %get3A_1792 = arith.constant 64 : index
      %get3A_1793 = tpu.vector_load %arg20[%get3A_1792] {strides = array<i32>} : memref<1024xf32, #tpu.memory_space<vmem>>, vector<16xf32>,
      %get3A_1794 = vector.shape_cast %get3A_1793 : vector<16xf32> to vector<16xf32>
      %add3A_1795 = arith.addf %mul3A_1791, %get3A_1794 : vector<16xf32>
      %swap3A_1796 = arith.index_cast %scan3A_45 : i32 to index
      %swap3A_1797 = arith.constant 64 : index
      %swap3A_1798 = tpu.vector_load %arg18[%swap3A_1796, %swap3A_1797] {strides = array<i32>} : memref<16x1024xf32, #tpu.memory_space<vmem>>, vector<1x16xf32>,
      %swap3A_1799 = vector.shape_cast %swap3A_1798 : vector<1x16xf32> to vector<16xf32>
      %swap3A_1800 = vector.shape_cast %add3A_1795 : vector<16xf32> to vector<1x16xf32>
      tpu.vector_store %arg18[%swap3A_1796, %swap3A_1797], %swap3A_1800 {strides = array<i32>} : memref<16x1024xf32, #tpu.memory_space<vmem>>, vector<1x16xf32>,
      %get3A_1801 = arith.index_cast %scan3A_45 : i32 to index
      %get3A_1802 = arith.constant 80 : index
      %get3A_1803 = tpu.vector_load %arg18[%get3A_1801, %get3A_1802] {strides = array<i32>} : memref<16x1024xf32, #tpu.memory_space<vmem>>, vector<1x16xf32>,
      %get3A_1804 = vector.shape_cast %get3A_1803 : vector<1x16xf32> to vector<16xf32>
      %sub3A_1805 = arith.subf %get3A_1804, %mul3A_1484 : vector<16xf32>
      %mul3A_1806 = arith.mulf %sub3A_1805, %mul3A_1705 : vector<16xf32>
      %get3A_1807 = arith.constant 80 : index
      %get3A_1808 = tpu.vector_load %arg19[%get3A_1807] {strides = array<i32>} : memref<1024xf32, #tpu.memory_space<vmem>>, vector<16xf32>,
      %get3A_1809 = vector.shape_cast %get3A_1808 : vector<16xf32> to vector<16xf32>
      %mul3A_1810 = arith.mulf %mul3A_1806, %get3A_1809 : vector<16xf32>
      %get3A_1811 = arith.constant 80 : index
      %get3A_1812 = tpu.vector_load %arg20[%get3A_1811] {strides = array<i32>} : memref<1024xf32, #tpu.memory_space<vmem>>, vector<16xf32>,
      %get3A_1813 = vector.shape_cast %get3A_1812 : vector<16xf32> to vector<16xf32>
      %add3A_1814 = arith.addf %mul3A_1810, %get3A_1813 : vector<16xf32>
      %swap3A_1815 = arith.index_cast %scan3A_45 : i32 to index
      %swap3A_1816 = arith.constant 80 : index
      %swap3A_1817 = tpu.vector_load %arg18[%swap3A_1815, %swap3A_1816] {strides = array<i32>} : memref<16x1024xf32, #tpu.memory_space<vmem>>, vector<1x16xf32>,
      %swap3A_1818 = vector.shape_cast %swap3A_1817 : vector<1x16xf32> to vector<16xf32>
      %swap3A_1819 = vector.shape_cast %add3A_1814 : vector<16xf32> to vector<1x16xf32>
      tpu.vector_store %arg18[%swap3A_1815, %swap3A_1816], %swap3A_1819 {strides = array<i32>} : memref<16x1024xf32, #tpu.memory_space<vmem>>, vector<1x16xf32>,
      %get3A_1820 = arith.index_cast %scan3A_45 : i32 to index
      %get3A_1821 = arith.constant 96 : index
      %get3A_1822 = tpu.vector_load %arg18[%get3A_1820, %get3A_1821] {strides = array<i32>} : memref<16x1024xf32, #tpu.memory_space<vmem>>, vector<1x16xf32>,
      %get3A_1823 = vector.shape_cast %get3A_1822 : vector<1x16xf32> to vector<16xf32>
      %sub3A_1824 = arith.subf %get3A_1823, %mul3A_1484 : vector<16xf32>
      %mul3A_1825 = arith.mulf %sub3A_1824, %mul3A_1705 : vector<16xf32>
      %get3A_1826 = arith.constant 96 : index
      %get3A_1827 = tpu.vector_load %arg19[%get3A_1826] {strides = array<i32>} : memref<1024xf32, #tpu.memory_space<vmem>>, vector<16xf32>,
      %get3A_1828 = vector.shape_cast %get3A_1827 : vector<16xf32> to vector<16xf32>
      %mul3A_1829 = arith.mulf %mul3A_1825, %get3A_1828 : vector<16xf32>
      %get3A_1830 = arith.constant 96 : index
      %get3A_1831 = tpu.vector_load %arg20[%get3A_1830] {strides = array<i32>} : memref<1024xf32, #tpu.memory_space<vmem>>, vector<16xf32>,
      %get3A_1832 = vector.shape_cast %get3A_1831 : vector<16xf32> to vector<16xf32>
      %add3A_1833 = arith.addf %mul3A_1829, %get3A_1832 : vector<16xf32>
      %swap3A_1834 = arith.index_cast %scan3A_45 : i32 to index
      %swap3A_1835 = arith.constant 96 : index
      %swap3A_1836 = tpu.vector_load %arg18[%swap3A_1834, %swap3A_1835] {strides = array<i32>} : memref<16x1024xf32, #tpu.memory_space<vmem>>, vector<1x16xf32>,
      %swap3A_1837 = vector.shape_cast %swap3A_1836 : vector<1x16xf32> to vector<16xf32>
      %swap3A_1838 = vector.shape_cast %add3A_1833 : vector<16xf32> to vector<1x16xf32>
      tpu.vector_store %arg18[%swap3A_1834, %swap3A_1835], %swap3A_1838 {strides = array<i32>} : memref<16x1024xf32, #tpu.memory_space<vmem>>, vector<1x16xf32>,
      %get3A_1839 = arith.index_cast %scan3A_45 : i32 to index
      %get3A_1840 = arith.constant 112 : index
      %get3A_1841 = tpu.vector_load %arg18[%get3A_1839, %get3A_1840] {strides = array<i32>} : memref<16x1024xf32, #tpu.memory_space<vmem>>, vector<1x16xf32>,
      %get3A_1842 = vector.shape_cast %get3A_1841 : vector<1x16xf32> to vector<16xf32>
      %sub3A_1843 = arith.subf %get3A_1842, %mul3A_1484 : vector<16xf32>
      %mul3A_1844 = arith.mulf %sub3A_1843, %mul3A_1705 : vector<16xf32>
      %get3A_1845 = arith.constant 112 : index
      %get3A_1846 = tpu.vector_load %arg19[%get3A_1845] {strides = array<i32>} : memref<1024xf32, #tpu.memory_space<vmem>>, vector<16xf32>,
      %get3A_1847 = vector.shape_cast %get3A_1846 : vector<16xf32> to vector<16xf32>
      %mul3A_1848 = arith.mulf %mul3A_1844, %get3A_1847 : vector<16xf32>
      %get3A_1849 = arith.constant 112 : index
      %get3A_1850 = tpu.vector_load %arg20[%get3A_1849] {strides = array<i32>} : memref<1024xf32, #tpu.memory_space<vmem>>, vector<16xf32>,
      %get3A_1851 = vector.shape_cast %get3A_1850 : vector<16xf32> to vector<16xf32>
      %add3A_1852 = arith.addf %mul3A_1848, %get3A_1851 : vector<16xf32>
      %swap3A_1853 = arith.index_cast %scan3A_45 : i32 to index
      %swap3A_1854 = arith.constant 112 : index
      %swap3A_1855 = tpu.vector_load %arg18[%swap3A_1853, %swap3A_1854] {strides = array<i32>} : memref<16x1024xf32, #tpu.memory_space<vmem>>, vector<1x16xf32>,
      %swap3A_1856 = vector.shape_cast %swap3A_1855 : vector<1x16xf32> to vector<16xf32>
      %swap3A_1857 = vector.shape_cast %add3A_1852 : vector<16xf32> to vector<1x16xf32>
      tpu.vector_store %arg18[%swap3A_1853, %swap3A_1854], %swap3A_1857 {strides = array<i32>} : memref<16x1024xf32, #tpu.memory_space<vmem>>, vector<1x16xf32>,
      %get3A_1858 = arith.index_cast %scan3A_45 : i32 to index
      %get3A_1859 = arith.constant 128 : index
      %get3A_1860 = tpu.vector_load %arg18[%get3A_1858, %get3A_1859] {strides = array<i32>} : memref<16x1024xf32, #tpu.memory_space<vmem>>, vector<1x16xf32>,
      %get3A_1861 = vector.shape_cast %get3A_1860 : vector<1x16xf32> to vector<16xf32>
      %sub3A_1862 = arith.subf %get3A_1861, %mul3A_1484 : vector<16xf32>
      %mul3A_1863 = arith.mulf %sub3A_1862, %mul3A_1705 : vector<16xf32>
      %get3A_1864 = arith.constant 128 : index
      %get3A_1865 = tpu.vector_load %arg19[%get3A_1864] {strides = array<i32>} : memref<1024xf32, #tpu.memory_space<vmem>>, vector<16xf32>,
      %get3A_1866 = vector.shape_cast %get3A_1865 : vector<16xf32> to vector<16xf32>
      %mul3A_1867 = arith.mulf %mul3A_1863, %get3A_1866 : vector<16xf32>
      %get3A_1868 = arith.constant 128 : index
      %get3A_1869 = tpu.vector_load %arg20[%get3A_1868] {strides = array<i32>} : memref<1024xf32, #tpu.memory_space<vmem>>, vector<16xf32>,
      %get3A_1870 = vector.shape_cast %get3A_1869 : vector<16xf32> to vector<16xf32>
      %add3A_1871 = arith.addf %mul3A_1867, %get3A_1870 : vector<16xf32>
      %swap3A_1872 = arith.index_cast %scan3A_45 : i32 to index
      %swap3A_1873 = arith.constant 128 : index
      %swap3A_1874 = tpu.vector_load %arg18[%swap3A_1872, %swap3A_1873] {strides = array<i32>} : memref<16x1024xf32, #tpu.memory_space<vmem>>, vector<1x16xf32>,
      %swap3A_1875 = vector.shape_cast %swap3A_1874 : vector<1x16xf32> to vector<16xf32>
      %swap3A_1876 = vector.shape_cast %add3A_1871 : vector<16xf32> to vector<1x16xf32>
      tpu.vector_store %arg18[%swap3A_1872, %swap3A_1873], %swap3A_1876 {strides = array<i32>} : memref<16x1024xf32, #tpu.memory_space<vmem>>, vector<1x16xf32>,
      %get3A_1877 = arith.index_cast %scan3A_45 : i32 to index
      %get3A_1878 = arith.constant 144 : index
      %get3A_1879 = tpu.vector_load %arg18[%get3A_1877, %get3A_1878] {strides = array<i32>} : memref<16x1024xf32, #tpu.memory_space<vmem>>, vector<1x16xf32>,
      %get3A_1880 = vector.shape_cast %get3A_1879 : vector<1x16xf32> to vector<16xf32>
      %sub3A_1881 = arith.subf %get3A_1880, %mul3A_1484 : vector<16xf32>
      %mul3A_1882 = arith.mulf %sub3A_1881, %mul3A_1705 : vector<16xf32>
      %get3A_1883 = arith.constant 144 : index
      %get3A_1884 = tpu.vector_load %arg19[%get3A_1883] {strides = array<i32>} : memref<1024xf32, #tpu.memory_space<vmem>>, vector<16xf32>,
      %get3A_1885 = vector.shape_cast %get3A_1884 : vector<16xf32> to vector<16xf32>
      %mul3A_1886 = arith.mulf %mul3A_1882, %get3A_1885 : vector<16xf32>
      %get3A_1887 = arith.constant 144 : index
      %get3A_1888 = tpu.vector_load %arg20[%get3A_1887] {strides = array<i32>} : memref<1024xf32, #tpu.memory_space<vmem>>, vector<16xf32>,
      %get3A_1889 = vector.shape_cast %get3A_1888 : vector<16xf32> to vector<16xf32>
      %add3A_1890 = arith.addf %mul3A_1886, %get3A_1889 : vector<16xf32>
      %swap3A_1891 = arith.index_cast %scan3A_45 : i32 to index
      %swap3A_1892 = arith.constant 144 : index
      %swap3A_1893 = tpu.vector_load %arg18[%swap3A_1891, %swap3A_1892] {strides = array<i32>} : memref<16x1024xf32, #tpu.memory_space<vmem>>, vector<1x16xf32>,
      %swap3A_1894 = vector.shape_cast %swap3A_1893 : vector<1x16xf32> to vector<16xf32>
      %swap3A_1895 = vector.shape_cast %add3A_1890 : vector<16xf32> to vector<1x16xf32>
      tpu.vector_store %arg18[%swap3A_1891, %swap3A_1892], %swap3A_1895 {strides = array<i32>} : memref<16x1024xf32, #tpu.memory_space<vmem>>, vector<1x16xf32>,
      %get3A_1896 = arith.index_cast %scan3A_45 : i32 to index
      %get3A_1897 = arith.constant 160 : index
      %get3A_1898 = tpu.vector_load %arg18[%get3A_1896, %get3A_1897] {strides = array<i32>} : memref<16x1024xf32, #tpu.memory_space<vmem>>, vector<1x16xf32>,
      %get3A_1899 = vector.shape_cast %get3A_1898 : vector<1x16xf32> to vector<16xf32>
      %sub3A_1900 = arith.subf %get3A_1899, %mul3A_1484 : vector<16xf32>
      %mul3A_1901 = arith.mulf %sub3A_1900, %mul3A_1705 : vector<16xf32>
      %get3A_1902 = arith.constant 160 : index
      %get3A_1903 = tpu.vector_load %arg19[%get3A_1902] {strides = array<i32>} : memref<1024xf32, #tpu.memory_space<vmem>>, vector<16xf32>,
      %get3A_1904 = vector.shape_cast %get3A_1903 : vector<16xf32> to vector<16xf32>
      %mul3A_1905 = arith.mulf %mul3A_1901, %get3A_1904 : vector<16xf32>
      %get3A_1906 = arith.constant 160 : index
      %get3A_1907 = tpu.vector_load %arg20[%get3A_1906] {strides = array<i32>} : memref<1024xf32, #tpu.memory_space<vmem>>, vector<16xf32>,
      %get3A_1908 = vector.shape_cast %get3A_1907 : vector<16xf32> to vector<16xf32>
      %add3A_1909 = arith.addf %mul3A_1905, %get3A_1908 : vector<16xf32>
      %swap3A_1910 = arith.index_cast %scan3A_45 : i32 to index
      %swap3A_1911 = arith.constant 160 : index
      %swap3A_1912 = tpu.vector_load %arg18[%swap3A_1910, %swap3A_1911] {strides = array<i32>} : memref<16x1024xf32, #tpu.memory_space<vmem>>, vector<1x16xf32>,
      %swap3A_1913 = vector.shape_cast %swap3A_1912 : vector<1x16xf32> to vector<16xf32>
      %swap3A_1914 = vector.shape_cast %add3A_1909 : vector<16xf32> to vector<1x16xf32>
      tpu.vector_store %arg18[%swap3A_1910, %swap3A_1911], %swap3A_1914 {strides = array<i32>} : memref<16x1024xf32, #tpu.memory_space<vmem>>, vector<1x16xf32>,
      %get3A_1915 = arith.index_cast %scan3A_45 : i32 to index
      %get3A_1916 = arith.constant 176 : index
      %get3A_1917 = tpu.vector_load %arg18[%get3A_1915, %get3A_1916] {strides = array<i32>} : memref<16x1024xf32, #tpu.memory_space<vmem>>, vector<1x16xf32>,
      %get3A_1918 = vector.shape_cast %get3A_1917 : vector<1x16xf32> to vector<16xf32>
      %sub3A_1919 = arith.subf %get3A_1918, %mul3A_1484 : vector<16xf32>
      %mul3A_1920 = arith.mulf %sub3A_1919, %mul3A_1705 : vector<16xf32>
      %get3A_1921 = arith.constant 176 : index
      %get3A_1922 = tpu.vector_load %arg19[%get3A_1921] {strides = array<i32>} : memref<1024xf32, #tpu.memory_space<vmem>>, vector<16xf32>,
      %get3A_1923 = vector.shape_cast %get3A_1922 : vector<16xf32> to vector<16xf32>
      %mul3A_1924 = arith.mulf %mul3A_1920, %get3A_1923 : vector<16xf32>
      %get3A_1925 = arith.constant 176 : index
      %get3A_1926 = tpu.vector_load %arg20[%get3A_1925] {strides = array<i32>} : memref<1024xf32, #tpu.memory_space<vmem>>, vector<16xf32>,
      %get3A_1927 = vector.shape_cast %get3A_1926 : vector<16xf32> to vector<16xf32>
      %add3A_1928 = arith.addf %mul3A_1924, %get3A_1927 : vector<16xf32>
      %swap3A_1929 = arith.index_cast %scan3A_45 : i32 to index
      %swap3A_1930 = arith.constant 176 : index
      %swap3A_1931 = tpu.vector_load %arg18[%swap3A_1929, %swap3A_1930] {strides = array<i32>} : memref<16x1024xf32, #tpu.memory_space<vmem>>, vector<1x16xf32>,
      %swap3A_1932 = vector.shape_cast %swap3A_1931 : vector<1x16xf32> to vector<16xf32>
      %swap3A_1933 = vector.shape_cast %add3A_1928 : vector<16xf32> to vector<1x16xf32>
      tpu.vector_store %arg18[%swap3A_1929, %swap3A_1930], %swap3A_1933 {strides = array<i32>} : memref<16x1024xf32, #tpu.memory_space<vmem>>, vector<1x16xf32>,
      %get3A_1934 = arith.index_cast %scan3A_45 : i32 to index
      %get3A_1935 = arith.constant 192 : index
      %get3A_1936 = tpu.vector_load %arg18[%get3A_1934, %get3A_1935] {strides = array<i32>} : memref<16x1024xf32, #tpu.memory_space<vmem>>, vector<1x16xf32>,
      %get3A_1937 = vector.shape_cast %get3A_1936 : vector<1x16xf32> to vector<16xf32>
      %sub3A_1938 = arith.subf %get3A_1937, %mul3A_1484 : vector<16xf32>
      %mul3A_1939 = arith.mulf %sub3A_1938, %mul3A_1705 : vector<16xf32>
      %get3A_1940 = arith.constant 192 : index
      %get3A_1941 = tpu.vector_load %arg19[%get3A_1940] {strides = array<i32>} : memref<1024xf32, #tpu.memory_space<vmem>>, vector<16xf32>,
      %get3A_1942 = vector.shape_cast %get3A_1941 : vector<16xf32> to vector<16xf32>
      %mul3A_1943 = arith.mulf %mul3A_1939, %get3A_1942 : vector<16xf32>
      %get3A_1944 = arith.constant 192 : index
      %get3A_1945 = tpu.vector_load %arg20[%get3A_1944] {strides = array<i32>} : memref<1024xf32, #tpu.memory_space<vmem>>, vector<16xf32>,
      %get3A_1946 = vector.shape_cast %get3A_1945 : vector<16xf32> to vector<16xf32>
      %add3A_1947 = arith.addf %mul3A_1943, %get3A_1946 : vector<16xf32>
      %swap3A_1948 = arith.index_cast %scan3A_45 : i32 to index
      %swap3A_1949 = arith.constant 192 : index
      %swap3A_1950 = tpu.vector_load %arg18[%swap3A_1948, %swap3A_1949] {strides = array<i32>} : memref<16x1024xf32, #tpu.memory_space<vmem>>, vector<1x16xf32>,
      %swap3A_1951 = vector.shape_cast %swap3A_1950 : vector<1x16xf32> to vector<16xf32>
      %swap3A_1952 = vector.shape_cast %add3A_1947 : vector<16xf32> to vector<1x16xf32>
      tpu.vector_store %arg18[%swap3A_1948, %swap3A_1949], %swap3A_1952 {strides = array<i32>} : memref<16x1024xf32, #tpu.memory_space<vmem>>, vector<1x16xf32>,
      %get3A_1953 = arith.index_cast %scan3A_45 : i32 to index
      %get3A_1954 = arith.constant 208 : index
      %get3A_1955 = tpu.vector_load %arg18[%get3A_1953, %get3A_1954] {strides = array<i32>} : memref<16x1024xf32, #tpu.memory_space<vmem>>, vector<1x16xf32>,
      %get3A_1956 = vector.shape_cast %get3A_1955 : vector<1x16xf32> to vector<16xf32>
      %sub3A_1957 = arith.subf %get3A_1956, %mul3A_1484 : vector<16xf32>
      %mul3A_1958 = arith.mulf %sub3A_1957, %mul3A_1705 : vector<16xf32>
      %get3A_1959 = arith.constant 208 : index
      %get3A_1960 = tpu.vector_load %arg19[%get3A_1959] {strides = array<i32>} : memref<1024xf32, #tpu.memory_space<vmem>>, vector<16xf32>,
      %get3A_1961 = vector.shape_cast %get3A_1960 : vector<16xf32> to vector<16xf32>
      %mul3A_1962 = arith.mulf %mul3A_1958, %get3A_1961 : vector<16xf32>
      %get3A_1963 = arith.constant 208 : index
      %get3A_1964 = tpu.vector_load %arg20[%get3A_1963] {strides = array<i32>} : memref<1024xf32, #tpu.memory_space<vmem>>, vector<16xf32>,
      %get3A_1965 = vector.shape_cast %get3A_1964 : vector<16xf32> to vector<16xf32>
      %add3A_1966 = arith.addf %mul3A_1962, %get3A_1965 : vector<16xf32>
      %swap3A_1967 = arith.index_cast %scan3A_45 : i32 to index
      %swap3A_1968 = arith.constant 208 : index
      %swap3A_1969 = tpu.vector_load %arg18[%swap3A_1967, %swap3A_1968] {strides = array<i32>} : memref<16x1024xf32, #tpu.memory_space<vmem>>, vector<1x16xf32>,
      %swap3A_1970 = vector.shape_cast %swap3A_1969 : vector<1x16xf32> to vector<16xf32>
      %swap3A_1971 = vector.shape_cast %add3A_1966 : vector<16xf32> to vector<1x16xf32>
      tpu.vector_store %arg18[%swap3A_1967, %swap3A_1968], %swap3A_1971 {strides = array<i32>} : memref<16x1024xf32, #tpu.memory_space<vmem>>, vector<1x16xf32>,
      %get3A_1972 = arith.index_cast %scan3A_45 : i32 to index
      %get3A_1973 = arith.constant 224 : index
      %get3A_1974 = tpu.vector_load %arg18[%get3A_1972, %get3A_1973] {strides = array<i32>} : memref<16x1024xf32, #tpu.memory_space<vmem>>, vector<1x16xf32>,
      %get3A_1975 = vector.shape_cast %get3A_1974 : vector<1x16xf32> to vector<16xf32>
      %sub3A_1976 = arith.subf %get3A_1975, %mul3A_1484 : vector<16xf32>
      %mul3A_1977 = arith.mulf %sub3A_1976, %mul3A_1705 : vector<16xf32>
      %get3A_1978 = arith.constant 224 : index
      %get3A_1979 = tpu.vector_load %arg19[%get3A_1978] {strides = array<i32>} : memref<1024xf32, #tpu.memory_space<vmem>>, vector<16xf32>,
      %get3A_1980 = vector.shape_cast %get3A_1979 : vector<16xf32> to vector<16xf32>
      %mul3A_1981 = arith.mulf %mul3A_1977, %get3A_1980 : vector<16xf32>
      %get3A_1982 = arith.constant 224 : index
      %get3A_1983 = tpu.vector_load %arg20[%get3A_1982] {strides = array<i32>} : memref<1024xf32, #tpu.memory_space<vmem>>, vector<16xf32>,
      %get3A_1984 = vector.shape_cast %get3A_1983 : vector<16xf32> to vector<16xf32>
      %add3A_1985 = arith.addf %mul3A_1981, %get3A_1984 : vector<16xf32>
      %swap3A_1986 = arith.index_cast %scan3A_45 : i32 to index
      %swap3A_1987 = arith.constant 224 : index
      %swap3A_1988 = tpu.vector_load %arg18[%swap3A_1986, %swap3A_1987] {strides = array<i32>} : memref<16x1024xf32, #tpu.memory_space<vmem>>, vector<1x16xf32>,
      %swap3A_1989 = vector.shape_cast %swap3A_1988 : vector<1x16xf32> to vector<16xf32>
      %swap3A_1990 = vector.shape_cast %add3A_1985 : vector<16xf32> to vector<1x16xf32>
      tpu.vector_store %arg18[%swap3A_1986, %swap3A_1987], %swap3A_1990 {strides = array<i32>} : memref<16x1024xf32, #tpu.memory_space<vmem>>, vector<1x16xf32>,
      %get3A_1991 = arith.index_cast %scan3A_45 : i32 to index
      %get3A_1992 = arith.constant 240 : index
      %get3A_1993 = tpu.vector_load %arg18[%get3A_1991, %get3A_1992] {strides = array<i32>} : memref<16x1024xf32, #tpu.memory_space<vmem>>, vector<1x16xf32>,
      %get3A_1994 = vector.shape_cast %get3A_1993 : vector<1x16xf32> to vector<16xf32>
      %sub3A_1995 = arith.subf %get3A_1994, %mul3A_1484 : vector<16xf32>
      %mul3A_1996 = arith.mulf %sub3A_1995, %mul3A_1705 : vector<16xf32>
      %get3A_1997 = arith.constant 240 : index
      %get3A_1998 = tpu.vector_load %arg19[%get3A_1997] {strides = array<i32>} : memref<1024xf32, #tpu.memory_space<vmem>>, vector<16xf32>,
      %get3A_1999 = vector.shape_cast %get3A_1998 : vector<16xf32> to vector<16xf32>
      %mul3A_2000 = arith.mulf %mul3A_1996, %get3A_1999 : vector<16xf32>
      %get3A_2001 = arith.constant 240 : index
      %get3A_2002 = tpu.vector_load %arg20[%get3A_2001] {strides = array<i32>} : memref<1024xf32, #tpu.memory_space<vmem>>, vector<16xf32>,
      %get3A_2003 = vector.shape_cast %get3A_2002 : vector<16xf32> to vector<16xf32>
      %add3A_2004 = arith.addf %mul3A_2000, %get3A_2003 : vector<16xf32>
      %swap3A_2005 = arith.index_cast %scan3A_45 : i32 to index
      %swap3A_2006 = arith.constant 240 : index
      %swap3A_2007 = tpu.vector_load %arg18[%swap3A_2005, %swap3A_2006] {strides = array<i32>} : memref<16x1024xf32, #tpu.memory_space<vmem>>, vector<1x16xf32>,
      %swap3A_2008 = vector.shape_cast %swap3A_2007 : vector<1x16xf32> to vector<16xf32>
      %swap3A_2009 = vector.shape_cast %add3A_2004 : vector<16xf32> to vector<1x16xf32>
      tpu.vector_store %arg18[%swap3A_2005, %swap3A_2006], %swap3A_2009 {strides = array<i32>} : memref<16x1024xf32, #tpu.memory_space<vmem>>, vector<1x16xf32>,
      %get3A_2010 = arith.index_cast %scan3A_45 : i32 to index
      %get3A_2011 = arith.constant 256 : index
      %get3A_2012 = tpu.vector_load %arg18[%get3A_2010, %get3A_2011] {strides = array<i32>} : memref<16x1024xf32, #tpu.memory_space<vmem>>, vector<1x16xf32>,
      %get3A_2013 = vector.shape_cast %get3A_2012 : vector<1x16xf32> to vector<16xf32>
      %sub3A_2014 = arith.subf %get3A_2013, %mul3A_1484 : vector<16xf32>
      %mul3A_2015 = arith.mulf %sub3A_2014, %mul3A_1705 : vector<16xf32>
      %get3A_2016 = arith.constant 256 : index
      %get3A_2017 = tpu.vector_load %arg19[%get3A_2016] {strides = array<i32>} : memref<1024xf32, #tpu.memory_space<vmem>>, vector<16xf32>,
      %get3A_2018 = vector.shape_cast %get3A_2017 : vector<16xf32> to vector<16xf32>
      %mul3A_2019 = arith.mulf %mul3A_2015, %get3A_2018 : vector<16xf32>
      %get3A_2020 = arith.constant 256 : index
      %get3A_2021 = tpu.vector_load %arg20[%get3A_2020] {strides = array<i32>} : memref<1024xf32, #tpu.memory_space<vmem>>, vector<16xf32>,
      %get3A_2022 = vector.shape_cast %get3A_2021 : vector<16xf32> to vector<16xf32>
      %add3A_2023 = arith.addf %mul3A_2019, %get3A_2022 : vector<16xf32>
      %swap3A_2024 = arith.index_cast %scan3A_45 : i32 to index
      %swap3A_2025 = arith.constant 256 : index
      %swap3A_2026 = tpu.vector_load %arg18[%swap3A_2024, %swap3A_2025] {strides = array<i32>} : memref<16x1024xf32, #tpu.memory_space<vmem>>, vector<1x16xf32>,
      %swap3A_2027 = vector.shape_cast %swap3A_2026 : vector<1x16xf32> to vector<16xf32>
      %swap3A_2028 = vector.shape_cast %add3A_2023 : vector<16xf32> to vector<1x16xf32>
      tpu.vector_store %arg18[%swap3A_2024, %swap3A_2025], %swap3A_2028 {strides = array<i32>} : memref<16x1024xf32, #tpu.memory_space<vmem>>, vector<1x16xf32>,
      %get3A_2029 = arith.index_cast %scan3A_45 : i32 to index
      %get3A_2030 = arith.constant 272 : index
      %get3A_2031 = tpu.vector_load %arg18[%get3A_2029, %get3A_2030] {strides = array<i32>} : memref<16x1024xf32, #tpu.memory_space<vmem>>, vector<1x16xf32>,
      %get3A_2032 = vector.shape_cast %get3A_2031 : vector<1x16xf32> to vector<16xf32>
      %sub3A_2033 = arith.subf %get3A_2032, %mul3A_1484 : vector<16xf32>
      %mul3A_2034 = arith.mulf %sub3A_2033, %mul3A_1705 : vector<16xf32>
      %get3A_2035 = arith.constant 272 : index
      %get3A_2036 = tpu.vector_load %arg19[%get3A_2035] {strides = array<i32>} : memref<1024xf32, #tpu.memory_space<vmem>>, vector<16xf32>,
      %get3A_2037 = vector.shape_cast %get3A_2036 : vector<16xf32> to vector<16xf32>
      %mul3A_2038 = arith.mulf %mul3A_2034, %get3A_2037 : vector<16xf32>
      %get3A_2039 = arith.constant 272 : index
      %get3A_2040 = tpu.vector_load %arg20[%get3A_2039] {strides = array<i32>} : memref<1024xf32, #tpu.memory_space<vmem>>, vector<16xf32>,
      %get3A_2041 = vector.shape_cast %get3A_2040 : vector<16xf32> to vector<16xf32>
      %add3A_2042 = arith.addf %mul3A_2038, %get3A_2041 : vector<16xf32>
      %swap3A_2043 = arith.index_cast %scan3A_45 : i32 to index
      %swap3A_2044 = arith.constant 272 : index
      %swap3A_2045 = tpu.vector_load %arg18[%swap3A_2043, %swap3A_2044] {strides = array<i32>} : memref<16x1024xf32, #tpu.memory_space<vmem>>, vector<1x16xf32>,
      %swap3A_2046 = vector.shape_cast %swap3A_2045 : vector<1x16xf32> to vector<16xf32>
      %swap3A_2047 = vector.shape_cast %add3A_2042 : vector<16xf32> to vector<1x16xf32>
      tpu.vector_store %arg18[%swap3A_2043, %swap3A_2044], %swap3A_2047 {strides = array<i32>} : memref<16x1024xf32, #tpu.memory_space<vmem>>, vector<1x16xf32>,
      %get3A_2048 = arith.index_cast %scan3A_45 : i32 to index
      %get3A_2049 = arith.constant 288 : index
      %get3A_2050 = tpu.vector_load %arg18[%get3A_2048, %get3A_2049] {strides = array<i32>} : memref<16x1024xf32, #tpu.memory_space<vmem>>, vector<1x16xf32>,
      %get3A_2051 = vector.shape_cast %get3A_2050 : vector<1x16xf32> to vector<16xf32>
      %sub3A_2052 = arith.subf %get3A_2051, %mul3A_1484 : vector<16xf32>
      %mul3A_2053 = arith.mulf %sub3A_2052, %mul3A_1705 : vector<16xf32>
      %get3A_2054 = arith.constant 288 : index
      %get3A_2055 = tpu.vector_load %arg19[%get3A_2054] {strides = array<i32>} : memref<1024xf32, #tpu.memory_space<vmem>>, vector<16xf32>,
      %get3A_2056 = vector.shape_cast %get3A_2055 : vector<16xf32> to vector<16xf32>
      %mul3A_2057 = arith.mulf %mul3A_2053, %get3A_2056 : vector<16xf32>
      %get3A_2058 = arith.constant 288 : index
      %get3A_2059 = tpu.vector_load %arg20[%get3A_2058] {strides = array<i32>} : memref<1024xf32, #tpu.memory_space<vmem>>, vector<16xf32>,
      %get3A_2060 = vector.shape_cast %get3A_2059 : vector<16xf32> to vector<16xf32>
      %add3A_2061 = arith.addf %mul3A_2057, %get3A_2060 : vector<16xf32>
      %swap3A_2062 = arith.index_cast %scan3A_45 : i32 to index
      %swap3A_2063 = arith.constant 288 : index
      %swap3A_2064 = tpu.vector_load %arg18[%swap3A_2062, %swap3A_2063] {strides = array<i32>} : memref<16x1024xf32, #tpu.memory_space<vmem>>, vector<1x16xf32>,
      %swap3A_2065 = vector.shape_cast %swap3A_2064 : vector<1x16xf32> to vector<16xf32>
      %swap3A_2066 = vector.shape_cast %add3A_2061 : vector<16xf32> to vector<1x16xf32>
      tpu.vector_store %arg18[%swap3A_2062, %swap3A_2063], %swap3A_2066 {strides = array<i32>} : memref<16x1024xf32, #tpu.memory_space<vmem>>, vector<1x16xf32>,
      %get3A_2067 = arith.index_cast %scan3A_45 : i32 to index
      %get3A_2068 = arith.constant 304 : index
      %get3A_2069 = tpu.vector_load %arg18[%get3A_2067, %get3A_2068] {strides = array<i32>} : memref<16x1024xf32, #tpu.memory_space<vmem>>, vector<1x16xf32>,
      %get3A_2070 = vector.shape_cast %get3A_2069 : vector<1x16xf32> to vector<16xf32>
      %sub3A_2071 = arith.subf %get3A_2070, %mul3A_1484 : vector<16xf32>
      %mul3A_2072 = arith.mulf %sub3A_2071, %mul3A_1705 : vector<16xf32>
      %get3A_2073 = arith.constant 304 : index
      %get3A_2074 = tpu.vector_load %arg19[%get3A_2073] {strides = array<i32>} : memref<1024xf32, #tpu.memory_space<vmem>>, vector<16xf32>,
      %get3A_2075 = vector.shape_cast %get3A_2074 : vector<16xf32> to vector<16xf32>
      %mul3A_2076 = arith.mulf %mul3A_2072, %get3A_2075 : vector<16xf32>
      %get3A_2077 = arith.constant 304 : index
      %get3A_2078 = tpu.vector_load %arg20[%get3A_2077] {strides = array<i32>} : memref<1024xf32, #tpu.memory_space<vmem>>, vector<16xf32>,
      %get3A_2079 = vector.shape_cast %get3A_2078 : vector<16xf32> to vector<16xf32>
      %add3A_2080 = arith.addf %mul3A_2076, %get3A_2079 : vector<16xf32>
      %swap3A_2081 = arith.index_cast %scan3A_45 : i32 to index
      %swap3A_2082 = arith.constant 304 : index
      %swap3A_2083 = tpu.vector_load %arg18[%swap3A_2081, %swap3A_2082] {strides = array<i32>} : memref<16x1024xf32, #tpu.memory_space<vmem>>, vector<1x16xf32>,
      %swap3A_2084 = vector.shape_cast %swap3A_2083 : vector<1x16xf32> to vector<16xf32>
      %swap3A_2085 = vector.shape_cast %add3A_2080 : vector<16xf32> to vector<1x16xf32>
      tpu.vector_store %arg18[%swap3A_2081, %swap3A_2082], %swap3A_2085 {strides = array<i32>} : memref<16x1024xf32, #tpu.memory_space<vmem>>, vector<1x16xf32>,
      %get3A_2086 = arith.index_cast %scan3A_45 : i32 to index
      %get3A_2087 = arith.constant 320 : index
      %get3A_2088 = tpu.vector_load %arg18[%get3A_2086, %get3A_2087] {strides = array<i32>} : memref<16x1024xf32, #tpu.memory_space<vmem>>, vector<1x16xf32>,
      %get3A_2089 = vector.shape_cast %get3A_2088 : vector<1x16xf32> to vector<16xf32>
      %sub3A_2090 = arith.subf %get3A_2089, %mul3A_1484 : vector<16xf32>
      %mul3A_2091 = arith.mulf %sub3A_2090, %mul3A_1705 : vector<16xf32>
      %get3A_2092 = arith.constant 320 : index
      %get3A_2093 = tpu.vector_load %arg19[%get3A_2092] {strides = array<i32>} : memref<1024xf32, #tpu.memory_space<vmem>>, vector<16xf32>,
      %get3A_2094 = vector.shape_cast %get3A_2093 : vector<16xf32> to vector<16xf32>
      %mul3A_2095 = arith.mulf %mul3A_2091, %get3A_2094 : vector<16xf32>
      %get3A_2096 = arith.constant 320 : index
      %get3A_2097 = tpu.vector_load %arg20[%get3A_2096] {strides = array<i32>} : memref<1024xf32, #tpu.memory_space<vmem>>, vector<16xf32>,
      %get3A_2098 = vector.shape_cast %get3A_2097 : vector<16xf32> to vector<16xf32>
      %add3A_2099 = arith.addf %mul3A_2095, %get3A_2098 : vector<16xf32>
      %swap3A_2100 = arith.index_cast %scan3A_45 : i32 to index
      %swap3A_2101 = arith.constant 320 : index
      %swap3A_2102 = tpu.vector_load %arg18[%swap3A_2100, %swap3A_2101] {strides = array<i32>} : memref<16x1024xf32, #tpu.memory_space<vmem>>, vector<1x16xf32>,
      %swap3A_2103 = vector.shape_cast %swap3A_2102 : vector<1x16xf32> to vector<16xf32>
      %swap3A_2104 = vector.shape_cast %add3A_2099 : vector<16xf32> to vector<1x16xf32>
      tpu.vector_store %arg18[%swap3A_2100, %swap3A_2101], %swap3A_2104 {strides = array<i32>} : memref<16x1024xf32, #tpu.memory_space<vmem>>, vector<1x16xf32>,
      %get3A_2105 = arith.index_cast %scan3A_45 : i32 to index
      %get3A_2106 = arith.constant 336 : index
      %get3A_2107 = tpu.vector_load %arg18[%get3A_2105, %get3A_2106] {strides = array<i32>} : memref<16x1024xf32, #tpu.memory_space<vmem>>, vector<1x16xf32>,
      %get3A_2108 = vector.shape_cast %get3A_2107 : vector<1x16xf32> to vector<16xf32>
      %sub3A_2109 = arith.subf %get3A_2108, %mul3A_1484 : vector<16xf32>
      %mul3A_2110 = arith.mulf %sub3A_2109, %mul3A_1705 : vector<16xf32>
      %get3A_2111 = arith.constant 336 : index
      %get3A_2112 = tpu.vector_load %arg19[%get3A_2111] {strides = array<i32>} : memref<1024xf32, #tpu.memory_space<vmem>>, vector<16xf32>,
      %get3A_2113 = vector.shape_cast %get3A_2112 : vector<16xf32> to vector<16xf32>
      %mul3A_2114 = arith.mulf %mul3A_2110, %get3A_2113 : vector<16xf32>
      %get3A_2115 = arith.constant 336 : index
      %get3A_2116 = tpu.vector_load %arg20[%get3A_2115] {strides = array<i32>} : memref<1024xf32, #tpu.memory_space<vmem>>, vector<16xf32>,
      %get3A_2117 = vector.shape_cast %get3A_2116 : vector<16xf32> to vector<16xf32>
      %add3A_2118 = arith.addf %mul3A_2114, %get3A_2117 : vector<16xf32>
      %swap3A_2119 = arith.index_cast %scan3A_45 : i32 to index
      %swap3A_2120 = arith.constant 336 : index
      %swap3A_2121 = tpu.vector_load %arg18[%swap3A_2119, %swap3A_2120] {strides = array<i32>} : memref<16x1024xf32, #tpu.memory_space<vmem>>, vector<1x16xf32>,
      %swap3A_2122 = vector.shape_cast %swap3A_2121 : vector<1x16xf32> to vector<16xf32>
      %swap3A_2123 = vector.shape_cast %add3A_2118 : vector<16xf32> to vector<1x16xf32>
      tpu.vector_store %arg18[%swap3A_2119, %swap3A_2120], %swap3A_2123 {strides = array<i32>} : memref<16x1024xf32, #tpu.memory_space<vmem>>, vector<1x16xf32>,
      %get3A_2124 = arith.index_cast %scan3A_45 : i32 to index
      %get3A_2125 = arith.constant 352 : index
      %get3A_2126 = tpu.vector_load %arg18[%get3A_2124, %get3A_2125] {strides = array<i32>} : memref<16x1024xf32, #tpu.memory_space<vmem>>, vector<1x16xf32>,
      %get3A_2127 = vector.shape_cast %get3A_2126 : vector<1x16xf32> to vector<16xf32>
      %sub3A_2128 = arith.subf %get3A_2127, %mul3A_1484 : vector<16xf32>
      %mul3A_2129 = arith.mulf %sub3A_2128, %mul3A_1705 : vector<16xf32>
      %get3A_2130 = arith.constant 352 : index
      %get3A_2131 = tpu.vector_load %arg19[%get3A_2130] {strides = array<i32>} : memref<1024xf32, #tpu.memory_space<vmem>>, vector<16xf32>,
      %get3A_2132 = vector.shape_cast %get3A_2131 : vector<16xf32> to vector<16xf32>
      %mul3A_2133 = arith.mulf %mul3A_2129, %get3A_2132 : vector<16xf32>
      %get3A_2134 = arith.constant 352 : index
      %get3A_2135 = tpu.vector_load %arg20[%get3A_2134] {strides = array<i32>} : memref<1024xf32, #tpu.memory_space<vmem>>, vector<16xf32>,
      %get3A_2136 = vector.shape_cast %get3A_2135 : vector<16xf32> to vector<16xf32>
      %add3A_2137 = arith.addf %mul3A_2133, %get3A_2136 : vector<16xf32>
      %swap3A_2138 = arith.index_cast %scan3A_45 : i32 to index
      %swap3A_2139 = arith.constant 352 : index
      %swap3A_2140 = tpu.vector_load %arg18[%swap3A_2138, %swap3A_2139] {strides = array<i32>} : memref<16x1024xf32, #tpu.memory_space<vmem>>, vector<1x16xf32>,
      %swap3A_2141 = vector.shape_cast %swap3A_2140 : vector<1x16xf32> to vector<16xf32>
      %swap3A_2142 = vector.shape_cast %add3A_2137 : vector<16xf32> to vector<1x16xf32>
      tpu.vector_store %arg18[%swap3A_2138, %swap3A_2139], %swap3A_2142 {strides = array<i32>} : memref<16x1024xf32, #tpu.memory_space<vmem>>, vector<1x16xf32>,
      %get3A_2143 = arith.index_cast %scan3A_45 : i32 to index
      %get3A_2144 = arith.constant 368 : index
      %get3A_2145 = tpu.vector_load %arg18[%get3A_2143, %get3A_2144] {strides = array<i32>} : memref<16x1024xf32, #tpu.memory_space<vmem>>, vector<1x16xf32>,
      %get3A_2146 = vector.shape_cast %get3A_2145 : vector<1x16xf32> to vector<16xf32>
      %sub3A_2147 = arith.subf %get3A_2146, %mul3A_1484 : vector<16xf32>
      %mul3A_2148 = arith.mulf %sub3A_2147, %mul3A_1705 : vector<16xf32>
      %get3A_2149 = arith.constant 368 : index
      %get3A_2150 = tpu.vector_load %arg19[%get3A_2149] {strides = array<i32>} : memref<1024xf32, #tpu.memory_space<vmem>>, vector<16xf32>,
      %get3A_2151 = vector.shape_cast %get3A_2150 : vector<16xf32> to vector<16xf32>
      %mul3A_2152 = arith.mulf %mul3A_2148, %get3A_2151 : vector<16xf32>
      %get3A_2153 = arith.constant 368 : index
      %get3A_2154 = tpu.vector_load %arg20[%get3A_2153] {strides = array<i32>} : memref<1024xf32, #tpu.memory_space<vmem>>, vector<16xf32>,
      %get3A_2155 = vector.shape_cast %get3A_2154 : vector<16xf32> to vector<16xf32>
      %add3A_2156 = arith.addf %mul3A_2152, %get3A_2155 : vector<16xf32>
      %swap3A_2157 = arith.index_cast %scan3A_45 : i32 to index
      %swap3A_2158 = arith.constant 368 : index
      %swap3A_2159 = tpu.vector_load %arg18[%swap3A_2157, %swap3A_2158] {strides = array<i32>} : memref<16x1024xf32, #tpu.memory_space<vmem>>, vector<1x16xf32>,
      %swap3A_2160 = vector.shape_cast %swap3A_2159 : vector<1x16xf32> to vector<16xf32>
      %swap3A_2161 = vector.shape_cast %add3A_2156 : vector<16xf32> to vector<1x16xf32>
      tpu.vector_store %arg18[%swap3A_2157, %swap3A_2158], %swap3A_2161 {strides = array<i32>} : memref<16x1024xf32, #tpu.memory_space<vmem>>, vector<1x16xf32>,
      %get3A_2162 = arith.index_cast %scan3A_45 : i32 to index
      %get3A_2163 = arith.constant 384 : index
      %get3A_2164 = tpu.vector_load %arg18[%get3A_2162, %get3A_2163] {strides = array<i32>} : memref<16x1024xf32, #tpu.memory_space<vmem>>, vector<1x16xf32>,
      %get3A_2165 = vector.shape_cast %get3A_2164 : vector<1x16xf32> to vector<16xf32>
      %sub3A_2166 = arith.subf %get3A_2165, %mul3A_1484 : vector<16xf32>
      %mul3A_2167 = arith.mulf %sub3A_2166, %mul3A_1705 : vector<16xf32>
      %get3A_2168 = arith.constant 384 : index
      %get3A_2169 = tpu.vector_load %arg19[%get3A_2168] {strides = array<i32>} : memref<1024xf32, #tpu.memory_space<vmem>>, vector<16xf32>,
      %get3A_2170 = vector.shape_cast %get3A_2169 : vector<16xf32> to vector<16xf32>
      %mul3A_2171 = arith.mulf %mul3A_2167, %get3A_2170 : vector<16xf32>
      %get3A_2172 = arith.constant 384 : index
      %get3A_2173 = tpu.vector_load %arg20[%get3A_2172] {strides = array<i32>} : memref<1024xf32, #tpu.memory_space<vmem>>, vector<16xf32>,
      %get3A_2174 = vector.shape_cast %get3A_2173 : vector<16xf32> to vector<16xf32>
      %add3A_2175 = arith.addf %mul3A_2171, %get3A_2174 : vector<16xf32>
      %swap3A_2176 = arith.index_cast %scan3A_45 : i32 to index
      %swap3A_2177 = arith.constant 384 : index
      %swap3A_2178 = tpu.vector_load %arg18[%swap3A_2176, %swap3A_2177] {strides = array<i32>} : memref<16x1024xf32, #tpu.memory_space<vmem>>, vector<1x16xf32>,
      %swap3A_2179 = vector.shape_cast %swap3A_2178 : vector<1x16xf32> to vector<16xf32>
      %swap3A_2180 = vector.shape_cast %add3A_2175 : vector<16xf32> to vector<1x16xf32>
      tpu.vector_store %arg18[%swap3A_2176, %swap3A_2177], %swap3A_2180 {strides = array<i32>} : memref<16x1024xf32, #tpu.memory_space<vmem>>, vector<1x16xf32>,
      %get3A_2181 = arith.index_cast %scan3A_45 : i32 to index
      %get3A_2182 = arith.constant 400 : index
      %get3A_2183 = tpu.vector_load %arg18[%get3A_2181, %get3A_2182] {strides = array<i32>} : memref<16x1024xf32, #tpu.memory_space<vmem>>, vector<1x16xf32>,
      %get3A_2184 = vector.shape_cast %get3A_2183 : vector<1x16xf32> to vector<16xf32>
      %sub3A_2185 = arith.subf %get3A_2184, %mul3A_1484 : vector<16xf32>
      %mul3A_2186 = arith.mulf %sub3A_2185, %mul3A_1705 : vector<16xf32>
      %get3A_2187 = arith.constant 400 : index
      %get3A_2188 = tpu.vector_load %arg19[%get3A_2187] {strides = array<i32>} : memref<1024xf32, #tpu.memory_space<vmem>>, vector<16xf32>,
      %get3A_2189 = vector.shape_cast %get3A_2188 : vector<16xf32> to vector<16xf32>
      %mul3A_2190 = arith.mulf %mul3A_2186, %get3A_2189 : vector<16xf32>
      %get3A_2191 = arith.constant 400 : index
      %get3A_2192 = tpu.vector_load %arg20[%get3A_2191] {strides = array<i32>} : memref<1024xf32, #tpu.memory_space<vmem>>, vector<16xf32>,
      %get3A_2193 = vector.shape_cast %get3A_2192 : vector<16xf32> to vector<16xf32>
      %add3A_2194 = arith.addf %mul3A_2190, %get3A_2193 : vector<16xf32>
      %swap3A_2195 = arith.index_cast %scan3A_45 : i32 to index
      %swap3A_2196 = arith.constant 400 : index
      %swap3A_2197 = tpu.vector_load %arg18[%swap3A_2195, %swap3A_2196] {strides = array<i32>} : memref<16x1024xf32, #tpu.memory_space<vmem>>, vector<1x16xf32>,
      %swap3A_2198 = vector.shape_cast %swap3A_2197 : vector<1x16xf32> to vector<16xf32>
      %swap3A_2199 = vector.shape_cast %add3A_2194 : vector<16xf32> to vector<1x16xf32>
      tpu.vector_store %arg18[%swap3A_2195, %swap3A_2196], %swap3A_2199 {strides = array<i32>} : memref<16x1024xf32, #tpu.memory_space<vmem>>, vector<1x16xf32>,
      %get3A_2200 = arith.index_cast %scan3A_45 : i32 to index
      %get3A_2201 = arith.constant 416 : index
      %get3A_2202 = tpu.vector_load %arg18[%get3A_2200, %get3A_2201] {strides = array<i32>} : memref<16x1024xf32, #tpu.memory_space<vmem>>, vector<1x16xf32>,
      %get3A_2203 = vector.shape_cast %get3A_2202 : vector<1x16xf32> to vector<16xf32>
      %sub3A_2204 = arith.subf %get3A_2203, %mul3A_1484 : vector<16xf32>
      %mul3A_2205 = arith.mulf %sub3A_2204, %mul3A_1705 : vector<16xf32>
      %get3A_2206 = arith.constant 416 : index
      %get3A_2207 = tpu.vector_load %arg19[%get3A_2206] {strides = array<i32>} : memref<1024xf32, #tpu.memory_space<vmem>>, vector<16xf32>,
      %get3A_2208 = vector.shape_cast %get3A_2207 : vector<16xf32> to vector<16xf32>
      %mul3A_2209 = arith.mulf %mul3A_2205, %get3A_2208 : vector<16xf32>
      %get3A_2210 = arith.constant 416 : index
      %get3A_2211 = tpu.vector_load %arg20[%get3A_2210] {strides = array<i32>} : memref<1024xf32, #tpu.memory_space<vmem>>, vector<16xf32>,
      %get3A_2212 = vector.shape_cast %get3A_2211 : vector<16xf32> to vector<16xf32>
      %add3A_2213 = arith.addf %mul3A_2209, %get3A_2212 : vector<16xf32>
      %swap3A_2214 = arith.index_cast %scan3A_45 : i32 to index
      %swap3A_2215 = arith.constant 416 : index
      %swap3A_2216 = tpu.vector_load %arg18[%swap3A_2214, %swap3A_2215] {strides = array<i32>} : memref<16x1024xf32, #tpu.memory_space<vmem>>, vector<1x16xf32>,
      %swap3A_2217 = vector.shape_cast %swap3A_2216 : vector<1x16xf32> to vector<16xf32>
      %swap3A_2218 = vector.shape_cast %add3A_2213 : vector<16xf32> to vector<1x16xf32>
      tpu.vector_store %arg18[%swap3A_2214, %swap3A_2215], %swap3A_2218 {strides = array<i32>} : memref<16x1024xf32, #tpu.memory_space<vmem>>, vector<1x16xf32>,
      %get3A_2219 = arith.index_cast %scan3A_45 : i32 to index
      %get3A_2220 = arith.constant 432 : index
      %get3A_2221 = tpu.vector_load %arg18[%get3A_2219, %get3A_2220] {strides = array<i32>} : memref<16x1024xf32, #tpu.memory_space<vmem>>, vector<1x16xf32>,
      %get3A_2222 = vector.shape_cast %get3A_2221 : vector<1x16xf32> to vector<16xf32>
      %sub3A_2223 = arith.subf %get3A_2222, %mul3A_1484 : vector<16xf32>
      %mul3A_2224 = arith.mulf %sub3A_2223, %mul3A_1705 : vector<16xf32>
      %get3A_2225 = arith.constant 432 : index
      %get3A_2226 = tpu.vector_load %arg19[%get3A_2225] {strides = array<i32>} : memref<1024xf32, #tpu.memory_space<vmem>>, vector<16xf32>,
      %get3A_2227 = vector.shape_cast %get3A_2226 : vector<16xf32> to vector<16xf32>
      %mul3A_2228 = arith.mulf %mul3A_2224, %get3A_2227 : vector<16xf32>
      %get3A_2229 = arith.constant 432 : index
      %get3A_2230 = tpu.vector_load %arg20[%get3A_2229] {strides = array<i32>} : memref<1024xf32, #tpu.memory_space<vmem>>, vector<16xf32>,
      %get3A_2231 = vector.shape_cast %get3A_2230 : vector<16xf32> to vector<16xf32>
      %add3A_2232 = arith.addf %mul3A_2228, %get3A_2231 : vector<16xf32>
      %swap3A_2233 = arith.index_cast %scan3A_45 : i32 to index
      %swap3A_2234 = arith.constant 432 : index
      %swap3A_2235 = tpu.vector_load %arg18[%swap3A_2233, %swap3A_2234] {strides = array<i32>} : memref<16x1024xf32, #tpu.memory_space<vmem>>, vector<1x16xf32>,
      %swap3A_2236 = vector.shape_cast %swap3A_2235 : vector<1x16xf32> to vector<16xf32>
      %swap3A_2237 = vector.shape_cast %add3A_2232 : vector<16xf32> to vector<1x16xf32>
      tpu.vector_store %arg18[%swap3A_2233, %swap3A_2234], %swap3A_2237 {strides = array<i32>} : memref<16x1024xf32, #tpu.memory_space<vmem>>, vector<1x16xf32>,
      %get3A_2238 = arith.index_cast %scan3A_45 : i32 to index
      %get3A_2239 = arith.constant 448 : index
      %get3A_2240 = tpu.vector_load %arg18[%get3A_2238, %get3A_2239] {strides = array<i32>} : memref<16x1024xf32, #tpu.memory_space<vmem>>, vector<1x16xf32>,
      %get3A_2241 = vector.shape_cast %get3A_2240 : vector<1x16xf32> to vector<16xf32>
      %sub3A_2242 = arith.subf %get3A_2241, %mul3A_1484 : vector<16xf32>
      %mul3A_2243 = arith.mulf %sub3A_2242, %mul3A_1705 : vector<16xf32>
      %get3A_2244 = arith.constant 448 : index
      %get3A_2245 = tpu.vector_load %arg19[%get3A_2244] {strides = array<i32>} : memref<1024xf32, #tpu.memory_space<vmem>>, vector<16xf32>,
      %get3A_2246 = vector.shape_cast %get3A_2245 : vector<16xf32> to vector<16xf32>
      %mul3A_2247 = arith.mulf %mul3A_2243, %get3A_2246 : vector<16xf32>
      %get3A_2248 = arith.constant 448 : index
      %get3A_2249 = tpu.vector_load %arg20[%get3A_2248] {strides = array<i32>} : memref<1024xf32, #tpu.memory_space<vmem>>, vector<16xf32>,
      %get3A_2250 = vector.shape_cast %get3A_2249 : vector<16xf32> to vector<16xf32>
      %add3A_2251 = arith.addf %mul3A_2247, %get3A_2250 : vector<16xf32>
      %swap3A_2252 = arith.index_cast %scan3A_45 : i32 to index
      %swap3A_2253 = arith.constant 448 : index
      %swap3A_2254 = tpu.vector_load %arg18[%swap3A_2252, %swap3A_2253] {strides = array<i32>} : memref<16x1024xf32, #tpu.memory_space<vmem>>, vector<1x16xf32>,
      %swap3A_2255 = vector.shape_cast %swap3A_2254 : vector<1x16xf32> to vector<16xf32>
      %swap3A_2256 = vector.shape_cast %add3A_2251 : vector<16xf32> to vector<1x16xf32>
      tpu.vector_store %arg18[%swap3A_2252, %swap3A_2253], %swap3A_2256 {strides = array<i32>} : memref<16x1024xf32, #tpu.memory_space<vmem>>, vector<1x16xf32>,
      %get3A_2257 = arith.index_cast %scan3A_45 : i32 to index
      %get3A_2258 = arith.constant 464 : index
      %get3A_2259 = tpu.vector_load %arg18[%get3A_2257, %get3A_2258] {strides = array<i32>} : memref<16x1024xf32, #tpu.memory_space<vmem>>, vector<1x16xf32>,
      %get3A_2260 = vector.shape_cast %get3A_2259 : vector<1x16xf32> to vector<16xf32>
      %sub3A_2261 = arith.subf %get3A_2260, %mul3A_1484 : vector<16xf32>
      %mul3A_2262 = arith.mulf %sub3A_2261, %mul3A_1705 : vector<16xf32>
      %get3A_2263 = arith.constant 464 : index
      %get3A_2264 = tpu.vector_load %arg19[%get3A_2263] {strides = array<i32>} : memref<1024xf32, #tpu.memory_space<vmem>>, vector<16xf32>,
      %get3A_2265 = vector.shape_cast %get3A_2264 : vector<16xf32> to vector<16xf32>
      %mul3A_2266 = arith.mulf %mul3A_2262, %get3A_2265 : vector<16xf32>
      %get3A_2267 = arith.constant 464 : index
      %get3A_2268 = tpu.vector_load %arg20[%get3A_2267] {strides = array<i32>} : memref<1024xf32, #tpu.memory_space<vmem>>, vector<16xf32>,
      %get3A_2269 = vector.shape_cast %get3A_2268 : vector<16xf32> to vector<16xf32>
      %add3A_2270 = arith.addf %mul3A_2266, %get3A_2269 : vector<16xf32>
      %swap3A_2271 = arith.index_cast %scan3A_45 : i32 to index
      %swap3A_2272 = arith.constant 464 : index
      %swap3A_2273 = tpu.vector_load %arg18[%swap3A_2271, %swap3A_2272] {strides = array<i32>} : memref<16x1024xf32, #tpu.memory_space<vmem>>, vector<1x16xf32>,
      %swap3A_2274 = vector.shape_cast %swap3A_2273 : vector<1x16xf32> to vector<16xf32>
      %swap3A_2275 = vector.shape_cast %add3A_2270 : vector<16xf32> to vector<1x16xf32>
      tpu.vector_store %arg18[%swap3A_2271, %swap3A_2272], %swap3A_2275 {strides = array<i32>} : memref<16x1024xf32, #tpu.memory_space<vmem>>, vector<1x16xf32>,
      %get3A_2276 = arith.index_cast %scan3A_45 : i32 to index
      %get3A_2277 = arith.constant 480 : index
      %get3A_2278 = tpu.vector_load %arg18[%get3A_2276, %get3A_2277] {strides = array<i32>} : memref<16x1024xf32, #tpu.memory_space<vmem>>, vector<1x16xf32>,
      %get3A_2279 = vector.shape_cast %get3A_2278 : vector<1x16xf32> to vector<16xf32>
      %sub3A_2280 = arith.subf %get3A_2279, %mul3A_1484 : vector<16xf32>
      %mul3A_2281 = arith.mulf %sub3A_2280, %mul3A_1705 : vector<16xf32>
      %get3A_2282 = arith.constant 480 : index
      %get3A_2283 = tpu.vector_load %arg19[%get3A_2282] {strides = array<i32>} : memref<1024xf32, #tpu.memory_space<vmem>>, vector<16xf32>,
      %get3A_2284 = vector.shape_cast %get3A_2283 : vector<16xf32> to vector<16xf32>
      %mul3A_2285 = arith.mulf %mul3A_2281, %get3A_2284 : vector<16xf32>
      %get3A_2286 = arith.constant 480 : index
      %get3A_2287 = tpu.vector_load %arg20[%get3A_2286] {strides = array<i32>} : memref<1024xf32, #tpu.memory_space<vmem>>, vector<16xf32>,
      %get3A_2288 = vector.shape_cast %get3A_2287 : vector<16xf32> to vector<16xf32>
      %add3A_2289 = arith.addf %mul3A_2285, %get3A_2288 : vector<16xf32>
      %swap3A_2290 = arith.index_cast %scan3A_45 : i32 to index
      %swap3A_2291 = arith.constant 480 : index
      %swap3A_2292 = tpu.vector_load %arg18[%swap3A_2290, %swap3A_2291] {strides = array<i32>} : memref<16x1024xf32, #tpu.memory_space<vmem>>, vector<1x16xf32>,
      %swap3A_2293 = vector.shape_cast %swap3A_2292 : vector<1x16xf32> to vector<16xf32>
      %swap3A_2294 = vector.shape_cast %add3A_2289 : vector<16xf32> to vector<1x16xf32>
      tpu.vector_store %arg18[%swap3A_2290, %swap3A_2291], %swap3A_2294 {strides = array<i32>} : memref<16x1024xf32, #tpu.memory_space<vmem>>, vector<1x16xf32>,
      %get3A_2295 = arith.index_cast %scan3A_45 : i32 to index
      %get3A_2296 = arith.constant 496 : index
      %get3A_2297 = tpu.vector_load %arg18[%get3A_2295, %get3A_2296] {strides = array<i32>} : memref<16x1024xf32, #tpu.memory_space<vmem>>, vector<1x16xf32>,
      %get3A_2298 = vector.shape_cast %get3A_2297 : vector<1x16xf32> to vector<16xf32>
      %sub3A_2299 = arith.subf %get3A_2298, %mul3A_1484 : vector<16xf32>
      %mul3A_2300 = arith.mulf %sub3A_2299, %mul3A_1705 : vector<16xf32>
      %get3A_2301 = arith.constant 496 : index
      %get3A_2302 = tpu.vector_load %arg19[%get3A_2301] {strides = array<i32>} : memref<1024xf32, #tpu.memory_space<vmem>>, vector<16xf32>,
      %get3A_2303 = vector.shape_cast %get3A_2302 : vector<16xf32> to vector<16xf32>
      %mul3A_2304 = arith.mulf %mul3A_2300, %get3A_2303 : vector<16xf32>
      %get3A_2305 = arith.constant 496 : index
      %get3A_2306 = tpu.vector_load %arg20[%get3A_2305] {strides = array<i32>} : memref<1024xf32, #tpu.memory_space<vmem>>, vector<16xf32>,
      %get3A_2307 = vector.shape_cast %get3A_2306 : vector<16xf32> to vector<16xf32>
      %add3A_2308 = arith.addf %mul3A_2304, %get3A_2307 : vector<16xf32>
      %swap3A_2309 = arith.index_cast %scan3A_45 : i32 to index
      %swap3A_2310 = arith.constant 496 : index
      %swap3A_2311 = tpu.vector_load %arg18[%swap3A_2309, %swap3A_2310] {strides = array<i32>} : memref<16x1024xf32, #tpu.memory_space<vmem>>, vector<1x16xf32>,
      %swap3A_2312 = vector.shape_cast %swap3A_2311 : vector<1x16xf32> to vector<16xf32>
      %swap3A_2313 = vector.shape_cast %add3A_2308 : vector<16xf32> to vector<1x16xf32>
      tpu.vector_store %arg18[%swap3A_2309, %swap3A_2310], %swap3A_2313 {strides = array<i32>} : memref<16x1024xf32, #tpu.memory_space<vmem>>, vector<1x16xf32>,
      %get3A_2314 = arith.index_cast %scan3A_45 : i32 to index
      %get3A_2315 = arith.constant 512 : index
      %get3A_2316 = tpu.vector_load %arg18[%get3A_2314, %get3A_2315] {strides = array<i32>} : memref<16x1024xf32, #tpu.memory_space<vmem>>, vector<1x16xf32>,
      %get3A_2317 = vector.shape_cast %get3A_2316 : vector<1x16xf32> to vector<16xf32>
      %sub3A_2318 = arith.subf %get3A_2317, %mul3A_1484 : vector<16xf32>
      %mul3A_2319 = arith.mulf %sub3A_2318, %mul3A_1705 : vector<16xf32>
      %get3A_2320 = arith.constant 512 : index
      %get3A_2321 = tpu.vector_load %arg19[%get3A_2320] {strides = array<i32>} : memref<1024xf32, #tpu.memory_space<vmem>>, vector<16xf32>,
      %get3A_2322 = vector.shape_cast %get3A_2321 : vector<16xf32> to vector<16xf32>
      %mul3A_2323 = arith.mulf %mul3A_2319, %get3A_2322 : vector<16xf32>
      %get3A_2324 = arith.constant 512 : index
      %get3A_2325 = tpu.vector_load %arg20[%get3A_2324] {strides = array<i32>} : memref<1024xf32, #tpu.memory_space<vmem>>, vector<16xf32>,
      %get3A_2326 = vector.shape_cast %get3A_2325 : vector<16xf32> to vector<16xf32>
      %add3A_2327 = arith.addf %mul3A_2323, %get3A_2326 : vector<16xf32>
      %swap3A_2328 = arith.index_cast %scan3A_45 : i32 to index
      %swap3A_2329 = arith.constant 512 : index
      %swap3A_2330 = tpu.vector_load %arg18[%swap3A_2328, %swap3A_2329] {strides = array<i32>} : memref<16x1024xf32, #tpu.memory_space<vmem>>, vector<1x16xf32>,
      %swap3A_2331 = vector.shape_cast %swap3A_2330 : vector<1x16xf32> to vector<16xf32>
      %swap3A_2332 = vector.shape_cast %add3A_2327 : vector<16xf32> to vector<1x16xf32>
      tpu.vector_store %arg18[%swap3A_2328, %swap3A_2329], %swap3A_2332 {strides = array<i32>} : memref<16x1024xf32, #tpu.memory_space<vmem>>, vector<1x16xf32>,
      %get3A_2333 = arith.index_cast %scan3A_45 : i32 to index
      %get3A_2334 = arith.constant 528 : index
      %get3A_2335 = tpu.vector_load %arg18[%get3A_2333, %get3A_2334] {strides = array<i32>} : memref<16x1024xf32, #tpu.memory_space<vmem>>, vector<1x16xf32>,
      %get3A_2336 = vector.shape_cast %get3A_2335 : vector<1x16xf32> to vector<16xf32>
      %sub3A_2337 = arith.subf %get3A_2336, %mul3A_1484 : vector<16xf32>
      %mul3A_2338 = arith.mulf %sub3A_2337, %mul3A_1705 : vector<16xf32>
      %get3A_2339 = arith.constant 528 : index
      %get3A_2340 = tpu.vector_load %arg19[%get3A_2339] {strides = array<i32>} : memref<1024xf32, #tpu.memory_space<vmem>>, vector<16xf32>,
      %get3A_2341 = vector.shape_cast %get3A_2340 : vector<16xf32> to vector<16xf32>
      %mul3A_2342 = arith.mulf %mul3A_2338, %get3A_2341 : vector<16xf32>
      %get3A_2343 = arith.constant 528 : index
      %get3A_2344 = tpu.vector_load %arg20[%get3A_2343] {strides = array<i32>} : memref<1024xf32, #tpu.memory_space<vmem>>, vector<16xf32>,
      %get3A_2345 = vector.shape_cast %get3A_2344 : vector<16xf32> to vector<16xf32>
      %add3A_2346 = arith.addf %mul3A_2342, %get3A_2345 : vector<16xf32>
      %swap3A_2347 = arith.index_cast %scan3A_45 : i32 to index
      %swap3A_2348 = arith.constant 528 : index
      %swap3A_2349 = tpu.vector_load %arg18[%swap3A_2347, %swap3A_2348] {strides = array<i32>} : memref<16x1024xf32, #tpu.memory_space<vmem>>, vector<1x16xf32>,
      %swap3A_2350 = vector.shape_cast %swap3A_2349 : vector<1x16xf32> to vector<16xf32>
      %swap3A_2351 = vector.shape_cast %add3A_2346 : vector<16xf32> to vector<1x16xf32>
      tpu.vector_store %arg18[%swap3A_2347, %swap3A_2348], %swap3A_2351 {strides = array<i32>} : memref<16x1024xf32, #tpu.memory_space<vmem>>, vector<1x16xf32>,
      %get3A_2352 = arith.index_cast %scan3A_45 : i32 to index
      %get3A_2353 = arith.constant 544 : index
      %get3A_2354 = tpu.vector_load %arg18[%get3A_2352, %get3A_2353] {strides = array<i32>} : memref<16x1024xf32, #tpu.memory_space<vmem>>, vector<1x16xf32>,
      %get3A_2355 = vector.shape_cast %get3A_2354 : vector<1x16xf32> to vector<16xf32>
      %sub3A_2356 = arith.subf %get3A_2355, %mul3A_1484 : vector<16xf32>
      %mul3A_2357 = arith.mulf %sub3A_2356, %mul3A_1705 : vector<16xf32>
      %get3A_2358 = arith.constant 544 : index
      %get3A_2359 = tpu.vector_load %arg19[%get3A_2358] {strides = array<i32>} : memref<1024xf32, #tpu.memory_space<vmem>>, vector<16xf32>,
      %get3A_2360 = vector.shape_cast %get3A_2359 : vector<16xf32> to vector<16xf32>
      %mul3A_2361 = arith.mulf %mul3A_2357, %get3A_2360 : vector<16xf32>
      %get3A_2362 = arith.constant 544 : index
      %get3A_2363 = tpu.vector_load %arg20[%get3A_2362] {strides = array<i32>} : memref<1024xf32, #tpu.memory_space<vmem>>, vector<16xf32>,
      %get3A_2364 = vector.shape_cast %get3A_2363 : vector<16xf32> to vector<16xf32>
      %add3A_2365 = arith.addf %mul3A_2361, %get3A_2364 : vector<16xf32>
      %swap3A_2366 = arith.index_cast %scan3A_45 : i32 to index
      %swap3A_2367 = arith.constant 544 : index
      %swap3A_2368 = tpu.vector_load %arg18[%swap3A_2366, %swap3A_2367] {strides = array<i32>} : memref<16x1024xf32, #tpu.memory_space<vmem>>, vector<1x16xf32>,
      %swap3A_2369 = vector.shape_cast %swap3A_2368 : vector<1x16xf32> to vector<16xf32>
      %swap3A_2370 = vector.shape_cast %add3A_2365 : vector<16xf32> to vector<1x16xf32>
      tpu.vector_store %arg18[%swap3A_2366, %swap3A_2367], %swap3A_2370 {strides = array<i32>} : memref<16x1024xf32, #tpu.memory_space<vmem>>, vector<1x16xf32>,
      %get3A_2371 = arith.index_cast %scan3A_45 : i32 to index
      %get3A_2372 = arith.constant 560 : index
      %get3A_2373 = tpu.vector_load %arg18[%get3A_2371, %get3A_2372] {strides = array<i32>} : memref<16x1024xf32, #tpu.memory_space<vmem>>, vector<1x16xf32>,
      %get3A_2374 = vector.shape_cast %get3A_2373 : vector<1x16xf32> to vector<16xf32>
      %sub3A_2375 = arith.subf %get3A_2374, %mul3A_1484 : vector<16xf32>
      %mul3A_2376 = arith.mulf %sub3A_2375, %mul3A_1705 : vector<16xf32>
      %get3A_2377 = arith.constant 560 : index
      %get3A_2378 = tpu.vector_load %arg19[%get3A_2377] {strides = array<i32>} : memref<1024xf32, #tpu.memory_space<vmem>>, vector<16xf32>,
      %get3A_2379 = vector.shape_cast %get3A_2378 : vector<16xf32> to vector<16xf32>
      %mul3A_2380 = arith.mulf %mul3A_2376, %get3A_2379 : vector<16xf32>
      %get3A_2381 = arith.constant 560 : index
      %get3A_2382 = tpu.vector_load %arg20[%get3A_2381] {strides = array<i32>} : memref<1024xf32, #tpu.memory_space<vmem>>, vector<16xf32>,
      %get3A_2383 = vector.shape_cast %get3A_2382 : vector<16xf32> to vector<16xf32>
      %add3A_2384 = arith.addf %mul3A_2380, %get3A_2383 : vector<16xf32>
      %swap3A_2385 = arith.index_cast %scan3A_45 : i32 to index
      %swap3A_2386 = arith.constant 560 : index
      %swap3A_2387 = tpu.vector_load %arg18[%swap3A_2385, %swap3A_2386] {strides = array<i32>} : memref<16x1024xf32, #tpu.memory_space<vmem>>, vector<1x16xf32>,
      %swap3A_2388 = vector.shape_cast %swap3A_2387 : vector<1x16xf32> to vector<16xf32>
      %swap3A_2389 = vector.shape_cast %add3A_2384 : vector<16xf32> to vector<1x16xf32>
      tpu.vector_store %arg18[%swap3A_2385, %swap3A_2386], %swap3A_2389 {strides = array<i32>} : memref<16x1024xf32, #tpu.memory_space<vmem>>, vector<1x16xf32>,
      %get3A_2390 = arith.index_cast %scan3A_45 : i32 to index
      %get3A_2391 = arith.constant 576 : index
      %get3A_2392 = tpu.vector_load %arg18[%get3A_2390, %get3A_2391] {strides = array<i32>} : memref<16x1024xf32, #tpu.memory_space<vmem>>, vector<1x16xf32>,
      %get3A_2393 = vector.shape_cast %get3A_2392 : vector<1x16xf32> to vector<16xf32>
      %sub3A_2394 = arith.subf %get3A_2393, %mul3A_1484 : vector<16xf32>
      %mul3A_2395 = arith.mulf %sub3A_2394, %mul3A_1705 : vector<16xf32>
      %get3A_2396 = arith.constant 576 : index
      %get3A_2397 = tpu.vector_load %arg19[%get3A_2396] {strides = array<i32>} : memref<1024xf32, #tpu.memory_space<vmem>>, vector<16xf32>,
      %get3A_2398 = vector.shape_cast %get3A_2397 : vector<16xf32> to vector<16xf32>
      %mul3A_2399 = arith.mulf %mul3A_2395, %get3A_2398 : vector<16xf32>
      %get3A_2400 = arith.constant 576 : index
      %get3A_2401 = tpu.vector_load %arg20[%get3A_2400] {strides = array<i32>} : memref<1024xf32, #tpu.memory_space<vmem>>, vector<16xf32>,
      %get3A_2402 = vector.shape_cast %get3A_2401 : vector<16xf32> to vector<16xf32>
      %add3A_2403 = arith.addf %mul3A_2399, %get3A_2402 : vector<16xf32>
      %swap3A_2404 = arith.index_cast %scan3A_45 : i32 to index
      %swap3A_2405 = arith.constant 576 : index
      %swap3A_2406 = tpu.vector_load %arg18[%swap3A_2404, %swap3A_2405] {strides = array<i32>} : memref<16x1024xf32, #tpu.memory_space<vmem>>, vector<1x16xf32>,
      %swap3A_2407 = vector.shape_cast %swap3A_2406 : vector<1x16xf32> to vector<16xf32>
      %swap3A_2408 = vector.shape_cast %add3A_2403 : vector<16xf32> to vector<1x16xf32>
      tpu.vector_store %arg18[%swap3A_2404, %swap3A_2405], %swap3A_2408 {strides = array<i32>} : memref<16x1024xf32, #tpu.memory_space<vmem>>, vector<1x16xf32>,
      %get3A_2409 = arith.index_cast %scan3A_45 : i32 to index
      %get3A_2410 = arith.constant 592 : index
      %get3A_2411 = tpu.vector_load %arg18[%get3A_2409, %get3A_2410] {strides = array<i32>} : memref<16x1024xf32, #tpu.memory_space<vmem>>, vector<1x16xf32>,
      %get3A_2412 = vector.shape_cast %get3A_2411 : vector<1x16xf32> to vector<16xf32>
      %sub3A_2413 = arith.subf %get3A_2412, %mul3A_1484 : vector<16xf32>
      %mul3A_2414 = arith.mulf %sub3A_2413, %mul3A_1705 : vector<16xf32>
      %get3A_2415 = arith.constant 592 : index
      %get3A_2416 = tpu.vector_load %arg19[%get3A_2415] {strides = array<i32>} : memref<1024xf32, #tpu.memory_space<vmem>>, vector<16xf32>,
      %get3A_2417 = vector.shape_cast %get3A_2416 : vector<16xf32> to vector<16xf32>
      %mul3A_2418 = arith.mulf %mul3A_2414, %get3A_2417 : vector<16xf32>
      %get3A_2419 = arith.constant 592 : index
      %get3A_2420 = tpu.vector_load %arg20[%get3A_2419] {strides = array<i32>} : memref<1024xf32, #tpu.memory_space<vmem>>, vector<16xf32>,
      %get3A_2421 = vector.shape_cast %get3A_2420 : vector<16xf32> to vector<16xf32>
      %add3A_2422 = arith.addf %mul3A_2418, %get3A_2421 : vector<16xf32>
      %swap3A_2423 = arith.index_cast %scan3A_45 : i32 to index
      %swap3A_2424 = arith.constant 592 : index
      %swap3A_2425 = tpu.vector_load %arg18[%swap3A_2423, %swap3A_2424] {strides = array<i32>} : memref<16x1024xf32, #tpu.memory_space<vmem>>, vector<1x16xf32>,
      %swap3A_2426 = vector.shape_cast %swap3A_2425 : vector<1x16xf32> to vector<16xf32>
      %swap3A_2427 = vector.shape_cast %add3A_2422 : vector<16xf32> to vector<1x16xf32>
      tpu.vector_store %arg18[%swap3A_2423, %swap3A_2424], %swap3A_2427 {strides = array<i32>} : memref<16x1024xf32, #tpu.memory_space<vmem>>, vector<1x16xf32>,
      %get3A_2428 = arith.index_cast %scan3A_45 : i32 to index
      %get3A_2429 = arith.constant 608 : index
      %get3A_2430 = tpu.vector_load %arg18[%get3A_2428, %get3A_2429] {strides = array<i32>} : memref<16x1024xf32, #tpu.memory_space<vmem>>, vector<1x16xf32>,
      %get3A_2431 = vector.shape_cast %get3A_2430 : vector<1x16xf32> to vector<16xf32>
      %sub3A_2432 = arith.subf %get3A_2431, %mul3A_1484 : vector<16xf32>
      %mul3A_2433 = arith.mulf %sub3A_2432, %mul3A_1705 : vector<16xf32>
      %get3A_2434 = arith.constant 608 : index
      %get3A_2435 = tpu.vector_load %arg19[%get3A_2434] {strides = array<i32>} : memref<1024xf32, #tpu.memory_space<vmem>>, vector<16xf32>,
      %get3A_2436 = vector.shape_cast %get3A_2435 : vector<16xf32> to vector<16xf32>
      %mul3A_2437 = arith.mulf %mul3A_2433, %get3A_2436 : vector<16xf32>
      %get3A_2438 = arith.constant 608 : index
      %get3A_2439 = tpu.vector_load %arg20[%get3A_2438] {strides = array<i32>} : memref<1024xf32, #tpu.memory_space<vmem>>, vector<16xf32>,
      %get3A_2440 = vector.shape_cast %get3A_2439 : vector<16xf32> to vector<16xf32>
      %add3A_2441 = arith.addf %mul3A_2437, %get3A_2440 : vector<16xf32>
      %swap3A_2442 = arith.index_cast %scan3A_45 : i32 to index
      %swap3A_2443 = arith.constant 608 : index
      %swap3A_2444 = tpu.vector_load %arg18[%swap3A_2442, %swap3A_2443] {strides = array<i32>} : memref<16x1024xf32, #tpu.memory_space<vmem>>, vector<1x16xf32>,
      %swap3A_2445 = vector.shape_cast %swap3A_2444 : vector<1x16xf32> to vector<16xf32>
      %swap3A_2446 = vector.shape_cast %add3A_2441 : vector<16xf32> to vector<1x16xf32>
      tpu.vector_store %arg18[%swap3A_2442, %swap3A_2443], %swap3A_2446 {strides = array<i32>} : memref<16x1024xf32, #tpu.memory_space<vmem>>, vector<1x16xf32>,
      %get3A_2447 = arith.index_cast %scan3A_45 : i32 to index
      %get3A_2448 = arith.constant 624 : index
      %get3A_2449 = tpu.vector_load %arg18[%get3A_2447, %get3A_2448] {strides = array<i32>} : memref<16x1024xf32, #tpu.memory_space<vmem>>, vector<1x16xf32>,
      %get3A_2450 = vector.shape_cast %get3A_2449 : vector<1x16xf32> to vector<16xf32>
      %sub3A_2451 = arith.subf %get3A_2450, %mul3A_1484 : vector<16xf32>
      %mul3A_2452 = arith.mulf %sub3A_2451, %mul3A_1705 : vector<16xf32>
      %get3A_2453 = arith.constant 624 : index
      %get3A_2454 = tpu.vector_load %arg19[%get3A_2453] {strides = array<i32>} : memref<1024xf32, #tpu.memory_space<vmem>>, vector<16xf32>,
      %get3A_2455 = vector.shape_cast %get3A_2454 : vector<16xf32> to vector<16xf32>
      %mul3A_2456 = arith.mulf %mul3A_2452, %get3A_2455 : vector<16xf32>
      %get3A_2457 = arith.constant 624 : index
      %get3A_2458 = tpu.vector_load %arg20[%get3A_2457] {strides = array<i32>} : memref<1024xf32, #tpu.memory_space<vmem>>, vector<16xf32>,
      %get3A_2459 = vector.shape_cast %get3A_2458 : vector<16xf32> to vector<16xf32>
      %add3A_2460 = arith.addf %mul3A_2456, %get3A_2459 : vector<16xf32>
      %swap3A_2461 = arith.index_cast %scan3A_45 : i32 to index
      %swap3A_2462 = arith.constant 624 : index
      %swap3A_2463 = tpu.vector_load %arg18[%swap3A_2461, %swap3A_2462] {strides = array<i32>} : memref<16x1024xf32, #tpu.memory_space<vmem>>, vector<1x16xf32>,
      %swap3A_2464 = vector.shape_cast %swap3A_2463 : vector<1x16xf32> to vector<16xf32>
      %swap3A_2465 = vector.shape_cast %add3A_2460 : vector<16xf32> to vector<1x16xf32>
      tpu.vector_store %arg18[%swap3A_2461, %swap3A_2462], %swap3A_2465 {strides = array<i32>} : memref<16x1024xf32, #tpu.memory_space<vmem>>, vector<1x16xf32>,
      %get3A_2466 = arith.index_cast %scan3A_45 : i32 to index
      %get3A_2467 = arith.constant 640 : index
      %get3A_2468 = tpu.vector_load %arg18[%get3A_2466, %get3A_2467] {strides = array<i32>} : memref<16x1024xf32, #tpu.memory_space<vmem>>, vector<1x16xf32>,
      %get3A_2469 = vector.shape_cast %get3A_2468 : vector<1x16xf32> to vector<16xf32>
      %sub3A_2470 = arith.subf %get3A_2469, %mul3A_1484 : vector<16xf32>
      %mul3A_2471 = arith.mulf %sub3A_2470, %mul3A_1705 : vector<16xf32>
      %get3A_2472 = arith.constant 640 : index
      %get3A_2473 = tpu.vector_load %arg19[%get3A_2472] {strides = array<i32>} : memref<1024xf32, #tpu.memory_space<vmem>>, vector<16xf32>,
      %get3A_2474 = vector.shape_cast %get3A_2473 : vector<16xf32> to vector<16xf32>
      %mul3A_2475 = arith.mulf %mul3A_2471, %get3A_2474 : vector<16xf32>
      %get3A_2476 = arith.constant 640 : index
      %get3A_2477 = tpu.vector_load %arg20[%get3A_2476] {strides = array<i32>} : memref<1024xf32, #tpu.memory_space<vmem>>, vector<16xf32>,
      %get3A_2478 = vector.shape_cast %get3A_2477 : vector<16xf32> to vector<16xf32>
      %add3A_2479 = arith.addf %mul3A_2475, %get3A_2478 : vector<16xf32>
      %swap3A_2480 = arith.index_cast %scan3A_45 : i32 to index
      %swap3A_2481 = arith.constant 640 : index
      %swap3A_2482 = tpu.vector_load %arg18[%swap3A_2480, %swap3A_2481] {strides = array<i32>} : memref<16x1024xf32, #tpu.memory_space<vmem>>, vector<1x16xf32>,
      %swap3A_2483 = vector.shape_cast %swap3A_2482 : vector<1x16xf32> to vector<16xf32>
      %swap3A_2484 = vector.shape_cast %add3A_2479 : vector<16xf32> to vector<1x16xf32>
      tpu.vector_store %arg18[%swap3A_2480, %swap3A_2481], %swap3A_2484 {strides = array<i32>} : memref<16x1024xf32, #tpu.memory_space<vmem>>, vector<1x16xf32>,
      %get3A_2485 = arith.index_cast %scan3A_45 : i32 to index
      %get3A_2486 = arith.constant 656 : index
      %get3A_2487 = tpu.vector_load %arg18[%get3A_2485, %get3A_2486] {strides = array<i32>} : memref<16x1024xf32, #tpu.memory_space<vmem>>, vector<1x16xf32>,
      %get3A_2488 = vector.shape_cast %get3A_2487 : vector<1x16xf32> to vector<16xf32>
      %sub3A_2489 = arith.subf %get3A_2488, %mul3A_1484 : vector<16xf32>
      %mul3A_2490 = arith.mulf %sub3A_2489, %mul3A_1705 : vector<16xf32>
      %get3A_2491 = arith.constant 656 : index
      %get3A_2492 = tpu.vector_load %arg19[%get3A_2491] {strides = array<i32>} : memref<1024xf32, #tpu.memory_space<vmem>>, vector<16xf32>,
      %get3A_2493 = vector.shape_cast %get3A_2492 : vector<16xf32> to vector<16xf32>
      %mul3A_2494 = arith.mulf %mul3A_2490, %get3A_2493 : vector<16xf32>
      %get3A_2495 = arith.constant 656 : index
      %get3A_2496 = tpu.vector_load %arg20[%get3A_2495] {strides = array<i32>} : memref<1024xf32, #tpu.memory_space<vmem>>, vector<16xf32>,
      %get3A_2497 = vector.shape_cast %get3A_2496 : vector<16xf32> to vector<16xf32>
      %add3A_2498 = arith.addf %mul3A_2494, %get3A_2497 : vector<16xf32>
      %swap3A_2499 = arith.index_cast %scan3A_45 : i32 to index
      %swap3A_2500 = arith.constant 656 : index
      %swap3A_2501 = tpu.vector_load %arg18[%swap3A_2499, %swap3A_2500] {strides = array<i32>} : memref<16x1024xf32, #tpu.memory_space<vmem>>, vector<1x16xf32>,
      %swap3A_2502 = vector.shape_cast %swap3A_2501 : vector<1x16xf32> to vector<16xf32>
      %swap3A_2503 = vector.shape_cast %add3A_2498 : vector<16xf32> to vector<1x16xf32>
      tpu.vector_store %arg18[%swap3A_2499, %swap3A_2500], %swap3A_2503 {strides = array<i32>} : memref<16x1024xf32, #tpu.memory_space<vmem>>, vector<1x16xf32>,
      %get3A_2504 = arith.index_cast %scan3A_45 : i32 to index
      %get3A_2505 = arith.constant 672 : index
      %get3A_2506 = tpu.vector_load %arg18[%get3A_2504, %get3A_2505] {strides = array<i32>} : memref<16x1024xf32, #tpu.memory_space<vmem>>, vector<1x16xf32>,
      %get3A_2507 = vector.shape_cast %get3A_2506 : vector<1x16xf32> to vector<16xf32>
      %sub3A_2508 = arith.subf %get3A_2507, %mul3A_1484 : vector<16xf32>
      %mul3A_2509 = arith.mulf %sub3A_2508, %mul3A_1705 : vector<16xf32>
      %get3A_2510 = arith.constant 672 : index
      %get3A_2511 = tpu.vector_load %arg19[%get3A_2510] {strides = array<i32>} : memref<1024xf32, #tpu.memory_space<vmem>>, vector<16xf32>,
      %get3A_2512 = vector.shape_cast %get3A_2511 : vector<16xf32> to vector<16xf32>
      %mul3A_2513 = arith.mulf %mul3A_2509, %get3A_2512 : vector<16xf32>
      %get3A_2514 = arith.constant 672 : index
      %get3A_2515 = tpu.vector_load %arg20[%get3A_2514] {strides = array<i32>} : memref<1024xf32, #tpu.memory_space<vmem>>, vector<16xf32>,
      %get3A_2516 = vector.shape_cast %get3A_2515 : vector<16xf32> to vector<16xf32>
      %add3A_2517 = arith.addf %mul3A_2513, %get3A_2516 : vector<16xf32>
      %swap3A_2518 = arith.index_cast %scan3A_45 : i32 to index
      %swap3A_2519 = arith.constant 672 : index
      %swap3A_2520 = tpu.vector_load %arg18[%swap3A_2518, %swap3A_2519] {strides = array<i32>} : memref<16x1024xf32, #tpu.memory_space<vmem>>, vector<1x16xf32>,
      %swap3A_2521 = vector.shape_cast %swap3A_2520 : vector<1x16xf32> to vector<16xf32>
      %swap3A_2522 = vector.shape_cast %add3A_2517 : vector<16xf32> to vector<1x16xf32>
      tpu.vector_store %arg18[%swap3A_2518, %swap3A_2519], %swap3A_2522 {strides = array<i32>} : memref<16x1024xf32, #tpu.memory_space<vmem>>, vector<1x16xf32>,
      %get3A_2523 = arith.index_cast %scan3A_45 : i32 to index
      %get3A_2524 = arith.constant 688 : index
      %get3A_2525 = tpu.vector_load %arg18[%get3A_2523, %get3A_2524] {strides = array<i32>} : memref<16x1024xf32, #tpu.memory_space<vmem>>, vector<1x16xf32>,
      %get3A_2526 = vector.shape_cast %get3A_2525 : vector<1x16xf32> to vector<16xf32>
      %sub3A_2527 = arith.subf %get3A_2526, %mul3A_1484 : vector<16xf32>
      %mul3A_2528 = arith.mulf %sub3A_2527, %mul3A_1705 : vector<16xf32>
      %get3A_2529 = arith.constant 688 : index
      %get3A_2530 = tpu.vector_load %arg19[%get3A_2529] {strides = array<i32>} : memref<1024xf32, #tpu.memory_space<vmem>>, vector<16xf32>,
      %get3A_2531 = vector.shape_cast %get3A_2530 : vector<16xf32> to vector<16xf32>
      %mul3A_2532 = arith.mulf %mul3A_2528, %get3A_2531 : vector<16xf32>
      %get3A_2533 = arith.constant 688 : index
      %get3A_2534 = tpu.vector_load %arg20[%get3A_2533] {strides = array<i32>} : memref<1024xf32, #tpu.memory_space<vmem>>, vector<16xf32>,
      %get3A_2535 = vector.shape_cast %get3A_2534 : vector<16xf32> to vector<16xf32>
      %add3A_2536 = arith.addf %mul3A_2532, %get3A_2535 : vector<16xf32>
      %swap3A_2537 = arith.index_cast %scan3A_45 : i32 to index
      %swap3A_2538 = arith.constant 688 : index
      %swap3A_2539 = tpu.vector_load %arg18[%swap3A_2537, %swap3A_2538] {strides = array<i32>} : memref<16x1024xf32, #tpu.memory_space<vmem>>, vector<1x16xf32>,
      %swap3A_2540 = vector.shape_cast %swap3A_2539 : vector<1x16xf32> to vector<16xf32>
      %swap3A_2541 = vector.shape_cast %add3A_2536 : vector<16xf32> to vector<1x16xf32>
      tpu.vector_store %arg18[%swap3A_2537, %swap3A_2538], %swap3A_2541 {strides = array<i32>} : memref<16x1024xf32, #tpu.memory_space<vmem>>, vector<1x16xf32>,
      %get3A_2542 = arith.index_cast %scan3A_45 : i32 to index
      %get3A_2543 = arith.constant 704 : index
      %get3A_2544 = tpu.vector_load %arg18[%get3A_2542, %get3A_2543] {strides = array<i32>} : memref<16x1024xf32, #tpu.memory_space<vmem>>, vector<1x16xf32>,
      %get3A_2545 = vector.shape_cast %get3A_2544 : vector<1x16xf32> to vector<16xf32>
      %sub3A_2546 = arith.subf %get3A_2545, %mul3A_1484 : vector<16xf32>
      %mul3A_2547 = arith.mulf %sub3A_2546, %mul3A_1705 : vector<16xf32>
      %get3A_2548 = arith.constant 704 : index
      %get3A_2549 = tpu.vector_load %arg19[%get3A_2548] {strides = array<i32>} : memref<1024xf32, #tpu.memory_space<vmem>>, vector<16xf32>,
      %get3A_2550 = vector.shape_cast %get3A_2549 : vector<16xf32> to vector<16xf32>
      %mul3A_2551 = arith.mulf %mul3A_2547, %get3A_2550 : vector<16xf32>
      %get3A_2552 = arith.constant 704 : index
      %get3A_2553 = tpu.vector_load %arg20[%get3A_2552] {strides = array<i32>} : memref<1024xf32, #tpu.memory_space<vmem>>, vector<16xf32>,
      %get3A_2554 = vector.shape_cast %get3A_2553 : vector<16xf32> to vector<16xf32>
      %add3A_2555 = arith.addf %mul3A_2551, %get3A_2554 : vector<16xf32>
      %swap3A_2556 = arith.index_cast %scan3A_45 : i32 to index
      %swap3A_2557 = arith.constant 704 : index
      %swap3A_2558 = tpu.vector_load %arg18[%swap3A_2556, %swap3A_2557] {strides = array<i32>} : memref<16x1024xf32, #tpu.memory_space<vmem>>, vector<1x16xf32>,
      %swap3A_2559 = vector.shape_cast %swap3A_2558 : vector<1x16xf32> to vector<16xf32>
      %swap3A_2560 = vector.shape_cast %add3A_2555 : vector<16xf32> to vector<1x16xf32>
      tpu.vector_store %arg18[%swap3A_2556, %swap3A_2557], %swap3A_2560 {strides = array<i32>} : memref<16x1024xf32, #tpu.memory_space<vmem>>, vector<1x16xf32>,
      %get3A_2561 = arith.index_cast %scan3A_45 : i32 to index
      %get3A_2562 = arith.constant 720 : index
      %get3A_2563 = tpu.vector_load %arg18[%get3A_2561, %get3A_2562] {strides = array<i32>} : memref<16x1024xf32, #tpu.memory_space<vmem>>, vector<1x16xf32>,
      %get3A_2564 = vector.shape_cast %get3A_2563 : vector<1x16xf32> to vector<16xf32>
      %sub3A_2565 = arith.subf %get3A_2564, %mul3A_1484 : vector<16xf32>
      %mul3A_2566 = arith.mulf %sub3A_2565, %mul3A_1705 : vector<16xf32>
      %get3A_2567 = arith.constant 720 : index
      %get3A_2568 = tpu.vector_load %arg19[%get3A_2567] {strides = array<i32>} : memref<1024xf32, #tpu.memory_space<vmem>>, vector<16xf32>,
      %get3A_2569 = vector.shape_cast %get3A_2568 : vector<16xf32> to vector<16xf32>
      %mul3A_2570 = arith.mulf %mul3A_2566, %get3A_2569 : vector<16xf32>
      %get3A_2571 = arith.constant 720 : index
      %get3A_2572 = tpu.vector_load %arg20[%get3A_2571] {strides = array<i32>} : memref<1024xf32, #tpu.memory_space<vmem>>, vector<16xf32>,
      %get3A_2573 = vector.shape_cast %get3A_2572 : vector<16xf32> to vector<16xf32>
      %add3A_2574 = arith.addf %mul3A_2570, %get3A_2573 : vector<16xf32>
      %swap3A_2575 = arith.index_cast %scan3A_45 : i32 to index
      %swap3A_2576 = arith.constant 720 : index
      %swap3A_2577 = tpu.vector_load %arg18[%swap3A_2575, %swap3A_2576] {strides = array<i32>} : memref<16x1024xf32, #tpu.memory_space<vmem>>, vector<1x16xf32>,
      %swap3A_2578 = vector.shape_cast %swap3A_2577 : vector<1x16xf32> to vector<16xf32>
      %swap3A_2579 = vector.shape_cast %add3A_2574 : vector<16xf32> to vector<1x16xf32>
      tpu.vector_store %arg18[%swap3A_2575, %swap3A_2576], %swap3A_2579 {strides = array<i32>} : memref<16x1024xf32, #tpu.memory_space<vmem>>, vector<1x16xf32>,
      %get3A_2580 = arith.index_cast %scan3A_45 : i32 to index
      %get3A_2581 = arith.constant 736 : index
      %get3A_2582 = tpu.vector_load %arg18[%get3A_2580, %get3A_2581] {strides = array<i32>} : memref<16x1024xf32, #tpu.memory_space<vmem>>, vector<1x16xf32>,
      %get3A_2583 = vector.shape_cast %get3A_2582 : vector<1x16xf32> to vector<16xf32>
      %sub3A_2584 = arith.subf %get3A_2583, %mul3A_1484 : vector<16xf32>
      %mul3A_2585 = arith.mulf %sub3A_2584, %mul3A_1705 : vector<16xf32>
      %get3A_2586 = arith.constant 736 : index
      %get3A_2587 = tpu.vector_load %arg19[%get3A_2586] {strides = array<i32>} : memref<1024xf32, #tpu.memory_space<vmem>>, vector<16xf32>,
      %get3A_2588 = vector.shape_cast %get3A_2587 : vector<16xf32> to vector<16xf32>
      %mul3A_2589 = arith.mulf %mul3A_2585, %get3A_2588 : vector<16xf32>
      %get3A_2590 = arith.constant 736 : index
      %get3A_2591 = tpu.vector_load %arg20[%get3A_2590] {strides = array<i32>} : memref<1024xf32, #tpu.memory_space<vmem>>, vector<16xf32>,
      %get3A_2592 = vector.shape_cast %get3A_2591 : vector<16xf32> to vector<16xf32>
      %add3A_2593 = arith.addf %mul3A_2589, %get3A_2592 : vector<16xf32>
      %swap3A_2594 = arith.index_cast %scan3A_45 : i32 to index
      %swap3A_2595 = arith.constant 736 : index
      %swap3A_2596 = tpu.vector_load %arg18[%swap3A_2594, %swap3A_2595] {strides = array<i32>} : memref<16x1024xf32, #tpu.memory_space<vmem>>, vector<1x16xf32>,
      %swap3A_2597 = vector.shape_cast %swap3A_2596 : vector<1x16xf32> to vector<16xf32>
      %swap3A_2598 = vector.shape_cast %add3A_2593 : vector<16xf32> to vector<1x16xf32>
      tpu.vector_store %arg18[%swap3A_2594, %swap3A_2595], %swap3A_2598 {strides = array<i32>} : memref<16x1024xf32, #tpu.memory_space<vmem>>, vector<1x16xf32>,
      %get3A_2599 = arith.index_cast %scan3A_45 : i32 to index
      %get3A_2600 = arith.constant 752 : index
      %get3A_2601 = tpu.vector_load %arg18[%get3A_2599, %get3A_2600] {strides = array<i32>} : memref<16x1024xf32, #tpu.memory_space<vmem>>, vector<1x16xf32>,
      %get3A_2602 = vector.shape_cast %get3A_2601 : vector<1x16xf32> to vector<16xf32>
      %sub3A_2603 = arith.subf %get3A_2602, %mul3A_1484 : vector<16xf32>
      %mul3A_2604 = arith.mulf %sub3A_2603, %mul3A_1705 : vector<16xf32>
      %get3A_2605 = arith.constant 752 : index
      %get3A_2606 = tpu.vector_load %arg19[%get3A_2605] {strides = array<i32>} : memref<1024xf32, #tpu.memory_space<vmem>>, vector<16xf32>,
      %get3A_2607 = vector.shape_cast %get3A_2606 : vector<16xf32> to vector<16xf32>
      %mul3A_2608 = arith.mulf %mul3A_2604, %get3A_2607 : vector<16xf32>
      %get3A_2609 = arith.constant 752 : index
      %get3A_2610 = tpu.vector_load %arg20[%get3A_2609] {strides = array<i32>} : memref<1024xf32, #tpu.memory_space<vmem>>, vector<16xf32>,
      %get3A_2611 = vector.shape_cast %get3A_2610 : vector<16xf32> to vector<16xf32>
      %add3A_2612 = arith.addf %mul3A_2608, %get3A_2611 : vector<16xf32>
      %swap3A_2613 = arith.index_cast %scan3A_45 : i32 to index
      %swap3A_2614 = arith.constant 752 : index
      %swap3A_2615 = tpu.vector_load %arg18[%swap3A_2613, %swap3A_2614] {strides = array<i32>} : memref<16x1024xf32, #tpu.memory_space<vmem>>, vector<1x16xf32>,
      %swap3A_2616 = vector.shape_cast %swap3A_2615 : vector<1x16xf32> to vector<16xf32>
      %swap3A_2617 = vector.shape_cast %add3A_2612 : vector<16xf32> to vector<1x16xf32>
      tpu.vector_store %arg18[%swap3A_2613, %swap3A_2614], %swap3A_2617 {strides = array<i32>} : memref<16x1024xf32, #tpu.memory_space<vmem>>, vector<1x16xf32>,
      %get3A_2618 = arith.index_cast %scan3A_45 : i32 to index
      %get3A_2619 = arith.constant 768 : index
      %get3A_2620 = tpu.vector_load %arg18[%get3A_2618, %get3A_2619] {strides = array<i32>} : memref<16x1024xf32, #tpu.memory_space<vmem>>, vector<1x16xf32>,
      %get3A_2621 = vector.shape_cast %get3A_2620 : vector<1x16xf32> to vector<16xf32>
      %sub3A_2622 = arith.subf %get3A_2621, %mul3A_1484 : vector<16xf32>
      %mul3A_2623 = arith.mulf %sub3A_2622, %mul3A_1705 : vector<16xf32>
      %get3A_2624 = arith.constant 768 : index
      %get3A_2625 = tpu.vector_load %arg19[%get3A_2624] {strides = array<i32>} : memref<1024xf32, #tpu.memory_space<vmem>>, vector<16xf32>,
      %get3A_2626 = vector.shape_cast %get3A_2625 : vector<16xf32> to vector<16xf32>
      %mul3A_2627 = arith.mulf %mul3A_2623, %get3A_2626 : vector<16xf32>
      %get3A_2628 = arith.constant 768 : index
      %get3A_2629 = tpu.vector_load %arg20[%get3A_2628] {strides = array<i32>} : memref<1024xf32, #tpu.memory_space<vmem>>, vector<16xf32>,
      %get3A_2630 = vector.shape_cast %get3A_2629 : vector<16xf32> to vector<16xf32>
      %add3A_2631 = arith.addf %mul3A_2627, %get3A_2630 : vector<16xf32>
      %swap3A_2632 = arith.index_cast %scan3A_45 : i32 to index
      %swap3A_2633 = arith.constant 768 : index
      %swap3A_2634 = tpu.vector_load %arg18[%swap3A_2632, %swap3A_2633] {strides = array<i32>} : memref<16x1024xf32, #tpu.memory_space<vmem>>, vector<1x16xf32>,
      %swap3A_2635 = vector.shape_cast %swap3A_2634 : vector<1x16xf32> to vector<16xf32>
      %swap3A_2636 = vector.shape_cast %add3A_2631 : vector<16xf32> to vector<1x16xf32>
      tpu.vector_store %arg18[%swap3A_2632, %swap3A_2633], %swap3A_2636 {strides = array<i32>} : memref<16x1024xf32, #tpu.memory_space<vmem>>, vector<1x16xf32>,
      %get3A_2637 = arith.index_cast %scan3A_45 : i32 to index
      %get3A_2638 = arith.constant 784 : index
      %get3A_2639 = tpu.vector_load %arg18[%get3A_2637, %get3A_2638] {strides = array<i32>} : memref<16x1024xf32, #tpu.memory_space<vmem>>, vector<1x16xf32>,
      %get3A_2640 = vector.shape_cast %get3A_2639 : vector<1x16xf32> to vector<16xf32>
      %sub3A_2641 = arith.subf %get3A_2640, %mul3A_1484 : vector<16xf32>
      %mul3A_2642 = arith.mulf %sub3A_2641, %mul3A_1705 : vector<16xf32>
      %get3A_2643 = arith.constant 784 : index
      %get3A_2644 = tpu.vector_load %arg19[%get3A_2643] {strides = array<i32>} : memref<1024xf32, #tpu.memory_space<vmem>>, vector<16xf32>,
      %get3A_2645 = vector.shape_cast %get3A_2644 : vector<16xf32> to vector<16xf32>
      %mul3A_2646 = arith.mulf %mul3A_2642, %get3A_2645 : vector<16xf32>
      %get3A_2647 = arith.constant 784 : index
      %get3A_2648 = tpu.vector_load %arg20[%get3A_2647] {strides = array<i32>} : memref<1024xf32, #tpu.memory_space<vmem>>, vector<16xf32>,
      %get3A_2649 = vector.shape_cast %get3A_2648 : vector<16xf32> to vector<16xf32>
      %add3A_2650 = arith.addf %mul3A_2646, %get3A_2649 : vector<16xf32>
      %swap3A_2651 = arith.index_cast %scan3A_45 : i32 to index
      %swap3A_2652 = arith.constant 784 : index
      %swap3A_2653 = tpu.vector_load %arg18[%swap3A_2651, %swap3A_2652] {strides = array<i32>} : memref<16x1024xf32, #tpu.memory_space<vmem>>, vector<1x16xf32>,
      %swap3A_2654 = vector.shape_cast %swap3A_2653 : vector<1x16xf32> to vector<16xf32>
      %swap3A_2655 = vector.shape_cast %add3A_2650 : vector<16xf32> to vector<1x16xf32>
      tpu.vector_store %arg18[%swap3A_2651, %swap3A_2652], %swap3A_2655 {strides = array<i32>} : memref<16x1024xf32, #tpu.memory_space<vmem>>, vector<1x16xf32>,
      %get3A_2656 = arith.index_cast %scan3A_45 : i32 to index
      %get3A_2657 = arith.constant 800 : index
      %get3A_2658 = tpu.vector_load %arg18[%get3A_2656, %get3A_2657] {strides = array<i32>} : memref<16x1024xf32, #tpu.memory_space<vmem>>, vector<1x16xf32>,
      %get3A_2659 = vector.shape_cast %get3A_2658 : vector<1x16xf32> to vector<16xf32>
      %sub3A_2660 = arith.subf %get3A_2659, %mul3A_1484 : vector<16xf32>
      %mul3A_2661 = arith.mulf %sub3A_2660, %mul3A_1705 : vector<16xf32>
      %get3A_2662 = arith.constant 800 : index
      %get3A_2663 = tpu.vector_load %arg19[%get3A_2662] {strides = array<i32>} : memref<1024xf32, #tpu.memory_space<vmem>>, vector<16xf32>,
      %get3A_2664 = vector.shape_cast %get3A_2663 : vector<16xf32> to vector<16xf32>
      %mul3A_2665 = arith.mulf %mul3A_2661, %get3A_2664 : vector<16xf32>
      %get3A_2666 = arith.constant 800 : index
      %get3A_2667 = tpu.vector_load %arg20[%get3A_2666] {strides = array<i32>} : memref<1024xf32, #tpu.memory_space<vmem>>, vector<16xf32>,
      %get3A_2668 = vector.shape_cast %get3A_2667 : vector<16xf32> to vector<16xf32>
      %add3A_2669 = arith.addf %mul3A_2665, %get3A_2668 : vector<16xf32>
      %swap3A_2670 = arith.index_cast %scan3A_45 : i32 to index
      %swap3A_2671 = arith.constant 800 : index
      %swap3A_2672 = tpu.vector_load %arg18[%swap3A_2670, %swap3A_2671] {strides = array<i32>} : memref<16x1024xf32, #tpu.memory_space<vmem>>, vector<1x16xf32>,
      %swap3A_2673 = vector.shape_cast %swap3A_2672 : vector<1x16xf32> to vector<16xf32>
      %swap3A_2674 = vector.shape_cast %add3A_2669 : vector<16xf32> to vector<1x16xf32>
      tpu.vector_store %arg18[%swap3A_2670, %swap3A_2671], %swap3A_2674 {strides = array<i32>} : memref<16x1024xf32, #tpu.memory_space<vmem>>, vector<1x16xf32>,
      %get3A_2675 = arith.index_cast %scan3A_45 : i32 to index
      %get3A_2676 = arith.constant 816 : index
      %get3A_2677 = tpu.vector_load %arg18[%get3A_2675, %get3A_2676] {strides = array<i32>} : memref<16x1024xf32, #tpu.memory_space<vmem>>, vector<1x16xf32>,
      %get3A_2678 = vector.shape_cast %get3A_2677 : vector<1x16xf32> to vector<16xf32>
      %sub3A_2679 = arith.subf %get3A_2678, %mul3A_1484 : vector<16xf32>
      %mul3A_2680 = arith.mulf %sub3A_2679, %mul3A_1705 : vector<16xf32>
      %get3A_2681 = arith.constant 816 : index
      %get3A_2682 = tpu.vector_load %arg19[%get3A_2681] {strides = array<i32>} : memref<1024xf32, #tpu.memory_space<vmem>>, vector<16xf32>,
      %get3A_2683 = vector.shape_cast %get3A_2682 : vector<16xf32> to vector<16xf32>
      %mul3A_2684 = arith.mulf %mul3A_2680, %get3A_2683 : vector<16xf32>
      %get3A_2685 = arith.constant 816 : index
      %get3A_2686 = tpu.vector_load %arg20[%get3A_2685] {strides = array<i32>} : memref<1024xf32, #tpu.memory_space<vmem>>, vector<16xf32>,
      %get3A_2687 = vector.shape_cast %get3A_2686 : vector<16xf32> to vector<16xf32>
      %add3A_2688 = arith.addf %mul3A_2684, %get3A_2687 : vector<16xf32>
      %swap3A_2689 = arith.index_cast %scan3A_45 : i32 to index
      %swap3A_2690 = arith.constant 816 : index
      %swap3A_2691 = tpu.vector_load %arg18[%swap3A_2689, %swap3A_2690] {strides = array<i32>} : memref<16x1024xf32, #tpu.memory_space<vmem>>, vector<1x16xf32>,
      %swap3A_2692 = vector.shape_cast %swap3A_2691 : vector<1x16xf32> to vector<16xf32>
      %swap3A_2693 = vector.shape_cast %add3A_2688 : vector<16xf32> to vector<1x16xf32>
      tpu.vector_store %arg18[%swap3A_2689, %swap3A_2690], %swap3A_2693 {strides = array<i32>} : memref<16x1024xf32, #tpu.memory_space<vmem>>, vector<1x16xf32>,
      %get3A_2694 = arith.index_cast %scan3A_45 : i32 to index
      %get3A_2695 = arith.constant 832 : index
      %get3A_2696 = tpu.vector_load %arg18[%get3A_2694, %get3A_2695] {strides = array<i32>} : memref<16x1024xf32, #tpu.memory_space<vmem>>, vector<1x16xf32>,
      %get3A_2697 = vector.shape_cast %get3A_2696 : vector<1x16xf32> to vector<16xf32>
      %sub3A_2698 = arith.subf %get3A_2697, %mul3A_1484 : vector<16xf32>
      %mul3A_2699 = arith.mulf %sub3A_2698, %mul3A_1705 : vector<16xf32>
      %get3A_2700 = arith.constant 832 : index
      %get3A_2701 = tpu.vector_load %arg19[%get3A_2700] {strides = array<i32>} : memref<1024xf32, #tpu.memory_space<vmem>>, vector<16xf32>,
      %get3A_2702 = vector.shape_cast %get3A_2701 : vector<16xf32> to vector<16xf32>
      %mul3A_2703 = arith.mulf %mul3A_2699, %get3A_2702 : vector<16xf32>
      %get3A_2704 = arith.constant 832 : index
      %get3A_2705 = tpu.vector_load %arg20[%get3A_2704] {strides = array<i32>} : memref<1024xf32, #tpu.memory_space<vmem>>, vector<16xf32>,
      %get3A_2706 = vector.shape_cast %get3A_2705 : vector<16xf32> to vector<16xf32>
      %add3A_2707 = arith.addf %mul3A_2703, %get3A_2706 : vector<16xf32>
      %swap3A_2708 = arith.index_cast %scan3A_45 : i32 to index
      %swap3A_2709 = arith.constant 832 : index
      %swap3A_2710 = tpu.vector_load %arg18[%swap3A_2708, %swap3A_2709] {strides = array<i32>} : memref<16x1024xf32, #tpu.memory_space<vmem>>, vector<1x16xf32>,
      %swap3A_2711 = vector.shape_cast %swap3A_2710 : vector<1x16xf32> to vector<16xf32>
      %swap3A_2712 = vector.shape_cast %add3A_2707 : vector<16xf32> to vector<1x16xf32>
      tpu.vector_store %arg18[%swap3A_2708, %swap3A_2709], %swap3A_2712 {strides = array<i32>} : memref<16x1024xf32, #tpu.memory_space<vmem>>, vector<1x16xf32>,
      %get3A_2713 = arith.index_cast %scan3A_45 : i32 to index
      %get3A_2714 = arith.constant 848 : index
      %get3A_2715 = tpu.vector_load %arg18[%get3A_2713, %get3A_2714] {strides = array<i32>} : memref<16x1024xf32, #tpu.memory_space<vmem>>, vector<1x16xf32>,
      %get3A_2716 = vector.shape_cast %get3A_2715 : vector<1x16xf32> to vector<16xf32>
      %sub3A_2717 = arith.subf %get3A_2716, %mul3A_1484 : vector<16xf32>
      %mul3A_2718 = arith.mulf %sub3A_2717, %mul3A_1705 : vector<16xf32>
      %get3A_2719 = arith.constant 848 : index
      %get3A_2720 = tpu.vector_load %arg19[%get3A_2719] {strides = array<i32>} : memref<1024xf32, #tpu.memory_space<vmem>>, vector<16xf32>,
      %get3A_2721 = vector.shape_cast %get3A_2720 : vector<16xf32> to vector<16xf32>
      %mul3A_2722 = arith.mulf %mul3A_2718, %get3A_2721 : vector<16xf32>
      %get3A_2723 = arith.constant 848 : index
      %get3A_2724 = tpu.vector_load %arg20[%get3A_2723] {strides = array<i32>} : memref<1024xf32, #tpu.memory_space<vmem>>, vector<16xf32>,
      %get3A_2725 = vector.shape_cast %get3A_2724 : vector<16xf32> to vector<16xf32>
      %add3A_2726 = arith.addf %mul3A_2722, %get3A_2725 : vector<16xf32>
      %swap3A_2727 = arith.index_cast %scan3A_45 : i32 to index
      %swap3A_2728 = arith.constant 848 : index
      %swap3A_2729 = tpu.vector_load %arg18[%swap3A_2727, %swap3A_2728] {strides = array<i32>} : memref<16x1024xf32, #tpu.memory_space<vmem>>, vector<1x16xf32>,
      %swap3A_2730 = vector.shape_cast %swap3A_2729 : vector<1x16xf32> to vector<16xf32>
      %swap3A_2731 = vector.shape_cast %add3A_2726 : vector<16xf32> to vector<1x16xf32>
      tpu.vector_store %arg18[%swap3A_2727, %swap3A_2728], %swap3A_2731 {strides = array<i32>} : memref<16x1024xf32, #tpu.memory_space<vmem>>, vector<1x16xf32>,
      %get3A_2732 = arith.index_cast %scan3A_45 : i32 to index
      %get3A_2733 = arith.constant 864 : index
      %get3A_2734 = tpu.vector_load %arg18[%get3A_2732, %get3A_2733] {strides = array<i32>} : memref<16x1024xf32, #tpu.memory_space<vmem>>, vector<1x16xf32>,
      %get3A_2735 = vector.shape_cast %get3A_2734 : vector<1x16xf32> to vector<16xf32>
      %sub3A_2736 = arith.subf %get3A_2735, %mul3A_1484 : vector<16xf32>
      %mul3A_2737 = arith.mulf %sub3A_2736, %mul3A_1705 : vector<16xf32>
      %get3A_2738 = arith.constant 864 : index
      %get3A_2739 = tpu.vector_load %arg19[%get3A_2738] {strides = array<i32>} : memref<1024xf32, #tpu.memory_space<vmem>>, vector<16xf32>,
      %get3A_2740 = vector.shape_cast %get3A_2739 : vector<16xf32> to vector<16xf32>
      %mul3A_2741 = arith.mulf %mul3A_2737, %get3A_2740 : vector<16xf32>
      %get3A_2742 = arith.constant 864 : index
      %get3A_2743 = tpu.vector_load %arg20[%get3A_2742] {strides = array<i32>} : memref<1024xf32, #tpu.memory_space<vmem>>, vector<16xf32>,
      %get3A_2744 = vector.shape_cast %get3A_2743 : vector<16xf32> to vector<16xf32>
      %add3A_2745 = arith.addf %mul3A_2741, %get3A_2744 : vector<16xf32>
      %swap3A_2746 = arith.index_cast %scan3A_45 : i32 to index
      %swap3A_2747 = arith.constant 864 : index
      %swap3A_2748 = tpu.vector_load %arg18[%swap3A_2746, %swap3A_2747] {strides = array<i32>} : memref<16x1024xf32, #tpu.memory_space<vmem>>, vector<1x16xf32>,
      %swap3A_2749 = vector.shape_cast %swap3A_2748 : vector<1x16xf32> to vector<16xf32>
      %swap3A_2750 = vector.shape_cast %add3A_2745 : vector<16xf32> to vector<1x16xf32>
      tpu.vector_store %arg18[%swap3A_2746, %swap3A_2747], %swap3A_2750 {strides = array<i32>} : memref<16x1024xf32, #tpu.memory_space<vmem>>, vector<1x16xf32>,
      %get3A_2751 = arith.index_cast %scan3A_45 : i32 to index
      %get3A_2752 = arith.constant 880 : index
      %get3A_2753 = tpu.vector_load %arg18[%get3A_2751, %get3A_2752] {strides = array<i32>} : memref<16x1024xf32, #tpu.memory_space<vmem>>, vector<1x16xf32>,
      %get3A_2754 = vector.shape_cast %get3A_2753 : vector<1x16xf32> to vector<16xf32>
      %sub3A_2755 = arith.subf %get3A_2754, %mul3A_1484 : vector<16xf32>
      %mul3A_2756 = arith.mulf %sub3A_2755, %mul3A_1705 : vector<16xf32>
      %get3A_2757 = arith.constant 880 : index
      %get3A_2758 = tpu.vector_load %arg19[%get3A_2757] {strides = array<i32>} : memref<1024xf32, #tpu.memory_space<vmem>>, vector<16xf32>,
      %get3A_2759 = vector.shape_cast %get3A_2758 : vector<16xf32> to vector<16xf32>
      %mul3A_2760 = arith.mulf %mul3A_2756, %get3A_2759 : vector<16xf32>
      %get3A_2761 = arith.constant 880 : index
      %get3A_2762 = tpu.vector_load %arg20[%get3A_2761] {strides = array<i32>} : memref<1024xf32, #tpu.memory_space<vmem>>, vector<16xf32>,
      %get3A_2763 = vector.shape_cast %get3A_2762 : vector<16xf32> to vector<16xf32>
      %add3A_2764 = arith.addf %mul3A_2760, %get3A_2763 : vector<16xf32>
      %swap3A_2765 = arith.index_cast %scan3A_45 : i32 to index
      %swap3A_2766 = arith.constant 880 : index
      %swap3A_2767 = tpu.vector_load %arg18[%swap3A_2765, %swap3A_2766] {strides = array<i32>} : memref<16x1024xf32, #tpu.memory_space<vmem>>, vector<1x16xf32>,
      %swap3A_2768 = vector.shape_cast %swap3A_2767 : vector<1x16xf32> to vector<16xf32>
      %swap3A_2769 = vector.shape_cast %add3A_2764 : vector<16xf32> to vector<1x16xf32>
      tpu.vector_store %arg18[%swap3A_2765, %swap3A_2766], %swap3A_2769 {strides = array<i32>} : memref<16x1024xf32, #tpu.memory_space<vmem>>, vector<1x16xf32>,
      %get3A_2770 = arith.index_cast %scan3A_45 : i32 to index
      %get3A_2771 = arith.constant 896 : index
      %get3A_2772 = tpu.vector_load %arg18[%get3A_2770, %get3A_2771] {strides = array<i32>} : memref<16x1024xf32, #tpu.memory_space<vmem>>, vector<1x16xf32>,
      %get3A_2773 = vector.shape_cast %get3A_2772 : vector<1x16xf32> to vector<16xf32>
      %sub3A_2774 = arith.subf %get3A_2773, %mul3A_1484 : vector<16xf32>
      %mul3A_2775 = arith.mulf %sub3A_2774, %mul3A_1705 : vector<16xf32>
      %get3A_2776 = arith.constant 896 : index
      %get3A_2777 = tpu.vector_load %arg19[%get3A_2776] {strides = array<i32>} : memref<1024xf32, #tpu.memory_space<vmem>>, vector<16xf32>,
      %get3A_2778 = vector.shape_cast %get3A_2777 : vector<16xf32> to vector<16xf32>
      %mul3A_2779 = arith.mulf %mul3A_2775, %get3A_2778 : vector<16xf32>
      %get3A_2780 = arith.constant 896 : index
      %get3A_2781 = tpu.vector_load %arg20[%get3A_2780] {strides = array<i32>} : memref<1024xf32, #tpu.memory_space<vmem>>, vector<16xf32>,
      %get3A_2782 = vector.shape_cast %get3A_2781 : vector<16xf32> to vector<16xf32>
      %add3A_2783 = arith.addf %mul3A_2779, %get3A_2782 : vector<16xf32>
      %swap3A_2784 = arith.index_cast %scan3A_45 : i32 to index
      %swap3A_2785 = arith.constant 896 : index
      %swap3A_2786 = tpu.vector_load %arg18[%swap3A_2784, %swap3A_2785] {strides = array<i32>} : memref<16x1024xf32, #tpu.memory_space<vmem>>, vector<1x16xf32>,
      %swap3A_2787 = vector.shape_cast %swap3A_2786 : vector<1x16xf32> to vector<16xf32>
      %swap3A_2788 = vector.shape_cast %add3A_2783 : vector<16xf32> to vector<1x16xf32>
      tpu.vector_store %arg18[%swap3A_2784, %swap3A_2785], %swap3A_2788 {strides = array<i32>} : memref<16x1024xf32, #tpu.memory_space<vmem>>, vector<1x16xf32>,
      %get3A_2789 = arith.index_cast %scan3A_45 : i32 to index
      %get3A_2790 = arith.constant 912 : index
      %get3A_2791 = tpu.vector_load %arg18[%get3A_2789, %get3A_2790] {strides = array<i32>} : memref<16x1024xf32, #tpu.memory_space<vmem>>, vector<1x16xf32>,
      %get3A_2792 = vector.shape_cast %get3A_2791 : vector<1x16xf32> to vector<16xf32>
      %sub3A_2793 = arith.subf %get3A_2792, %mul3A_1484 : vector<16xf32>
      %mul3A_2794 = arith.mulf %sub3A_2793, %mul3A_1705 : vector<16xf32>
      %get3A_2795 = arith.constant 912 : index
      %get3A_2796 = tpu.vector_load %arg19[%get3A_2795] {strides = array<i32>} : memref<1024xf32, #tpu.memory_space<vmem>>, vector<16xf32>,
      %get3A_2797 = vector.shape_cast %get3A_2796 : vector<16xf32> to vector<16xf32>
      %mul3A_2798 = arith.mulf %mul3A_2794, %get3A_2797 : vector<16xf32>
      %get3A_2799 = arith.constant 912 : index
      %get3A_2800 = tpu.vector_load %arg20[%get3A_2799] {strides = array<i32>} : memref<1024xf32, #tpu.memory_space<vmem>>, vector<16xf32>,
      %get3A_2801 = vector.shape_cast %get3A_2800 : vector<16xf32> to vector<16xf32>
      %add3A_2802 = arith.addf %mul3A_2798, %get3A_2801 : vector<16xf32>
      %swap3A_2803 = arith.index_cast %scan3A_45 : i32 to index
      %swap3A_2804 = arith.constant 912 : index
      %swap3A_2805 = tpu.vector_load %arg18[%swap3A_2803, %swap3A_2804] {strides = array<i32>} : memref<16x1024xf32, #tpu.memory_space<vmem>>, vector<1x16xf32>,
      %swap3A_2806 = vector.shape_cast %swap3A_2805 : vector<1x16xf32> to vector<16xf32>
      %swap3A_2807 = vector.shape_cast %add3A_2802 : vector<16xf32> to vector<1x16xf32>
      tpu.vector_store %arg18[%swap3A_2803, %swap3A_2804], %swap3A_2807 {strides = array<i32>} : memref<16x1024xf32, #tpu.memory_space<vmem>>, vector<1x16xf32>,
      %get3A_2808 = arith.index_cast %scan3A_45 : i32 to index
      %get3A_2809 = arith.constant 928 : index
      %get3A_2810 = tpu.vector_load %arg18[%get3A_2808, %get3A_2809] {strides = array<i32>} : memref<16x1024xf32, #tpu.memory_space<vmem>>, vector<1x16xf32>,
      %get3A_2811 = vector.shape_cast %get3A_2810 : vector<1x16xf32> to vector<16xf32>
      %sub3A_2812 = arith.subf %get3A_2811, %mul3A_1484 : vector<16xf32>
      %mul3A_2813 = arith.mulf %sub3A_2812, %mul3A_1705 : vector<16xf32>
      %get3A_2814 = arith.constant 928 : index
      %get3A_2815 = tpu.vector_load %arg19[%get3A_2814] {strides = array<i32>} : memref<1024xf32, #tpu.memory_space<vmem>>, vector<16xf32>,
      %get3A_2816 = vector.shape_cast %get3A_2815 : vector<16xf32> to vector<16xf32>
      %mul3A_2817 = arith.mulf %mul3A_2813, %get3A_2816 : vector<16xf32>
      %get3A_2818 = arith.constant 928 : index
      %get3A_2819 = tpu.vector_load %arg20[%get3A_2818] {strides = array<i32>} : memref<1024xf32, #tpu.memory_space<vmem>>, vector<16xf32>,
      %get3A_2820 = vector.shape_cast %get3A_2819 : vector<16xf32> to vector<16xf32>
      %add3A_2821 = arith.addf %mul3A_2817, %get3A_2820 : vector<16xf32>
      %swap3A_2822 = arith.index_cast %scan3A_45 : i32 to index
      %swap3A_2823 = arith.constant 928 : index
      %swap3A_2824 = tpu.vector_load %arg18[%swap3A_2822, %swap3A_2823] {strides = array<i32>} : memref<16x1024xf32, #tpu.memory_space<vmem>>, vector<1x16xf32>,
      %swap3A_2825 = vector.shape_cast %swap3A_2824 : vector<1x16xf32> to vector<16xf32>
      %swap3A_2826 = vector.shape_cast %add3A_2821 : vector<16xf32> to vector<1x16xf32>
      tpu.vector_store %arg18[%swap3A_2822, %swap3A_2823], %swap3A_2826 {strides = array<i32>} : memref<16x1024xf32, #tpu.memory_space<vmem>>, vector<1x16xf32>,
      %get3A_2827 = arith.index_cast %scan3A_45 : i32 to index
      %get3A_2828 = arith.constant 944 : index
      %get3A_2829 = tpu.vector_load %arg18[%get3A_2827, %get3A_2828] {strides = array<i32>} : memref<16x1024xf32, #tpu.memory_space<vmem>>, vector<1x16xf32>,
      %get3A_2830 = vector.shape_cast %get3A_2829 : vector<1x16xf32> to vector<16xf32>
      %sub3A_2831 = arith.subf %get3A_2830, %mul3A_1484 : vector<16xf32>
      %mul3A_2832 = arith.mulf %sub3A_2831, %mul3A_1705 : vector<16xf32>
      %get3A_2833 = arith.constant 944 : index
      %get3A_2834 = tpu.vector_load %arg19[%get3A_2833] {strides = array<i32>} : memref<1024xf32, #tpu.memory_space<vmem>>, vector<16xf32>,
      %get3A_2835 = vector.shape_cast %get3A_2834 : vector<16xf32> to vector<16xf32>
      %mul3A_2836 = arith.mulf %mul3A_2832, %get3A_2835 : vector<16xf32>
      %get3A_2837 = arith.constant 944 : index
      %get3A_2838 = tpu.vector_load %arg20[%get3A_2837] {strides = array<i32>} : memref<1024xf32, #tpu.memory_space<vmem>>, vector<16xf32>,
      %get3A_2839 = vector.shape_cast %get3A_2838 : vector<16xf32> to vector<16xf32>
      %add3A_2840 = arith.addf %mul3A_2836, %get3A_2839 : vector<16xf32>
      %swap3A_2841 = arith.index_cast %scan3A_45 : i32 to index
      %swap3A_2842 = arith.constant 944 : index
      %swap3A_2843 = tpu.vector_load %arg18[%swap3A_2841, %swap3A_2842] {strides = array<i32>} : memref<16x1024xf32, #tpu.memory_space<vmem>>, vector<1x16xf32>,
      %swap3A_2844 = vector.shape_cast %swap3A_2843 : vector<1x16xf32> to vector<16xf32>
      %swap3A_2845 = vector.shape_cast %add3A_2840 : vector<16xf32> to vector<1x16xf32>
      tpu.vector_store %arg18[%swap3A_2841, %swap3A_2842], %swap3A_2845 {strides = array<i32>} : memref<16x1024xf32, #tpu.memory_space<vmem>>, vector<1x16xf32>,
      %get3A_2846 = arith.index_cast %scan3A_45 : i32 to index
      %get3A_2847 = arith.constant 960 : index
      %get3A_2848 = tpu.vector_load %arg18[%get3A_2846, %get3A_2847] {strides = array<i32>} : memref<16x1024xf32, #tpu.memory_space<vmem>>, vector<1x16xf32>,
      %get3A_2849 = vector.shape_cast %get3A_2848 : vector<1x16xf32> to vector<16xf32>
      %sub3A_2850 = arith.subf %get3A_2849, %mul3A_1484 : vector<16xf32>
      %mul3A_2851 = arith.mulf %sub3A_2850, %mul3A_1705 : vector<16xf32>
      %get3A_2852 = arith.constant 960 : index
      %get3A_2853 = tpu.vector_load %arg19[%get3A_2852] {strides = array<i32>} : memref<1024xf32, #tpu.memory_space<vmem>>, vector<16xf32>,
      %get3A_2854 = vector.shape_cast %get3A_2853 : vector<16xf32> to vector<16xf32>
      %mul3A_2855 = arith.mulf %mul3A_2851, %get3A_2854 : vector<16xf32>
      %get3A_2856 = arith.constant 960 : index
      %get3A_2857 = tpu.vector_load %arg20[%get3A_2856] {strides = array<i32>} : memref<1024xf32, #tpu.memory_space<vmem>>, vector<16xf32>,
      %get3A_2858 = vector.shape_cast %get3A_2857 : vector<16xf32> to vector<16xf32>
      %add3A_2859 = arith.addf %mul3A_2855, %get3A_2858 : vector<16xf32>
      %swap3A_2860 = arith.index_cast %scan3A_45 : i32 to index
      %swap3A_2861 = arith.constant 960 : index
      %swap3A_2862 = tpu.vector_load %arg18[%swap3A_2860, %swap3A_2861] {strides = array<i32>} : memref<16x1024xf32, #tpu.memory_space<vmem>>, vector<1x16xf32>,
      %swap3A_2863 = vector.shape_cast %swap3A_2862 : vector<1x16xf32> to vector<16xf32>
      %swap3A_2864 = vector.shape_cast %add3A_2859 : vector<16xf32> to vector<1x16xf32>
      tpu.vector_store %arg18[%swap3A_2860, %swap3A_2861], %swap3A_2864 {strides = array<i32>} : memref<16x1024xf32, #tpu.memory_space<vmem>>, vector<1x16xf32>,
      %get3A_2865 = arith.index_cast %scan3A_45 : i32 to index
      %get3A_2866 = arith.constant 976 : index
      %get3A_2867 = tpu.vector_load %arg18[%get3A_2865, %get3A_2866] {strides = array<i32>} : memref<16x1024xf32, #tpu.memory_space<vmem>>, vector<1x16xf32>,
      %get3A_2868 = vector.shape_cast %get3A_2867 : vector<1x16xf32> to vector<16xf32>
      %sub3A_2869 = arith.subf %get3A_2868, %mul3A_1484 : vector<16xf32>
      %mul3A_2870 = arith.mulf %sub3A_2869, %mul3A_1705 : vector<16xf32>
      %get3A_2871 = arith.constant 976 : index
      %get3A_2872 = tpu.vector_load %arg19[%get3A_2871] {strides = array<i32>} : memref<1024xf32, #tpu.memory_space<vmem>>, vector<16xf32>,
      %get3A_2873 = vector.shape_cast %get3A_2872 : vector<16xf32> to vector<16xf32>
      %mul3A_2874 = arith.mulf %mul3A_2870, %get3A_2873 : vector<16xf32>
      %get3A_2875 = arith.constant 976 : index
      %get3A_2876 = tpu.vector_load %arg20[%get3A_2875] {strides = array<i32>} : memref<1024xf32, #tpu.memory_space<vmem>>, vector<16xf32>,
      %get3A_2877 = vector.shape_cast %get3A_2876 : vector<16xf32> to vector<16xf32>
      %add3A_2878 = arith.addf %mul3A_2874, %get3A_2877 : vector<16xf32>
      %swap3A_2879 = arith.index_cast %scan3A_45 : i32 to index
      %swap3A_2880 = arith.constant 976 : index
      %swap3A_2881 = tpu.vector_load %arg18[%swap3A_2879, %swap3A_2880] {strides = array<i32>} : memref<16x1024xf32, #tpu.memory_space<vmem>>, vector<1x16xf32>,
      %swap3A_2882 = vector.shape_cast %swap3A_2881 : vector<1x16xf32> to vector<16xf32>
      %swap3A_2883 = vector.shape_cast %add3A_2878 : vector<16xf32> to vector<1x16xf32>
      tpu.vector_store %arg18[%swap3A_2879, %swap3A_2880], %swap3A_2883 {strides = array<i32>} : memref<16x1024xf32, #tpu.memory_space<vmem>>, vector<1x16xf32>,
      %get3A_2884 = arith.index_cast %scan3A_45 : i32 to index
      %get3A_2885 = arith.constant 992 : index
      %get3A_2886 = tpu.vector_load %arg18[%get3A_2884, %get3A_2885] {strides = array<i32>} : memref<16x1024xf32, #tpu.memory_space<vmem>>, vector<1x16xf32>,
      %get3A_2887 = vector.shape_cast %get3A_2886 : vector<1x16xf32> to vector<16xf32>
      %sub3A_2888 = arith.subf %get3A_2887, %mul3A_1484 : vector<16xf32>
      %mul3A_2889 = arith.mulf %sub3A_2888, %mul3A_1705 : vector<16xf32>
      %get3A_2890 = arith.constant 992 : index
      %get3A_2891 = tpu.vector_load %arg19[%get3A_2890] {strides = array<i32>} : memref<1024xf32, #tpu.memory_space<vmem>>, vector<16xf32>,
      %get3A_2892 = vector.shape_cast %get3A_2891 : vector<16xf32> to vector<16xf32>
      %mul3A_2893 = arith.mulf %mul3A_2889, %get3A_2892 : vector<16xf32>
      %get3A_2894 = arith.constant 992 : index
      %get3A_2895 = tpu.vector_load %arg20[%get3A_2894] {strides = array<i32>} : memref<1024xf32, #tpu.memory_space<vmem>>, vector<16xf32>,
      %get3A_2896 = vector.shape_cast %get3A_2895 : vector<16xf32> to vector<16xf32>
      %add3A_2897 = arith.addf %mul3A_2893, %get3A_2896 : vector<16xf32>
      %swap3A_2898 = arith.index_cast %scan3A_45 : i32 to index
      %swap3A_2899 = arith.constant 992 : index
      %swap3A_2900 = tpu.vector_load %arg18[%swap3A_2898, %swap3A_2899] {strides = array<i32>} : memref<16x1024xf32, #tpu.memory_space<vmem>>, vector<1x16xf32>,
      %swap3A_2901 = vector.shape_cast %swap3A_2900 : vector<1x16xf32> to vector<16xf32>
      %swap3A_2902 = vector.shape_cast %add3A_2897 : vector<16xf32> to vector<1x16xf32>
      tpu.vector_store %arg18[%swap3A_2898, %swap3A_2899], %swap3A_2902 {strides = array<i32>} : memref<16x1024xf32, #tpu.memory_space<vmem>>, vector<1x16xf32>,
      %get3A_2903 = arith.index_cast %scan3A_45 : i32 to index
      %get3A_2904 = arith.constant 1008 : index
      %get3A_2905 = tpu.vector_load %arg18[%get3A_2903, %get3A_2904] {strides = array<i32>} : memref<16x1024xf32, #tpu.memory_space<vmem>>, vector<1x16xf32>,
      %get3A_2906 = vector.shape_cast %get3A_2905 : vector<1x16xf32> to vector<16xf32>
      %sub3A_2907 = arith.subf %get3A_2906, %mul3A_1484 : vector<16xf32>
      %mul3A_2908 = arith.mulf %sub3A_2907, %mul3A_1705 : vector<16xf32>
      %get3A_2909 = arith.constant 1008 : index
      %get3A_2910 = tpu.vector_load %arg19[%get3A_2909] {strides = array<i32>} : memref<1024xf32, #tpu.memory_space<vmem>>, vector<16xf32>,
      %get3A_2911 = vector.shape_cast %get3A_2910 : vector<16xf32> to vector<16xf32>
      %mul3A_2912 = arith.mulf %mul3A_2908, %get3A_2911 : vector<16xf32>
      %get3A_2913 = arith.constant 1008 : index
      %get3A_2914 = tpu.vector_load %arg20[%get3A_2913] {strides = array<i32>} : memref<1024xf32, #tpu.memory_space<vmem>>, vector<16xf32>,
      %get3A_2915 = vector.shape_cast %get3A_2914 : vector<16xf32> to vector<16xf32>
      %add3A_2916 = arith.addf %mul3A_2912, %get3A_2915 : vector<16xf32>
      %swap3A_2917 = arith.index_cast %scan3A_45 : i32 to index
      %swap3A_2918 = arith.constant 1008 : index
      %swap3A_2919 = tpu.vector_load %arg18[%swap3A_2917, %swap3A_2918] {strides = array<i32>} : memref<16x1024xf32, #tpu.memory_space<vmem>>, vector<1x16xf32>,
      %swap3A_2920 = vector.shape_cast %swap3A_2919 : vector<1x16xf32> to vector<16xf32>
      %swap3A_2921 = vector.shape_cast %add3A_2916 : vector<16xf32> to vector<1x16xf32>
      tpu.vector_store %arg18[%swap3A_2917, %swap3A_2918], %swap3A_2921 {strides = array<i32>} : memref<16x1024xf32, #tpu.memory_space<vmem>>, vector<1x16xf32>,
    }
    %scan3A_42 = arith.constant 16 : i32
    %add3A_43 = arith.constant 0 : i32
    %add3A_44 = arith.addi %mul3A_2, %add3A_43 : i32
    "tpu.region"() ({
      %run_scoped3A = tpu.sem_alloc : memref<!tpu.dma_semaphore, #tpu.memory_space<semaphore_mem>>
      %dma_start3A_45 = arith.constant 0 : i32
      %dma_start3A_46 = tpu.memref_slice %arg8[%add3A_44, %dma_start3A_45] : memref<512x1024xf32, #tpu.memory_space<hbm>> -> memref<16x1024xf32, #tpu.memory_space<hbm>>
      %dma_start3A_47 = arith.constant 0 : i32
      %dma_start3A_48 = tpu.memref_slice %arg8[%add3A_44, %dma_start3A_47] : memref<512x1024xf32, #tpu.memory_space<hbm>> -> memref<16x1024xf32, #tpu.memory_space<hbm>>
      tpu.enqueue_dma source(%arg18 : memref<16x1024xf32, #tpu.memory_space<vmem>>) target(%dma_start3A_48 : memref<16x1024xf32, #tpu.memory_space<hbm>>) target_semaphore(%run_scoped3A : memref<!tpu.dma_semaphore, #tpu.memory_space<semaphore_mem>>)
      %dma_wait3A_49 = arith.constant 0 : i32
      %dma_wait3A_50 = tpu.memref_slice %arg8[%add3A_44, %dma_wait3A_49] : memref<512x1024xf32, #tpu.memory_space<hbm>> -> memref<16x1024xf32, #tpu.memory_space<hbm>>
      %dma_wait3A_51 = arith.constant 0 : i32
      %dma_wait3A_52 = tpu.memref_slice %arg8[%add3A_44, %dma_wait3A_51] : memref<512x1024xf32, #tpu.memory_space<hbm>> -> memref<16x1024xf32, #tpu.memory_space<hbm>>
      tpu.wait_dma2 semaphore(%run_scoped3A : memref<!tpu.dma_semaphore, #tpu.memory_space<semaphore_mem>>) src(%arg18 : memref<16x1024xf32, #tpu.memory_space<vmem>>) dst(%dma_wait3A_52 : memref<16x1024xf32, #tpu.memory_space<hbm>>)
      tpu.yield
    }) : () -> ()
    return
  }
}

module attributes {stable_mosaic.version = 14 : i64} {
  func.func @_prep_body(%arg0: memref<32x256xi32, #tpu.memory_space<vmem>>, %arg1: memref<32x256xi32, #tpu.memory_space<vmem>>, %arg2: memref<40x1024xf32, #tpu.memory_space<vmem>>, %arg3: memref<40x128xf32, #tpu.memory_space<vmem>>, %arg4: memref<128x1024xf32, #tpu.memory_space<vmem>>, %arg5: memref<2048x1024xf32, #tpu.memory_space<vmem>>, %arg6: memref<1x1024xf32, #tpu.memory_space<vmem>>, %arg7: memref<1x1024xf32, #tpu.memory_space<vmem>>, %arg8: memref<128x1024xbf16, #tpu.memory_space<vmem>>, %arg9: memref<128x1024xbf16, #tpu.memory_space<vmem>>, %arg10: memref<1x1024xf32, #tpu.memory_space<vmem>>, %arg11: memref<32x1x256xi32, #tpu.memory_space<vmem>>, %arg12: memref<32x1x256xi32, #tpu.memory_space<vmem>>, %arg13: memref<32x1x256xi32, #tpu.memory_space<vmem>>, %arg14: memref<32x1x256xi32, #tpu.memory_space<vmem>>, %arg15: memref<32x1x256xf32, #tpu.memory_space<vmem>>, %arg16: memref<448x1024xf32, #tpu.memory_space<vmem>>, %arg17: memref<32x1x256xi32, #tpu.memory_space<vmem>>, %arg18: memref<32x1x256xi32, #tpu.memory_space<vmem>>, %arg19: memref<32x1x256xi32, #tpu.memory_space<vmem>>) attributes {dimension_semantics = [], scalar_prefetch = 0 : i64, scratch_operands = 0 : i64, tpu.core_type = #tpu.core_type<tc>} {
    %get3A = arith.constant 0 : index
    %get3A_0 = arith.constant 0 : index
    %get3A_1 = vector.load %arg5[%get3A, %get3A_0] : memref<2048x1024xf32, #tpu.memory_space<vmem>>, vector<1024x1024xf32>
    %get3A_2 = arith.constant 1024 : index
    %get3A_3 = arith.constant 0 : index
    %get3A_4 = vector.load %arg5[%get3A_2, %get3A_3] : memref<2048x1024xf32, #tpu.memory_space<vmem>>, vector<1024x1024xf32>
    %get3A_5 = arith.constant 0 : index
    %get3A_6 = arith.constant 0 : index
    %get3A_7 = vector.load %arg2[%get3A_5, %get3A_6] : memref<40x1024xf32, #tpu.memory_space<vmem>>, vector<40x1024xf32>
    %dot_general3A = arith.constant dense<0.000000e+00> : vector<40x1024xf32>
    %dot_general3A_8 = tpu.matmul %get3A_7, %get3A_1, %dot_general3A {dimension_numbers = #tpu.dot_dimension_numbers<[1], [0], [0], [1], [0, 0, 1, 1], [], []>, precision = #tpu.contract_precision<fp32>, transpose_lhs_hint = false} : vector<40x1024xf32>, vector<1024x1024xf32>, vector<40x1024xf32> -> vector<40x1024xf32>
    %get3A_9 = arith.constant 0 : index
    %get3A_10 = arith.constant 0 : index
    %get3A_11 = vector.load %arg3[%get3A_9, %get3A_10] : memref<40x128xf32, #tpu.memory_space<vmem>>, vector<40x128xf32>
    %get3A_12 = arith.constant 0 : index
    %get3A_13 = arith.constant 0 : index
    %get3A_14 = vector.load %arg4[%get3A_12, %get3A_13] : memref<128x1024xf32, #tpu.memory_space<vmem>>, vector<128x1024xf32>
    %dot_general3A_15 = arith.constant dense<0.000000e+00> : vector<40x1024xf32>
    %dot_general3A_16 = tpu.matmul %get3A_11, %get3A_14, %dot_general3A_15 {dimension_numbers = #tpu.dot_dimension_numbers<[1], [0], [0], [1], [0, 0, 1, 1], [], []>, precision = #tpu.contract_precision<fp32>, transpose_lhs_hint = false} : vector<40x128xf32>, vector<128x1024xf32>, vector<40x1024xf32> -> vector<40x1024xf32>
    %dot_general3A_17 = arith.constant dense<0.000000e+00> : vector<40x1024xf32>
    %dot_general3A_18 = tpu.matmul %dot_general3A_16, %get3A_4, %dot_general3A_17 {dimension_numbers = #tpu.dot_dimension_numbers<[1], [0], [0], [1], [0, 0, 1, 1], [], []>, precision = #tpu.contract_precision<fp32>, transpose_lhs_hint = false} : vector<40x1024xf32>, vector<1024x1024xf32>, vector<40x1024xf32> -> vector<40x1024xf32>
    %get3A_19 = arith.constant 0 : index
    %get3A_20 = arith.constant 0 : index
    %get3A_21 = vector.load %arg7[%get3A_19, %get3A_20] : memref<1x1024xf32, #tpu.memory_space<vmem>>, vector<1x1024xf32>
    %get3A_22 = arith.constant 0 : index
    %get3A_23 = arith.constant 0 : index
    %get3A_24 = vector.load %arg6[%get3A_22, %get3A_23] : memref<1x1024xf32, #tpu.memory_space<vmem>>, vector<1x1024xf32>
    %dot_general3A_25 = arith.constant dense<0.000000e+00> : vector<1x1024xf32>
    %dot_general3A_26 = tpu.matmul %get3A_24, %get3A_4, %dot_general3A_25 {dimension_numbers = #tpu.dot_dimension_numbers<[1], [0], [0], [1], [0, 0, 1, 1], [], []>, precision = #tpu.contract_precision<fp32>, transpose_lhs_hint = false} : vector<1x1024xf32>, vector<1024x1024xf32>, vector<1x1024xf32> -> vector<1x1024xf32>
    %add3A = arith.addf %get3A_21, %dot_general3A_26 : vector<1x1024xf32>
    %convert_element_type3A = arith.truncf %dot_general3A_8 : vector<40x1024xf32> to vector<40x1024xbf16>
    %convert_element_type3A_27 = arith.extf %convert_element_type3A : vector<40x1024xbf16> to vector<40x1024xf32>
    %sub3A = arith.subf %dot_general3A_8, %convert_element_type3A_27 : vector<40x1024xf32>
    %convert_element_type3A_28 = arith.truncf %sub3A : vector<40x1024xf32> to vector<40x1024xbf16>
    %broadcast_in_dim3A = arith.constant 0.000000e+00 : bf16
    %broadcast_in_dim3A_29 = vector.broadcast %broadcast_in_dim3A : bf16 to vector<128x1024xbf16>
    %swap3A = arith.constant 0 : index
    %swap3A_30 = arith.constant 0 : index
    %swap3A_31 = vector.load %arg8[%swap3A, %swap3A_30] : memref<128x1024xbf16, #tpu.memory_space<vmem>>, vector<128x1024xbf16>
    tpu.vector_store %arg8[%swap3A, %swap3A_30], %broadcast_in_dim3A_29 {strides = array<i32>} : memref<128x1024xbf16, #tpu.memory_space<vmem>>, vector<128x1024xbf16>,
    %swap3A_32 = arith.constant 0 : index
    %swap3A_33 = arith.constant 0 : index
    %swap3A_34 = vector.load %arg8[%swap3A_32, %swap3A_33] : memref<128x1024xbf16, #tpu.memory_space<vmem>>, vector<40x1024xbf16>
    tpu.vector_store %arg8[%swap3A_32, %swap3A_33], %convert_element_type3A {strides = array<i32>} : memref<128x1024xbf16, #tpu.memory_space<vmem>>, vector<40x1024xbf16>,
    %swap3A_35 = arith.constant 64 : index
    %swap3A_36 = arith.constant 0 : index
    %swap3A_37 = vector.load %arg8[%swap3A_35, %swap3A_36] : memref<128x1024xbf16, #tpu.memory_space<vmem>>, vector<40x1024xbf16>
    tpu.vector_store %arg8[%swap3A_35, %swap3A_36], %convert_element_type3A_28 {strides = array<i32>} : memref<128x1024xbf16, #tpu.memory_space<vmem>>, vector<40x1024xbf16>,
    %convert_element_type3A_38 = arith.truncf %dot_general3A_18 : vector<40x1024xf32> to vector<40x1024xbf16>
    %convert_element_type3A_39 = arith.extf %convert_element_type3A_38 : vector<40x1024xbf16> to vector<40x1024xf32>
    %sub3A_40 = arith.subf %dot_general3A_18, %convert_element_type3A_39 : vector<40x1024xf32>
    %convert_element_type3A_41 = arith.truncf %sub3A_40 : vector<40x1024xf32> to vector<40x1024xbf16>
    %broadcast_in_dim3A_42 = arith.constant 0.000000e+00 : bf16
    %broadcast_in_dim3A_43 = vector.broadcast %broadcast_in_dim3A_42 : bf16 to vector<128x1024xbf16>
    %swap3A_44 = arith.constant 0 : index
    %swap3A_45 = arith.constant 0 : index
    %swap3A_46 = vector.load %arg9[%swap3A_44, %swap3A_45] : memref<128x1024xbf16, #tpu.memory_space<vmem>>, vector<128x1024xbf16>
    tpu.vector_store %arg9[%swap3A_44, %swap3A_45], %broadcast_in_dim3A_43 {strides = array<i32>} : memref<128x1024xbf16, #tpu.memory_space<vmem>>, vector<128x1024xbf16>,
    %swap3A_47 = arith.constant 0 : index
    %swap3A_48 = arith.constant 0 : index
    %swap3A_49 = vector.load %arg9[%swap3A_47, %swap3A_48] : memref<128x1024xbf16, #tpu.memory_space<vmem>>, vector<40x1024xbf16>
    tpu.vector_store %arg9[%swap3A_47, %swap3A_48], %convert_element_type3A_38 {strides = array<i32>} : memref<128x1024xbf16, #tpu.memory_space<vmem>>, vector<40x1024xbf16>,
    %swap3A_50 = arith.constant 64 : index
    %swap3A_51 = arith.constant 0 : index
    %swap3A_52 = vector.load %arg9[%swap3A_50, %swap3A_51] : memref<128x1024xbf16, #tpu.memory_space<vmem>>, vector<40x1024xbf16>
    tpu.vector_store %arg9[%swap3A_50, %swap3A_51], %convert_element_type3A_41 {strides = array<i32>} : memref<128x1024xbf16, #tpu.memory_space<vmem>>, vector<40x1024xbf16>,
    %swap3A_53 = arith.constant 0 : index
    %swap3A_54 = arith.constant 0 : index
    %swap3A_55 = vector.load %arg10[%swap3A_53, %swap3A_54] : memref<1x1024xf32, #tpu.memory_space<vmem>>, vector<1x1024xf32>
    tpu.vector_store %arg10[%swap3A_53, %swap3A_54], %add3A {strides = array<i32>} : memref<1x1024xf32, #tpu.memory_space<vmem>>, vector<1x1024xf32>,
    %broadcast_in_dim3A_56 = arith.constant 0.000000e+00 : f32
    %broadcast_in_dim3A_57 = vector.broadcast %broadcast_in_dim3A_56 : f32 to vector<448x1024xf32>
    %swap3A_58 = arith.constant 0 : index
    %swap3A_59 = arith.constant 0 : index
    %swap3A_60 = vector.load %arg16[%swap3A_58, %swap3A_59] : memref<448x1024xf32, #tpu.memory_space<vmem>>, vector<448x1024xf32>
    tpu.vector_store %arg16[%swap3A_58, %swap3A_59], %broadcast_in_dim3A_57 {strides = array<i32>} : memref<448x1024xf32, #tpu.memory_space<vmem>>, vector<448x1024xf32>,
    %add3A_61 = vector.broadcast %add3A : vector<1x1024xf32> to vector<40x1024xf32>
    %add3A_62 = arith.addf %dot_general3A_8, %add3A_61 : vector<40x1024xf32>
    %swap3A_63 = arith.constant 0 : index
    %swap3A_64 = arith.constant 0 : index
    %swap3A_65 = vector.load %arg16[%swap3A_63, %swap3A_64] : memref<448x1024xf32, #tpu.memory_space<vmem>>, vector<40x1024xf32>
    tpu.vector_store %arg16[%swap3A_63, %swap3A_64], %add3A_62 {strides = array<i32>} : memref<448x1024xf32, #tpu.memory_space<vmem>>, vector<40x1024xf32>,
    %mul3A = arith.constant 1.000000e+00 : f32
    %mul3A_66 = vector.broadcast %mul3A : f32 to vector<40x1024xf32>
    %mul3A_67 = arith.mulf %dot_general3A_18, %mul3A_66 : vector<40x1024xf32>
    %add3A_68 = arith.addf %dot_general3A_8, %mul3A_67 : vector<40x1024xf32>
    %add3A_69 = vector.broadcast %add3A : vector<1x1024xf32> to vector<40x1024xf32>
    %add3A_70 = arith.addf %add3A_68, %add3A_69 : vector<40x1024xf32>
    %swap3A_71 = arith.constant 64 : index
    %swap3A_72 = arith.constant 0 : index
    %swap3A_73 = vector.load %arg16[%swap3A_71, %swap3A_72] : memref<448x1024xf32, #tpu.memory_space<vmem>>, vector<40x1024xf32>
    tpu.vector_store %arg16[%swap3A_71, %swap3A_72], %add3A_70 {strides = array<i32>} : memref<448x1024xf32, #tpu.memory_space<vmem>>, vector<40x1024xf32>,
    %mul3A_74 = arith.constant 1.000000e+00 : f32
    %mul3A_75 = vector.broadcast %mul3A_74 : f32 to vector<40x1024xf32>
    %mul3A_76 = arith.mulf %dot_general3A_18, %mul3A_75 : vector<40x1024xf32>
    %swap3A_77 = arith.constant 256 : index
    %swap3A_78 = arith.constant 0 : index
    %swap3A_79 = vector.load %arg16[%swap3A_77, %swap3A_78] : memref<448x1024xf32, #tpu.memory_space<vmem>>, vector<40x1024xf32>
    tpu.vector_store %arg16[%swap3A_77, %swap3A_78], %mul3A_76 {strides = array<i32>} : memref<448x1024xf32, #tpu.memory_space<vmem>>, vector<40x1024xf32>,
    %mul3A_80 = arith.constant 5.000000e-01 : f32
    %mul3A_81 = vector.broadcast %mul3A_80 : f32 to vector<40x1024xf32>
    %mul3A_82 = arith.mulf %dot_general3A_18, %mul3A_81 : vector<40x1024xf32>
    %add3A_83 = arith.addf %dot_general3A_8, %mul3A_82 : vector<40x1024xf32>
    %add3A_84 = vector.broadcast %add3A : vector<1x1024xf32> to vector<40x1024xf32>
    %add3A_85 = arith.addf %add3A_83, %add3A_84 : vector<40x1024xf32>
    %swap3A_86 = arith.constant 128 : index
    %swap3A_87 = arith.constant 0 : index
    %swap3A_88 = vector.load %arg16[%swap3A_86, %swap3A_87] : memref<448x1024xf32, #tpu.memory_space<vmem>>, vector<40x1024xf32>
    tpu.vector_store %arg16[%swap3A_86, %swap3A_87], %add3A_85 {strides = array<i32>} : memref<448x1024xf32, #tpu.memory_space<vmem>>, vector<40x1024xf32>,
    %mul3A_89 = arith.constant 5.000000e-01 : f32
    %mul3A_90 = vector.broadcast %mul3A_89 : f32 to vector<40x1024xf32>
    %mul3A_91 = arith.mulf %dot_general3A_18, %mul3A_90 : vector<40x1024xf32>
    %swap3A_92 = arith.constant 320 : index
    %swap3A_93 = arith.constant 0 : index
    %swap3A_94 = vector.load %arg16[%swap3A_92, %swap3A_93] : memref<448x1024xf32, #tpu.memory_space<vmem>>, vector<40x1024xf32>
    tpu.vector_store %arg16[%swap3A_92, %swap3A_93], %mul3A_91 {strides = array<i32>} : memref<448x1024xf32, #tpu.memory_space<vmem>>, vector<40x1024xf32>,
    %mul3A_95 = arith.constant 0.333333343 : f32
    %mul3A_96 = vector.broadcast %mul3A_95 : f32 to vector<40x1024xf32>
    %mul3A_97 = arith.mulf %dot_general3A_18, %mul3A_96 : vector<40x1024xf32>
    %add3A_98 = arith.addf %dot_general3A_8, %mul3A_97 : vector<40x1024xf32>
    %add3A_99 = vector.broadcast %add3A : vector<1x1024xf32> to vector<40x1024xf32>
    %add3A_100 = arith.addf %add3A_98, %add3A_99 : vector<40x1024xf32>
    %swap3A_101 = arith.constant 192 : index
    %swap3A_102 = arith.constant 0 : index
    %swap3A_103 = vector.load %arg16[%swap3A_101, %swap3A_102] : memref<448x1024xf32, #tpu.memory_space<vmem>>, vector<40x1024xf32>
    tpu.vector_store %arg16[%swap3A_101, %swap3A_102], %add3A_100 {strides = array<i32>} : memref<448x1024xf32, #tpu.memory_space<vmem>>, vector<40x1024xf32>,
    %mul3A_104 = arith.constant 0.333333343 : f32
    %mul3A_105 = vector.broadcast %mul3A_104 : f32 to vector<40x1024xf32>
    %mul3A_106 = arith.mulf %dot_general3A_18, %mul3A_105 : vector<40x1024xf32>
    %swap3A_107 = arith.constant 384 : index
    %swap3A_108 = arith.constant 0 : index
    %swap3A_109 = vector.load %arg16[%swap3A_107, %swap3A_108] : memref<448x1024xf32, #tpu.memory_space<vmem>>, vector<40x1024xf32>
    tpu.vector_store %arg16[%swap3A_107, %swap3A_108], %mul3A_106 {strides = array<i32>} : memref<448x1024xf32, #tpu.memory_space<vmem>>, vector<40x1024xf32>,
    %get3A_110 = arith.constant 0 : index
    %get3A_111 = arith.constant 0 : index
    %get3A_112 = vector.load %arg0[%get3A_110, %get3A_111] : memref<32x256xi32, #tpu.memory_space<vmem>>, vector<32x256xi32>
    %get3A_113 = arith.constant 0 : index
    %get3A_114 = arith.constant 0 : index
    %get3A_115 = vector.load %arg1[%get3A_113, %get3A_114] : memref<32x256xi32, #tpu.memory_space<vmem>>, vector<32x256xi32>
    %iota3A = tpu.iota {dimensions = array<i32: 0>} : vector<32x1xi32>
    %slice3A = vector.extract_strided_slice %get3A_112 {offsets = [0, 255], sizes = [32, 1], strides = [1, 1]} : vector<32x256xi32> to vector<32x1xi32>
    %broadcast_in_dim3A_116 = arith.constant 0 : i32
    %broadcast_in_dim3A_117 = vector.broadcast %broadcast_in_dim3A_116 : i32 to vector<1x1xi32>
    %slice3A_118 = vector.extract_strided_slice %slice3A {offsets = [0, 0], sizes = [31, 1], strides = [1, 1]} : vector<32x1xi32> to vector<31x1xi32>
    %concatenate3A = tpu.concatenate %broadcast_in_dim3A_117, %slice3A_118 in 0 : vector<1x1xi32>, vector<31x1xi32> -> vector<32x1xi32>
    %jit3A = arith.constant 8 : i32
    %eq3A = arith.constant 0 : i32
    %eq3A_119 = arith.cmpi eq, %jit3A, %eq3A : i32
    %jit3A_120 = arith.constant 1 : i32
    %select_n3A = arith.select %eq3A_119, %jit3A_120, %jit3A : i32
    %rem3A = vector.broadcast %select_n3A : i32 to vector<32x1xi32>
    %rem3A_121 = arith.remsi %iota3A, %rem3A : vector<32x1xi32>
    %ne3A = arith.constant 0 : i32
    %ne3A_122 = vector.broadcast %ne3A : i32 to vector<32x1xi32>
    %ne3A_123 = arith.cmpi ne, %rem3A_121, %ne3A_122 : vector<32x1xi32>
    %lt3A = arith.constant 0 : i32
    %lt3A_124 = vector.broadcast %lt3A : i32 to vector<32x1xi32>
    %lt3A_125 = arith.cmpi slt, %rem3A_121, %lt3A_124 : vector<32x1xi32>
    %lt3A_126 = arith.constant 0 : i32
    %lt3A_127 = arith.cmpi slt, %select_n3A, %lt3A_126 : i32
    %ne3A_128 = vector.broadcast %lt3A_127 : i1 to vector<32x1xi1>
    %ne3A_129 = vector.broadcast %ne3A_128 : vector<32x1xi1> to vector<32x1xi1>
    %ne3A_130 = arith.xori %lt3A_125, %ne3A_129 : vector<32x1xi1>
    %and3A = arith.andi %ne3A_130, %ne3A_123 : vector<32x1xi1>
    %add3A_131 = vector.broadcast %select_n3A : i32 to vector<32x1xi32>
    %add3A_132 = arith.addi %rem3A_121, %add3A_131 : vector<32x1xi32>
    %select_n3A_133 = arith.select %and3A, %add3A_132, %rem3A_121 : vector<32x1xi1>, vector<32x1xi32>
    %eq3A_134 = arith.constant 0 : i32
    %eq3A_135 = vector.broadcast %eq3A_134 : i32 to vector<32x1xi32>
    %eq3A_136 = arith.cmpi eq, %select_n3A_133, %eq3A_135 : vector<32x1xi32>
    %broadcast_in_dim3A_137 = arith.constant 0 : i32
    %broadcast_in_dim3A_138 = vector.broadcast %broadcast_in_dim3A_137 : i32 to vector<1x1xi32>
    %broadcast_in_dim3A_139 = vector.shape_cast %broadcast_in_dim3A_138 : vector<1x1xi32> to vector<1x1xi32>
    %broadcast_in_dim3A_140 = vector.broadcast %broadcast_in_dim3A_139 : vector<1x1xi32> to vector<32x1xi32>
    %select_n3A_141 = arith.select %eq3A_136, %broadcast_in_dim3A_140, %concatenate3A : vector<32x1xi1>, vector<32x1xi32>
    %slice3A_142 = vector.extract_strided_slice %get3A_112 {offsets = [0, 0], sizes = [32, 255], strides = [1, 1]} : vector<32x256xi32> to vector<32x255xi32>
    %concatenate3A_143 = tpu.concatenate %select_n3A_141, %slice3A_142 in 1 : vector<32x1xi32>, vector<32x255xi32> -> vector<32x256xi32>
    %slice3A_144 = vector.extract_strided_slice %get3A_115 {offsets = [0, 255], sizes = [32, 1], strides = [1, 1]} : vector<32x256xi32> to vector<32x1xi32>
    %broadcast_in_dim3A_145 = arith.constant 0 : i32
    %broadcast_in_dim3A_146 = vector.broadcast %broadcast_in_dim3A_145 : i32 to vector<1x1xi32>
    %slice3A_147 = vector.extract_strided_slice %slice3A_144 {offsets = [0, 0], sizes = [31, 1], strides = [1, 1]} : vector<32x1xi32> to vector<31x1xi32>
    %concatenate3A_148 = tpu.concatenate %broadcast_in_dim3A_146, %slice3A_147 in 0 : vector<1x1xi32>, vector<31x1xi32> -> vector<32x1xi32>
    %jit3A_149 = arith.constant 8 : i32
    %eq3A_150 = arith.constant 0 : i32
    %eq3A_151 = arith.cmpi eq, %jit3A_149, %eq3A_150 : i32
    %jit3A_152 = arith.constant 1 : i32
    %select_n3A_153 = arith.select %eq3A_151, %jit3A_152, %jit3A_149 : i32
    %rem3A_154 = vector.broadcast %select_n3A_153 : i32 to vector<32x1xi32>
    %rem3A_155 = arith.remsi %iota3A, %rem3A_154 : vector<32x1xi32>
    %ne3A_156 = arith.constant 0 : i32
    %ne3A_157 = vector.broadcast %ne3A_156 : i32 to vector<32x1xi32>
    %ne3A_158 = arith.cmpi ne, %rem3A_155, %ne3A_157 : vector<32x1xi32>
    %lt3A_159 = arith.constant 0 : i32
    %lt3A_160 = vector.broadcast %lt3A_159 : i32 to vector<32x1xi32>
    %lt3A_161 = arith.cmpi slt, %rem3A_155, %lt3A_160 : vector<32x1xi32>
    %lt3A_162 = arith.constant 0 : i32
    %lt3A_163 = arith.cmpi slt, %select_n3A_153, %lt3A_162 : i32
    %ne3A_164 = vector.broadcast %lt3A_163 : i1 to vector<32x1xi1>
    %ne3A_165 = vector.broadcast %ne3A_164 : vector<32x1xi1> to vector<32x1xi1>
    %ne3A_166 = arith.xori %lt3A_161, %ne3A_165 : vector<32x1xi1>
    %and3A_167 = arith.andi %ne3A_166, %ne3A_158 : vector<32x1xi1>
    %add3A_168 = vector.broadcast %select_n3A_153 : i32 to vector<32x1xi32>
    %add3A_169 = arith.addi %rem3A_155, %add3A_168 : vector<32x1xi32>
    %select_n3A_170 = arith.select %and3A_167, %add3A_169, %rem3A_155 : vector<32x1xi1>, vector<32x1xi32>
    %eq3A_171 = arith.constant 0 : i32
    %eq3A_172 = vector.broadcast %eq3A_171 : i32 to vector<32x1xi32>
    %eq3A_173 = arith.cmpi eq, %select_n3A_170, %eq3A_172 : vector<32x1xi32>
    %broadcast_in_dim3A_174 = arith.constant 0 : i32
    %broadcast_in_dim3A_175 = vector.broadcast %broadcast_in_dim3A_174 : i32 to vector<1x1xi32>
    %broadcast_in_dim3A_176 = vector.shape_cast %broadcast_in_dim3A_175 : vector<1x1xi32> to vector<1x1xi32>
    %broadcast_in_dim3A_177 = vector.broadcast %broadcast_in_dim3A_176 : vector<1x1xi32> to vector<32x1xi32>
    %select_n3A_178 = arith.select %eq3A_173, %broadcast_in_dim3A_177, %concatenate3A_148 : vector<32x1xi1>, vector<32x1xi32>
    %slice3A_179 = vector.extract_strided_slice %get3A_115 {offsets = [0, 0], sizes = [32, 255], strides = [1, 1]} : vector<32x256xi32> to vector<32x255xi32>
    %concatenate3A_180 = tpu.concatenate %select_n3A_178, %slice3A_179 in 1 : vector<32x1xi32>, vector<32x255xi32> -> vector<32x256xi32>
    %slice3A_181 = vector.extract_strided_slice %get3A_112 {offsets = [0, 0], sizes = [32, 1], strides = [1, 1]} : vector<32x256xi32> to vector<32x1xi32>
    %slice3A_182 = vector.extract_strided_slice %slice3A_181 {offsets = [1, 0], sizes = [31, 1], strides = [1, 1]} : vector<32x1xi32> to vector<31x1xi32>
    %broadcast_in_dim3A_183 = arith.constant 0 : i32
    %broadcast_in_dim3A_184 = vector.broadcast %broadcast_in_dim3A_183 : i32 to vector<1x1xi32>
    %concatenate3A_185 = tpu.concatenate %slice3A_182, %broadcast_in_dim3A_184 in 0 : vector<31x1xi32>, vector<1x1xi32> -> vector<32x1xi32>
    %jit3A_186 = arith.constant 8 : i32
    %eq3A_187 = arith.constant 0 : i32
    %eq3A_188 = arith.cmpi eq, %jit3A_186, %eq3A_187 : i32
    %jit3A_189 = arith.constant 1 : i32
    %select_n3A_190 = arith.select %eq3A_188, %jit3A_189, %jit3A_186 : i32
    %rem3A_191 = vector.broadcast %select_n3A_190 : i32 to vector<32x1xi32>
    %rem3A_192 = arith.remsi %iota3A, %rem3A_191 : vector<32x1xi32>
    %ne3A_193 = arith.constant 0 : i32
    %ne3A_194 = vector.broadcast %ne3A_193 : i32 to vector<32x1xi32>
    %ne3A_195 = arith.cmpi ne, %rem3A_192, %ne3A_194 : vector<32x1xi32>
    %lt3A_196 = arith.constant 0 : i32
    %lt3A_197 = vector.broadcast %lt3A_196 : i32 to vector<32x1xi32>
    %lt3A_198 = arith.cmpi slt, %rem3A_192, %lt3A_197 : vector<32x1xi32>
    %lt3A_199 = arith.constant 0 : i32
    %lt3A_200 = arith.cmpi slt, %select_n3A_190, %lt3A_199 : i32
    %ne3A_201 = vector.broadcast %lt3A_200 : i1 to vector<32x1xi1>
    %ne3A_202 = vector.broadcast %ne3A_201 : vector<32x1xi1> to vector<32x1xi1>
    %ne3A_203 = arith.xori %lt3A_198, %ne3A_202 : vector<32x1xi1>
    %and3A_204 = arith.andi %ne3A_203, %ne3A_195 : vector<32x1xi1>
    %add3A_205 = vector.broadcast %select_n3A_190 : i32 to vector<32x1xi32>
    %add3A_206 = arith.addi %rem3A_192, %add3A_205 : vector<32x1xi32>
    %select_n3A_207 = arith.select %and3A_204, %add3A_206, %rem3A_192 : vector<32x1xi1>, vector<32x1xi32>
    %eq3A_208 = arith.constant 7 : i32
    %eq3A_209 = vector.broadcast %eq3A_208 : i32 to vector<32x1xi32>
    %eq3A_210 = arith.cmpi eq, %select_n3A_207, %eq3A_209 : vector<32x1xi32>
    %broadcast_in_dim3A_211 = arith.constant 0 : i32
    %broadcast_in_dim3A_212 = vector.broadcast %broadcast_in_dim3A_211 : i32 to vector<1x1xi32>
    %broadcast_in_dim3A_213 = vector.shape_cast %broadcast_in_dim3A_212 : vector<1x1xi32> to vector<1x1xi32>
    %broadcast_in_dim3A_214 = vector.broadcast %broadcast_in_dim3A_213 : vector<1x1xi32> to vector<32x1xi32>
    %select_n3A_215 = arith.select %eq3A_210, %broadcast_in_dim3A_214, %concatenate3A_185 : vector<32x1xi1>, vector<32x1xi32>
    %slice3A_216 = vector.extract_strided_slice %get3A_112 {offsets = [0, 1], sizes = [32, 255], strides = [1, 1]} : vector<32x256xi32> to vector<32x255xi32>
    %concatenate3A_217 = tpu.concatenate %slice3A_216, %select_n3A_215 in 1 : vector<32x255xi32>, vector<32x1xi32> -> vector<32x256xi32>
    %slice3A_218 = vector.extract_strided_slice %get3A_115 {offsets = [0, 0], sizes = [32, 1], strides = [1, 1]} : vector<32x256xi32> to vector<32x1xi32>
    %slice3A_219 = vector.extract_strided_slice %slice3A_218 {offsets = [1, 0], sizes = [31, 1], strides = [1, 1]} : vector<32x1xi32> to vector<31x1xi32>
    %broadcast_in_dim3A_220 = arith.constant 0 : i32
    %broadcast_in_dim3A_221 = vector.broadcast %broadcast_in_dim3A_220 : i32 to vector<1x1xi32>
    %concatenate3A_222 = tpu.concatenate %slice3A_219, %broadcast_in_dim3A_221 in 0 : vector<31x1xi32>, vector<1x1xi32> -> vector<32x1xi32>
    %jit3A_223 = arith.constant 8 : i32
    %eq3A_224 = arith.constant 0 : i32
    %eq3A_225 = arith.cmpi eq, %jit3A_223, %eq3A_224 : i32
    %jit3A_226 = arith.constant 1 : i32
    %select_n3A_227 = arith.select %eq3A_225, %jit3A_226, %jit3A_223 : i32
    %rem3A_228 = vector.broadcast %select_n3A_227 : i32 to vector<32x1xi32>
    %rem3A_229 = arith.remsi %iota3A, %rem3A_228 : vector<32x1xi32>
    %ne3A_230 = arith.constant 0 : i32
    %ne3A_231 = vector.broadcast %ne3A_230 : i32 to vector<32x1xi32>
    %ne3A_232 = arith.cmpi ne, %rem3A_229, %ne3A_231 : vector<32x1xi32>
    %lt3A_233 = arith.constant 0 : i32
    %lt3A_234 = vector.broadcast %lt3A_233 : i32 to vector<32x1xi32>
    %lt3A_235 = arith.cmpi slt, %rem3A_229, %lt3A_234 : vector<32x1xi32>
    %lt3A_236 = arith.constant 0 : i32
    %lt3A_237 = arith.cmpi slt, %select_n3A_227, %lt3A_236 : i32
    %ne3A_238 = vector.broadcast %lt3A_237 : i1 to vector<32x1xi1>
    %ne3A_239 = vector.broadcast %ne3A_238 : vector<32x1xi1> to vector<32x1xi1>
    %ne3A_240 = arith.xori %lt3A_235, %ne3A_239 : vector<32x1xi1>
    %and3A_241 = arith.andi %ne3A_240, %ne3A_232 : vector<32x1xi1>
    %add3A_242 = vector.broadcast %select_n3A_227 : i32 to vector<32x1xi32>
    %add3A_243 = arith.addi %rem3A_229, %add3A_242 : vector<32x1xi32>
    %select_n3A_244 = arith.select %and3A_241, %add3A_243, %rem3A_229 : vector<32x1xi1>, vector<32x1xi32>
    %eq3A_245 = arith.constant 7 : i32
    %eq3A_246 = vector.broadcast %eq3A_245 : i32 to vector<32x1xi32>
    %eq3A_247 = arith.cmpi eq, %select_n3A_244, %eq3A_246 : vector<32x1xi32>
    %broadcast_in_dim3A_248 = arith.constant 0 : i32
    %broadcast_in_dim3A_249 = vector.broadcast %broadcast_in_dim3A_248 : i32 to vector<1x1xi32>
    %broadcast_in_dim3A_250 = vector.shape_cast %broadcast_in_dim3A_249 : vector<1x1xi32> to vector<1x1xi32>
    %broadcast_in_dim3A_251 = vector.broadcast %broadcast_in_dim3A_250 : vector<1x1xi32> to vector<32x1xi32>
    %select_n3A_252 = arith.select %eq3A_247, %broadcast_in_dim3A_251, %concatenate3A_222 : vector<32x1xi1>, vector<32x1xi32>
    %slice3A_253 = vector.extract_strided_slice %get3A_115 {offsets = [0, 1], sizes = [32, 255], strides = [1, 1]} : vector<32x256xi32> to vector<32x255xi32>
    %concatenate3A_254 = tpu.concatenate %slice3A_253, %select_n3A_252 in 1 : vector<32x255xi32>, vector<32x1xi32> -> vector<32x256xi32>
    %add3A_255 = arith.addi %concatenate3A_180, %get3A_115 : vector<32x256xi32>
    %add3A_256 = arith.addi %add3A_255, %concatenate3A_254 : vector<32x256xi32>
    %jit3A_257 = arith.constant 1 : i32
    %jit3A_258 = arith.constant 3 : i32
    %max3A = vector.broadcast %jit3A_257 : i32 to vector<32x256xi32>
    %max3A_259 = arith.maxsi %max3A, %add3A_256 : vector<32x256xi32>
    %min3A = vector.broadcast %jit3A_258 : i32 to vector<32x256xi32>
    %min3A_260 = arith.minsi %min3A, %max3A_259 : vector<32x256xi32>
    %swap3A_261 = arith.constant 0 : index
    %swap3A_262 = arith.constant 0 : index
    %swap3A_263 = arith.constant 0 : index
    %swap3A_264 = vector.load %arg11[%swap3A_261, %swap3A_262, %swap3A_263] : memref<32x1x256xi32, #tpu.memory_space<vmem>>, vector<32x1x256xi32>
    %swap3A_265 = vector.shape_cast %swap3A_264 : vector<32x1x256xi32> to vector<32x256xi32>
    %swap3A_266 = vector.shape_cast %get3A_112 : vector<32x256xi32> to vector<32x1x256xi32>
    tpu.vector_store %arg11[%swap3A_261, %swap3A_262, %swap3A_263], %swap3A_266 {strides = array<i32>} : memref<32x1x256xi32, #tpu.memory_space<vmem>>, vector<32x1x256xi32>,
    %eq3A_267 = arith.constant 1 : i32
    %eq3A_268 = vector.broadcast %eq3A_267 : i32 to vector<32x256xi32>
    %eq3A_269 = arith.cmpi eq, %get3A_115, %eq3A_268 : vector<32x256xi32>
    %jit3A_270 = arith.constant 63 : i32
    %broadcast_in_dim3A_271 = vector.broadcast %jit3A_270 : i32 to vector<32x256xi32>
    %select_n3A_272 = arith.select %eq3A_269, %get3A_112, %broadcast_in_dim3A_271 : vector<32x256xi1>, vector<32x256xi32>
    %swap3A_273 = arith.constant 0 : index
    %swap3A_274 = arith.constant 0 : index
    %swap3A_275 = arith.constant 0 : index
    %swap3A_276 = vector.load %arg12[%swap3A_273, %swap3A_274, %swap3A_275] : memref<32x1x256xi32, #tpu.memory_space<vmem>>, vector<32x1x256xi32>
    %swap3A_277 = vector.shape_cast %swap3A_276 : vector<32x1x256xi32> to vector<32x256xi32>
    %swap3A_278 = vector.shape_cast %select_n3A_272 : vector<32x256xi32> to vector<32x1x256xi32>
    tpu.vector_store %arg12[%swap3A_273, %swap3A_274, %swap3A_275], %swap3A_278 {strides = array<i32>} : memref<32x1x256xi32, #tpu.memory_space<vmem>>, vector<32x1x256xi32>,
    %eq3A_279 = arith.constant 1 : i32
    %eq3A_280 = vector.broadcast %eq3A_279 : i32 to vector<32x256xi32>
    %eq3A_281 = arith.cmpi eq, %concatenate3A_180, %eq3A_280 : vector<32x256xi32>
    %jit3A_282 = arith.constant 63 : i32
    %broadcast_in_dim3A_283 = vector.broadcast %jit3A_282 : i32 to vector<32x256xi32>
    %select_n3A_284 = arith.select %eq3A_281, %concatenate3A_143, %broadcast_in_dim3A_283 : vector<32x256xi1>, vector<32x256xi32>
    %swap3A_285 = arith.constant 0 : index
    %swap3A_286 = arith.constant 0 : index
    %swap3A_287 = arith.constant 0 : index
    %swap3A_288 = vector.load %arg13[%swap3A_285, %swap3A_286, %swap3A_287] : memref<32x1x256xi32, #tpu.memory_space<vmem>>, vector<32x1x256xi32>
    %swap3A_289 = vector.shape_cast %swap3A_288 : vector<32x1x256xi32> to vector<32x256xi32>
    %swap3A_290 = vector.shape_cast %select_n3A_284 : vector<32x256xi32> to vector<32x1x256xi32>
    tpu.vector_store %arg13[%swap3A_285, %swap3A_286, %swap3A_287], %swap3A_290 {strides = array<i32>} : memref<32x1x256xi32, #tpu.memory_space<vmem>>, vector<32x1x256xi32>,
    %eq3A_291 = arith.constant 1 : i32
    %eq3A_292 = vector.broadcast %eq3A_291 : i32 to vector<32x256xi32>
    %eq3A_293 = arith.cmpi eq, %concatenate3A_254, %eq3A_292 : vector<32x256xi32>
    %jit3A_294 = arith.constant 63 : i32
    %broadcast_in_dim3A_295 = vector.broadcast %jit3A_294 : i32 to vector<32x256xi32>
    %select_n3A_296 = arith.select %eq3A_293, %concatenate3A_217, %broadcast_in_dim3A_295 : vector<32x256xi1>, vector<32x256xi32>
    %swap3A_297 = arith.constant 0 : index
    %swap3A_298 = arith.constant 0 : index
    %swap3A_299 = arith.constant 0 : index
    %swap3A_300 = vector.load %arg14[%swap3A_297, %swap3A_298, %swap3A_299] : memref<32x1x256xi32, #tpu.memory_space<vmem>>, vector<32x1x256xi32>
    %swap3A_301 = vector.shape_cast %swap3A_300 : vector<32x1x256xi32> to vector<32x256xi32>
    %swap3A_302 = vector.shape_cast %select_n3A_296 : vector<32x256xi32> to vector<32x1x256xi32>
    tpu.vector_store %arg14[%swap3A_297, %swap3A_298, %swap3A_299], %swap3A_302 {strides = array<i32>} : memref<32x1x256xi32, #tpu.memory_space<vmem>>, vector<32x1x256xi32>,
    %convert_element_type3A_303 = arith.sitofp %min3A_260 : vector<32x256xi32> to vector<32x256xf32>
    %div3A = arith.constant 1.000000e+00 : f32
    %div3A_304 = vector.broadcast %div3A : f32 to vector<32x256xf32>
    %div3A_305 = arith.divf %div3A_304, %convert_element_type3A_303 : vector<32x256xf32>
    %swap3A_306 = arith.constant 0 : index
    %swap3A_307 = arith.constant 0 : index
    %swap3A_308 = arith.constant 0 : index
    %swap3A_309 = vector.load %arg15[%swap3A_306, %swap3A_307, %swap3A_308] : memref<32x1x256xf32, #tpu.memory_space<vmem>>, vector<32x1x256xf32>
    %swap3A_310 = vector.shape_cast %swap3A_309 : vector<32x1x256xf32> to vector<32x256xf32>
    %swap3A_311 = vector.shape_cast %div3A_305 : vector<32x256xf32> to vector<32x1x256xf32>
    tpu.vector_store %arg15[%swap3A_306, %swap3A_307, %swap3A_308], %swap3A_311 {strides = array<i32>} : memref<32x1x256xf32, #tpu.memory_space<vmem>>, vector<32x1x256xf32>,
    %eq3A_312 = arith.constant 1 : i32
    %eq3A_313 = vector.broadcast %eq3A_312 : i32 to vector<32x256xi32>
    %eq3A_314 = arith.cmpi eq, %get3A_115, %eq3A_313 : vector<32x256xi32>
    %mul3A_315 = arith.constant 64 : i32
    %mul3A_316 = vector.broadcast %mul3A_315 : i32 to vector<32x256xi32>
    %mul3A_317 = arith.muli %min3A_260, %mul3A_316 : vector<32x256xi32>
    %add3A_318 = arith.addi %mul3A_317, %get3A_112 : vector<32x256xi32>
    %select_n3A_319 = arith.select %eq3A_314, %add3A_318, %get3A_112 : vector<32x256xi1>, vector<32x256xi32>
    %swap3A_320 = arith.constant 0 : index
    %swap3A_321 = arith.constant 0 : index
    %swap3A_322 = arith.constant 0 : index
    %swap3A_323 = vector.load %arg17[%swap3A_320, %swap3A_321, %swap3A_322] : memref<32x1x256xi32, #tpu.memory_space<vmem>>, vector<32x1x256xi32>
    %swap3A_324 = vector.shape_cast %swap3A_323 : vector<32x1x256xi32> to vector<32x256xi32>
    %swap3A_325 = vector.shape_cast %select_n3A_319 : vector<32x256xi32> to vector<32x1x256xi32>
    tpu.vector_store %arg17[%swap3A_320, %swap3A_321, %swap3A_322], %swap3A_325 {strides = array<i32>} : memref<32x1x256xi32, #tpu.memory_space<vmem>>, vector<32x1x256xi32>,
    %eq3A_326 = arith.constant 1 : i32
    %eq3A_327 = vector.broadcast %eq3A_326 : i32 to vector<32x256xi32>
    %eq3A_328 = arith.cmpi eq, %concatenate3A_180, %eq3A_327 : vector<32x256xi32>
    %add3A_329 = arith.constant 3 : i32
    %add3A_330 = vector.broadcast %add3A_329 : i32 to vector<32x256xi32>
    %add3A_331 = arith.addi %add3A_330, %min3A_260 : vector<32x256xi32>
    %mul3A_332 = arith.constant 64 : i32
    %mul3A_333 = vector.broadcast %mul3A_332 : i32 to vector<32x256xi32>
    %mul3A_334 = arith.muli %add3A_331, %mul3A_333 : vector<32x256xi32>
    %add3A_335 = arith.addi %mul3A_334, %concatenate3A_143 : vector<32x256xi32>
    %jit3A_336 = arith.constant 319 : i32
    %broadcast_in_dim3A_337 = vector.broadcast %jit3A_336 : i32 to vector<32x256xi32>
    %select_n3A_338 = arith.select %eq3A_328, %add3A_335, %broadcast_in_dim3A_337 : vector<32x256xi1>, vector<32x256xi32>
    %swap3A_339 = arith.constant 0 : index
    %swap3A_340 = arith.constant 0 : index
    %swap3A_341 = arith.constant 0 : index
    %swap3A_342 = vector.load %arg18[%swap3A_339, %swap3A_340, %swap3A_341] : memref<32x1x256xi32, #tpu.memory_space<vmem>>, vector<32x1x256xi32>
    %swap3A_343 = vector.shape_cast %swap3A_342 : vector<32x1x256xi32> to vector<32x256xi32>
    %swap3A_344 = vector.shape_cast %select_n3A_338 : vector<32x256xi32> to vector<32x1x256xi32>
    tpu.vector_store %arg18[%swap3A_339, %swap3A_340, %swap3A_341], %swap3A_344 {strides = array<i32>} : memref<32x1x256xi32, #tpu.memory_space<vmem>>, vector<32x1x256xi32>,
    %eq3A_345 = arith.constant 1 : i32
    %eq3A_346 = vector.broadcast %eq3A_345 : i32 to vector<32x256xi32>
    %eq3A_347 = arith.cmpi eq, %concatenate3A_254, %eq3A_346 : vector<32x256xi32>
    %add3A_348 = arith.constant 3 : i32
    %add3A_349 = vector.broadcast %add3A_348 : i32 to vector<32x256xi32>
    %add3A_350 = arith.addi %add3A_349, %min3A_260 : vector<32x256xi32>
    %mul3A_351 = arith.constant 64 : i32
    %mul3A_352 = vector.broadcast %mul3A_351 : i32 to vector<32x256xi32>
    %mul3A_353 = arith.muli %add3A_350, %mul3A_352 : vector<32x256xi32>
    %add3A_354 = arith.addi %mul3A_353, %concatenate3A_217 : vector<32x256xi32>
    %jit3A_355 = arith.constant 319 : i32
    %broadcast_in_dim3A_356 = vector.broadcast %jit3A_355 : i32 to vector<32x256xi32>
    %select_n3A_357 = arith.select %eq3A_347, %add3A_354, %broadcast_in_dim3A_356 : vector<32x256xi1>, vector<32x256xi32>
    %swap3A_358 = arith.constant 0 : index
    %swap3A_359 = arith.constant 0 : index
    %swap3A_360 = arith.constant 0 : index
    %swap3A_361 = vector.load %arg19[%swap3A_358, %swap3A_359, %swap3A_360] : memref<32x1x256xi32, #tpu.memory_space<vmem>>, vector<32x1x256xi32>
    %swap3A_362 = vector.shape_cast %swap3A_361 : vector<32x1x256xi32> to vector<32x256xi32>
    %swap3A_363 = vector.shape_cast %select_n3A_357 : vector<32x256xi32> to vector<32x1x256xi32>
    tpu.vector_store %arg19[%swap3A_358, %swap3A_359, %swap3A_360], %swap3A_363 {strides = array<i32>} : memref<32x1x256xi32, #tpu.memory_space<vmem>>, vector<32x1x256xi32>,
    return
  }
}

module attributes {stable_mosaic.version = 14 : i64} {
  func.func @_tc_body(%arg0: i32, %arg1: memref<1x1x256xi32, #tpu.memory_space<vmem>>, %arg2: memref<1x1x256xi32, #tpu.memory_space<vmem>>, %arg3: memref<1x1x256xi32, #tpu.memory_space<vmem>>, %arg4: memref<1x1x256xi32, #tpu.memory_space<vmem>>, %arg5: memref<1x1x256xf32, #tpu.memory_space<vmem>>, %arg6: memref<128x1024xbf16, #tpu.memory_space<vmem>>, %arg7: memref<128x1024xbf16, #tpu.memory_space<vmem>>, %arg8: memref<1x1024xf32, #tpu.memory_space<vmem>>, %arg9: memref<1x1024xf32, #tpu.memory_space<vmem>>, %arg10: memref<1x1024xf32, #tpu.memory_space<vmem>>, %arg11: memref<256x1024xf32, #tpu.memory_space<vmem>>) attributes {dimension_semantics = [#tpu.dimension_semantics<arbitrary>], iteration_bounds = array<i64: 30>, scalar_prefetch = 0 : i64, scratch_operands = 0 : i64, tpu.core_type = #tpu.core_type<tc>, window_params = [{transform_indices = @transform_0, window_bounds = array<i64: 1, 1, 256>}, {transform_indices = @transform_1, window_bounds = array<i64: 1, 1, 256>}, {transform_indices = @transform_2, window_bounds = array<i64: 1, 1, 256>}, {transform_indices = @transform_3, window_bounds = array<i64: 1, 1, 256>}, {transform_indices = @transform_4, window_bounds = array<i64: 1, 1, 256>}, {pipeline_mode = #tpu.pipeline_mode<synchronous>, transform_indices = @transform_5, window_bounds = array<i64: 128, 1024>}, {pipeline_mode = #tpu.pipeline_mode<synchronous>, transform_indices = @transform_6, window_bounds = array<i64: 128, 1024>}, {pipeline_mode = #tpu.pipeline_mode<synchronous>, transform_indices = @transform_7, window_bounds = array<i64: 1, 1024>}, {pipeline_mode = #tpu.pipeline_mode<synchronous>, transform_indices = @transform_8, window_bounds = array<i64: 1, 1024>}, {pipeline_mode = #tpu.pipeline_mode<synchronous>, transform_indices = @transform_9, window_bounds = array<i64: 1, 1024>}, {transform_indices = @transform_10, window_bounds = array<i64: 256, 1024>}]} {
    %iota3A = tpu.iota {dimensions = array<i32: 1>} : vector<1x64xi32>
    %get3A = arith.constant 0 : index
    %get3A_0 = arith.constant 0 : index
    %get3A_1 = arith.constant 0 : index
    %get3A_2 = vector.load %arg1[%get3A, %get3A_0, %get3A_1] : memref<1x1x256xi32, #tpu.memory_space<vmem>>, vector<1x1x256xi32>
    %reshape3A = vector.shape_cast %get3A_2 : vector<1x1x256xi32> to vector<256x1xi32>
    %eq3A = vector.broadcast %reshape3A : vector<256x1xi32> to vector<256x64xi32>
    %eq3A_3 = vector.broadcast %iota3A : vector<1x64xi32> to vector<256x64xi32>
    %eq3A_4 = arith.cmpi eq, %eq3A, %eq3A_3 : vector<256x64xi32>
    %convert_element_type3A = arith.extui %eq3A_4 : vector<256x64xi1> to vector<256x64xi32>
    %convert_element_type3A_5 = arith.sitofp %convert_element_type3A : vector<256x64xi32> to vector<256x64xf32>
    %convert_element_type3A_6 = arith.truncf %convert_element_type3A_5 : vector<256x64xf32> to vector<256x64xbf16>
    %get3A_7 = arith.constant 0 : index
    %get3A_8 = arith.constant 0 : index
    %get3A_9 = arith.constant 0 : index
    %get3A_10 = vector.load %arg2[%get3A_7, %get3A_8, %get3A_9] : memref<1x1x256xi32, #tpu.memory_space<vmem>>, vector<1x1x256xi32>
    %reshape3A_11 = vector.shape_cast %get3A_10 : vector<1x1x256xi32> to vector<256x1xi32>
    %eq3A_12 = vector.broadcast %reshape3A_11 : vector<256x1xi32> to vector<256x64xi32>
    %eq3A_13 = vector.broadcast %iota3A : vector<1x64xi32> to vector<256x64xi32>
    %eq3A_14 = arith.cmpi eq, %eq3A_12, %eq3A_13 : vector<256x64xi32>
    %convert_element_type3A_15 = arith.extui %eq3A_14 : vector<256x64xi1> to vector<256x64xi32>
    %convert_element_type3A_16 = arith.sitofp %convert_element_type3A_15 : vector<256x64xi32> to vector<256x64xf32>
    %get3A_17 = arith.constant 0 : index
    %get3A_18 = arith.constant 0 : index
    %get3A_19 = arith.constant 0 : index
    %get3A_20 = vector.load %arg3[%get3A_17, %get3A_18, %get3A_19] : memref<1x1x256xi32, #tpu.memory_space<vmem>>, vector<1x1x256xi32>
    %reshape3A_21 = vector.shape_cast %get3A_20 : vector<1x1x256xi32> to vector<256x1xi32>
    %eq3A_22 = vector.broadcast %reshape3A_21 : vector<256x1xi32> to vector<256x64xi32>
    %eq3A_23 = vector.broadcast %iota3A : vector<1x64xi32> to vector<256x64xi32>
    %eq3A_24 = arith.cmpi eq, %eq3A_22, %eq3A_23 : vector<256x64xi32>
    %convert_element_type3A_25 = arith.extui %eq3A_24 : vector<256x64xi1> to vector<256x64xi32>
    %convert_element_type3A_26 = arith.sitofp %convert_element_type3A_25 : vector<256x64xi32> to vector<256x64xf32>
    %add3A = arith.addf %convert_element_type3A_16, %convert_element_type3A_26 : vector<256x64xf32>
    %get3A_27 = arith.constant 0 : index
    %get3A_28 = arith.constant 0 : index
    %get3A_29 = arith.constant 0 : index
    %get3A_30 = vector.load %arg4[%get3A_27, %get3A_28, %get3A_29] : memref<1x1x256xi32, #tpu.memory_space<vmem>>, vector<1x1x256xi32>
    %reshape3A_31 = vector.shape_cast %get3A_30 : vector<1x1x256xi32> to vector<256x1xi32>
    %eq3A_32 = vector.broadcast %reshape3A_31 : vector<256x1xi32> to vector<256x64xi32>
    %eq3A_33 = vector.broadcast %iota3A : vector<1x64xi32> to vector<256x64xi32>
    %eq3A_34 = arith.cmpi eq, %eq3A_32, %eq3A_33 : vector<256x64xi32>
    %convert_element_type3A_35 = arith.extui %eq3A_34 : vector<256x64xi1> to vector<256x64xi32>
    %convert_element_type3A_36 = arith.sitofp %convert_element_type3A_35 : vector<256x64xi32> to vector<256x64xf32>
    %add3A_37 = arith.addf %add3A, %convert_element_type3A_36 : vector<256x64xf32>
    %convert_element_type3A_38 = arith.truncf %add3A_37 : vector<256x64xf32> to vector<256x64xbf16>
    %concatenate3A = tpu.concatenate %convert_element_type3A_6, %convert_element_type3A_6 in 1 : vector<256x64xbf16>, vector<256x64xbf16> -> vector<256x128xbf16>
    %concatenate3A_39 = tpu.concatenate %convert_element_type3A_38, %convert_element_type3A_38 in 1 : vector<256x64xbf16>, vector<256x64xbf16> -> vector<256x128xbf16>
    %get3A_40 = arith.constant 0 : index
    %get3A_41 = arith.constant 0 : index
    %get3A_42 = vector.load %arg6[%get3A_40, %get3A_41] : memref<128x1024xbf16, #tpu.memory_space<vmem>>, vector<128x1024xbf16>
    %dot_general3A = arith.constant dense<0.000000e+00> : vector<256x1024xf32>
    %dot_general3A_43 = tpu.matmul %concatenate3A, %get3A_42, %dot_general3A {dimension_numbers = #tpu.dot_dimension_numbers<[1], [0], [0], [1], [0, 0, 1, 1], [], []>, transpose_lhs_hint = false} : vector<256x128xbf16>, vector<128x1024xbf16>, vector<256x1024xf32> -> vector<256x1024xf32>
    %get3A_44 = arith.constant 0 : index
    %get3A_45 = arith.constant 0 : index
    %get3A_46 = vector.load %arg7[%get3A_44, %get3A_45] : memref<128x1024xbf16, #tpu.memory_space<vmem>>, vector<128x1024xbf16>
    %dot_general3A_47 = arith.constant dense<0.000000e+00> : vector<256x1024xf32>
    %dot_general3A_48 = tpu.matmul %concatenate3A_39, %get3A_46, %dot_general3A_47 {dimension_numbers = #tpu.dot_dimension_numbers<[1], [0], [0], [1], [0, 0, 1, 1], [], []>, transpose_lhs_hint = false} : vector<256x128xbf16>, vector<128x1024xbf16>, vector<256x1024xf32> -> vector<256x1024xf32>
    %get3A_49 = arith.constant 0 : index
    %get3A_50 = arith.constant 0 : index
    %get3A_51 = arith.constant 0 : index
    %get3A_52 = vector.load %arg5[%get3A_49, %get3A_50, %get3A_51] : memref<1x1x256xf32, #tpu.memory_space<vmem>>, vector<1x1x256xf32>
    %reshape3A_53 = vector.shape_cast %get3A_52 : vector<1x1x256xf32> to vector<256x1xf32>
    %mul3A = vector.broadcast %reshape3A_53 : vector<256x1xf32> to vector<256x1024xf32>
    %mul3A_54 = arith.mulf %dot_general3A_48, %mul3A : vector<256x1024xf32>
    %add3A_55 = arith.addf %dot_general3A_43, %mul3A_54 : vector<256x1024xf32>
    %get3A_56 = arith.constant 0 : index
    %get3A_57 = arith.constant 0 : index
    %get3A_58 = vector.load %arg8[%get3A_56, %get3A_57] : memref<1x1024xf32, #tpu.memory_space<vmem>>, vector<1x1024xf32>
    %add3A_59 = vector.broadcast %get3A_58 : vector<1x1024xf32> to vector<256x1024xf32>
    %add3A_60 = arith.addf %add3A_55, %add3A_59 : vector<256x1024xf32>
    %reduce_sum3A = arith.constant dense<0.000000e+00> : vector<256xf32>
    %reduce_sum3A_61 = vector.multi_reduction <add>, %add3A_60, %reduce_sum3A [1] : vector<256x1024xf32> to vector<256xf32>
    %broadcast_in_dim3A = vector.shape_cast %reduce_sum3A_61 : vector<256xf32> to vector<256x1xf32>
    %div3A = arith.constant 1.024000e+03 : f32
    %div3A_62 = vector.broadcast %div3A : f32 to vector<256x1xf32>
    %div3A_63 = arith.divf %broadcast_in_dim3A, %div3A_62 : vector<256x1xf32>
    %sub3A = vector.broadcast %div3A_63 : vector<256x1xf32> to vector<256x1024xf32>
    %sub3A_64 = arith.subf %add3A_60, %sub3A : vector<256x1024xf32>
    %mul3A_65 = arith.mulf %sub3A_64, %sub3A_64 : vector<256x1024xf32>
    %reduce_sum3A_66 = arith.constant dense<0.000000e+00> : vector<256xf32>
    %reduce_sum3A_67 = vector.multi_reduction <add>, %mul3A_65, %reduce_sum3A_66 [1] : vector<256x1024xf32> to vector<256xf32>
    %broadcast_in_dim3A_68 = vector.shape_cast %reduce_sum3A_67 : vector<256xf32> to vector<256x1xf32>
    %div3A_69 = arith.constant 1.024000e+03 : f32
    %div3A_70 = vector.broadcast %div3A_69 : f32 to vector<256x1xf32>
    %div3A_71 = arith.divf %broadcast_in_dim3A_68, %div3A_70 : vector<256x1xf32>
    %add3A_72 = arith.constant 9.99999974E-6 : f32
    %add3A_73 = vector.broadcast %add3A_72 : f32 to vector<256x1xf32>
    %add3A_74 = arith.addf %div3A_71, %add3A_73 : vector<256x1xf32>
    %rsqrt3A = math.rsqrt %add3A_74 : vector<256x1xf32>
    %mul3A_75 = vector.broadcast %rsqrt3A : vector<256x1xf32> to vector<256x1024xf32>
    %mul3A_76 = arith.mulf %sub3A_64, %mul3A_75 : vector<256x1024xf32>
    %get3A_77 = arith.constant 0 : index
    %get3A_78 = arith.constant 0 : index
    %get3A_79 = vector.load %arg9[%get3A_77, %get3A_78] : memref<1x1024xf32, #tpu.memory_space<vmem>>, vector<1x1024xf32>
    %mul3A_80 = vector.broadcast %get3A_79 : vector<1x1024xf32> to vector<256x1024xf32>
    %mul3A_81 = arith.mulf %mul3A_76, %mul3A_80 : vector<256x1024xf32>
    %get3A_82 = arith.constant 0 : index
    %get3A_83 = arith.constant 0 : index
    %get3A_84 = vector.load %arg10[%get3A_82, %get3A_83] : memref<1x1024xf32, #tpu.memory_space<vmem>>, vector<1x1024xf32>
    %add3A_85 = vector.broadcast %get3A_84 : vector<1x1024xf32> to vector<256x1024xf32>
    %add3A_86 = arith.addf %mul3A_81, %add3A_85 : vector<256x1024xf32>
    %swap3A = arith.constant 0 : index
    %swap3A_87 = arith.constant 0 : index
    %swap3A_88 = vector.load %arg11[%swap3A, %swap3A_87] : memref<256x1024xf32, #tpu.memory_space<vmem>>, vector<256x1024xf32>
    tpu.vector_store %arg11[%swap3A, %swap3A_87], %add3A_86 {strides = array<i32>} : memref<256x1024xf32, #tpu.memory_space<vmem>>, vector<256x1024xf32>,
    return
  }
  func.func @transform_0(%arg0: i32) -> (i32, i32, i32) {
    %c0_i32 = arith.constant 0 : i32
    %c0_i32_0 = arith.constant 0 : i32
    %c0_i32_1 = arith.constant 0 : i32
    return %arg0, %c0_i32, %c0_i32_0 : i32, i32, i32
  }
  func.func @transform_1(%arg0: i32) -> (i32, i32, i32) {
    %c0_i32 = arith.constant 0 : i32
    %c0_i32_0 = arith.constant 0 : i32
    %c0_i32_1 = arith.constant 0 : i32
    return %arg0, %c0_i32, %c0_i32_0 : i32, i32, i32
  }
  func.func @transform_2(%arg0: i32) -> (i32, i32, i32) {
    %c0_i32 = arith.constant 0 : i32
    %c0_i32_0 = arith.constant 0 : i32
    %c0_i32_1 = arith.constant 0 : i32
    return %arg0, %c0_i32, %c0_i32_0 : i32, i32, i32
  }
  func.func @transform_3(%arg0: i32) -> (i32, i32, i32) {
    %c0_i32 = arith.constant 0 : i32
    %c0_i32_0 = arith.constant 0 : i32
    %c0_i32_1 = arith.constant 0 : i32
    return %arg0, %c0_i32, %c0_i32_0 : i32, i32, i32
  }
  func.func @transform_4(%arg0: i32) -> (i32, i32, i32) {
    %c0_i32 = arith.constant 0 : i32
    %c0_i32_0 = arith.constant 0 : i32
    %c0_i32_1 = arith.constant 0 : i32
    return %arg0, %c0_i32, %c0_i32_0 : i32, i32, i32
  }
  func.func @transform_5(%arg0: i32) -> (i32, i32) {
    %c0_i32 = arith.constant 0 : i32
    %c0_i32_0 = arith.constant 0 : i32
    %c0_i32_1 = arith.constant 0 : i32
    return %c0_i32, %c0_i32_0 : i32, i32
  }
  func.func @transform_6(%arg0: i32) -> (i32, i32) {
    %c0_i32 = arith.constant 0 : i32
    %c0_i32_0 = arith.constant 0 : i32
    %c0_i32_1 = arith.constant 0 : i32
    return %c0_i32, %c0_i32_0 : i32, i32
  }
  func.func @transform_7(%arg0: i32) -> (i32, i32) {
    %c0_i32 = arith.constant 0 : i32
    %c0_i32_0 = arith.constant 0 : i32
    %c0_i32_1 = arith.constant 0 : i32
    return %c0_i32, %c0_i32_0 : i32, i32
  }
  func.func @transform_8(%arg0: i32) -> (i32, i32) {
    %c0_i32 = arith.constant 0 : i32
    %c0_i32_0 = arith.constant 0 : i32
    %c0_i32_1 = arith.constant 0 : i32
    return %c0_i32, %c0_i32_0 : i32, i32
  }
  func.func @transform_9(%arg0: i32) -> (i32, i32) {
    %c0_i32 = arith.constant 0 : i32
    %c0_i32_0 = arith.constant 0 : i32
    %c0_i32_1 = arith.constant 0 : i32
    return %c0_i32, %c0_i32_0 : i32, i32
  }
  func.func @transform_10(%arg0: i32) -> (i32, i32) {
    %c0_i32 = arith.constant 0 : i32
    %c0_i32_0 = arith.constant 0 : i32
    return %arg0, %c0_i32 : i32, i32
  }
}

</mosaic_0001>

<sc_bundles>
// kernel: kernel.5.cloned.1.call-start
scs
__scs_entry_jumppad:
0x0: {  	(pc) =	sbr.rel $0x88, $3  }
0x1: {  	(tag) =	ssettag $0x0;
	lr =	simm.s32 $0x1  }
0x2: {  	[smem:$0x3F97] =	sst lr;
	_ =	strace $0xD0000000  }
0x3: {  	_ = 	snop  }
0x4: {  	_ = 	snop  }
0x5: {  	_ = 	snop  }
0x6: {  	_ = 	snop  }
0x7: {  	_ = 	snop  }
__scs_overlays_trampoline_lowered:
0x8: {  	[smem:$0x3FA6] =	sst s0  }
0x9: {  	[smem:$0x3FA7] =	sst s1  }
0xa: {  	[smem:$0x3FA8] =	sst s2  }
0xb: {  	[smem:$0x3FA9] =	sst s3  }
0xc: {  	[smem:$0x3FAA] =	sst s4  }
0xd: {  	[smem:$0x3FAB] =	sst s5  }
0xe: {  	[smem:$0x3FAC] =	sst s6  }
0xf: {  	[smem:$0x3FAD] =	sst s7  }
0x10: {  	[smem:$0x3FAE] =	sst s8  }
0x11: {  	[smem:$0x3FAF] =	sst s9;
	s0 =	simm.s32 @!p0 $0x0  }
0x12: {  	s1 =	sld [smem:$0x3F95];
	s0 =	simm.s32 @p0 $0x1  }
0x13: {  	[smem:$0x3FB0] =	sst s0;
	s0 =	simm.s32 @!p1 $0x0  }
0x14: {  	s2 =	sld [smem:$0x3F94];
	s0 =	simm.s32 @p1 $0x1  }
0x15: {  	[smem:$0x3FB1] =	sst s0;
	s0 =	simm.s32 @!p2 $0x0  }
0x16: {  	s3 =	sld [smem:$0x3FDB];
	s0 =	simm.s32 @p2 $0x1  }
0x17: {  	s4 =	simm.s32 $0x1BF5;
	[smem:$0x3FB3] =	sst s0  }
0x18: {  	s0 =	sld [smem:$0x3F96];
	_ =	swait.ge [sflag:s4], $0x0  }
0x19: {  	s7 =	sld [smem:$0x3F97]  }
0x1a: {  	s8 =	sadd.s32 $0xFFFFE003, lr  }
0x1b: {  	s9 =	sadd.s32 $0xFFFFFEF7, lr;
	s5 =	simm.s32 $0xFFFFFFFF;
	p2 =	slt.u32 s8, $0xFFFFF086  }
0x1c: {  	p1 =	slt.u32 s9, $0xF7A;
	s5 =	simm.s32 @!p2 $0x0  }
0x1d: {  	s5 =	simm.s32 @p1 $0x1;
	p0 =	seq.s32 s7, s2  }
0x1e: {  	s7 =	smul.u32 @!p0 $0xF7A, s2;
	p2 =	seq.s32 @!p0 s5, $0x0  }
0x1f: {  	s9 =	smul.u32 $0xF7A, s1;
	s8 =	simm.s32 @!p0 $0x1BF5;
	p2 =	por !p2, p0  }
0x20: {  	[sflag:s8] =	ssyncset.s32 @!p0 $0xFFFFF086;
	s6 =	sadd.s32 @!p0 s3, s7;
	s7 =	simm.s32 @!p0 $0x108  }
0x21: {  	s3 =	sadd.s32 s3, s9;
	s6 =	sadd.s32 @!p0 $0x88, s6;
	s7 =	simm.s32 @p2 $0x1082  }
0x22: {  	[simem:s7], [sflag:s8] =	dma.local @!p0 [hbm:s6], $0xF7A  }
0x23: {  	s9 =	sor.u32 $0xD0000000, s2;
	s6 =	simm.s32 $0x108;
	_ =	swait.ge @!p0 [sflag:s8], $0x0  }
0x24: {  	s3 =	sadd.s32 $0x88, s3;
	s6 =	simm.s32 @!p1 $0x1082;
	[sflag:s4] =	ssyncset.s32 $0xFFFFF086  }
0x25: {  	[simem:s6], [sflag:s4] =	dma.local [hbm:s3], $0xF7A  }
0x26: {  	[smem:$0x3F97] =	sst s1;
	(tag) =	ssettag s2;
	_ =	strace s9  }
0x27: {  	s1 =	sld [smem:$0x3FA7]  }
0x28: {  	s2 =	sld [smem:$0x3FA8]  }
0x29: {  	s4 =	sld [smem:$0x3FAA]  }
0x2a: {  	p0 =	seq.s32 s5, $0x0;
	s5 =	sld [smem:$0x3FAB]  }
0x2b: {  	s6 =	sld [smem:$0x3FAC]  }
0x2c: {  	s7 =	sld [smem:$0x3FAD]  }
0x2d: {  	s3 =	simm.s32 $0x108;
	s8 =	sld [smem:$0x3FAE]  }
0x2e: {  	s3 =	simm.s32 @!p0 $0x1082;
	s9 =	sld [smem:$0x3FAF]  }
0x2f: {  	lr =	sadd.s32 s0, s3;
	s0 =	sld [smem:$0x3FA6]  }
0x30: {  	s3 =	sld [smem:$0x3FA9]  }
0x31: {  	[smem:$0x3FB2] =	sst s10  }
0x32: {  	s10 =	sld [smem:$0x3FB0];
	_ =	sdelay $0x3  }
0x33: {  	p0 =	seq.s32 s10, $0x1;
	s10 =	sld [smem:$0x3FB2];
	_ =	sdelay $0x3  }
0x34: {  	[smem:$0x3FB2] =	sst s10  }
0x35: {  	s10 =	sld [smem:$0x3FB1];
	_ =	sdelay $0x3  }
0x36: {  	p1 =	seq.s32 s10, $0x1;
	s10 =	sld [smem:$0x3FB2];
	_ =	sdelay $0x3  }
0x37: {  	[smem:$0x3FB2] =	sst s10  }
0x38: {  	s10 =	sld [smem:$0x3FB3]  }
0x39: {  	_ = 	snop;
	(pc) =	sbr.ind lr, $3  }
0x3a: {  	_ = 	snop  }
0x3b: {  	_ = 	snop  }
0x3c: {  	p2 =	seq.s32 s10, $0x1;
	s10 =	sld [smem:$0x3FB2]  }
0x3d: {  	_ =	shalt  }
0x3e: {  	_ =	shalt  }
0x3f: {  	_ =	shalt  }
0x40: {  	_ =	shalt  }
0x41: {  	_ =	shalt  }
0x42: {  	_ =	shalt  }
0x43: {  	_ =	shalt  }
0x44: {  	_ =	shalt  }
0x45: {  	_ =	shalt  }
0x46: {  	_ =	shalt  }
0x47: {  	_ =	shalt  }
0x48: {  	_ =	shalt  }
0x49: {  	_ =	shalt  }
0x4a: {  	_ =	shalt  }
0x4b: {  	_ =	shalt  }
0x4c: {  	_ =	shalt  }
0x4d: {  	_ =	shalt  }
0x4e: {  	_ =	shalt  }
0x4f: {  	_ =	shalt  }
0x50: {  	_ =	shalt  }
0x51: {  	_ =	shalt  }
0x52: {  	_ =	shalt  }
0x53: {  	_ =	shalt  }
0x54: {  	_ =	shalt  }
0x55: {  	_ =	shalt  }
0x56: {  	_ =	shalt  }
0x57: {  	_ =	shalt  }
0x58: {  	_ =	shalt  }
0x59: {  	_ =	shalt  }
0x5a: {  	_ =	shalt  }
0x5b: {  	_ =	shalt  }
0x5c: {  	_ =	shalt  }
0x5d: {  	_ =	shalt  }
0x5e: {  	_ =	shalt  }
0x5f: {  	_ =	shalt  }
0x60: {  	_ =	shalt  }
0x61: {  	_ =	shalt  }
0x62: {  	_ =	shalt  }
0x63: {  	_ =	shalt  }
0x64: {  	_ =	shalt  }
0x65: {  	_ =	shalt  }
0x66: {  	_ =	shalt  }
0x67: {  	_ =	shalt  }
0x68: {  	_ =	shalt  }
0x69: {  	_ =	shalt  }
0x6a: {  	_ =	shalt  }
0x6b: {  	_ =	shalt  }
0x6c: {  	_ =	shalt  }
0x6d: {  	_ =	shalt  }
0x6e: {  	_ =	shalt  }
0x6f: {  	_ =	shalt  }
0x70: {  	_ =	shalt  }
0x71: {  	_ =	shalt  }
0x72: {  	_ =	shalt  }
0x73: {  	_ =	shalt  }
0x74: {  	_ =	shalt  }
0x75: {  	_ =	shalt  }
0x76: {  	_ =	shalt  }
0x77: {  	_ =	shalt  }
0x78: {  	_ =	shalt  }
0x79: {  	_ =	shalt  }
0x7a: {  	_ =	shalt  }
0x7b: {  	_ =	shalt  }
0x7c: {  	_ =	shalt  }
0x7d: {  	_ =	shalt  }
0x7e: {  	_ =	shalt  }
0x7f: {  	_ =	shalt  }
0x80: {  	_ =	shalt  }
0x81: {  	_ =	shalt  }
0x82: {  	_ =	shalt  }
0x83: {  	_ =	shalt  }
0x84: {  	_ =	shalt  }
0x85: {  	_ =	shalt  }
0x86: {  	_ =	shalt  }
0x87: {  	_ =	shalt  }
.Lfunc_end0:
.L_simem_size_0:
called_computation_lowered:
.L_overlay_start_0:
0x88: {  	s2 =	sld [smem:$0x3FD9]  }
0x89: {  	s3 =	sld [smem:$0x3FFE];
	_ =	sdelay $0x1  }
0x8a: {  	s1 =	srdreg.scid  }
0x8b: {  	s0 =	sand.u32 $0x1, s1  }
0x8c: {  	s17 =	sshll.u32 s0, $0xA;
	s2 =	sadd.s32 s3, s2  }
0x8d: {  	s2 =	sadd.s32 s2, s17  }
0x8e: {  	[smem:$0x3FBE] =	sst s2  }
0x8f: {  	_ = 	snop  }
0x90: {  	s2 =	sld [smem:$0x3FC1]  }
0x91: {  	s18 =	sld [smem:$0x3FC0]  }
0x92: {  	s4 =	sld [smem:$0x3FD0];
	(tm) =	ssettm $0x1  }
0x93: {  	s5 =	sld [smem:$0x3FFB];
	_ =	sdelay $0x3  }
0x94: {  	_ =	strace s5  }
0x95: {  	s5 =	sld [smem:$0x3FFC];
	_ =	sdelay $0x3  }
0x96: {  	_ =	strace s5  }
0x97: {  	s5 =	sld [smem:$0x3FFD];
	_ =	sdelay $0x3  }
0x98: {  	_ =	strace s5  }
0x99: {  	_ =	strace $0x8FFFFFFF  }
0x9a: {  	s19 =	sld [smem:$0x3FDB];
	_ =	sdelay $0x1  }
0x9b: {  	s6 =	simm.s32 $_scs_section_size  }
0x9c: {  	s7 =	simm.s32 $_size__tile_overlayer_lowered;
	s8 =	simm.s32 $_tile_overlayer_lowered  }
0x9d: {  	s22 =	simm.s32 $0x1BFF;
	s21 =	sshll.u32 s8, $0x1;
	s5 =	sadd.s32 s6, s19  }
0x9e: {  	s9 =	simm.s32 $0x0;
	s20 =	sshll.u32 s7, $0x1;
	s7 =	sadd.s32 s21, s5  }
0x9f: {  	[timem:s9], [sflag:s22] =	dma.local [hbm:s7], s20  }
0xa0: {  	_ =	swait.ge [sflag:s22], s20  }
0xa1: {  	s6 =	ssub.s32 $0x0, s20;
	[sflag:s22] =	ssyncset.done $0x0  }
0xa2: {  	[sflag:s22] =	ssyncadd.s32 s6;
	_ =	sdelay $0x1  }
0xa3: {  	s23 =	simm.s32 $0x1B8B  }
0xa4: {  	_ =	swait.ge [sflag:s23], $0x1  }
0xa5: {  	[sflag:s23] =	ssyncset.done $0x0  }
0xa6: {  	s25 =	simm.s32 $0x1B8E;
	s24 =	sld [smem:$0x3FFE];
	[sflag:s23] =	ssyncadd.s32 $0xFFFFFFFF  }
0xa7: {  	s26 =	simm.s32 $execute0_lowered;
	[smem:$0x3FD2] =	sst s25  }
0xa8: {  	s7 =	sshll.u32 s26, $0x1;
	_ =	strace $0x80000046;
	[dreg:$0x1] =	wrdreg $0xFFFFFFFF  }
0xa9: {  	s28 =	simm.s32 $_size_execute0_lowered;
	s5 =	sadd.s32 s5, s7;
	[dreg:$0x0] =	wrdreg $0x0  }
0xaa: {  	s7 =	sshll.u32 s28, $0x1;
	[dreg:$0x2] =	wrdreg s5  }
0xab: {  	[dreg:$0x3] =	wrdreg s7  }
0xac: {  	[dreg:$0x4] =	wrdreg $0xC0  }
0xad: {  	_ =	task [dreg:s9], $0x5FFFF  }
0xae: {  	[dreg:$0x1] =	wrdreg $0xFFFFFFFF  }
0xaf: {  	[dreg:$0x0] =	wrdreg $0x60  }
0xb0: {  	[dreg:$0x2] =	wrdreg s4  }
0xb1: {  	[dreg:$0x3] =	wrdreg s24  }
0xb2: {  	[dreg:$0x4] =	wrdreg s2  }
0xb3: {  	[dreg:$0x5] =	wrdreg s18  }
0xb4: {  	[dreg:$0x6] =	wrdreg $0x9  }
0xb5: {  	_ =	task.clear_ibuf [dreg:s9], $0x7FFFF;
	_ =	strace $0x90000046  }
0xb6: {  	s29 =	simm.s32 $0x9;
	_ =	strace $0x80000048  }
0xb7: {  	_ =	swait.ge [sflag:s29], $0x1  }
0xb8: {  	[sflag:s29] =	ssyncadd.s32 $0xFFFFFFFF  }
0xb9: {  	_ =	strace $0x90000048  }
0xba: {  	_ =	sfence  }
0xbb: {  	s30 =	sld [smem:$0x0];
	_ =	sdelay $0x2  }
0xbc: {  	s31 =	sshll.u32 s1, $0xD;
	s1 =	sshrl.u32 s1, $0x2  }
0xbd: {  	s3 =	sand.u32 $0x4000, s31;
	s1 =	sadd.s32 s1, s30  }
0xbe: {  	s0 =	sor.u32 s3, s0;
	s1 =	sshll.u32 s1, $0x11  }
0xbf: {  	s0 =	sor.u32 s1, s0  }
0xc0: {  	s0 =	sadd.s32 $0x8F2B, s0  }
0xc1: {  	[sflag:s0] =	ssyncadd.remote.s32 $0x1  }
0xc2: {  	_ =	sfence.sel $0xFFFF  }
0xc3: {  	[dreg:$0x0] =	wrdreg $0xFFFFFFFF;
	(pc) =	sbr.abs _section_cstart, $3  }
0xc4: {  	[dreg:$0x1] =	wrdreg $0xFFFFFFFF  }
0xc5: {  	_ =	task.clear_ibuf [dreg:s9], $0x2FFFF;
	_ =	strace $0x9FFFFFFF  }
0xc6: {  	(tm) =	ssettm $0x7FFFFFFF  }
0xc7: {  	_ =	shalt  }
tec
execute0_lowered:
.L_overlay_start_1:
0x0: {  	(tag) =	ssettag $0x1  }
0x1: {  	v0 =	vimm.s32 $0xBA98FEDC;
	v1 =	vimm.s32 $0x32107654;
	v2 =	vlaneseq.u32  }
0x2: {  	v3 =	vimm.s32 $0x76543210;
	v4 =	vimm.s32 $0xDCFE98BA;
	v58 =	vimm.s32 $0x54761032  }
0x3: {  	v5 =	vimm.s32 $0xEFCDAB89;
	v6 =	vimm.s32 $0x67452301;
	v7 =	vimm.s32 $0xFEDCBA98  }
0x4: {  	s1 =	rddreg [dreg:$0x0];
	v0 =	vunpack.c.l.s4.s8 v0;
	v1 =	vunpack.c.l.s4.s8 v1;
	v57 =	vunpack.c.l.s4.s8 v4  }
0x5: {  	s0 =	rddreg [dreg:$0x1];
	v4 =	vunpack.c.l.s4.s8 v58;
	v5 =	vunpack.c.l.s4.s8 v5;
	v6 =	vunpack.c.l.s4.s8 v6  }
0x6: {  	s2 =	srdreg.scid;
	s3 =	stileid.u32;
	v7 =	vunpack.c.l.s4.s8 v7;
	v3 =	vunpack.c.l.s4.s8 v3;
	v59 =	vand.u32 $0x7, v2  }
0x7: {  	s5 =	simm.s32 $0x0;
	s15 =	simm.s32 $0x2;
	s19 =	simm.s32 $0xA180;
	v61 =	vshrl.u32 v2, $0x3;
	v0 =	vunpack.c.0.s8.s32 v0;
	v1 =	vunpack.c.0.s8.s32 v1  }
0x8: {  	s20 =	simm.s32 $0xA980;
	s21 =	simm.s32 $0xB180;
	s22 =	simm.s32 $0xB980;
	v2 =	vor.u32 $0x8, v2;
	v5 =	vunpack.c.0.s8.s32 v5;
	v6 =	vunpack.c.0.s8.s32 v6  }
0x9: {  	s23 =	simm.s32 $0x1;
	s24 =	simm.s32 $0xC180;
	[smem:$0x7FF] =	sst s5;
	v4 =	vunpack.c.0.s8.s32 v4;
	v60 =	vunpack.c.0.s8.s32 v7;
	v0 =	vcombine.low v1, v0  }
0xa: {  	s25 =	simm.s32 $0x0;
	s2 =	sand.u32 $0x1, s2;
	_ =	strace $0x80000047;
	[tilespmem:$0x1FF90] =	vst v59;
	v1 =	vunpack.c.0.s8.s32 v57;
	v5 =	vcombine.low v6, v5;
	v6 =	vmul.u32 $0x8, v61  }
0xb: {  	s3 =	sshll.u32 s3, $0x5;
	s9 =	sadd.s32 $0x100, s1;
	s4 =	sshll.u32 s2, $0x4;
	[tilespmem:$0x1FFB0] =	vst v2;
	v3 =	vunpack.c.0.s8.s32 v3  }
0xc: {  	s10 =	sadd.s32 $0x200, s1;
	s2 =	ssub.s32 $0x2, s2;
	s3 =	sor.u32 s4, s3;
	v1 =	vcombine.low v4, v1;
	[tilespmem:$0x1FFA0] =	vst v6;
	v4 =	vand.u32 $0xF, v60;
	v63 =	vand.u32 $0xF, v0  }
0xd: {  	s11 =	sadd.s32 $0x300, s1;
	s6 =	sshrl.u32 s2, $0x1;
	s4 =	sshrl.u32 s3, $0x3;
	v5 =	vand.u32 $0xF, v5;
	v62 =	vcombine.low v4, v3;
	[tilespmem:$0x1FFD0] =	vst v63  }
0xe: {  	s3 =	sshll.u32 s3, $0x7;
	s2 =	ssub.s32 s2, s6;
	s4 =	sadd.s32 s4, s0;
	[tilespmem:$0x1FFF0] =	vst v5  }
0xf: {  	s0 =	sadd.s32 s3, s0;
	s13 =	smax.u32 s2, $0x1;
	s6 =	sadd.s32 $0x1BC0, s4;
	v10 =	vand.u32 $0xF, v1;
	[tilespmem:$0x1FFC0] =	vst v62  }
0x10: {  	vm0 =	vmmov $0xffff;
	s7 =	sadd.s32 $0x1FC0, s4;
	s8 =	sadd.s32 $0x23C0, s4;
	s12 =	sadd.s32 $0x2400, s0;
	[tilespmem:$0x1FFE0] =	vst v10  }
.LBB2_1:
0x11: {  	s0 =	rddreg [dreg:$0x2];
	s2 =	simm.s32 $0x10180  }
0x12: {  	[tilespmem:s2], [sflag:$0x2] =	stream.linear.gather [hbm4b:s0+s5], $0x400, $0x38;
	[tilespmem:$0x10980] =	vst v63  }
0x13: {  	_ =	swait.ge [sflag:s15], $0x400  }
0x14: {  	[sflag:s15] =	ssyncset.done $0x0  }
0x15: {  	[sflag:s15] =	ssyncadd.s32 $0xFFFFFC00  }
0x16: {  	s16 =	simm.s32 $0x10580;
	s14 =	rddreg [dreg:$0x3]  }
0x17: {  	[tilespmem:s16], [sflag:$0x2] =	stream.linear.gather [hbm4b:s14+s5], $0x400, $0x38;
	[tilespmem:$0x10980] =	vst v63  }
0x18: {  	_ =	swait.ge [sflag:s15], $0x400  }
0x19: {  	[sflag:s15] =	ssyncset.done $0x0  }
0x1a: {  	[sflag:s15] =	ssyncadd.s32 $0xFFFFFC00  }
0x1b: {  	[tilespmem:s5], [sflag:$0x2] =	stream.linear.gather [hbm4b:s6+s5], $0x10, $0x38;
	[tilespmem:$0x10980] =	vst v63  }
0x1c: {  	_ =	swait.ge [sflag:s15], $0x10  }
0x1d: {  	[sflag:s15] =	ssyncset.done $0x0  }
0x1e: {  	s17 =	simm.s32 $0x80;
	[sflag:s15] =	ssyncadd.s32 $0xFFFFFFF0  }
0x1f: {  	[tilespmem:s17], [sflag:$0x2] =	stream.linear.gather [hbm4b:s7+s5], $0x10, $0x38;
	[tilespmem:$0x10980] =	vst v63  }
0x20: {  	_ =	swait.ge [sflag:s15], $0x10  }
0x21: {  	[sflag:s15] =	ssyncset.done $0x0  }
0x22: {  	s18 =	simm.s32 $0x100;
	[sflag:s15] =	ssyncadd.s32 $0xFFFFFFF0  }
0x23: {  	[tilespmem:s18], [sflag:$0x2] =	stream.linear.gather [hbm4b:s8+s5], $0x10, $0x38;
	[tilespmem:$0x10980] =	vst v63  }
0x24: {  	_ =	swait.ge [sflag:s15], $0x10  }
0x25: {  	[sflag:s15] =	ssyncset.done $0x0  }
0x26: {  	[sflag:s15] =	ssyncadd.s32 $0xFFFFFFF0  }
0x27: {  	v0 =	vld [tilespmem:$0x0];
	_ =	sdelay $0x2  }
0x28: {  	v2 =	vld [tilespmem:$0x1FF90];
	_ =	sdelay $0x1  }
0x29: {  	v3 =	vld [tilespmem:$0x1FFA0];
	v1 =	vshll.u32 v0, $0x3  }
0x2a: {  	v0 =	vand.u32 $0x7, v0;
	v1 =	vand.u32 $0xFFFFFFC0, v1  }
0x2b: {  	v0 =	vor.u32 v0, v1  }
0x2c: {  	v1 =	vperm.xlane v0, v2;
	_ =	sdelay $0x1  }
0x2d: {  	v1 =	vadd.s32 v3, v1  }
0x2e: {  	v4 =	vld [tilespmem:$0x1FFB0];
	_ =	sdelay $0x2  }
0x2f: {  	s26 =	simm.s32 $0x180  }
0x30: {  	[tilespmem:s26], [sflag:$0x1] =	stream.indirect_vreg.gather [hbm4b:s1+s5], $0x80, v1, vm0, $0xb8;
	[tilespmem:$0x10980] =	vst v63  }
0x31: {  	s31 =	simm.s32 $0x980;
	v0 =	vperm.xlane v0, v4  }
0x32: {  	[tilespmem:s31], [sflag:$0x1] =	stream.indirect_vreg.gather [hbm4b:s9+s5], $0x80, v1, vm0, $0xb8;
	[tilespmem:$0x10980] =	vst v63  }
0x33: {  	s2 =	simm.s32 $0x1180;
	v0 =	vadd.s32 v3, v0  }
0x34: {  	[tilespmem:s2], [sflag:$0x1] =	stream.indirect_vreg.gather [hbm4b:s10+s5], $0x80, v1, vm0, $0xb8;
	[tilespmem:$0x10980] =	vst v63  }
0x35: {  	s3 =	simm.s32 $0x1980  }
0x36: {  	[tilespmem:s3], [sflag:$0x1] =	stream.indirect_vreg.gather [hbm4b:s11+s5], $0x80, v1, vm0, $0xb8;
	[tilespmem:$0x10980] =	vst v63  }
0x37: {  	s4 =	simm.s32 $0x2180  }
0x38: {  	[tilespmem:s4], [sflag:$0x1] =	stream.indirect_vreg.gather [hbm4b:s1+s5], $0x80, v0, vm0, $0xb8;
	[tilespmem:$0x10980] =	vst v63  }
0x39: {  	s14 =	simm.s32 $0x2980  }
0x3a: {  	[tilespmem:s14], [sflag:$0x1] =	stream.indirect_vreg.gather [hbm4b:s9+s5], $0x80, v0, vm0, $0xb8;
	[tilespmem:$0x10980] =	vst v63  }
0x3b: {  	s16 =	simm.s32 $0x3180  }
0x3c: {  	[tilespmem:s16], [sflag:$0x1] =	stream.indirect_vreg.gather [hbm4b:s10+s5], $0x80, v0, vm0, $0xb8;
	[tilespmem:$0x10980] =	vst v63  }
0x3d: {  	s17 =	simm.s32 $0x3980  }
0x3e: {  	[tilespmem:s17], [sflag:$0x1] =	stream.indirect_vreg.gather [hbm4b:s11+s5], $0x80, v0, vm0, $0xb8;
	[tilespmem:$0x10980] =	vst v63  }
0x3f: {  	v0 =	vld [tilespmem:$0x80];
	_ =	sdelay $0x4  }
0x40: {  	v62 =	vshll.u32 v0, $0x3  }
0x41: {  	v0 =	vand.u32 $0x7, v0;
	v1 =	vand.u32 $0xFFFFFFC0, v62  }
0x42: {  	v0 =	vor.u32 v0, v1  }
0x43: {  	v1 =	vperm.xlane v0, v2;
	_ =	sdelay $0x1  }
0x44: {  	v1 =	vadd.s32 v3, v1;
	_ =	sdelay $0x3  }
0x45: {  	s18 =	simm.s32 $0x4180  }
0x46: {  	[tilespmem:s18], [sflag:$0x1] =	stream.indirect_vreg.gather [hbm4b:s1+s5], $0x80, v1, vm0, $0xb8;
	[tilespmem:$0x10980] =	vst v63  }
0x47: {  	s26 =	simm.s32 $0x4980;
	v0 =	vperm.xlane v0, v4  }
0x48: {  	[tilespmem:s26], [sflag:$0x1] =	stream.indirect_vreg.gather [hbm4b:s9+s5], $0x80, v1, vm0, $0xb8;
	[tilespmem:$0x10980] =	vst v63  }
0x49: {  	s31 =	simm.s32 $0x5180;
	v0 =	vadd.s32 v3, v0  }
0x4a: {  	[tilespmem:s31], [sflag:$0x1] =	stream.indirect_vreg.gather [hbm4b:s10+s5], $0x80, v1, vm0, $0xb8;
	[tilespmem:$0x10980] =	vst v63  }
0x4b: {  	s2 =	simm.s32 $0x5980  }
0x4c: {  	[tilespmem:s2], [sflag:$0x1] =	stream.indirect_vreg.gather [hbm4b:s11+s5], $0x80, v1, vm0, $0xb8;
	[tilespmem:$0x10980] =	vst v63  }
0x4d: {  	s3 =	simm.s32 $0x6180  }
0x4e: {  	[tilespmem:s3], [sflag:$0x1] =	stream.indirect_vreg.gather [hbm4b:s1+s5], $0x80, v0, vm0, $0xb8;
	[tilespmem:$0x10980] =	vst v63  }
0x4f: {  	s4 =	simm.s32 $0x6980  }
0x50: {  	[tilespmem:s4], [sflag:$0x1] =	stream.indirect_vreg.gather [hbm4b:s9+s5], $0x80, v0, vm0, $0xb8;
	[tilespmem:$0x10980] =	vst v63  }
0x51: {  	s14 =	simm.s32 $0x7180  }
0x52: {  	[tilespmem:s14], [sflag:$0x1] =	stream.indirect_vreg.gather [hbm4b:s10+s5], $0x80, v0, vm0, $0xb8;
	[tilespmem:$0x10980] =	vst v63  }
0x53: {  	s16 =	simm.s32 $0x7980  }
0x54: {  	[tilespmem:s16], [sflag:$0x1] =	stream.indirect_vreg.gather [hbm4b:s11+s5], $0x80, v0, vm0, $0xb8;
	[tilespmem:$0x10980] =	vst v63  }
0x55: {  	v0 =	vld [tilespmem:$0x100];
	_ =	sdelay $0x4  }
0x56: {  	v63 =	vshll.u32 v0, $0x3  }
0x57: {  	v0 =	vand.u32 $0x7, v0;
	v1 =	vand.u32 $0xFFFFFFC0, v63  }
0x58: {  	v0 =	vor.u32 v0, v1  }
0x59: {  	v1 =	vperm.xlane v0, v2;
	_ =	sdelay $0x1  }
0x5a: {  	v1 =	vadd.s32 v3, v1;
	_ =	sdelay $0x3  }
0x5b: {  	s17 =	simm.s32 $0x8180  }
0x5c: {  	[tilespmem:s17], [sflag:$0x1] =	stream.indirect_vreg.gather [hbm4b:s1+s5], $0x80, v1, vm0, $0xb8;
	[tilespmem:$0x10980] =	vst v63  }
0x5d: {  	s18 =	simm.s32 $0x8980;
	v0 =	vperm.xlane v0, v4  }
0x5e: {  	[tilespmem:s18], [sflag:$0x1] =	stream.indirect_vreg.gather [hbm4b:s9+s5], $0x80, v1, vm0, $0xb8;
	[tilespmem:$0x10980] =	vst v63  }
0x5f: {  	s26 =	simm.s32 $0x9180;
	v0 =	vadd.s32 v3, v0  }
0x60: {  	[tilespmem:s26], [sflag:$0x1] =	stream.indirect_vreg.gather [hbm4b:s10+s5], $0x80, v1, vm0, $0xb8;
	[tilespmem:$0x10980] =	vst v63  }
0x61: {  	s31 =	simm.s32 $0x9980  }
0x62: {  	[tilespmem:s31], [sflag:$0x1] =	stream.indirect_vreg.gather [hbm4b:s11+s5], $0x80, v1, vm0, $0xb8;
	[tilespmem:$0x10980] =	vst v63  }
0x63: {  	_ = 	snop  }
0x64: {  	[tilespmem:s19], [sflag:$0x1] =	stream.indirect_vreg.gather [hbm4b:s1+s5], $0x80, v0, vm0, $0xb8;
	[tilespmem:$0x10980] =	vst v63  }
0x65: {  	_ = 	snop  }
0x66: {  	[tilespmem:s20], [sflag:$0x1] =	stream.indirect_vreg.gather [hbm4b:s9+s5], $0x80, v0, vm0, $0xb8;
	[tilespmem:$0x10980] =	vst v63  }
0x67: {  	_ = 	snop  }
0x68: {  	[tilespmem:s21], [sflag:$0x1] =	stream.indirect_vreg.gather [hbm4b:s10+s5], $0x80, v0, vm0, $0xb8;
	[tilespmem:$0x10980] =	vst v63  }
0x69: {  	_ = 	snop  }
0x6a: {  	[tilespmem:s22], [sflag:$0x1] =	stream.indirect_vreg.gather [hbm4b:s11+s5], $0x80, v0, vm0, $0xb8;
	[tilespmem:$0x10980] =	vst v63  }
0x6b: {  	_ =	swait.ge [sflag:s23], $0x4000  }
0x6c: {  	[sflag:s23] =	ssyncset.done $0x0  }
0x6d: {  	[sflag:s23] =	ssyncadd.s32 $0xFFFFC000  }
0x6e: {  	_ =	swait.ge [sflag:s23], $0x4000  }
0x6f: {  	[sflag:s23] =	ssyncset.done $0x0  }
0x70: {  	[sflag:s23] =	ssyncadd.s32 $0xFFFFC000  }
0x71: {  	_ =	swait.ge [sflag:s23], $0x4000  }
0x72: {  	s28 =	simm.s32 $0x0;
	s29 =	simm.s32 $0x0;
	[sflag:s23] =	ssyncset.done $0x0  }
0x73: {  	s30 =	simm.s32 $0x0;
	s26 =	simm.s32 $0xFFFFC000;
	[sflag:s23] =	ssyncadd.s32 $0xFFFFC000  }
.LBB2_2:
0x74: {  	s0 =	sadd.s32 $0x4000, s26  }
0x75: {  	s2 =	sand.u32 $0x380, s30;
	s0 =	sand.u32 $0x2000, s0  }
0x76: {  	s31 =	sor.u32 s2, s0  }
0x77: {  	v0 =	vld [tilespmem:s31+$0x180]  }
0x78: {  	v1 =	vld [tilespmem:s31+$0x4180]  }
0x79: {  	v2 =	vld [tilespmem:s31+$0x8180]  }
0x7a: {  	v3 =	vld [tilespmem:s31+$0x190]  }
0x7b: {  	v4 =	vld [tilespmem:s31+$0x4190]  }
0x7c: {  	v5 =	vld [tilespmem:s31+$0x1A0]  }
0x7d: {  	v6 =	vld [tilespmem:s31+$0x41A0]  }
0x7e: {  	v7 =	vld [tilespmem:s31+$0x8190]  }
0x7f: {  	v8 =	vld [tilespmem:s31+$0x81A0]  }
0x80: {  	v10 =	vld [tilespmem:s31+$0x1B0]  }
0x81: {  	v12 =	vld [tilespmem:s31+$0x41B0]  }
0x82: {  	v15 =	vld [tilespmem:s31+$0x81B0]  }
0x83: {  	v16 =	vld [tilespmem:s31+$0x1C0]  }
0x84: {  	v17 =	vld [tilespmem:s31+$0x41C0]  }
0x85: {  	v19 =	vld [tilespmem:s31+$0x81C0]  }
0x86: {  	v21 =	vld [tilespmem:s31+$0x1D0]  }
0x87: {  	v23 =	vld [tilespmem:s31+$0x41D0]  }
0x88: {  	v24 =	vld [tilespmem:s31+$0x81D0]  }
0x89: {  	v25 =	vld [tilespmem:s31+$0x1E0]  }
0x8a: {  	v33 =	vld [tilespmem:s31+$0x41E0]  }
0x8b: {  	v52 =	vld [tilespmem:s31+$0x81E0]  }
0x8c: {  	v59 =	vld [tilespmem:s31+$0x1F0]  }
0x8d: {  	v62 =	vld [tilespmem:s31+$0x41F0]  }
0x8e: {  	v63 =	vld [tilespmem:s31+$0x81F0]  }
0x8f: {  	v13 =	vld [tilespmem:s31+$0x5A0]  }
0x90: {  	v11 =	vld [tilespmem:s31+$0x45A0]  }
0x91: {  	v18 =	vld [tilespmem:s31+$0x85A0]  }
0x92: {  	v20 =	vld [tilespmem:s31+$0x5B0]  }
0x93: {  	v14 =	vld [tilespmem:s31+$0x45B0]  }
0x94: {  	v26 =	vld [tilespmem:s31+$0x85B0]  }
0x95: {  	v27 =	vld [tilespmem:s31+$0x5C0]  }
0x96: {  	v22 =	vld [tilespmem:s31+$0x45C0]  }
0x97: {  	v28 =	vld [tilespmem:s31+$0x85C0]  }
0x98: {  	v30 =	vld [tilespmem:s31+$0x5D0]  }
0x99: {  	v29 =	vld [tilespmem:s31+$0x45D0]  }
0x9a: {  	v31 =	vld [tilespmem:s31+$0x85D0]  }
0x9b: {  	v34 =	vld [tilespmem:s31+$0x5E0]  }
0x9c: {  	v32 =	vld [tilespmem:s31+$0x45E0]  }
0x9d: {  	v37 =	vld [tilespmem:s31+$0x85E0]  }
0x9e: {  	v36 =	vld [tilespmem:s31+$0x5F0]  }
0x9f: {  	v35 =	vld [tilespmem:s31+$0x45F0]  }
0xa0: {  	v39 =	vld [tilespmem:s31+$0x85F0]  }
0xa1: {  	v40 =	vld [tilespmem:s31+$0x980]  }
0xa2: {  	v38 =	vld [tilespmem:s31+$0x4980]  }
0xa3: {  	v42 =	vld [tilespmem:s31+$0x8980]  }
0xa4: {  	v43 =	vld [tilespmem:s31+$0x990]  }
0xa5: {  	v61 =	vld [tilespmem:s31+$0x4990]  }
0xa6: {  	v55 =	vld [tilespmem:s31+$0x8990]  }
0xa7: {  	v48 =	vld [tilespmem:s31+$0x9A0]  }
0xa8: {  	v51 =	vld [tilespmem:s31+$0x49A0]  }
0xa9: {  	v46 =	vld [tilespmem:s31+$0x89A0]  }
0xaa: {  	v53 =	vld [tilespmem:s31+$0x9B0]  }
0xab: {  	v56 =	vld [tilespmem:s31+$0x49B0]  }
0xac: {  	v47 =	vld [tilespmem:s31+$0x89B0]  }
0xad: {  	v54 =	vld [tilespmem:s31+$0x9C0]  }
0xae: {  	v57 =	vld [tilespmem:s31+$0x49C0]  }
0xaf: {  	v49 =	vld [tilespmem:s31+$0x89C0]  }
0xb0: {  	v50 =	vld [tilespmem:s31+$0x9D0]  }
0xb1: {  	v58 =	vld [tilespmem:s31+$0x49D0]  }
0xb2: {  	v60 =	vld [tilespmem:s31+$0x89D0]  }
0xb3: {  	v41 =	vld [tilespmem:s31+$0x9E0]  }
0xb4: {  	v0 =	vadd.f32 v1, v0;
	v1 =	vld [tilespmem:s31+$0x4580];
	[tilespmem:$0x1FCE0] =	vst v46  }
0xb5: {  	v44 =	vadd.f32 v4, v3;
	v3 =	vld [tilespmem:s31+$0x8580];
	[tilespmem:$0x1FCF0] =	vst v47  }
0xb6: {  	v45 =	vadd.f32 v6, v5;
	v6 =	vld [tilespmem:s31+$0x590];
	[tilespmem:$0x1FD00] =	vst v49  }
0xb7: {  	v5 =	vld [tilespmem:s31+$0x4590];
	[tilespmem:$0x1FD10] =	vst v50  }
0xb8: {  	[tilespmem:$0x1FD20] =	vst v58;
	v49 =	vld [tilespmem:s31+$0x49F0]  }
0xb9: {  	[tilespmem:$0x1FD50] =	vst v60;
	v46 =	vld [tilespmem:s31+$0x89F0];
	v4 =	vadd.f32 v2, v0  }
0xba: {  	[tilespmem:$0x1FD30] =	vst v41;
	v47 =	vld [tilespmem:s31+$0x8D80];
	v7 =	vadd.f32 v7, v44  }
0xbb: {  	v50 =	vld [tilespmem:s31+$0xD90];
	v9 =	vadd.f32 v8, v45;
	[tilespmem:s31+$0xC180] =	vst v4  }
0xbc: {  	v58 =	vld [tilespmem:s31+$0x4D90];
	[tilespmem:s31+$0xC190] =	vst v7  }
0xbd: {  	v60 =	vld [tilespmem:s31+$0x8D90];
	[tilespmem:s31+$0xC1A0] =	vst v9  }
0xbe: {  	v41 =	vld [tilespmem:s31+$0xDA0];
	[tilespmem:$0x1FD70] =	vst v46  }
0xbf: {  	v44 =	vld [tilespmem:s31+$0x49E0];
	[tilespmem:$0x1FD80] =	vst v47  }
0xc0: {  	v45 =	vld [tilespmem:s31+$0x89E0];
	[tilespmem:$0x1FD90] =	vst v50  }
0xc1: {  	[tilespmem:$0x1FDA0] =	vst v58;
	v47 =	vld [tilespmem:s31+$0x4DA0]  }
0xc2: {  	[tilespmem:$0x1FDF0] =	vst v60;
	v50 =	vld [tilespmem:s31+$0x8DA0]  }
0xc3: {  	[tilespmem:$0x1FDB0] =	vst v41;
	v58 =	vld [tilespmem:s31+$0xDB0]  }
0xc4: {  	v2 =	vld [tilespmem:s31+$0x580];
	[tilespmem:$0x1FD40] =	vst v44  }
0xc5: {  	v8 =	vld [tilespmem:s31+$0x8590];
	[tilespmem:$0x1FD60] =	vst v45  }
0xc6: {  	v46 =	vld [tilespmem:s31+$0x4D80];
	[tilespmem:$0x1FDC0] =	vst v47  }
0xc7: {  	v45 =	vld [tilespmem:s31+$0x9F0];
	[tilespmem:$0x1FE20] =	vst v50  }
0xc8: {  	v44 =	vld [tilespmem:s31+$0xD80];
	[tilespmem:$0x1FDD0] =	vst v58  }
0xc9: {  	v0 =	vld [tilespmem:s31+$0x4DB0]  }
0xca: {  	v60 =	vld [tilespmem:s31+$0x8DB0]  }
0xcb: {  	v41 =	vld [tilespmem:s31+$0xDC0]  }
0xcc: {  	v47 =	vld [tilespmem:s31+$0x4DC0]  }
0xcd: {  	v50 =	vld [tilespmem:s31+$0x8DC0]  }
0xce: {  	v17 =	vadd.f32 v17, v16;
	v58 =	vld [tilespmem:s31+$0xDD0]  }
0xcf: {  	v10 =	vadd.f32 v12, v10;
	v12 =	vld [tilespmem:s31+$0x4DF0]  }
0xd0: {  	v19 =	vadd.f32 v19, v17;
	v17 =	vld [tilespmem:s31+$0x9180]  }
0xd1: {  	v16 =	vld [tilespmem:s31+$0x51C0];
	[tilespmem:$0x1FDE0] =	vst v0  }
0xd2: {  	[tilespmem:$0x1FE30] =	vst v60;
	v60 =	vld [tilespmem:s31+$0x4DD0]  }
0xd3: {  	[tilespmem:$0x1FE00] =	vst v41;
	v41 =	vld [tilespmem:s31+$0x8DD0]  }
0xd4: {  	[tilespmem:$0x1FE10] =	vst v47;
	v47 =	vld [tilespmem:s31+$0xDE0]  }
0xd5: {  	v33 =	vadd.f32 v33, v25;
	[tilespmem:$0x1FE40] =	vst v50;
	v50 =	vld [tilespmem:s31+$0x4DE0]  }
0xd6: {  	[tilespmem:$0x1FE50] =	vst v58;
	v58 =	vld [tilespmem:s31+$0x8DE0]  }
0xd7: {  	v0 =	vadd.f32 v52, v33;
	v52 =	vld [tilespmem:s31+$0x91B0];
	[tilespmem:$0x1FE60] =	vst v60  }
0xd8: {  	v22 =	vadd.f32 v22, v27;
	v27 =	vld [tilespmem:$0x1FD40];
	[tilespmem:$0x1FEB0] =	vst v41  }
0xd9: {  	v33 =	vld [tilespmem:s31+$0x51B0];
	[tilespmem:$0x1FE70] =	vst v47  }
0xda: {  	[tilespmem:$0x1FE80] =	vst v50;
	v41 =	vmul.f32 v4, v4;
	v47 =	vmul.f32 v7, v7;
	v60 =	vld [tilespmem:s31+$0xDF0]  }
0xdb: {  	[tilespmem:$0x1FED0] =	vst v58;
	v50 =	vld [tilespmem:s31+$0x1180]  }
0xdc: {  	v58 =	vmul.f32 v9, v9;
	[tilespmem:$0x1FF70] =	vst v52;
	v52 =	vld [tilespmem:s31+$0x91E0];
	v41 =	vadd.f32 v47, v41  }
0xdd: {  	v4 =	vadd.f32 $0.0e+00, v4;
	v47 =	vld [tilespmem:s31+$0x9190]  }
0xde: {  	[tilespmem:$0x1FEA0] =	vst v12;
	v12 =	vadd.f32 v58, v41;
	v58 =	vadd.f32 v23, v21;
	v21 =	vld [tilespmem:s31+$0x1190]  }
0xdf: {  	v15 =	vadd.f32 v15, v10;
	[tilespmem:$0x1FE90] =	vst v60;
	v60 =	vld [tilespmem:s31+$0x8DF0]  }
0xe0: {  	v4 =	vadd.f32 v7, v4;
	v10 =	vadd.f32 v24, v58;
	v24 =	vld [tilespmem:s31+$0x5190]  }
0xe1: {  	[tilespmem:s31+$0xC1B0] =	vst v15;
	v41 =	vld [tilespmem:s31+$0x5180]  }
0xe2: {  	v4 =	vadd.f32 v9, v4;
	v58 =	vld [tilespmem:s31+$0x11A0];
	[tilespmem:$0x1FF50] =	vst v47  }
0xe3: {  	v47 =	vld [tilespmem:s31+$0x11B0];
	[tilespmem:$0x1FF00] =	vst v21  }
0xe4: {  	v4 =	vadd.f32 v15, v4;
	v21 =	vadd.f32 v14, v20;
	[tilespmem:$0x1FEE0] =	vst v60;
	v60 =	vmul.f32 v15, v15;
	v15 =	vld [tilespmem:s31+$0x15A0]  }
0xe5: {  	v13 =	vadd.f32 v11, v13;
	[tilespmem:$0x1FF10] =	vst v24;
	v24 =	vld [tilespmem:s31+$0x91A0]  }
0xe6: {  	v20 =	vadd.f32 v26, v21;
	v26 =	vld [tilespmem:s31+$0x91F0]  }
0xe7: {  	[tilespmem:$0x1FF20] =	vst v58;
	v58 =	vadd.f32 v5, v6;
	v6 =	vadd.f32 v18, v13;
	v18 =	vld [tilespmem:s31+$0x1590]  }
0xe8: {  	v13 =	vadd.f32 v29, v30;
	v29 =	vadd.f32 v49, v45;
	v49 =	vld [tilespmem:s31+$0x95D0]  }
0xe9: {  	v12 =	vadd.f32 v60, v12;
	v60 =	vadd.f32 v62, v59;
	v62 =	vld [tilespmem:s31+$0x51A0]  }
0xea: {  	v23 =	vmul.f32 v19, v19;
	v59 =	vadd.f32 v19, v4;
	v4 =	vadd.f32 v35, v36;
	v36 =	vld [tilespmem:s31+$0x9590]  }
0xeb: {  	v22 =	vadd.f32 v28, v22;
	v5 =	vadd.f32 v8, v58;
	v58 =	vld [tilespmem:s31+$0x51D0]  }
0xec: {  	[tilespmem:$0x1FEC0] =	vst v50;
	v50 =	vmul.f32 v10, v10;
	v28 =	vadd.f32 v31, v13;
	v31 =	vld [tilespmem:s31+$0x1580];
	v12 =	vadd.f32 v23, v12  }
0xed: {  	v13 =	vld [tilespmem:s31+$0x95B0]  }
0xee: {  	v23 =	vadd.f32 v50, v12;
	v12 =	vadd.f32 v63, v60;
	v60 =	vld [tilespmem:s31+$0x11C0]  }
0xef: {  	v1 =	vadd.f32 v1, v2;
	v25 =	vmul.f32 v0, v0;
	v63 =	vld [tilespmem:s31+$0x11D0]  }
0xf0: {  	[tilespmem:$0x1FF60] =	vst v24;
	v24 =	vld [tilespmem:s31+$0x11F0]  }
0xf1: {  	v9 =	vadd.f32 v3, v1;
	[tilespmem:$0x1FF30] =	vst v62;
	v62 =	vld [tilespmem:s31+$0x91C0];
	v2 =	vadd.f32 v25, v23;
	v50 =	vmul.f32 v12, v12  }
0xf2: {  	v25 =	vld [tilespmem:s31+$0x51E0]  }
0xf3: {  	v8 =	vmul.f32 v9, v9;
	v1 =	vadd.f32 v50, v2;
	v2 =	vadd.f32 v10, v59;
	v59 =	vld [tilespmem:s31+$0x91D0]  }
0xf4: {  	v50 =	vld [tilespmem:s31+$0x11E0]  }
0xf5: {  	[tilespmem:$0x1FEF0] =	vst v17;
	v63 =	vadd.f32 v58, v63;
	v58 =	vld [tilespmem:s31+$0x99A0];
	v1 =	vadd.f32 v8, v1  }
0xf6: {  	[tilespmem:s31+$0xC1E0] =	vst v0;
	v17 =	vmul.f32 v5, v5;
	v2 =	vadd.f32 v0, v2;
	v0 =	vadd.f32 v39, v4;
	v4 =	vld [tilespmem:$0x1FD10]  }
0xf7: {  	v8 =	vld [tilespmem:s31+$0x55F0]  }
0xf8: {  	v23 =	vmul.f32 v6, v6;
	v1 =	vadd.f32 v17, v1;
	v17 =	vld [tilespmem:s31+$0x5580]  }
0xf9: {  	[tilespmem:s31+$0xC1F0] =	vst v12;
	v2 =	vadd.f32 v12, v2;
	v12 =	vld [tilespmem:s31+$0x15B0]  }
0xfa: {  	[tilespmem:$0x1FF40] =	vst v47;
	v47 =	vmul.f32 v20, v20;
	v25 =	vadd.f32 v25, v50;
	v50 =	vld [tilespmem:s31+$0x19B0];
	v1 =	vadd.f32 v23, v1  }
0xfb: {  	v23 =	vld [tilespmem:s31+$0x51F0]  }
0xfc: {  	[tilespmem:s31+$0xC580] =	vst v9;
	v21 =	vmul.f32 v22, v22;
	v2 =	vadd.f32 v9, v2;
	v9 =	vld [tilespmem:s31+$0x15F0];
	v14 =	vadd.f32 v47, v1  }
0xfd: {  	v47 =	vadd.f32 v32, v34;
	v32 =	vld [tilespmem:s31+$0x5590]  }
0xfe: {  	v1 =	vadd.f32 v21, v14;
	v21 =	vld [tilespmem:s31+$0x9580]  }
0xff: {  	[tilespmem:s31+$0xC1C0] =	vst v19;
	v34 =	vadd.f32 v38, v40;
	v19 =	vadd.f32 v37, v47;
	v37 =	vld [tilespmem:s31+$0x55A0]  }
0x100: {  	v14 =	vld [tilespmem:s31+$0x95A0]  }
0x101: {  	[tilespmem:s31+$0xC1D0] =	vst v10;
	v10 =	vadd.f32 v42, v34;
	v34 =	vadd.f32 v61, v43;
	v61 =	vld [tilespmem:s31+$0x55B0]  }
0x102: {  	v42 =	vadd.f32 v56, v53;
	v53 =	vld [tilespmem:s31+$0x95C0]  }
0x103: {  	v43 =	vadd.f32 v57, v54;
	v54 =	vld [tilespmem:$0x1FCE0]  }
0x104: {  	v2 =	vadd.f32 v5, v2;
	v56 =	vld [tilespmem:$0x1FCF0]  }
0x105: {  	v57 =	vld [tilespmem:$0x1FD00]  }
0x106: {  	[tilespmem:s31+$0xC5A0] =	vst v6;
	v2 =	vadd.f32 v6, v2;
	v6 =	vld [tilespmem:$0x1FD20];
	v23 =	vadd.f32 v23, v24  }
0x107: {  	v24 =	vadd.f32 v17, v31;
	v31 =	vadd.f32 v52, v25;
	v52 =	vld [tilespmem:s31+$0x99B0]  }
0x108: {  	[tilespmem:s31+$0xC590] =	vst v5;
	v11 =	vadd.f32 v20, v2;
	v5 =	vadd.f32 v55, v34;
	v55 =	vld [tilespmem:s31+$0x15C0]  }
0x109: {  	[tilespmem:s31+$0xC5B0] =	vst v20;
	v3 =	vmul.f32 v28, v28;
	v20 =	vld [tilespmem:$0x1FDB0]  }
0x10a: {  	[tilespmem:s31+$0xC5C0] =	vst v22;
	v40 =	vadd.f32 v22, v11;
	v22 =	vld [tilespmem:$0x1FD30]  }
0x10b: {  	v7 =	vadd.f32 v3, v1;
	v35 =	vmul.f32 v19, v19;
	v11 =	vld [tilespmem:$0x1FE20]  }
0x10c: {  	v34 =	vadd.f32 v57, v43;
	v57 =	vld [tilespmem:$0x1FD80]  }
0x10d: {  	v47 =	vadd.f32 v35, v7;
	v7 =	vadd.f32 v6, v4;
	v4 =	vld [tilespmem:$0x1FD90]  }
0x10e: {  	v6 =	vld [tilespmem:$0x1FDA0]  }
0x10f: {  	v43 =	vld [tilespmem:$0x1FE10]  }
0x110: {  	v17 =	vadd.f32 v21, v24;
	v21 =	vld [tilespmem:s31+$0x19C0];
	v2 =	vadd.f32 v28, v40  }
0x111: {  	v1 =	vmul.f32 v0, v0;
	v15 =	vadd.f32 v37, v15;
	v37 =	vld [tilespmem:s31+$0x59C0];
	v40 =	vadd.f32 v51, v48  }
0x112: {  	v48 =	vadd.f32 v56, v42;
	v56 =	vld [tilespmem:$0x1FD70];
	v35 =	vadd.f32 v19, v2  }
0x113: {  	[tilespmem:s31+$0xC5D0] =	vst v28;
	v30 =	vmul.f32 v10, v10;
	v3 =	vadd.f32 v1, v47;
	v28 =	vadd.f32 v27, v22;
	v22 =	vld [tilespmem:$0x1FDC0]  }
0x114: {  	v39 =	vadd.f32 v0, v35;
	v35 =	vadd.f32 v46, v44;
	v44 =	vld [tilespmem:$0x1FD60]  }
0x115: {  	v38 =	vadd.f32 v30, v3;
	v30 =	vld [tilespmem:$0x1FD50]  }
0x116: {  	[tilespmem:s31+$0xC5F0] =	vst v0;
	v0 =	vadd.f32 v54, v40;
	v40 =	vld [tilespmem:$0x1FE00]  }
0x117: {  	v12 =	vadd.f32 v61, v12;
	v61 =	vld [tilespmem:s31+$0x59E0]  }
0x118: {  	v47 =	vadd.f32 v10, v39;
	v39 =	vadd.f32 v56, v29;
	v29 =	vld [tilespmem:$0x1FDE0]  }
0x119: {  	v27 =	vadd.f32 v22, v20;
	v44 =	vadd.f32 v44, v28;
	v28 =	vld [tilespmem:$0x1FDD0]  }
0x11a: {  	v51 =	vld [tilespmem:s31+$0x55C0];
	v45 =	vadd.f32 v30, v7;
	v7 =	vadd.f32 v6, v4  }
0x11b: {  	v4 =	vadd.f32 v43, v40;
	v40 =	vadd.f32 v11, v27;
	v27 =	vld [tilespmem:$0x1FE30]  }
0x11c: {  	v1 =	vld [tilespmem:s31+$0x5990]  }
0x11d: {  	[tilespmem:$0x1FF80] =	vst v38;
	v38 =	vadd.f32 v57, v35;
	v35 =	vld [tilespmem:$0x1FDF0]  }
0x11e: {  	v30 =	vadd.f32 v29, v28;
	v28 =	vld [tilespmem:$0x1FE40]  }
0x11f: {  	v29 =	vld [tilespmem:$0x1FE50]  }
0x120: {  	v27 =	vadd.f32 v27, v30;
	v30 =	vld [tilespmem:$0x1FE60]  }
0x121: {  	v24 =	vadd.f32 v14, v15;
	v14 =	vld [tilespmem:s31+$0x19D0]  }
0x122: {  	v3 =	vld [tilespmem:s31+$0x5980]  }
0x123: {  	v43 =	vld [tilespmem:$0x1FE70]  }
0x124: {  	v28 =	vadd.f32 v28, v4;
	v4 =	vld [tilespmem:$0x1FE80]  }
0x125: {  	v42 =	vadd.f32 v35, v7;
	v35 =	vadd.f32 v30, v29;
	v29 =	vld [tilespmem:$0x1FEB0]  }
0x126: {  	v30 =	vld [tilespmem:$0x1FEC0]  }
0x127: {  	[tilespmem:s31+$0xC5E0] =	vst v19;
	v2 =	vld [tilespmem:$0x1FF20]  }
0x128: {  	[tilespmem:s31+$0xC980] =	vst v10;
	v46 =	vld [tilespmem:s31+$0x15E0]  }
0x129: {  	v23 =	vadd.f32 v26, v23;
	[tilespmem:s31+$0xD1E0] =	vst v31;
	v56 =	vld [tilespmem:s31+$0x55E0]  }
0x12a: {  	v32 =	vadd.f32 v32, v18;
	[tilespmem:s31+$0xC990] =	vst v5;
	v57 =	vld [tilespmem:s31+$0x95E0];
	v20 =	vadd.f32 v4, v43  }
0x12b: {  	[tilespmem:s31+$0xD1F0] =	vst v23;
	v43 =	vadd.f32 v29, v35;
	v35 =	vadd.f32 v41, v30;
	v41 =	vld [tilespmem:$0x1FED0]  }
0x12c: {  	v32 =	vadd.f32 v36, v32;
	[tilespmem:s31+$0xC9C0] =	vst v34;
	v6 =	vld [tilespmem:$0x1FE90]  }
0x12d: {  	[tilespmem:s31+$0xD580] =	vst v17;
	v29 =	vld [tilespmem:$0x1FF00]  }
0x12e: {  	[tilespmem:s31+$0xD590] =	vst v32;
	v30 =	vld [tilespmem:$0x1FF10]  }
0x12f: {  	v18 =	vadd.f32 v13, v12;
	[tilespmem:s31+$0xC9B0] =	vst v48;
	v22 =	vld [tilespmem:$0x1FEA0]  }
0x130: {  	[tilespmem:s31+$0xD5A0] =	vst v24;
	v41 =	vadd.f32 v41, v20;
	v20 =	vld [tilespmem:$0x1FEF0]  }
0x131: {  	[tilespmem:s31+$0xD5B0] =	vst v18;
	v11 =	vld [tilespmem:s31+$0x95F0]  }
0x132: {  	[tilespmem:s31+$0xC9A0] =	vst v0;
	v7 =	vld [tilespmem:s31+$0x1980]  }
0x133: {  	v8 =	vadd.f32 v8, v9;
	[tilespmem:s31+$0xC9F0] =	vst v39;
	v10 =	vadd.f32 v30, v29;
	v30 =	vld [tilespmem:$0x1FF40]  }
0x134: {  	v51 =	vadd.f32 v51, v55;
	[tilespmem:s31+$0xCD80] =	vst v38;
	v22 =	vadd.f32 v22, v6;
	v6 =	vld [tilespmem:s31+$0x9980]  }
0x135: {  	[tilespmem:s31+$0xC9D0] =	vst v45;
	v55 =	vadd.f32 v56, v46;
	v20 =	vadd.f32 v20, v35;
	v35 =	vld [tilespmem:$0x1FF30]  }
0x136: {  	v19 =	vld [tilespmem:s31+$0x15D0];
	[tilespmem:s31+$0xC9E0] =	vst v44  }
0x137: {  	[tilespmem:s31+$0xCDA0] =	vst v40;
	v26 =	vadd.f32 v57, v55;
	v12 =	vadd.f32 v11, v8;
	v4 =	vld [tilespmem:$0x1FEE0]  }
0x138: {  	[tilespmem:s31+$0xCD90] =	vst v42;
	v3 =	vadd.f32 v3, v7;
	v30 =	vadd.f32 v33, v30;
	v33 =	vld [tilespmem:$0x1FF50]  }
0x139: {  	v54 =	vld [tilespmem:s31+$0x55D0];
	[tilespmem:s31+$0xD5E0] =	vst v26  }
0x13a: {  	[tilespmem:s31+$0xD5F0] =	vst v12;
	v8 =	vadd.f32 v6, v3;
	v29 =	vadd.f32 v35, v2;
	v35 =	vld [tilespmem:$0x1FF60]  }
0x13b: {  	v46 =	vld [tilespmem:s31+$0x99D0];
	[tilespmem:s31+$0xCDB0] =	vst v27  }
0x13c: {  	v56 =	vld [tilespmem:s31+$0x19E0];
	[tilespmem:s31+$0xD980] =	vst v8;
	v22 =	vadd.f32 v4, v22  }
0x13d: {  	[tilespmem:s31+$0xCDC0] =	vst v28;
	v4 =	vld [tilespmem:s31+$0x1990];
	v33 =	vadd.f32 v33, v10;
	v10 =	vadd.f32 v16, v60  }
0x13e: {  	[tilespmem:s31+$0xCDD0] =	vst v43;
	v2 =	vld [tilespmem:s31+$0x9990]  }
0x13f: {  	[tilespmem:s31+$0xCDF0] =	vst v22;
	v62 =	vadd.f32 v62, v10;
	v35 =	vadd.f32 v35, v29;
	v29 =	vld [tilespmem:$0x1FF70]  }
0x140: {  	[tilespmem:s31+$0xCDE0] =	vst v41;
	v10 =	vadd.f32 v53, v51;
	v53 =	vadd.f32 v54, v19;
	v54 =	vld [tilespmem:s31+$0x59D0]  }
0x141: {  	[tilespmem:s31+$0xD180] =	vst v20;
	v51 =	vld [tilespmem:s31+$0x99E0]  }
0x142: {  	v55 =	vadd.f32 v61, v56;
	v60 =	vld [tilespmem:s31+$0x19A0];
	[tilespmem:s31+$0xD190] =	vst v33  }
0x143: {  	v1 =	vadd.f32 v1, v4;
	v16 =	vld [tilespmem:s31+$0x59A0];
	[tilespmem:s31+$0xD1C0] =	vst v62;
	v25 =	vadd.f32 v49, v53  }
0x144: {  	[tilespmem:s31+$0xD5C0] =	vst v10;
	v29 =	vadd.f32 v29, v30;
	v30 =	vadd.f32 v59, v63;
	v59 =	vld [tilespmem:s31+$0x59B0]  }
0x145: {  	v49 =	vld [tilespmem:s31+$0x59F0];
	v19 =	vadd.f32 v2, v1;
	[tilespmem:s31+$0xD5D0] =	vst v25;
	v54 =	vadd.f32 v54, v14  }
0x146: {  	[tilespmem:s31+$0xD1A0] =	vst v35;
	v14 =	vadd.f32 v51, v55;
	v63 =	vld [tilespmem:s31+$0x19F0]  }
0x147: {  	v36 =	vld [tilespmem:s31+$0x99C0];
	[tilespmem:s31+$0xD990] =	vst v19;
	v11 =	vadd.f32 v46, v54  }
0x148: {  	v53 =	vld [tilespmem:s31+$0x99F0];
	v9 =	vadd.f32 v16, v60;
	[tilespmem:s31+$0xD9E0] =	vst v14  }
0x149: {  	v56 =	vadd.f32 v5, v47;
	[tilespmem:s31+$0xD9D0] =	vst v11;
	v13 =	vadd.f32 v59, v50  }
0x14a: {  	[tilespmem:s31+$0xD1B0] =	vst v29;
	v50 =	vadd.f32 v37, v21;
	v21 =	vadd.f32 v58, v9  }
0x14b: {  	[tilespmem:s31+$0xD1D0] =	vst v30;
	v57 =	vadd.f32 v49, v63;
	v58 =	vld [tilespmem:$0x1FF80];
	v13 =	vadd.f32 v52, v13  }
0x14c: {  	s18 =	sand.u32 $0x7, s28;
	v9 =	vadd.f32 v36, v50;
	[tilespmem:s31+$0xD9A0] =	vst v21  }
0x14d: {  	s0 =	sshll.u32 s18, $0x7;
	v59 =	vmul.f32 v0, v0;
	v0 =	vadd.f32 v0, v56;
	v15 =	vadd.f32 v53, v57;
	[tilespmem:s31+$0xD9B0] =	vst v13  }
0x14e: {  	s18 =	sadd.s32 s0, s29;
	v5 =	vmul.f32 v5, v5;
	[tilespmem:s31+$0xD9C0] =	vst v9  }
0x14f: {  	s0 =	sor.u32 $0x1C00, s18;
	v0 =	vadd.f32 v48, v0;
	[tilespmem:s31+$0xD9F0] =	vst v15  }
0x150: {  	v3 =	vadd.f32 v5, v58;
	v16 =	vld [tilespmem:s0+$0x180]  }
0x151: {  	v0 =	vadd.f32 v34, v0;
	v36 =	vld [tilespmem:s0+$0x4180]  }
0x152: {  	v61 =	vmul.f32 v48, v48;
	v60 =	vadd.f32 v59, v3  }
0x153: {  	v37 =	vmul.f32 v45, v45;
	v0 =	vadd.f32 v45, v0;
	v45 =	vld [tilespmem:s0+$0x8180]  }
0x154: {  	v63 =	vmul.f32 v34, v34;
	v1 =	vadd.f32 v61, v60  }
0x155: {  	v0 =	vadd.f32 v44, v0  }
0x156: {  	v47 =	vadd.f32 v36, v16;
	v1 =	vadd.f32 v63, v1  }
0x157: {  	v49 =	vadd.f32 v39, v0  }
0x158: {  	v46 =	vmul.f32 v44, v44;
	v0 =	vadd.f32 v45, v47;
	v1 =	vadd.f32 v37, v1;
	_ =	sdelay $0x1  }
0x159: {  	s2 =	sor.u32 $0x1C10, s18;
	v48 =	vmul.f32 v39, v39;
	[tilespmem:s0+$0xC180] =	vst v0;
	v1 =	vadd.f32 v46, v1  }
0x15a: {  	v51 =	vadd.f32 v38, v49;
	v53 =	vld [tilespmem:s2+$0x180]  }
0x15b: {  	v50 =	vmul.f32 v38, v38;
	v55 =	vld [tilespmem:s2+$0x4180];
	v1 =	vadd.f32 v48, v1  }
0x15c: {  	v3 =	vadd.f32 v42, v51  }
0x15d: {  	v52 =	vmul.f32 v42, v42;
	v57 =	vld [tilespmem:s2+$0x8180];
	v1 =	vadd.f32 v50, v1  }
0x15e: {  	v3 =	vadd.f32 v40, v3  }
0x15f: {  	v54 =	vmul.f32 v40, v40;
	v1 =	vadd.f32 v52, v1  }
0x160: {  	v3 =	vadd.f32 v27, v3;
	v4 =	vadd.f32 v55, v53  }
0x161: {  	v56 =	vmul.f32 v27, v27;
	v1 =	vadd.f32 v54, v1  }
0x162: {  	v3 =	vadd.f32 v28, v3;
	v4 =	vadd.f32 v57, v4  }
0x163: {  	v58 =	vmul.f32 v28, v28;
	v1 =	vadd.f32 v56, v1  }
0x164: {  	s3 =	sor.u32 $0x1C20, s18;
	v3 =	vadd.f32 v43, v3;
	[tilespmem:s2+$0xC180] =	vst v4  }
0x165: {  	v59 =	vmul.f32 v43, v43;
	v63 =	vld [tilespmem:s3+$0x180];
	v1 =	vadd.f32 v58, v1  }
0x166: {  	v3 =	vadd.f32 v41, v3;
	v16 =	vld [tilespmem:s3+$0x4180]  }
0x167: {  	v60 =	vmul.f32 v41, v41;
	v1 =	vadd.f32 v59, v1  }
0x168: {  	v27 =	vld [tilespmem:s3+$0x8180];
	v3 =	vadd.f32 v22, v3  }
0x169: {  	v61 =	vmul.f32 v22, v22;
	v1 =	vadd.f32 v60, v1  }
0x16a: {  	v3 =	vadd.f32 v20, v3  }
0x16b: {  	v22 =	vmul.f32 v20, v20;
	v34 =	vadd.f32 v16, v63;
	v1 =	vadd.f32 v61, v1  }
0x16c: {  	v3 =	vadd.f32 v33, v3  }
0x16d: {  	v28 =	vmul.f32 v33, v33;
	v2 =	vadd.f32 v27, v34;
	v1 =	vadd.f32 v22, v1  }
0x16e: {  	v3 =	vadd.f32 v35, v3  }
0x16f: {  	s4 =	sor.u32 $0x1C30, s18;
	v36 =	vmul.f32 v35, v35;
	[tilespmem:s3+$0xC180] =	vst v2;
	v1 =	vadd.f32 v28, v1  }
0x170: {  	v3 =	vadd.f32 v29, v3;
	v39 =	vld [tilespmem:s4+$0x180]  }
0x171: {  	v37 =	vmul.f32 v29, v29;
	v41 =	vld [tilespmem:s4+$0x4180];
	v1 =	vadd.f32 v36, v1  }
0x172: {  	v3 =	vadd.f32 v62, v3  }
0x173: {  	v38 =	vmul.f32 v62, v62;
	v43 =	vld [tilespmem:s4+$0x8180];
	v1 =	vadd.f32 v37, v1  }
0x174: {  	v3 =	vadd.f32 v30, v3  }
0x175: {  	v40 =	vmul.f32 v30, v30;
	v1 =	vadd.f32 v38, v1  }
0x176: {  	v3 =	vadd.f32 v31, v3;
	v6 =	vadd.f32 v41, v39  }
0x177: {  	v42 =	vmul.f32 v31, v31;
	v1 =	vadd.f32 v40, v1  }
0x178: {  	v3 =	vadd.f32 v23, v3;
	v6 =	vadd.f32 v43, v6  }
0x179: {  	v44 =	vmul.f32 v23, v23;
	v1 =	vadd.f32 v42, v1  }
0x17a: {  	s14 =	sor.u32 $0x1C40, s18;
	v3 =	vadd.f32 v17, v3;
	[tilespmem:s4+$0xC180] =	vst v6  }
0x17b: {  	v45 =	vmul.f32 v17, v17;
	v48 =	vld [tilespmem:s14+$0x180];
	v1 =	vadd.f32 v44, v1  }
0x17c: {  	v49 =	vld [tilespmem:s14+$0x4180];
	v3 =	vadd.f32 v32, v3  }
0x17d: {  	v46 =	vmul.f32 v32, v32;
	v1 =	vadd.f32 v45, v1  }
0x17e: {  	v51 =	vld [tilespmem:s14+$0x8180];
	v3 =	vadd.f32 v24, v3  }
0x17f: {  	v47 =	vmul.f32 v24, v24;
	v1 =	vadd.f32 v46, v1  }
0x180: {  	v3 =	vadd.f32 v18, v3  }
0x181: {  	v50 =	vmul.f32 v18, v18;
	v53 =	vadd.f32 v49, v48;
	v1 =	vadd.f32 v47, v1  }
0x182: {  	v3 =	vadd.f32 v10, v3  }
0x183: {  	v52 =	vmul.f32 v10, v10;
	v5 =	vadd.f32 v51, v53;
	v1 =	vadd.f32 v50, v1;
	_ =	sdelay $0x1  }
0x184: {  	s16 =	sor.u32 $0x1C50, s18;
	v54 =	vmul.f32 v25, v25;
	v3 =	vadd.f32 v25, v3;
	[tilespmem:s14+$0xC180] =	vst v5;
	v1 =	vadd.f32 v52, v1  }
0x185: {  	v57 =	vld [tilespmem:s16+$0x180]  }
0x186: {  	v55 =	vmul.f32 v26, v26;
	v59 =	vld [tilespmem:s16+$0x4180];
	v3 =	vadd.f32 v26, v3;
	v1 =	vadd.f32 v54, v1;
	_ =	sdelay $0x1  }
0x187: {  	v56 =	vmul.f32 v12, v12;
	v61 =	vld [tilespmem:s16+$0x8180];
	v3 =	vadd.f32 v12, v3;
	v1 =	vadd.f32 v55, v1;
	_ =	sdelay $0x1  }
0x188: {  	v58 =	vmul.f32 v8, v8;
	v3 =	vadd.f32 v8, v3;
	v1 =	vadd.f32 v56, v1  }
0x189: {  	v10 =	vadd.f32 v59, v57  }
0x18a: {  	v60 =	vmul.f32 v19, v19;
	v3 =	vadd.f32 v19, v3;
	v1 =	vadd.f32 v58, v1  }
0x18b: {  	v8 =	vadd.f32 v61, v10  }
0x18c: {  	v62 =	vmul.f32 v21, v21;
	v3 =	vadd.f32 v21, v3;
	v1 =	vadd.f32 v60, v1;
	_ =	sdelay $0x1  }
0x18d: {  	s17 =	sor.u32 $0x1C60, s18;
	v63 =	vmul.f32 v13, v13;
	[tilespmem:s16+$0xC180] =	vst v8;
	v3 =	vadd.f32 v13, v3;
	v1 =	vadd.f32 v62, v1  }
0x18e: {  	v16 =	vld [tilespmem:s17+$0x4180]  }
0x18f: {  	v10 =	vmul.f32 v9, v9;
	v13 =	vld [tilespmem:s17+$0x180];
	v3 =	vadd.f32 v9, v3;
	v1 =	vadd.f32 v63, v1;
	_ =	sdelay $0x1  }
0x190: {  	v12 =	vmul.f32 v11, v11;
	v18 =	vld [tilespmem:s17+$0x8180];
	v3 =	vadd.f32 v11, v3;
	v1 =	vadd.f32 v10, v1;
	_ =	sdelay $0x1  }
0x191: {  	v17 =	vmul.f32 v14, v14;
	v3 =	vadd.f32 v14, v3;
	v1 =	vadd.f32 v12, v1  }
0x192: {  	v20 =	vadd.f32 v16, v13  }
0x193: {  	v19 =	vmul.f32 v15, v15;
	v3 =	vadd.f32 v15, v3;
	v1 =	vadd.f32 v17, v1  }
0x194: {  	v23 =	vadd.f32 v18, v20  }
0x195: {  	v22 =	vmul.f32 v0, v0;
	v0 =	vadd.f32 v0, v3;
	v1 =	vadd.f32 v19, v1;
	_ =	sdelay $0x1  }
0x196: {  	s18 =	sor.u32 $0x1C70, s18;
	v25 =	vmul.f32 v4, v4;
	[tilespmem:s17+$0xC180] =	vst v23;
	v0 =	vadd.f32 v4, v0;
	v1 =	vadd.f32 v22, v1  }
0x197: {  	v27 =	vld [tilespmem:s18+$0x180]  }
0x198: {  	v26 =	vmul.f32 v2, v2;
	v29 =	vld [tilespmem:s18+$0x4180];
	v0 =	vadd.f32 v2, v0;
	v1 =	vadd.f32 v25, v1;
	_ =	sdelay $0x1  }
0x199: {  	v28 =	vmul.f32 v6, v6;
	v31 =	vld [tilespmem:s18+$0x8180];
	v0 =	vadd.f32 v6, v0;
	v1 =	vadd.f32 v26, v1;
	_ =	sdelay $0x1  }
0x19a: {  	v30 =	vmul.f32 v5, v5;
	v0 =	vadd.f32 v5, v0;
	v1 =	vadd.f32 v28, v1  }
0x19b: {  	v2 =	vadd.f32 v29, v27  }
0x19c: {  	v33 =	vmul.f32 v8, v8;
	v0 =	vadd.f32 v8, v0;
	v1 =	vadd.f32 v30, v1  }
0x19d: {  	v35 =	vld [tilespmem:$0x1FFC0];
	v2 =	vadd.f32 v31, v2  }
0x19e: {  	v3 =	vmul.f32 v23, v23;
	v0 =	vadd.f32 v23, v0;
	v1 =	vadd.f32 v33, v1;
	_ =	sdelay $0x1  }
0x19f: {  	v36 =	vmul.f32 v2, v2;
	v0 =	vadd.f32 v2, v0;
	v1 =	vadd.f32 v3, v1  }
0x1a0: {  	v34 =	vld [tilespmem:$0x1FFD0]  }
0x1a1: {  	v37 =	vperm.xlane v0, v35;
	v1 =	vadd.f32 v36, v1;
	_ =	sdelay $0x1  }
0x1a2: {  	v0 =	vadd.f32 v37, v0;
	v38 =	vperm.xlane v1, v35  }
0x1a3: {  	v21 =	vld [tilespmem:$0x1FFE0]  }
0x1a4: {  	v39 =	vperm.xlane v0, v34;
	v1 =	vadd.f32 v38, v1;
	_ =	sdelay $0x1  }
0x1a5: {  	v0 =	vadd.f32 v39, v0;
	v3 =	vperm.xlane v1, v34  }
0x1a6: {  	v32 =	vld [tilespmem:$0x1FFF0]  }
0x1a7: {  	v4 =	vperm.xlane v0, v21;
	v1 =	vadd.f32 v3, v1;
	_ =	sdelay $0x1  }
0x1a8: {  	v0 =	vadd.f32 v4, v0;
	v3 =	vperm.xlane v1, v21;
	_ =	sdelay $0x1  }
0x1a9: {  	v4 =	vperm.xlane v0, v32;
	v1 =	vadd.f32 v3, v1;
	_ =	sdelay $0x1  }
0x1aa: {  	v0 =	vadd.f32 v4, v0;
	v3 =	vperm.xlane v1, v32;
	_ =	sdelay $0x1  }
0x1ab: {  	v8 =	vmul.f32 $9.765625000e-04, v0;
	v40 =	vadd.f32 v3, v1;
	_ =	sdelay $0x1  }
0x1ac: {  	v41 =	vmul.f32 v8, v8;
	v0 =	vmul.f32 $9.765625000e-04, v40;
	_ =	sdelay $0x1  }
0x1ad: {  	v0 =	vsub.f32 v0, v41;
	_ =	sdelay $0x1  }
0x1ae: {  	v0 =	vmax.f32 v0, $0.0e+00  }
0x1af: {  	v0 =	vadd.f32 $9.999999740e-06, v0;
	_ =	sdelay $0x1  }
0x1b0: {  	v24 =	vimm.f32 $1.000000000e+00;
	vm1 =	vge.f32 v0, $1.844674410e+19;
	vm2 =	vlt.f32 v0, $5.421010860e-20  }
0x1b1: {  	v42 =	vsel vm1, $0x2F800000, v24;
	v43 =	vsel vm2, $0x4F800000, v24  }
0x1b2: {  	v1 =	vmul.f32 v43, v42;
	_ =	sdelay $0x1  }
0x1b3: {  	v3 =	vmul.f32 v1, v0;
	_ =	sdelay $0x1  }
0x1b4: {  	v3 =	vmul.f32 v3, v1;
	_ =	sdelay $0x1  }
0x1b5: {  	vm1 =	vge.f32 v3, $4.294967300e+09  }
0x1b6: {  	v44 =	vsel vm1, $0x37800000, v24  }
0x1b7: {  	vm1 =	vlt.f32 v3, $2.328306440e-10;
	v1 =	vmul.f32 v44, v1  }
0x1b8: {  	v3 =	vsel vm1, $0x47800000, v24  }
0x1b9: {  	v1 =	vmul.f32 v1, v3;
	_ =	sdelay $0x1  }
0x1ba: {  	v3 =	vmul.f32 v1, v0;
	_ =	sdelay $0x1  }
0x1bb: {  	v3 =	vmul.f32 v3, v1;
	_ =	sdelay $0x1  }
0x1bc: {  	vm1 =	vge.f32 v3, $6.553600000e+04  }
0x1bd: {  	v45 =	vsel vm1, $0x3B800000, v24  }
0x1be: {  	vm1 =	vlt.f32 v3, $1.525878910e-05;
	v1 =	vmul.f32 v45, v1  }
0x1bf: {  	v3 =	vsel vm1, $0x43800000, v24  }
0x1c0: {  	v1 =	vmul.f32 v1, v3;
	_ =	sdelay $0x1  }
0x1c1: {  	v3 =	vmul.f32 v1, v0;
	_ =	sdelay $0x1  }
0x1c2: {  	v3 =	vmul.f32 v3, v1;
	_ =	sdelay $0x1  }
0x1c3: {  	vm1 =	vge.f32 v3, $2.560000000e+02  }
0x1c4: {  	v46 =	vsel vm1, $0x3D800000, v24  }
0x1c5: {  	vm1 =	vlt.f32 v3, $3.906250000e-03;
	v1 =	vmul.f32 v46, v1  }
0x1c6: {  	v3 =	vsel vm1, $0x41800000, v24  }
0x1c7: {  	v1 =	vmul.f32 v1, v3;
	_ =	sdelay $0x1  }
0x1c8: {  	v3 =	vmul.f32 v1, v0;
	_ =	sdelay $0x1  }
0x1c9: {  	v3 =	vmul.f32 v3, v1;
	_ =	sdelay $0x1  }
0x1ca: {  	vm1 =	vge.f32 v3, $1.600000000e+01  }
0x1cb: {  	v47 =	vsel vm1, $0x3E800000, v24  }
0x1cc: {  	vm1 =	vlt.f32 v3, $6.250000000e-02;
	v1 =	vmul.f32 v47, v1  }
0x1cd: {  	v3 =	vsel vm1, $0x40800000, v24  }
0x1ce: {  	v1 =	vmul.f32 v1, v3;
	_ =	sdelay $0x1  }
0x1cf: {  	v3 =	vmul.f32 v1, v0;
	_ =	sdelay $0x1  }
0x1d0: {  	v3 =	vmul.f32 v3, v1;
	_ =	sdelay $0x1  }
0x1d1: {  	vm1 =	vge.f32 v3, $4.000000000e+00  }
0x1d2: {  	v48 =	vsel vm1, $0x3F000000, v24  }
0x1d3: {  	vm1 =	vlt.f32 v3, $2.500000000e-01;
	v1 =	vmul.f32 v48, v1  }
0x1d4: {  	v3 =	vsel vm1, $0x40000000, v24  }
0x1d5: {  	v1 =	vmul.f32 v1, v3;
	_ =	sdelay $0x1  }
0x1d6: {  	v3 =	vmul.f32 v1, v0;
	_ =	sdelay $0x1  }
0x1d7: {  	v3 =	vmul.f32 v3, v1;
	_ =	sdelay $0x1  }
0x1d8: {  	vm1 =	vge.f32 v3, $2.000000000e+00  }
0x1d9: {  	v49 =	vsel vm1, $0x3F3504F3, v24  }
0x1da: {  	vm1 =	vlt.f32 v3, $5.000000000e-01;
	v1 =	vmul.f32 v49, v1  }
0x1db: {  	v3 =	vsel vm1, $0x3FB504F3, v24  }
0x1dc: {  	v0 =	vmul.f32 $5.000000000e-01, v0;
	v1 =	vmul.f32 v1, v3;
	_ =	sdelay $0x1  }
0x1dd: {  	v3 =	vmul.f32 v1, v0;
	_ =	sdelay $0x1  }
0x1de: {  	v3 =	vmul.f32 v3, v1;
	_ =	sdelay $0x1  }
0x1df: {  	v3 =	vsub.f32 $1.500000000e+00, v3;
	_ =	sdelay $0x1  }
0x1e0: {  	v1 =	vmul.f32 v3, v1;
	_ =	sdelay $0x1  }
0x1e1: {  	v3 =	vmul.f32 v1, v0;
	_ =	sdelay $0x1  }
0x1e2: {  	v3 =	vmul.f32 v3, v1;
	_ =	sdelay $0x1  }
0x1e3: {  	v3 =	vsub.f32 $1.500000000e+00, v3;
	_ =	sdelay $0x1  }
0x1e4: {  	v1 =	vmul.f32 v3, v1;
	_ =	sdelay $0x1  }
0x1e5: {  	v3 =	vmul.f32 v1, v0;
	_ =	sdelay $0x1  }
0x1e6: {  	v3 =	vmul.f32 v3, v1;
	_ =	sdelay $0x1  }
0x1e7: {  	v3 =	vsub.f32 $1.500000000e+00, v3;
	_ =	sdelay $0x1  }
0x1e8: {  	v1 =	vmul.f32 v3, v1;
	_ =	sdelay $0x1  }
0x1e9: {  	v3 =	vmul.f32 v1, v0;
	_ =	sdelay $0x1  }
0x1ea: {  	v3 =	vmul.f32 v3, v1;
	_ =	sdelay $0x1  }
0x1eb: {  	v3 =	vsub.f32 $1.500000000e+00, v3;
	_ =	sdelay $0x1  }
0x1ec: {  	v1 =	vmul.f32 v3, v1;
	_ =	sdelay $0x1  }
0x1ed: {  	[tilespmem:s18+$0xC180] =	vst v2;
	v0 =	vmul.f32 v1, v0  }
0x1ee: {  	v2 =	vld [tilespmem:s31+$0xC180]  }
0x1ef: {  	v0 =	vmul.f32 v0, v1;
	_ =	sdelay $0x1  }
0x1f0: {  	v0 =	vsub.f32 $1.500000000e+00, v0  }
0x1f1: {  	v50 =	vld [tilespmem:$0x10180]  }
0x1f2: {  	v51 =	vsub.f32 v2, v8;
	v9 =	vmul.f32 v0, v1  }
0x1f3: {  	v52 =	vld [tilespmem:$0x10580]  }
0x1f4: {  	v0 =	vmul.f32 v9, v51;
	_ =	sdelay $0x1  }
0x1f5: {  	v0 =	vmul.f32 v0, v50  }
0x1f6: {  	v53 =	vld [tilespmem:s31+$0xC190]  }
0x1f7: {  	v0 =	vadd.f32 v0, v52;
	_ =	sdelay $0x1  }
0x1f8: {  	[tilespmem:s31+$0xC180] =	vst v0  }
0x1f9: {  	v0 =	vld [tilespmem:$0x10190]  }
0x1fa: {  	v54 =	vsub.f32 v53, v8  }
0x1fb: {  	v55 =	vld [tilespmem:$0x10590]  }
0x1fc: {  	v1 =	vmul.f32 v9, v54;
	_ =	sdelay $0x1  }
0x1fd: {  	v0 =	vmul.f32 v1, v0  }
0x1fe: {  	v56 =	vld [tilespmem:s31+$0xC1A0]  }
0x1ff: {  	v0 =	vadd.f32 v0, v55;
	_ =	sdelay $0x1  }
0x200: {  	[tilespmem:s31+$0xC190] =	vst v0  }
0x201: {  	v0 =	vld [tilespmem:$0x101A0]  }
0x202: {  	v1 =	vsub.f32 v56, v8  }
0x203: {  	v57 =	vld [tilespmem:$0x105A0]  }
0x204: {  	v1 =	vmul.f32 v9, v1;
	_ =	sdelay $0x1  }
0x205: {  	v0 =	vmul.f32 v1, v0  }
0x206: {  	v58 =	vld [tilespmem:s31+$0xC1B0]  }
0x207: {  	v0 =	vadd.f32 v0, v57;
	_ =	sdelay $0x1  }
0x208: {  	[tilespmem:s31+$0xC1A0] =	vst v0  }
0x209: {  	v0 =	vld [tilespmem:$0x101B0]  }
0x20a: {  	v1 =	vsub.f32 v58, v8  }
0x20b: {  	v59 =	vld [tilespmem:$0x105B0]  }
0x20c: {  	v1 =	vmul.f32 v9, v1;
	_ =	sdelay $0x1  }
0x20d: {  	v0 =	vmul.f32 v1, v0  }
0x20e: {  	v60 =	vld [tilespmem:s31+$0xC1C0]  }
0x20f: {  	v0 =	vadd.f32 v0, v59;
	_ =	sdelay $0x1  }
0x210: {  	[tilespmem:s31+$0xC1B0] =	vst v0  }
0x211: {  	v0 =	vld [tilespmem:$0x101C0]  }
0x212: {  	v1 =	vsub.f32 v60, v8  }
0x213: {  	v61 =	vld [tilespmem:$0x105C0]  }
0x214: {  	v1 =	vmul.f32 v9, v1;
	_ =	sdelay $0x1  }
0x215: {  	v0 =	vmul.f32 v1, v0  }
0x216: {  	v62 =	vld [tilespmem:s31+$0xC1D0]  }
0x217: {  	v0 =	vadd.f32 v0, v61;
	_ =	sdelay $0x1  }
0x218: {  	[tilespmem:s31+$0xC1C0] =	vst v0  }
0x219: {  	v0 =	vld [tilespmem:$0x101D0]  }
0x21a: {  	v1 =	vsub.f32 v62, v8  }
0x21b: {  	v63 =	vld [tilespmem:$0x105D0]  }
0x21c: {  	v1 =	vmul.f32 v9, v1;
	_ =	sdelay $0x1  }
0x21d: {  	v0 =	vmul.f32 v1, v0  }
0x21e: {  	v4 =	vld [tilespmem:s31+$0xC1E0]  }
0x21f: {  	v0 =	vadd.f32 v0, v63;
	_ =	sdelay $0x1  }
0x220: {  	[tilespmem:s31+$0xC1D0] =	vst v0  }
0x221: {  	v0 =	vld [tilespmem:$0x101E0]  }
0x222: {  	v1 =	vsub.f32 v4, v8  }
0x223: {  	v5 =	vld [tilespmem:$0x105E0]  }
0x224: {  	v1 =	vmul.f32 v9, v1;
	_ =	sdelay $0x1  }
0x225: {  	v0 =	vmul.f32 v1, v0  }
0x226: {  	v6 =	vld [tilespmem:s31+$0xC1F0]  }
0x227: {  	v0 =	vadd.f32 v0, v5;
	_ =	sdelay $0x1  }
0x228: {  	[tilespmem:s31+$0xC1E0] =	vst v0  }
0x229: {  	v0 =	vld [tilespmem:$0x101F0]  }
0x22a: {  	v1 =	vsub.f32 v6, v8  }
0x22b: {  	v7 =	vld [tilespmem:$0x105F0]  }
0x22c: {  	v1 =	vmul.f32 v9, v1;
	_ =	sdelay $0x1  }
0x22d: {  	v0 =	vmul.f32 v1, v0  }
0x22e: {  	v10 =	vld [tilespmem:s31+$0xC580]  }
0x22f: {  	v0 =	vadd.f32 v0, v7;
	_ =	sdelay $0x1  }
0x230: {  	[tilespmem:s31+$0xC1F0] =	vst v0  }
0x231: {  	v0 =	vld [tilespmem:$0x10200]  }
0x232: {  	v1 =	vsub.f32 v10, v8  }
0x233: {  	v11 =	vld [tilespmem:$0x10600]  }
0x234: {  	v1 =	vmul.f32 v9, v1;
	_ =	sdelay $0x1  }
0x235: {  	v0 =	vmul.f32 v1, v0  }
0x236: {  	v12 =	vld [tilespmem:s31+$0xC590]  }
0x237: {  	v0 =	vadd.f32 v0, v11;
	_ =	sdelay $0x1  }
0x238: {  	[tilespmem:s31+$0xC580] =	vst v0  }
0x239: {  	v0 =	vld [tilespmem:$0x10210]  }
0x23a: {  	v1 =	vsub.f32 v12, v8  }
0x23b: {  	v13 =	vld [tilespmem:$0x10610]  }
0x23c: {  	v1 =	vmul.f32 v9, v1;
	_ =	sdelay $0x1  }
0x23d: {  	v0 =	vmul.f32 v1, v0  }
0x23e: {  	v14 =	vld [tilespmem:s31+$0xC5A0]  }
0x23f: {  	v0 =	vadd.f32 v0, v13;
	_ =	sdelay $0x1  }
0x240: {  	[tilespmem:s31+$0xC590] =	vst v0  }
0x241: {  	v0 =	vld [tilespmem:$0x10220]  }
0x242: {  	v1 =	vsub.f32 v14, v8  }
0x243: {  	v15 =	vld [tilespmem:$0x10620]  }
0x244: {  	v1 =	vmul.f32 v9, v1;
	_ =	sdelay $0x1  }
0x245: {  	v0 =	vmul.f32 v1, v0  }
0x246: {  	v16 =	vld [tilespmem:s31+$0xC5B0]  }
0x247: {  	v0 =	vadd.f32 v0, v15;
	_ =	sdelay $0x1  }
0x248: {  	[tilespmem:s31+$0xC5A0] =	vst v0  }
0x249: {  	v0 =	vld [tilespmem:$0x10230]  }
0x24a: {  	v1 =	vsub.f32 v16, v8  }
0x24b: {  	v17 =	vld [tilespmem:$0x10630]  }
0x24c: {  	v1 =	vmul.f32 v9, v1;
	_ =	sdelay $0x1  }
0x24d: {  	v0 =	vmul.f32 v1, v0  }
0x24e: {  	v18 =	vld [tilespmem:s31+$0xC5C0]  }
0x24f: {  	v0 =	vadd.f32 v0, v17;
	_ =	sdelay $0x1  }
0x250: {  	[tilespmem:s31+$0xC5B0] =	vst v0  }
0x251: {  	v0 =	vld [tilespmem:$0x10240]  }
0x252: {  	v1 =	vsub.f32 v18, v8  }
0x253: {  	v19 =	vld [tilespmem:$0x10640]  }
0x254: {  	v1 =	vmul.f32 v9, v1;
	_ =	sdelay $0x1  }
0x255: {  	v0 =	vmul.f32 v1, v0  }
0x256: {  	v20 =	vld [tilespmem:s31+$0xC5D0]  }
0x257: {  	v0 =	vadd.f32 v0, v19;
	_ =	sdelay $0x1  }
0x258: {  	[tilespmem:s31+$0xC5C0] =	vst v0  }
0x259: {  	v0 =	vld [tilespmem:$0x10250]  }
0x25a: {  	v1 =	vsub.f32 v20, v8  }
0x25b: {  	v21 =	vld [tilespmem:$0x10650]  }
0x25c: {  	v1 =	vmul.f32 v9, v1;
	_ =	sdelay $0x1  }
0x25d: {  	v0 =	vmul.f32 v1, v0  }
0x25e: {  	v22 =	vld [tilespmem:s31+$0xC5E0]  }
0x25f: {  	v0 =	vadd.f32 v0, v21;
	_ =	sdelay $0x1  }
0x260: {  	[tilespmem:s31+$0xC5D0] =	vst v0  }
0x261: {  	v0 =	vld [tilespmem:$0x10260]  }
0x262: {  	v1 =	vsub.f32 v22, v8  }
0x263: {  	v23 =	vld [tilespmem:$0x10660]  }
0x264: {  	v1 =	vmul.f32 v9, v1;
	_ =	sdelay $0x1  }
0x265: {  	v0 =	vmul.f32 v1, v0  }
0x266: {  	v24 =	vld [tilespmem:s31+$0xC5F0]  }
0x267: {  	v0 =	vadd.f32 v0, v23;
	_ =	sdelay $0x1  }
0x268: {  	[tilespmem:s31+$0xC5E0] =	vst v0  }
0x269: {  	v0 =	vld [tilespmem:$0x10270]  }
0x26a: {  	v1 =	vsub.f32 v24, v8  }
0x26b: {  	v25 =	vld [tilespmem:$0x10670]  }
0x26c: {  	v1 =	vmul.f32 v9, v1;
	_ =	sdelay $0x1  }
0x26d: {  	v0 =	vmul.f32 v1, v0  }
0x26e: {  	v26 =	vld [tilespmem:s31+$0xC980]  }
0x26f: {  	v0 =	vadd.f32 v0, v25;
	_ =	sdelay $0x1  }
0x270: {  	[tilespmem:s31+$0xC5F0] =	vst v0  }
0x271: {  	v0 =	vld [tilespmem:$0x10280]  }
0x272: {  	v1 =	vsub.f32 v26, v8  }
0x273: {  	v27 =	vld [tilespmem:$0x10680]  }
0x274: {  	v1 =	vmul.f32 v1, v9;
	_ =	sdelay $0x1  }
0x275: {  	v0 =	vmul.f32 v1, v0  }
0x276: {  	v28 =	vld [tilespmem:s31+$0xC990]  }
0x277: {  	v0 =	vadd.f32 v0, v27;
	_ =	sdelay $0x1  }
0x278: {  	[tilespmem:s31+$0xC980] =	vst v0  }
0x279: {  	v0 =	vld [tilespmem:$0x10290]  }
0x27a: {  	v1 =	vsub.f32 v28, v8  }
0x27b: {  	v29 =	vld [tilespmem:$0x10690]  }
0x27c: {  	v1 =	vmul.f32 v1, v9;
	_ =	sdelay $0x1  }
0x27d: {  	v0 =	vmul.f32 v1, v0  }
0x27e: {  	v30 =	vld [tilespmem:s31+$0xC9A0]  }
0x27f: {  	v0 =	vadd.f32 v0, v29;
	_ =	sdelay $0x1  }
0x280: {  	[tilespmem:s31+$0xC990] =	vst v0  }
0x281: {  	v0 =	vld [tilespmem:$0x102A0]  }
0x282: {  	v1 =	vsub.f32 v30, v8  }
0x283: {  	v31 =	vld [tilespmem:$0x106A0]  }
0x284: {  	v1 =	vmul.f32 v1, v9;
	_ =	sdelay $0x1  }
0x285: {  	v0 =	vmul.f32 v1, v0  }
0x286: {  	v32 =	vld [tilespmem:s31+$0xC9B0]  }
0x287: {  	v0 =	vadd.f32 v0, v31;
	_ =	sdelay $0x1  }
0x288: {  	[tilespmem:s31+$0xC9A0] =	vst v0  }
0x289: {  	v0 =	vld [tilespmem:$0x102B0]  }
0x28a: {  	v1 =	vsub.f32 v32, v8  }
0x28b: {  	v33 =	vld [tilespmem:$0x106B0]  }
0x28c: {  	v1 =	vmul.f32 v1, v9;
	_ =	sdelay $0x1  }
0x28d: {  	v0 =	vmul.f32 v1, v0  }
0x28e: {  	v34 =	vld [tilespmem:s31+$0xC9C0]  }
0x28f: {  	v0 =	vadd.f32 v0, v33;
	_ =	sdelay $0x1  }
0x290: {  	[tilespmem:s31+$0xC9B0] =	vst v0  }
0x291: {  	v0 =	vld [tilespmem:$0x102C0]  }
0x292: {  	v1 =	vsub.f32 v34, v8  }
0x293: {  	v35 =	vld [tilespmem:$0x106C0]  }
0x294: {  	v1 =	vmul.f32 v1, v9;
	_ =	sdelay $0x1  }
0x295: {  	v0 =	vmul.f32 v1, v0  }
0x296: {  	v36 =	vld [tilespmem:s31+$0xC9D0]  }
0x297: {  	v0 =	vadd.f32 v0, v35;
	_ =	sdelay $0x1  }
0x298: {  	[tilespmem:s31+$0xC9C0] =	vst v0  }
0x299: {  	v0 =	vld [tilespmem:$0x102D0]  }
0x29a: {  	v1 =	vsub.f32 v36, v8  }
0x29b: {  	v37 =	vld [tilespmem:$0x106D0]  }
0x29c: {  	v1 =	vmul.f32 v1, v9;
	_ =	sdelay $0x1  }
0x29d: {  	v0 =	vmul.f32 v1, v0  }
0x29e: {  	v38 =	vld [tilespmem:s31+$0xC9E0]  }
0x29f: {  	v0 =	vadd.f32 v0, v37;
	_ =	sdelay $0x1  }
0x2a0: {  	[tilespmem:s31+$0xC9D0] =	vst v0  }
0x2a1: {  	v0 =	vld [tilespmem:$0x102E0]  }
0x2a2: {  	v1 =	vsub.f32 v38, v8  }
0x2a3: {  	v39 =	vld [tilespmem:$0x106E0]  }
0x2a4: {  	v1 =	vmul.f32 v1, v9;
	_ =	sdelay $0x1  }
0x2a5: {  	v0 =	vmul.f32 v1, v0  }
0x2a6: {  	v40 =	vld [tilespmem:s31+$0xC9F0]  }
0x2a7: {  	v0 =	vadd.f32 v0, v39;
	_ =	sdelay $0x1  }
0x2a8: {  	[tilespmem:s31+$0xC9E0] =	vst v0  }
0x2a9: {  	v0 =	vld [tilespmem:$0x102F0]  }
0x2aa: {  	v1 =	vsub.f32 v40, v8  }
0x2ab: {  	v41 =	vld [tilespmem:$0x106F0]  }
0x2ac: {  	v1 =	vmul.f32 v1, v9;
	_ =	sdelay $0x1  }
0x2ad: {  	v0 =	vmul.f32 v1, v0  }
0x2ae: {  	v42 =	vld [tilespmem:s31+$0xCD80]  }
0x2af: {  	v0 =	vadd.f32 v0, v41;
	_ =	sdelay $0x1  }
0x2b0: {  	[tilespmem:s31+$0xC9F0] =	vst v0  }
0x2b1: {  	v0 =	vld [tilespmem:$0x10300]  }
0x2b2: {  	v1 =	vsub.f32 v42, v8  }
0x2b3: {  	v43 =	vld [tilespmem:$0x10700]  }
0x2b4: {  	v1 =	vmul.f32 v1, v9;
	_ =	sdelay $0x1  }
0x2b5: {  	v0 =	vmul.f32 v1, v0  }
0x2b6: {  	v44 =	vld [tilespmem:s31+$0xCD90]  }
0x2b7: {  	v0 =	vadd.f32 v0, v43;
	_ =	sdelay $0x1  }
0x2b8: {  	[tilespmem:s31+$0xCD80] =	vst v0  }
0x2b9: {  	v0 =	vld [tilespmem:$0x10310]  }
0x2ba: {  	v1 =	vsub.f32 v44, v8  }
0x2bb: {  	v45 =	vld [tilespmem:$0x10710]  }
0x2bc: {  	v1 =	vmul.f32 v1, v9;
	_ =	sdelay $0x1  }
0x2bd: {  	v0 =	vmul.f32 v1, v0  }
0x2be: {  	v46 =	vld [tilespmem:s31+$0xCDA0]  }
0x2bf: {  	v0 =	vadd.f32 v0, v45;
	_ =	sdelay $0x1  }
0x2c0: {  	[tilespmem:s31+$0xCD90] =	vst v0  }
0x2c1: {  	v0 =	vld [tilespmem:$0x10320]  }
0x2c2: {  	v1 =	vsub.f32 v46, v8  }
0x2c3: {  	v47 =	vld [tilespmem:$0x10720]  }
0x2c4: {  	v1 =	vmul.f32 v1, v9;
	_ =	sdelay $0x1  }
0x2c5: {  	v0 =	vmul.f32 v1, v0  }
0x2c6: {  	v48 =	vld [tilespmem:s31+$0xCDB0]  }
0x2c7: {  	v0 =	vadd.f32 v0, v47;
	_ =	sdelay $0x1  }
0x2c8: {  	[tilespmem:s31+$0xCDA0] =	vst v0  }
0x2c9: {  	v0 =	vld [tilespmem:$0x10330]  }
0x2ca: {  	v1 =	vsub.f32 v48, v8  }
0x2cb: {  	v49 =	vld [tilespmem:$0x10730]  }
0x2cc: {  	v1 =	vmul.f32 v1, v9;
	_ =	sdelay $0x1  }
0x2cd: {  	v0 =	vmul.f32 v1, v0  }
0x2ce: {  	v50 =	vld [tilespmem:s31+$0xCDC0]  }
0x2cf: {  	v0 =	vadd.f32 v0, v49;
	_ =	sdelay $0x1  }
0x2d0: {  	[tilespmem:s31+$0xCDB0] =	vst v0  }
0x2d1: {  	v0 =	vld [tilespmem:$0x10340]  }
0x2d2: {  	v1 =	vsub.f32 v50, v8  }
0x2d3: {  	v51 =	vld [tilespmem:$0x10740]  }
0x2d4: {  	v1 =	vmul.f32 v1, v9;
	_ =	sdelay $0x1  }
0x2d5: {  	v0 =	vmul.f32 v1, v0  }
0x2d6: {  	v52 =	vld [tilespmem:s31+$0xCDD0]  }
0x2d7: {  	v0 =	vadd.f32 v0, v51;
	_ =	sdelay $0x1  }
0x2d8: {  	[tilespmem:s31+$0xCDC0] =	vst v0  }
0x2d9: {  	v0 =	vld [tilespmem:$0x10350]  }
0x2da: {  	v1 =	vsub.f32 v52, v8  }
0x2db: {  	v53 =	vld [tilespmem:$0x10750]  }
0x2dc: {  	v1 =	vmul.f32 v1, v9;
	_ =	sdelay $0x1  }
0x2dd: {  	v0 =	vmul.f32 v1, v0  }
0x2de: {  	v54 =	vld [tilespmem:s31+$0xCDE0]  }
0x2df: {  	v0 =	vadd.f32 v0, v53;
	_ =	sdelay $0x1  }
0x2e0: {  	[tilespmem:s31+$0xCDD0] =	vst v0  }
0x2e1: {  	v0 =	vld [tilespmem:$0x10360]  }
0x2e2: {  	v1 =	vsub.f32 v54, v8  }
0x2e3: {  	v55 =	vld [tilespmem:$0x10760]  }
0x2e4: {  	v1 =	vmul.f32 v1, v9;
	_ =	sdelay $0x1  }
0x2e5: {  	v0 =	vmul.f32 v1, v0  }
0x2e6: {  	v56 =	vld [tilespmem:s31+$0xCDF0]  }
0x2e7: {  	v0 =	vadd.f32 v0, v55;
	_ =	sdelay $0x1  }
0x2e8: {  	[tilespmem:s31+$0xCDE0] =	vst v0  }
0x2e9: {  	v0 =	vld [tilespmem:$0x10370]  }
0x2ea: {  	v1 =	vsub.f32 v56, v8  }
0x2eb: {  	v57 =	vld [tilespmem:$0x10770]  }
0x2ec: {  	v1 =	vmul.f32 v1, v9;
	_ =	sdelay $0x1  }
0x2ed: {  	v0 =	vmul.f32 v1, v0  }
0x2ee: {  	v58 =	vld [tilespmem:s31+$0xD180]  }
0x2ef: {  	v0 =	vadd.f32 v0, v57;
	_ =	sdelay $0x1  }
0x2f0: {  	[tilespmem:s31+$0xCDF0] =	vst v0  }
0x2f1: {  	v0 =	vld [tilespmem:$0x10380]  }
0x2f2: {  	v1 =	vsub.f32 v58, v8  }
0x2f3: {  	v59 =	vld [tilespmem:$0x10780]  }
0x2f4: {  	v1 =	vmul.f32 v1, v9;
	_ =	sdelay $0x1  }
0x2f5: {  	v0 =	vmul.f32 v1, v0  }
0x2f6: {  	v60 =	vld [tilespmem:s31+$0xD190]  }
0x2f7: {  	v0 =	vadd.f32 v0, v59;
	_ =	sdelay $0x1  }
0x2f8: {  	[tilespmem:s31+$0xD180] =	vst v0  }
0x2f9: {  	v0 =	vld [tilespmem:$0x10390]  }
0x2fa: {  	v1 =	vsub.f32 v60, v8  }
0x2fb: {  	v61 =	vld [tilespmem:$0x10790]  }
0x2fc: {  	v1 =	vmul.f32 v1, v9;
	_ =	sdelay $0x1  }
0x2fd: {  	v0 =	vmul.f32 v1, v0  }
0x2fe: {  	v62 =	vld [tilespmem:s31+$0xD1A0]  }
0x2ff: {  	v0 =	vadd.f32 v0, v61;
	_ =	sdelay $0x1  }
0x300: {  	[tilespmem:s31+$0xD190] =	vst v0  }
0x301: {  	v0 =	vld [tilespmem:$0x103A0]  }
0x302: {  	v1 =	vsub.f32 v62, v8  }
0x303: {  	v63 =	vld [tilespmem:$0x107A0]  }
0x304: {  	v1 =	vmul.f32 v1, v9;
	_ =	sdelay $0x1  }
0x305: {  	v0 =	vmul.f32 v1, v0  }
0x306: {  	v4 =	vld [tilespmem:s31+$0xD1B0]  }
0x307: {  	v0 =	vadd.f32 v0, v63;
	_ =	sdelay $0x1  }
0x308: {  	[tilespmem:s31+$0xD1A0] =	vst v0  }
0x309: {  	v0 =	vld [tilespmem:$0x103B0]  }
0x30a: {  	v1 =	vsub.f32 v4, v8  }
0x30b: {  	v5 =	vld [tilespmem:$0x107B0]  }
0x30c: {  	v1 =	vmul.f32 v1, v9;
	_ =	sdelay $0x1  }
0x30d: {  	v0 =	vmul.f32 v1, v0  }
0x30e: {  	v6 =	vld [tilespmem:s31+$0xD1C0]  }
0x30f: {  	v0 =	vadd.f32 v0, v5;
	_ =	sdelay $0x1  }
0x310: {  	[tilespmem:s31+$0xD1B0] =	vst v0  }
0x311: {  	v0 =	vld [tilespmem:$0x103C0]  }
0x312: {  	v1 =	vsub.f32 v6, v8  }
0x313: {  	v7 =	vld [tilespmem:$0x107C0]  }
0x314: {  	v1 =	vmul.f32 v1, v9;
	_ =	sdelay $0x1  }
0x315: {  	v0 =	vmul.f32 v1, v0  }
0x316: {  	v10 =	vld [tilespmem:s31+$0xD1D0]  }
0x317: {  	v0 =	vadd.f32 v0, v7;
	_ =	sdelay $0x1  }
0x318: {  	[tilespmem:s31+$0xD1C0] =	vst v0  }
0x319: {  	v0 =	vld [tilespmem:$0x103D0]  }
0x31a: {  	v1 =	vsub.f32 v10, v8  }
0x31b: {  	v11 =	vld [tilespmem:$0x107D0]  }
0x31c: {  	v1 =	vmul.f32 v1, v9;
	_ =	sdelay $0x1  }
0x31d: {  	v0 =	vmul.f32 v1, v0  }
0x31e: {  	v12 =	vld [tilespmem:s31+$0xD1E0]  }
0x31f: {  	v0 =	vadd.f32 v0, v11;
	_ =	sdelay $0x1  }
0x320: {  	[tilespmem:s31+$0xD1D0] =	vst v0  }
0x321: {  	v0 =	vld [tilespmem:$0x103E0]  }
0x322: {  	v1 =	vsub.f32 v12, v8  }
0x323: {  	v13 =	vld [tilespmem:$0x107E0]  }
0x324: {  	v1 =	vmul.f32 v1, v9;
	_ =	sdelay $0x1  }
0x325: {  	v0 =	vmul.f32 v1, v0  }
0x326: {  	v14 =	vld [tilespmem:s31+$0xD1F0]  }
0x327: {  	v0 =	vadd.f32 v0, v13;
	_ =	sdelay $0x1  }
0x328: {  	[tilespmem:s31+$0xD1E0] =	vst v0  }
0x329: {  	v0 =	vld [tilespmem:$0x103F0]  }
0x32a: {  	v1 =	vsub.f32 v14, v8  }
0x32b: {  	v15 =	vld [tilespmem:$0x107F0]  }
0x32c: {  	v1 =	vmul.f32 v1, v9;
	_ =	sdelay $0x1  }
0x32d: {  	v0 =	vmul.f32 v1, v0  }
0x32e: {  	v16 =	vld [tilespmem:s31+$0xD580]  }
0x32f: {  	v0 =	vadd.f32 v0, v15;
	_ =	sdelay $0x1  }
0x330: {  	[tilespmem:s31+$0xD1F0] =	vst v0  }
0x331: {  	v0 =	vld [tilespmem:$0x10400]  }
0x332: {  	v1 =	vsub.f32 v16, v8  }
0x333: {  	v17 =	vld [tilespmem:$0x10800]  }
0x334: {  	v1 =	vmul.f32 v1, v9;
	_ =	sdelay $0x1  }
0x335: {  	v0 =	vmul.f32 v1, v0  }
0x336: {  	v18 =	vld [tilespmem:s31+$0xD590]  }
0x337: {  	v0 =	vadd.f32 v0, v17;
	_ =	sdelay $0x1  }
0x338: {  	[tilespmem:s31+$0xD580] =	vst v0  }
0x339: {  	v0 =	vld [tilespmem:$0x10410]  }
0x33a: {  	v1 =	vsub.f32 v18, v8  }
0x33b: {  	v19 =	vld [tilespmem:$0x10810]  }
0x33c: {  	v1 =	vmul.f32 v1, v9;
	_ =	sdelay $0x1  }
0x33d: {  	v0 =	vmul.f32 v1, v0  }
0x33e: {  	v20 =	vld [tilespmem:s31+$0xD5A0]  }
0x33f: {  	v0 =	vadd.f32 v0, v19;
	_ =	sdelay $0x1  }
0x340: {  	[tilespmem:s31+$0xD590] =	vst v0  }
0x341: {  	v0 =	vld [tilespmem:$0x10420]  }
0x342: {  	v1 =	vsub.f32 v20, v8  }
0x343: {  	v21 =	vld [tilespmem:$0x10820]  }
0x344: {  	v1 =	vmul.f32 v1, v9;
	_ =	sdelay $0x1  }
0x345: {  	v0 =	vmul.f32 v1, v0  }
0x346: {  	v22 =	vld [tilespmem:s31+$0xD5B0]  }
0x347: {  	v0 =	vadd.f32 v0, v21;
	_ =	sdelay $0x1  }
0x348: {  	[tilespmem:s31+$0xD5A0] =	vst v0  }
0x349: {  	v0 =	vld [tilespmem:$0x10430]  }
0x34a: {  	v1 =	vsub.f32 v22, v8  }
0x34b: {  	v23 =	vld [tilespmem:$0x10830]  }
0x34c: {  	v1 =	vmul.f32 v1, v9;
	_ =	sdelay $0x1  }
0x34d: {  	v0 =	vmul.f32 v1, v0  }
0x34e: {  	v24 =	vld [tilespmem:s31+$0xD5C0]  }
0x34f: {  	v0 =	vadd.f32 v0, v23;
	_ =	sdelay $0x1  }
0x350: {  	[tilespmem:s31+$0xD5B0] =	vst v0  }
0x351: {  	v0 =	vld [tilespmem:$0x10440]  }
0x352: {  	v1 =	vsub.f32 v24, v8  }
0x353: {  	v25 =	vld [tilespmem:$0x10840]  }
0x354: {  	v1 =	vmul.f32 v1, v9;
	_ =	sdelay $0x1  }
0x355: {  	v0 =	vmul.f32 v1, v0  }
0x356: {  	v26 =	vld [tilespmem:s31+$0xD5D0]  }
0x357: {  	v0 =	vadd.f32 v0, v25;
	_ =	sdelay $0x1  }
0x358: {  	[tilespmem:s31+$0xD5C0] =	vst v0  }
0x359: {  	v0 =	vld [tilespmem:$0x10450]  }
0x35a: {  	v1 =	vsub.f32 v26, v8  }
0x35b: {  	v27 =	vld [tilespmem:$0x10850]  }
0x35c: {  	v1 =	vmul.f32 v1, v9;
	_ =	sdelay $0x1  }
0x35d: {  	v0 =	vmul.f32 v1, v0  }
0x35e: {  	v28 =	vld [tilespmem:s31+$0xD5E0]  }
0x35f: {  	v0 =	vadd.f32 v0, v27;
	_ =	sdelay $0x1  }
0x360: {  	[tilespmem:s31+$0xD5D0] =	vst v0  }
0x361: {  	v0 =	vld [tilespmem:$0x10460]  }
0x362: {  	v1 =	vsub.f32 v28, v8  }
0x363: {  	v29 =	vld [tilespmem:$0x10860]  }
0x364: {  	v1 =	vmul.f32 v1, v9;
	_ =	sdelay $0x1  }
0x365: {  	v0 =	vmul.f32 v1, v0  }
0x366: {  	v30 =	vld [tilespmem:s31+$0xD5F0]  }
0x367: {  	v0 =	vadd.f32 v0, v29;
	_ =	sdelay $0x1  }
0x368: {  	[tilespmem:s31+$0xD5E0] =	vst v0  }
0x369: {  	v0 =	vld [tilespmem:$0x10470]  }
0x36a: {  	v1 =	vsub.f32 v30, v8  }
0x36b: {  	v31 =	vld [tilespmem:$0x10870]  }
0x36c: {  	v1 =	vmul.f32 v1, v9;
	_ =	sdelay $0x1  }
0x36d: {  	v0 =	vmul.f32 v1, v0  }
0x36e: {  	v32 =	vld [tilespmem:s31+$0xD980]  }
0x36f: {  	v0 =	vadd.f32 v0, v31;
	_ =	sdelay $0x1  }
0x370: {  	[tilespmem:s31+$0xD5F0] =	vst v0  }
0x371: {  	v0 =	vld [tilespmem:$0x10480]  }
0x372: {  	v1 =	vsub.f32 v32, v8  }
0x373: {  	v33 =	vld [tilespmem:$0x10880]  }
0x374: {  	v1 =	vmul.f32 v1, v9;
	_ =	sdelay $0x1  }
0x375: {  	v0 =	vmul.f32 v1, v0  }
0x376: {  	v34 =	vld [tilespmem:s31+$0xD990]  }
0x377: {  	v0 =	vadd.f32 v0, v33;
	_ =	sdelay $0x1  }
0x378: {  	[tilespmem:s31+$0xD980] =	vst v0  }
0x379: {  	v0 =	vld [tilespmem:$0x10490]  }
0x37a: {  	v1 =	vsub.f32 v34, v8  }
0x37b: {  	v35 =	vld [tilespmem:$0x10890]  }
0x37c: {  	v1 =	vmul.f32 v1, v9;
	_ =	sdelay $0x1  }
0x37d: {  	v0 =	vmul.f32 v1, v0  }
0x37e: {  	v36 =	vld [tilespmem:s31+$0xD9A0]  }
0x37f: {  	v0 =	vadd.f32 v0, v35;
	_ =	sdelay $0x1  }
0x380: {  	[tilespmem:s31+$0xD990] =	vst v0  }
0x381: {  	v0 =	vld [tilespmem:$0x104A0]  }
0x382: {  	v1 =	vsub.f32 v36, v8  }
0x383: {  	v37 =	vld [tilespmem:$0x108A0]  }
0x384: {  	v1 =	vmul.f32 v1, v9;
	_ =	sdelay $0x1  }
0x385: {  	v0 =	vmul.f32 v1, v0  }
0x386: {  	v38 =	vld [tilespmem:s31+$0xD9B0]  }
0x387: {  	v0 =	vadd.f32 v0, v37;
	_ =	sdelay $0x1  }
0x388: {  	[tilespmem:s31+$0xD9A0] =	vst v0  }
0x389: {  	v0 =	vld [tilespmem:$0x104B0]  }
0x38a: {  	v1 =	vsub.f32 v38, v8  }
0x38b: {  	v39 =	vld [tilespmem:$0x108B0]  }
0x38c: {  	v1 =	vmul.f32 v1, v9;
	_ =	sdelay $0x1  }
0x38d: {  	v0 =	vmul.f32 v1, v0  }
0x38e: {  	v40 =	vld [tilespmem:s31+$0xD9C0]  }
0x38f: {  	v0 =	vadd.f32 v0, v39;
	_ =	sdelay $0x1  }
0x390: {  	[tilespmem:s31+$0xD9B0] =	vst v0  }
0x391: {  	v0 =	vld [tilespmem:$0x104C0]  }
0x392: {  	v1 =	vsub.f32 v40, v8  }
0x393: {  	v41 =	vld [tilespmem:$0x108C0]  }
0x394: {  	v1 =	vmul.f32 v1, v9;
	_ =	sdelay $0x1  }
0x395: {  	v0 =	vmul.f32 v1, v0  }
0x396: {  	v42 =	vld [tilespmem:s31+$0xD9D0]  }
0x397: {  	v0 =	vadd.f32 v0, v41;
	_ =	sdelay $0x1  }
0x398: {  	[tilespmem:s31+$0xD9C0] =	vst v0  }
0x399: {  	v0 =	vld [tilespmem:$0x104D0]  }
0x39a: {  	v1 =	vsub.f32 v42, v8  }
0x39b: {  	v43 =	vld [tilespmem:$0x108D0]  }
0x39c: {  	v1 =	vmul.f32 v1, v9;
	_ =	sdelay $0x1  }
0x39d: {  	v0 =	vmul.f32 v1, v0  }
0x39e: {  	v44 =	vld [tilespmem:s31+$0xD9E0]  }
0x39f: {  	v0 =	vadd.f32 v0, v43;
	_ =	sdelay $0x1  }
0x3a0: {  	[tilespmem:s31+$0xD9D0] =	vst v0  }
0x3a1: {  	v0 =	vld [tilespmem:$0x104E0]  }
0x3a2: {  	v1 =	vsub.f32 v44, v8  }
0x3a3: {  	v45 =	vld [tilespmem:$0x108E0]  }
0x3a4: {  	v1 =	vmul.f32 v1, v9;
	_ =	sdelay $0x1  }
0x3a5: {  	v0 =	vmul.f32 v1, v0  }
0x3a6: {  	v46 =	vld [tilespmem:s31+$0xD9F0]  }
0x3a7: {  	v0 =	vadd.f32 v0, v45;
	_ =	sdelay $0x1  }
0x3a8: {  	[tilespmem:s31+$0xD9E0] =	vst v0  }
0x3a9: {  	v0 =	vld [tilespmem:$0x104F0]  }
0x3aa: {  	v1 =	vsub.f32 v46, v8  }
0x3ab: {  	v47 =	vld [tilespmem:$0x108F0]  }
0x3ac: {  	v1 =	vmul.f32 v1, v9;
	_ =	sdelay $0x1  }
0x3ad: {  	v0 =	vmul.f32 v1, v0;
	_ =	sdelay $0x1  }
0x3ae: {  	v0 =	vadd.f32 v0, v47;
	_ =	sdelay $0x1  }
0x3af: {  	[tilespmem:s31+$0xD9F0] =	vst v0  }
0x3b0: {  	v0 =	vld [tilespmem:s0+$0xC180];
	_ =	sdelay $0x3  }
0x3b1: {  	v48 =	vld [tilespmem:$0x10500]  }
0x3b2: {  	v0 =	vsub.f32 v0, v8  }
0x3b3: {  	v49 =	vld [tilespmem:$0x10900]  }
0x3b4: {  	v0 =	vmul.f32 v0, v9;
	_ =	sdelay $0x1  }
0x3b5: {  	v0 =	vmul.f32 v0, v48;
	_ =	sdelay $0x1  }
0x3b6: {  	v0 =	vadd.f32 v0, v49;
	_ =	sdelay $0x1  }
0x3b7: {  	[tilespmem:s0+$0xC180] =	vst v0  }
0x3b8: {  	v0 =	vld [tilespmem:s2+$0xC180];
	_ =	sdelay $0x3  }
0x3b9: {  	v50 =	vld [tilespmem:$0x10510]  }
0x3ba: {  	v0 =	vsub.f32 v0, v8  }
0x3bb: {  	v51 =	vld [tilespmem:$0x10910]  }
0x3bc: {  	v0 =	vmul.f32 v0, v9;
	_ =	sdelay $0x1  }
0x3bd: {  	v0 =	vmul.f32 v0, v50;
	_ =	sdelay $0x1  }
0x3be: {  	v0 =	vadd.f32 v0, v51;
	_ =	sdelay $0x1  }
0x3bf: {  	[tilespmem:s2+$0xC180] =	vst v0  }
0x3c0: {  	v0 =	vld [tilespmem:s3+$0xC180];
	_ =	sdelay $0x3  }
0x3c1: {  	v52 =	vld [tilespmem:$0x10520]  }
0x3c2: {  	v0 =	vsub.f32 v0, v8  }
0x3c3: {  	v53 =	vld [tilespmem:$0x10920]  }
0x3c4: {  	v0 =	vmul.f32 v0, v9;
	_ =	sdelay $0x1  }
0x3c5: {  	v0 =	vmul.f32 v0, v52;
	_ =	sdelay $0x1  }
0x3c6: {  	v0 =	vadd.f32 v0, v53;
	_ =	sdelay $0x1  }
0x3c7: {  	[tilespmem:s3+$0xC180] =	vst v0  }
0x3c8: {  	v0 =	vld [tilespmem:s4+$0xC180];
	_ =	sdelay $0x3  }
0x3c9: {  	v54 =	vld [tilespmem:$0x10530]  }
0x3ca: {  	v0 =	vsub.f32 v0, v8  }
0x3cb: {  	v55 =	vld [tilespmem:$0x10930]  }
0x3cc: {  	v0 =	vmul.f32 v0, v9;
	_ =	sdelay $0x1  }
0x3cd: {  	v0 =	vmul.f32 v0, v54;
	_ =	sdelay $0x1  }
0x3ce: {  	v0 =	vadd.f32 v0, v55;
	_ =	sdelay $0x1  }
0x3cf: {  	[tilespmem:s4+$0xC180] =	vst v0  }
0x3d0: {  	v0 =	vld [tilespmem:s14+$0xC180];
	_ =	sdelay $0x3  }
0x3d1: {  	v56 =	vld [tilespmem:$0x10540]  }
0x3d2: {  	v0 =	vsub.f32 v0, v8  }
0x3d3: {  	v57 =	vld [tilespmem:$0x10940]  }
0x3d4: {  	v0 =	vmul.f32 v0, v9;
	_ =	sdelay $0x1  }
0x3d5: {  	v0 =	vmul.f32 v0, v56;
	_ =	sdelay $0x1  }
0x3d6: {  	v0 =	vadd.f32 v0, v57;
	_ =	sdelay $0x1  }
0x3d7: {  	[tilespmem:s14+$0xC180] =	vst v0  }
0x3d8: {  	v0 =	vld [tilespmem:s16+$0xC180];
	_ =	sdelay $0x3  }
0x3d9: {  	v58 =	vld [tilespmem:$0x10550]  }
0x3da: {  	v0 =	vsub.f32 v0, v8  }
0x3db: {  	v59 =	vld [tilespmem:$0x10950]  }
0x3dc: {  	v0 =	vmul.f32 v0, v9;
	_ =	sdelay $0x1  }
0x3dd: {  	v0 =	vmul.f32 v0, v58;
	_ =	sdelay $0x1  }
0x3de: {  	v0 =	vadd.f32 v0, v59;
	_ =	sdelay $0x1  }
0x3df: {  	[tilespmem:s16+$0xC180] =	vst v0  }
0x3e0: {  	v0 =	vld [tilespmem:s17+$0xC180];
	_ =	sdelay $0x3  }
0x3e1: {  	v60 =	vld [tilespmem:$0x10560]  }
0x3e2: {  	v0 =	vsub.f32 v0, v8  }
0x3e3: {  	v61 =	vld [tilespmem:$0x10960]  }
0x3e4: {  	v0 =	vmul.f32 v0, v9;
	_ =	sdelay $0x1  }
0x3e5: {  	v0 =	vmul.f32 v0, v60;
	_ =	sdelay $0x1  }
0x3e6: {  	v0 =	vadd.f32 v0, v61;
	_ =	sdelay $0x1  }
0x3e7: {  	[tilespmem:s17+$0xC180] =	vst v0  }
0x3e8: {  	v0 =	vld [tilespmem:s18+$0xC180];
	_ =	sdelay $0x3  }
0x3e9: {  	v62 =	vld [tilespmem:$0x10570]  }
0x3ea: {  	v0 =	vsub.f32 v0, v8  }
0x3eb: {  	v63 =	vld [tilespmem:$0x10970]  }
0x3ec: {  	v0 =	vmul.f32 v0, v9  }
0x3ed: {  	p0 =	sne.s32 s30, $0x780  }
.Ltmp0:
0x3ee: {  	v0 =	vmul.f32 v0, v62;
	(pc) =	sbr.rel @p0 .LBB2_2-.Ltmp0, $4  }
0x3ef: {  	_ = 	snop  }
0x3f0: {  	v0 =	vadd.f32 v0, v63  }
0x3f1: {  	s28 =	sadd.s32 $0x1, s28  }
0x3f2: {  	s26 =	sadd.s32 $0x400, s26;
	s30 =	sadd.s32 $0x80, s30;
	s29 =	sadd.s32 $0x400, s29;
	[tilespmem:s18+$0xC180] =	vst v0  }
0x3f3: {  	s25 =	sadd.s32 $0x1, s25  }
0x3f4: {  	p0 =	sne.s32 s25, s13  }
.Ltmp1:
0x3f5: {  	_ = 	snop;
	(pc) =	sbr.rel @p0 .LBB2_1-.Ltmp1, $4  }
0x3f6: {  	[hbm4b:s12+s5] =	stream.linear.scatter [tilespmem:s24], [sflag:$0x2], $0x4000, $0x38;
	[tilespmem:$0x10980] =	vst v63  }
0x3f7: {  	_ =	swait.ge [sflag:s15], $0x4000  }
0x3f8: {  	[sflag:s15] =	ssyncset.done $0x0  }
0x3f9: {  	[sflag:s15] =	ssyncadd.s32 $0xFFFFC000  }
0x3fa: {  	_ =	sfence.sel $0x180000  }
0x3fb: {  	[bflag:$0x0] =	sbarrier.arrive $0xFFFF  }
0x3fc: {  	_ =	strace $0x90000047  }
0x3fd: {  	s0 =	stileid.u32;
	[bflag:$0x2] =	sbarrier.arrive $0xFFFF  }
0x3fe: {  	p0 =	sne.s32 s0, $0x0;
	s0 =	rddreg [dreg:$0x4]  }
0x3ff: {  	s0 =	sadd.s32 @!p0 $0x100000, s0  }
0x400: {  	[sflag:s0] =	ssyncadd.tile.s32 @!p0 $0x1;
	_ =	shalt  }
.Lfunc_end2:
_tile_overlayer_lowered:
.L_overlay_start_2:
0x401: {  	(tag) =	ssettag $0x2  }
0x402: {  	s0 =	rddreg [dreg:$0x0];
	s2 =	stileid.u32  }
0x403: {  	s1 =	rddreg [dreg:$0x1];
	p0 =	sne.s32 s2, $0x0  }
0x404: {  	s3 =	rddreg [dreg:$0x2];
	[bflag:$0x3] =	sbarrier.arrive $0xFFFF;
	s2 =	simm.s32 @!p0 $0x1C02  }
0x405: {  	[timem:s3], [sflag:s2] =	dma.local @!p0 [hbm:s0], s1  }
0x406: {  	s0 =	simm.s32 @!p0 $0x2  }
0x407: {  	_ =	swait.ge @!p0 [sflag:s0], s1  }
0x408: {  	s1 =	ssub.s32 @!p0 $0x0, s1;
	[sflag:s0] =	ssyncset.done @!p0 $0x0  }
0x409: {  	[sflag:s0] =	ssyncadd.s32 @!p0 s1  }
0x40a: {  	[bflag:$0x3] =	sbarrier.arrive $0xFFFF  }
0x40b: {  	_ =	shalt  }

</sc_bundles>
